<compile_context>
chip_gen: v7x
topology: tpu7x:2x2x1
jax: 0.10.2.dev20260603
libtpu: 0.0.44.dev20260713+nightly
codegen_flags: <defaults>
</compile_context>

<pallas_src>
import functools

import jax
import jax.numpy as jnp
from jax import lax
from jax.experimental import pallas as pl
from jax.experimental.pallas import tpu as pltpu
from jax.experimental.pallas import tpu_sc as plsc

_OUT = 7
_SR = 2
_PH = _OUT * _SR
_SCALE = 0.25
_NC, _NS, _NL = 2, 16, 16
_NW = _NC * _NS


def _make_sc_call(NHW, C, H, W, KPAD):
    RPW = KPAD // _NW
    HWp = H * W
    mesh = plsc.VectorSubcoreMesh(
        core_axis_name="c", subcore_axis_name="s",
        num_cores=_NC, num_subcores=_NS)

    @functools.partial(
        pl.kernel,
        mesh=mesh,
        out_type=jax.ShapeDtypeStruct((KPAD, _OUT * _OUT, C), jnp.float32),
        scratch_types=[
            pltpu.VMEM((RPW * _NL,), jnp.float32),
            pltpu.VMEM((2, 2, 4, _NL, C), jnp.float32),
            pltpu.VMEM((_OUT * _OUT, C), jnp.float32),
            pltpu.SemaphoreType.DMA((2,)),
        ],
    )
    def sc_roialign(featf, roisf, out, rois_v, gbuf, acc, semg):
        wid = lax.axis_index("c") * _NS + lax.axis_index("s")
        pltpu.sync_copy(roisf.at[pl.ds(wid * (RPW * _NL), RPW * _NL)], rois_v)
        iz = lax.iota(jnp.int32, _NL)

        def roi_body(t, _):
            k = wid * RPW + t
            rv = rois_v[pl.ds(t * _NL, _NL)]
            b = rv[0].astype(jnp.int32)
            x1 = rv[1] * _SCALE - 0.5
            y1 = rv[2] * _SCALE - 0.5
            x2 = rv[3] * _SCALE - 0.5
            y2 = rv[4] * _SCALE - 0.5
            bh2 = (y2 - y1) * (1.0 / (2.0 * _OUT))
            bw2 = (x2 - x1) * (1.0 / (2.0 * _OUT))
            base_b = b * HWp

            jv = lax.iota(jnp.int32, _NL).astype(jnp.float32)
            sx = x1 + (jv + 0.5) * bw2
            vx = (sx >= -1.0) & (sx <= float(W))
            scx = jnp.clip(sx, 0.0, float(W - 1))
            xl = scx.astype(jnp.int32)
            xl = jnp.where(xl.astype(jnp.float32) > scx, xl - 1, xl)
            xh = jnp.minimum(xl + 1, W - 1)
            fx = scx - xl.astype(jnp.float32)
            vxf = jnp.where(vx, 1.0, 0.0)
            wxl_vec = (1.0 - fx) * vxf
            wxh_vec = fx * vxf

            def row_scalars(fi):
                sy = y1 + (fi + 0.5) * bh2
                vy = (sy >= -1.0) & (sy <= float(H))
                scy = jnp.clip(sy, 0.0, float(H - 1))
                yl = scy.astype(jnp.int32)
                yl = jnp.where(yl.astype(jnp.float32) > scy, yl - 1, yl)
                yh = jnp.minimum(yl + 1, H - 1)
                fy = scy - yl.astype(jnp.float32)
                vyf = jnp.where(vy, 0.25, 0.0)
                return yl, yh, (1.0 - fy) * vyf, fy * vyf

            def compute_pair(p2):
                f0 = (p2 * 2).astype(jnp.float32)
                return row_scalars(f0), row_scalars(f0 + 1.0)

            def issue_pair(s0, s1, slot):
                for r, (yl_, yh_, _, _) in enumerate((s0, s1)):
                    bl = base_b + yl_ * W
                    bh_ = base_b + yh_ * W
                    for c, idx in enumerate((bl + xl, bl + xh, bh_ + xl, bh_ + xh)):
                        pltpu.async_copy(
                            featf.at[idx], gbuf.at[slot, r, c], semg.at[slot])

            def accum_pair(slot, wts, prow):
                wl0, wh0, wl1, wh1 = wts
                for q in range(_OUT):
                    terms = []
                    for r, wl, wh in ((0, wl0, wh0), (1, wl1, wh1)):
                        for j in (2 * q, 2 * q + 1):
                            pxl = wxl_vec[j]
                            pxh = wxh_vec[j]
                            terms += [(r, 0, j, wl * pxl), (r, 1, j, wl * pxh),
                                      (r, 2, j, wh * pxl), (r, 3, j, wh * pxh)]

                    @plsc.parallel_loop(0, C // _NL, unroll=8)
                    def _(cc, q=q, terms=terms):
                        sl = pl.ds(cc * _NL, _NL)
                        vals = [w * gbuf[slot, r, c, j, sl] for (r, c, j, w) in terms]
                        while len(vals) > 1:
                            vals = [a + b for a, b in zip(vals[::2], vals[1::2])]
                        acc[prow + q, sl] = vals[0]

            s0, s1 = compute_pair(jnp.int32(0))
            issue_pair(s0, s1, 0)

            def p_body(p, carry):
                slot = lax.rem(p, 2)
                t0, t1 = compute_pair(p + 1)

                @pl.when(p < _OUT - 1)
                def _():
                    issue_pair(t0, t1, 1 - slot)
                for r in range(2):
                    for c in range(4):
                        pltpu.make_async_copy(
                            featf.at[iz], gbuf.at[slot, r, c], semg.at[slot]).wait()
                accum_pair(slot, carry, p * _OUT)
                return (t0[2], t0[3], t1[2], t1[3])
            lax.fori_loop(0, _OUT, p_body, (s0[2], s0[3], s1[2], s1[3]))

            pltpu.sync_copy(acc, out.at[k])
            return 0
        lax.fori_loop(0, RPW, roi_body, 0)

    return sc_roialign


def kernel(input, rois):
    N, C, H, W = input.shape
    K = rois.shape[0]
    KPAD = -(-K // (_NW * 8)) * (_NW * 8)
    featf = jnp.transpose(input, (0, 2, 3, 1)).reshape(N * H * W, C)
    rois_p = jnp.zeros((KPAD, _NL), jnp.float32).at[:K, :5].set(rois)
    sc_call = _make_sc_call(N * H * W, C, H, W, KPAD)
    out = sc_call(featf, rois_p.reshape(-1))
    out = out[:K].reshape(K, _OUT, _OUT, C)
    return jnp.transpose(out, (0, 3, 1, 2))

# --- scband reference (transcript-rebuilt; emitter-appended) ---
"""Pipeline reference for scband-roialign-38534446579720 (READ-ONLY COPY).

The authoritative reference and input builder live on the scoring server;
editing this copy changes nothing except your own understanding.
"""

import jax, jax.numpy as jnp
import numpy as np

OUTPUT_SIZE = (7, 7)
SPATIAL_SCALE = 0.25
SAMPLING_RATIO = 2
ALIGNED = True


def _prep(s, L):
    # torchvision roi_align boundary handling for one axis
    valid = (s >= -1.0) & (s <= float(L))
    sc = jnp.clip(s, 0.0, float(L - 1))
    lo = jnp.clip(jnp.floor(sc).astype(jnp.int32), 0, L - 1)
    hi = jnp.clip(lo + 1, 0, L - 1)
    frac = sc - lo.astype(jnp.float32)
    return lo, hi, frac, valid


def roi_align(feat, rois, output_size, spatial_scale, sampling_ratio, aligned):
    N, C, H, W = feat.shape
    K = rois.shape[0]
    ph, pw = output_size
    off = 0.5 if aligned else 0.0
    b = rois[:, 0].astype(jnp.int32)
    x1 = rois[:, 1] * spatial_scale - off
    y1 = rois[:, 2] * spatial_scale - off
    x2 = rois[:, 3] * spatial_scale - off
    y2 = rois[:, 4] * spatial_scale - off
    rw = x2 - x1
    rh = y2 - y1
    if not aligned:
        rw = jnp.maximum(rw, 1.0)
        rh = jnp.maximum(rh, 1.0)
    bh = rh / ph
    bw = rw / pw
    gh = sampling_ratio
    gw = sampling_ratio
    offs_y = (jnp.arange(gh, dtype=jnp.float32) + 0.5) / gh
    offs_x = (jnp.arange(gw, dtype=jnp.float32) + 0.5) / gw
    sy = y1[:, None, None] + (jnp.arange(ph, dtype=jnp.float32)[None, :, None] + offs_y[None, None, :]) * bh[:, None, None]
    sx = x1[:, None, None] + (jnp.arange(pw, dtype=jnp.float32)[None, :, None] + offs_x[None, None, :]) * bw[:, None, None]
    PH = ph * gh
    PW = pw * gw
    sy = sy.reshape(K, PH)
    sx = sx.reshape(K, PW)
    yl, yh2, fy, vy = _prep(sy, H)
    xl, xh2, fx, vx = _prep(sx, W)
    hy = 1.0 - fy
    hx = 1.0 - fx
    mask = (vy[:, :, None] & vx[:, None, :]).astype(feat.dtype)
    w11 = hy[:, :, None] * hx[:, None, :] * mask
    w12 = hy[:, :, None] * fx[:, None, :] * mask
    w21 = fy[:, :, None] * hx[:, None, :] * mask
    w22 = fy[:, :, None] * fx[:, None, :] * mask
    featf = jnp.transpose(feat, (0, 2, 3, 1)).reshape(N * H * W, C)
    base = b[:, None, None] * (H * W)

    def gat(yi, xi):
        lin = base + yi[:, :, None] * W + xi[:, None, :]
        return jnp.take(featf, lin.reshape(-1), axis=0).reshape(K, PH, PW, C)

    val = (w11[..., None] * gat(yl, xl) + w12[..., None] * gat(yl, xh2)
           + w21[..., None] * gat(yh2, xl) + w22[..., None] * gat(yh2, xh2))
    val = val.reshape(K, ph, gh, pw, gw, C).sum(axis=(2, 4)) / float(gh * gw)
    return jnp.transpose(val, (0, 3, 1, 2))


def setup_inputs(seed: int = 0):
    key = jax.random.key(seed)
    k1, k2, k3, k4, k5, k6 = jax.random.split(key, 6)
    N, C, H, W = 2, 256, 200, 200
    K = 1000
    x = jax.random.normal(k1, (N, C, H, W), dtype=jnp.float32)
    img = H / SPATIAL_SCALE  # 800.0 image-space extent
    bi = jax.random.randint(k2, (K,), 0, N).astype(jnp.float32)
    x1 = jax.random.uniform(k3, (K,), minval=0.0, maxval=img - 100.0)
    y1 = jax.random.uniform(k4, (K,), minval=0.0, maxval=img - 100.0)
    x2 = jnp.minimum(x1 + jax.random.uniform(k5, (K,), minval=8.0, maxval=96.0), img - 1.0)
    y2 = jnp.minimum(y1 + jax.random.uniform(k6, (K,), minval=8.0, maxval=96.0), img - 1.0)
    rois = jnp.stack([bi, x1, y1, x2, y2], axis=1).astype(jnp.float32)
    return {"input": x, "rois": rois}


def reference(input, rois):
    return roi_align(input, rois, OUTPUT_SIZE, SPATIAL_SCALE, SAMPLING_RATIO, ALIGNED)

if __name__ == "__main__":
    import jax
    _d = setup_inputs()
    print(jax.jit(kernel)(*tuple(_d.values())))

</pallas_src>

<mosaic_0001>
#map = affine_map<(d0, d1) -> (0, 0)>
#map1 = affine_map<(d0, d1) -> (0)>
#map2 = affine_map<(d0, d1) -> (0, 0, 0)>
module attributes {stable_mosaic.version = 14 : i64} {
  func.func @sc_roialign(%arg0: i32, %arg1: i32, %arg2: memref<80000x256xf32, #tpu.memory_space<hbm>>, %arg3: memref<16384xf32, #tpu.memory_space<hbm>>, %arg4: memref<1024x49x256xf32, #tpu.memory_space<hbm>>, %arg5: memref<512xf32, #tpu.memory_space<vmem>>, %arg6: memref<2x2x4x16x256xf32, #tpu.memory_space<vmem>>, %arg7: memref<49x256xf32, #tpu.memory_space<vmem>>, %arg8: memref<2x!tpu.dma_semaphore, #tpu.memory_space<semaphore_mem>>) attributes {dimension_semantics = [#tpu.dimension_semantics<core_parallel>, #tpu.dimension_semantics<subcore_parallel>], iteration_bounds = array<i64: 2, 16>, scalar_prefetch = 0 : i64, scratch_operands = 4 : i64, tpu.core_type = #tpu.core_type<sc_vector_subcore>, window_params = [{transform_indices = #map}, {transform_indices = #map1}, {transform_indices = #map2}]} {
    %mul3A = arith.constant 16 : i32
    %mul3A_0 = arith.muli %arg0, %mul3A : i32
    %add3A = arith.addi %mul3A_0, %arg1 : i32
    %mul3A_1 = arith.constant 512 : i32
    %mul3A_2 = arith.muli %add3A, %mul3A_1 : i32
    "tpu.region"() ({
      %run_scoped3A = tpu.sem_alloc : memref<!tpu.dma_semaphore, #tpu.memory_space<semaphore_mem>>
      %dma_start3A = tpu.memref_slice %arg3[%mul3A_2] : memref<16384xf32, #tpu.memory_space<hbm>> -> memref<512xf32, #tpu.memory_space<hbm>>
      %dma_start3A_9 = tpu.memref_slice %arg3[%mul3A_2] : memref<16384xf32, #tpu.memory_space<hbm>> -> memref<512xf32, #tpu.memory_space<hbm>>
      tpu.enqueue_dma source(%dma_start3A_9 : memref<512xf32, #tpu.memory_space<hbm>>) target(%arg5 : memref<512xf32, #tpu.memory_space<vmem>>) target_semaphore(%run_scoped3A : memref<!tpu.dma_semaphore, #tpu.memory_space<semaphore_mem>>)
      %dma_wait3A = tpu.memref_slice %arg3[%mul3A_2] : memref<16384xf32, #tpu.memory_space<hbm>> -> memref<512xf32, #tpu.memory_space<hbm>>
      %dma_wait3A_10 = tpu.memref_slice %arg3[%mul3A_2] : memref<16384xf32, #tpu.memory_space<hbm>> -> memref<512xf32, #tpu.memory_space<hbm>>
      tpu.wait_dma2 semaphore(%run_scoped3A : memref<!tpu.dma_semaphore, #tpu.memory_space<semaphore_mem>>) src(%dma_wait3A_10 : memref<512xf32, #tpu.memory_space<hbm>>) dst(%arg5 : memref<512xf32, #tpu.memory_space<vmem>>)
      tpu.yield
    }) : () -> ()
    %iota3A = tpu.iota {dimensions = array<i32: 0>} : vector<16xi32>
    %scan3A = arith.constant 0 : i32
    %scan3A_3 = arith.constant 0 : i32
    %scan3A_4 = arith.constant 32 : i32
    %scan3A_5 = arith.addi %scan3A_3, %scan3A_4 : i32
    %scan3A_6 = arith.constant 1 : i32
    %scan3A_7 = scf.for %scan3A_9 = %scan3A_3 to %scan3A_5 step %scan3A_6 iter_args(%scan3A_10 = %scan3A) -> (i32)  : i32 {
      %mul3A_11 = arith.constant 32 : i32
      %mul3A_12 = arith.muli %add3A, %mul3A_11 : i32
      %add3A_13 = arith.addi %mul3A_12, %scan3A_9 : i32
      %mul3A_14 = arith.constant 16 : i32
      %mul3A_15 = arith.muli %scan3A_9, %mul3A_14 : i32
      %get3A = arith.index_cast %mul3A_15 : i32 to index
      %get3A_16 = tpu.vector_load %arg5[%get3A] {strides = array<i32>} : memref<512xf32, #tpu.memory_space<vmem>>, vector<16xf32>,
      %get3A_17 = vector.shape_cast %get3A_16 : vector<16xf32> to vector<16xf32>
      %slice3A = vector.extract_strided_slice %get3A_17 {offsets = [0], sizes = [1], strides = [1]} : vector<16xf32> to vector<1xf32>
      %squeeze3A = vector.extract %slice3A[0] : f32 from vector<1xf32>
      %convert_element_type3A = arith.fptosi %squeeze3A : f32 to i32
      %slice3A_18 = vector.extract_strided_slice %get3A_17 {offsets = [1], sizes = [1], strides = [1]} : vector<16xf32> to vector<1xf32>
      %squeeze3A_19 = vector.extract %slice3A_18[0] : f32 from vector<1xf32>
      %mul3A_20 = arith.constant 2.500000e-01 : f32
      %mul3A_21 = arith.mulf %squeeze3A_19, %mul3A_20 : f32
      %sub3A = arith.constant 5.000000e-01 : f32
      %sub3A_22 = arith.subf %mul3A_21, %sub3A : f32
      %slice3A_23 = vector.extract_strided_slice %get3A_17 {offsets = [2], sizes = [1], strides = [1]} : vector<16xf32> to vector<1xf32>
      %squeeze3A_24 = vector.extract %slice3A_23[0] : f32 from vector<1xf32>
      %mul3A_25 = arith.constant 2.500000e-01 : f32
      %mul3A_26 = arith.mulf %squeeze3A_24, %mul3A_25 : f32
      %sub3A_27 = arith.constant 5.000000e-01 : f32
      %sub3A_28 = arith.subf %mul3A_26, %sub3A_27 : f32
      %slice3A_29 = vector.extract_strided_slice %get3A_17 {offsets = [3], sizes = [1], strides = [1]} : vector<16xf32> to vector<1xf32>
      %squeeze3A_30 = vector.extract %slice3A_29[0] : f32 from vector<1xf32>
      %mul3A_31 = arith.constant 2.500000e-01 : f32
      %mul3A_32 = arith.mulf %squeeze3A_30, %mul3A_31 : f32
      %sub3A_33 = arith.constant 5.000000e-01 : f32
      %sub3A_34 = arith.subf %mul3A_32, %sub3A_33 : f32
      %slice3A_35 = vector.extract_strided_slice %get3A_17 {offsets = [4], sizes = [1], strides = [1]} : vector<16xf32> to vector<1xf32>
      %squeeze3A_36 = vector.extract %slice3A_35[0] : f32 from vector<1xf32>
      %mul3A_37 = arith.constant 2.500000e-01 : f32
      %mul3A_38 = arith.mulf %squeeze3A_36, %mul3A_37 : f32
      %sub3A_39 = arith.constant 5.000000e-01 : f32
      %sub3A_40 = arith.subf %mul3A_38, %sub3A_39 : f32
      %sub3A_41 = arith.subf %sub3A_40, %sub3A_28 : f32
      %mul3A_42 = arith.constant 0.0714285746 : f32
      %mul3A_43 = arith.mulf %sub3A_41, %mul3A_42 : f32
      %sub3A_44 = arith.subf %sub3A_34, %sub3A_22 : f32
      %mul3A_45 = arith.constant 0.0714285746 : f32
      %mul3A_46 = arith.mulf %sub3A_44, %mul3A_45 : f32
      %mul3A_47 = arith.constant 40000 : i32
      %mul3A_48 = arith.muli %convert_element_type3A, %mul3A_47 : i32
      %iota3A_49 = tpu.iota {dimensions = array<i32: 0>} : vector<16xi32>
      %convert_element_type3A_50 = arith.sitofp %iota3A_49 : vector<16xi32> to vector<16xf32>
      %add3A_51 = arith.constant 5.000000e-01 : f32
      %add3A_52 = vector.broadcast %add3A_51 : f32 to vector<16xf32>
      %add3A_53 = arith.addf %convert_element_type3A_50, %add3A_52 : vector<16xf32>
      %mul3A_54 = vector.broadcast %mul3A_46 : f32 to vector<16xf32>
      %mul3A_55 = arith.mulf %add3A_53, %mul3A_54 : vector<16xf32>
      %add3A_56 = vector.broadcast %sub3A_22 : f32 to vector<16xf32>
      %add3A_57 = arith.addf %add3A_56, %mul3A_55 : vector<16xf32>
      %ge3A = arith.constant -1.000000e+00 : f32
      %ge3A_58 = vector.broadcast %ge3A : f32 to vector<16xf32>
      %ge3A_59 = arith.cmpf oge, %add3A_57, %ge3A_58 : vector<16xf32>
      %le3A = arith.constant 2.000000e+02 : f32
      %le3A_60 = vector.broadcast %le3A : f32 to vector<16xf32>
      %le3A_61 = arith.cmpf ole, %add3A_57, %le3A_60 : vector<16xf32>
      %and3A = arith.andi %ge3A_59, %le3A_61 : vector<16xi1>
      %jit3A = arith.constant 0.000000e+00 : f32
      %jit3A_62 = arith.constant 1.990000e+02 : f32
      %max3A = vector.broadcast %jit3A : f32 to vector<16xf32>
      %max3A_63 = arith.maximumf %max3A, %add3A_57 : vector<16xf32>
      %min3A = vector.broadcast %jit3A_62 : f32 to vector<16xf32>
      %min3A_64 = arith.minimumf %min3A, %max3A_63 : vector<16xf32>
      %convert_element_type3A_65 = arith.fptosi %min3A_64 : vector<16xf32> to vector<16xi32>
      %convert_element_type3A_66 = arith.sitofp %convert_element_type3A_65 : vector<16xi32> to vector<16xf32>
      %gt3A = arith.cmpf ogt, %convert_element_type3A_66, %min3A_64 : vector<16xf32>
      %sub3A_67 = arith.constant 1 : i32
      %sub3A_68 = vector.broadcast %sub3A_67 : i32 to vector<16xi32>
      %sub3A_69 = arith.subi %convert_element_type3A_65, %sub3A_68 : vector<16xi32>
      %select_n3A = arith.select %gt3A, %sub3A_69, %convert_element_type3A_65 : vector<16xi1>, vector<16xi32>
      %add3A_70 = arith.constant 1 : i32
      %add3A_71 = vector.broadcast %add3A_70 : i32 to vector<16xi32>
      %add3A_72 = arith.addi %select_n3A, %add3A_71 : vector<16xi32>
      %min3A_73 = arith.constant 199 : i32
      %min3A_74 = vector.broadcast %min3A_73 : i32 to vector<16xi32>
      %min3A_75 = arith.minsi %add3A_72, %min3A_74 : vector<16xi32>
      %convert_element_type3A_76 = arith.sitofp %select_n3A : vector<16xi32> to vector<16xf32>
      %sub3A_77 = arith.subf %min3A_64, %convert_element_type3A_76 : vector<16xf32>
      %jit3A_78 = arith.constant 1.000000e+00 : f32
      %jit3A_79 = arith.constant 0.000000e+00 : f32
      %broadcast_in_dim3A = vector.broadcast %jit3A_78 : f32 to vector<16xf32>
      %broadcast_in_dim3A_80 = vector.broadcast %jit3A_79 : f32 to vector<16xf32>
      %select_n3A_81 = arith.select %and3A, %broadcast_in_dim3A, %broadcast_in_dim3A_80 : vector<16xi1>, vector<16xf32>
      %sub3A_82 = arith.constant 1.000000e+00 : f32
      %sub3A_83 = vector.broadcast %sub3A_82 : f32 to vector<16xf32>
      %sub3A_84 = arith.subf %sub3A_83, %sub3A_77 : vector<16xf32>
      %mul3A_85 = arith.mulf %sub3A_84, %select_n3A_81 : vector<16xf32>
      %mul3A_86 = arith.mulf %sub3A_77, %select_n3A_81 : vector<16xf32>
      %mul3A_87 = arith.constant 0 : i32
      %mul3A_88 = arith.constant 2 : i32
      %mul3A_89 = arith.muli %mul3A_87, %mul3A_88 : i32
      %convert_element_type3A_90 = arith.sitofp %mul3A_89 : i32 to f32
      %add3A_91 = arith.constant 5.000000e-01 : f32
      %add3A_92 = arith.addf %convert_element_type3A_90, %add3A_91 : f32
      %mul3A_93 = arith.mulf %add3A_92, %mul3A_43 : f32
      %add3A_94 = arith.addf %sub3A_28, %mul3A_93 : f32
      %ge3A_95 = arith.constant -1.000000e+00 : f32
      %ge3A_96 = arith.cmpf oge, %add3A_94, %ge3A_95 : f32
      %le3A_97 = arith.constant 2.000000e+02 : f32
      %le3A_98 = arith.cmpf ole, %add3A_94, %le3A_97 : f32
      %and3A_99 = arith.andi %ge3A_96, %le3A_98 : i1
      %jit3A_100 = arith.constant 0.000000e+00 : f32
      %jit3A_101 = arith.constant 1.990000e+02 : f32
      %max3A_102 = arith.maximumf %jit3A_100, %add3A_94 : f32
      %min3A_103 = arith.minimumf %jit3A_101, %max3A_102 : f32
      %convert_element_type3A_104 = arith.fptosi %min3A_103 : f32 to i32
      %convert_element_type3A_105 = arith.sitofp %convert_element_type3A_104 : i32 to f32
      %gt3A_106 = arith.cmpf ogt, %convert_element_type3A_105, %min3A_103 : f32
      %sub3A_107 = arith.constant 1 : i32
      %sub3A_108 = arith.subi %convert_element_type3A_104, %sub3A_107 : i32
      %select_n3A_109 = arith.select %gt3A_106, %sub3A_108, %convert_element_type3A_104 : i32
      %add3A_110 = arith.constant 1 : i32
      %add3A_111 = arith.addi %select_n3A_109, %add3A_110 : i32
      %min3A_112 = arith.constant 199 : i32
      %min3A_113 = arith.minsi %add3A_111, %min3A_112 : i32
      %convert_element_type3A_114 = arith.sitofp %select_n3A_109 : i32 to f32
      %sub3A_115 = arith.subf %min3A_103, %convert_element_type3A_114 : f32
      %jit3A_116 = arith.constant 2.500000e-01 : f32
      %jit3A_117 = arith.constant 0.000000e+00 : f32
      %select_n3A_118 = arith.select %and3A_99, %jit3A_116, %jit3A_117 : f32
      %sub3A_119 = arith.constant 1.000000e+00 : f32
      %sub3A_120 = arith.subf %sub3A_119, %sub3A_115 : f32
      %mul3A_121 = arith.mulf %sub3A_120, %select_n3A_118 : f32
      %mul3A_122 = arith.mulf %sub3A_115, %select_n3A_118 : f32
      %add3A_123 = arith.constant 1.000000e+00 : f32
      %add3A_124 = arith.addf %convert_element_type3A_90, %add3A_123 : f32
      %add3A_125 = arith.constant 5.000000e-01 : f32
      %add3A_126 = arith.addf %add3A_124, %add3A_125 : f32
      %mul3A_127 = arith.mulf %add3A_126, %mul3A_43 : f32
      %add3A_128 = arith.addf %sub3A_28, %mul3A_127 : f32
      %ge3A_129 = arith.constant -1.000000e+00 : f32
      %ge3A_130 = arith.cmpf oge, %add3A_128, %ge3A_129 : f32
      %le3A_131 = arith.constant 2.000000e+02 : f32
      %le3A_132 = arith.cmpf ole, %add3A_128, %le3A_131 : f32
      %and3A_133 = arith.andi %ge3A_130, %le3A_132 : i1
      %jit3A_134 = arith.constant 0.000000e+00 : f32
      %jit3A_135 = arith.constant 1.990000e+02 : f32
      %max3A_136 = arith.maximumf %jit3A_134, %add3A_128 : f32
      %min3A_137 = arith.minimumf %jit3A_135, %max3A_136 : f32
      %convert_element_type3A_138 = arith.fptosi %min3A_137 : f32 to i32
      %convert_element_type3A_139 = arith.sitofp %convert_element_type3A_138 : i32 to f32
      %gt3A_140 = arith.cmpf ogt, %convert_element_type3A_139, %min3A_137 : f32
      %sub3A_141 = arith.constant 1 : i32
      %sub3A_142 = arith.subi %convert_element_type3A_138, %sub3A_141 : i32
      %select_n3A_143 = arith.select %gt3A_140, %sub3A_142, %convert_element_type3A_138 : i32
      %add3A_144 = arith.constant 1 : i32
      %add3A_145 = arith.addi %select_n3A_143, %add3A_144 : i32
      %min3A_146 = arith.constant 199 : i32
      %min3A_147 = arith.minsi %add3A_145, %min3A_146 : i32
      %convert_element_type3A_148 = arith.sitofp %select_n3A_143 : i32 to f32
      %sub3A_149 = arith.subf %min3A_137, %convert_element_type3A_148 : f32
      %jit3A_150 = arith.constant 2.500000e-01 : f32
      %jit3A_151 = arith.constant 0.000000e+00 : f32
      %select_n3A_152 = arith.select %and3A_133, %jit3A_150, %jit3A_151 : f32
      %sub3A_153 = arith.constant 1.000000e+00 : f32
      %sub3A_154 = arith.subf %sub3A_153, %sub3A_149 : f32
      %mul3A_155 = arith.mulf %sub3A_154, %select_n3A_152 : f32
      %mul3A_156 = arith.mulf %sub3A_149, %select_n3A_152 : f32
      %mul3A_157 = arith.constant 200 : i32
      %mul3A_158 = arith.muli %select_n3A_109, %mul3A_157 : i32
      %add3A_159 = arith.addi %mul3A_48, %mul3A_158 : i32
      %mul3A_160 = arith.constant 200 : i32
      %mul3A_161 = arith.muli %min3A_113, %mul3A_160 : i32
      %add3A_162 = arith.addi %mul3A_48, %mul3A_161 : i32
      %add3A_163 = vector.broadcast %add3A_159 : i32 to vector<16xi32>
      %add3A_164 = arith.addi %add3A_163, %select_n3A : vector<16xi32>
      %add3A_165 = vector.broadcast %add3A_159 : i32 to vector<16xi32>
      %add3A_166 = arith.addi %add3A_165, %min3A_75 : vector<16xi32>
      %add3A_167 = vector.broadcast %add3A_162 : i32 to vector<16xi32>
      %add3A_168 = arith.addi %add3A_167, %select_n3A : vector<16xi32>
      %add3A_169 = vector.broadcast %add3A_162 : i32 to vector<16xi32>
      %add3A_170 = arith.addi %add3A_169, %min3A_75 : vector<16xi32>
      %dma_start3A = arith.constant 0 : i32
      %dma_start3A_171 = arith.constant 0 : i32
      %dma_start3A_172 = arith.constant 0 : i32
      %dma_start3A_173 = arith.constant 0 : i32
      %dma_start3A_174 = arith.constant 0 : i32
      %dma_start3A_175 = arith.constant 0 : i32
      %dma_start3A_176 = tpu.memref_slice %arg6[%dma_start3A, %dma_start3A_171, %dma_start3A_172, %dma_start3A_174, %dma_start3A_175] : memref<2x2x4x16x256xf32, #tpu.memory_space<vmem>> -> memref<1x1x1x16x256xf32, #tpu.memory_space<vmem>>
      %dma_start3A_177 = tpu.memref_squeeze %dma_start3A_176 : memref<1x1x1x16x256xf32, #tpu.memory_space<vmem>> -> memref<16x256xf32, #tpu.memory_space<vmem>>
      %dma_start3A_178 = arith.constant 0 : i32
      %dma_start3A_179 = arith.constant 0 : i32
      %dma_start3A_180 = tpu.memref_slice %arg2[%dma_start3A_178, %dma_start3A_179] : memref<80000x256xf32, #tpu.memory_space<hbm>> -> memref<80000x256xf32, #tpu.memory_space<hbm>>
      %dma_start3A_181 = tpu.memref_slice %arg8[%dma_start3A_173] : memref<2x!tpu.dma_semaphore, #tpu.memory_space<semaphore_mem>> -> memref<1x!tpu.dma_semaphore, #tpu.memory_space<semaphore_mem>>
      %dma_start3A_182 = tpu.memref_squeeze %dma_start3A_181 : memref<1x!tpu.dma_semaphore, #tpu.memory_space<semaphore_mem>> -> memref<!tpu.dma_semaphore, #tpu.memory_space<semaphore_mem>>
      tpu.enqueue_indirect_dma source(%dma_start3A_180 : memref<80000x256xf32, #tpu.memory_space<hbm>>) target(%dma_start3A_177 : memref<16x256xf32, #tpu.memory_space<vmem>>) offsets(%add3A_164 : vector<16xi32>) semaphore(%dma_start3A_182 : memref<!tpu.dma_semaphore, #tpu.memory_space<semaphore_mem>>)
      %dma_start3A_183 = arith.constant 0 : i32
      %dma_start3A_184 = arith.constant 0 : i32
      %dma_start3A_185 = arith.constant 1 : i32
      %dma_start3A_186 = arith.constant 0 : i32
      %dma_start3A_187 = arith.constant 0 : i32
      %dma_start3A_188 = arith.constant 0 : i32
      %dma_start3A_189 = tpu.memref_slice %arg6[%dma_start3A_183, %dma_start3A_184, %dma_start3A_185, %dma_start3A_187, %dma_start3A_188] : memref<2x2x4x16x256xf32, #tpu.memory_space<vmem>> -> memref<1x1x1x16x256xf32, #tpu.memory_space<vmem>>
      %dma_start3A_190 = tpu.memref_squeeze %dma_start3A_189 : memref<1x1x1x16x256xf32, #tpu.memory_space<vmem>> -> memref<16x256xf32, #tpu.memory_space<vmem>>
      %dma_start3A_191 = arith.constant 0 : i32
      %dma_start3A_192 = arith.constant 0 : i32
      %dma_start3A_193 = tpu.memref_slice %arg2[%dma_start3A_191, %dma_start3A_192] : memref<80000x256xf32, #tpu.memory_space<hbm>> -> memref<80000x256xf32, #tpu.memory_space<hbm>>
      %dma_start3A_194 = tpu.memref_slice %arg8[%dma_start3A_186] : memref<2x!tpu.dma_semaphore, #tpu.memory_space<semaphore_mem>> -> memref<1x!tpu.dma_semaphore, #tpu.memory_space<semaphore_mem>>
      %dma_start3A_195 = tpu.memref_squeeze %dma_start3A_194 : memref<1x!tpu.dma_semaphore, #tpu.memory_space<semaphore_mem>> -> memref<!tpu.dma_semaphore, #tpu.memory_space<semaphore_mem>>
      tpu.enqueue_indirect_dma source(%dma_start3A_193 : memref<80000x256xf32, #tpu.memory_space<hbm>>) target(%dma_start3A_190 : memref<16x256xf32, #tpu.memory_space<vmem>>) offsets(%add3A_166 : vector<16xi32>) semaphore(%dma_start3A_195 : memref<!tpu.dma_semaphore, #tpu.memory_space<semaphore_mem>>)
      %dma_start3A_196 = arith.constant 0 : i32
      %dma_start3A_197 = arith.constant 0 : i32
      %dma_start3A_198 = arith.constant 2 : i32
      %dma_start3A_199 = arith.constant 0 : i32
      %dma_start3A_200 = arith.constant 0 : i32
      %dma_start3A_201 = arith.constant 0 : i32
      %dma_start3A_202 = tpu.memref_slice %arg6[%dma_start3A_196, %dma_start3A_197, %dma_start3A_198, %dma_start3A_200, %dma_start3A_201] : memref<2x2x4x16x256xf32, #tpu.memory_space<vmem>> -> memref<1x1x1x16x256xf32, #tpu.memory_space<vmem>>
      %dma_start3A_203 = tpu.memref_squeeze %dma_start3A_202 : memref<1x1x1x16x256xf32, #tpu.memory_space<vmem>> -> memref<16x256xf32, #tpu.memory_space<vmem>>
      %dma_start3A_204 = arith.constant 0 : i32
      %dma_start3A_205 = arith.constant 0 : i32
      %dma_start3A_206 = tpu.memref_slice %arg2[%dma_start3A_204, %dma_start3A_205] : memref<80000x256xf32, #tpu.memory_space<hbm>> -> memref<80000x256xf32, #tpu.memory_space<hbm>>
      %dma_start3A_207 = tpu.memref_slice %arg8[%dma_start3A_199] : memref<2x!tpu.dma_semaphore, #tpu.memory_space<semaphore_mem>> -> memref<1x!tpu.dma_semaphore, #tpu.memory_space<semaphore_mem>>
      %dma_start3A_208 = tpu.memref_squeeze %dma_start3A_207 : memref<1x!tpu.dma_semaphore, #tpu.memory_space<semaphore_mem>> -> memref<!tpu.dma_semaphore, #tpu.memory_space<semaphore_mem>>
      tpu.enqueue_indirect_dma source(%dma_start3A_206 : memref<80000x256xf32, #tpu.memory_space<hbm>>) target(%dma_start3A_203 : memref<16x256xf32, #tpu.memory_space<vmem>>) offsets(%add3A_168 : vector<16xi32>) semaphore(%dma_start3A_208 : memref<!tpu.dma_semaphore, #tpu.memory_space<semaphore_mem>>)
      %dma_start3A_209 = arith.constant 0 : i32
      %dma_start3A_210 = arith.constant 0 : i32
      %dma_start3A_211 = arith.constant 3 : i32
      %dma_start3A_212 = arith.constant 0 : i32
      %dma_start3A_213 = arith.constant 0 : i32
      %dma_start3A_214 = arith.constant 0 : i32
      %dma_start3A_215 = tpu.memref_slice %arg6[%dma_start3A_209, %dma_start3A_210, %dma_start3A_211, %dma_start3A_213, %dma_start3A_214] : memref<2x2x4x16x256xf32, #tpu.memory_space<vmem>> -> memref<1x1x1x16x256xf32, #tpu.memory_space<vmem>>
      %dma_start3A_216 = tpu.memref_squeeze %dma_start3A_215 : memref<1x1x1x16x256xf32, #tpu.memory_space<vmem>> -> memref<16x256xf32, #tpu.memory_space<vmem>>
      %dma_start3A_217 = arith.constant 0 : i32
      %dma_start3A_218 = arith.constant 0 : i32
      %dma_start3A_219 = tpu.memref_slice %arg2[%dma_start3A_217, %dma_start3A_218] : memref<80000x256xf32, #tpu.memory_space<hbm>> -> memref<80000x256xf32, #tpu.memory_space<hbm>>
      %dma_start3A_220 = tpu.memref_slice %arg8[%dma_start3A_212] : memref<2x!tpu.dma_semaphore, #tpu.memory_space<semaphore_mem>> -> memref<1x!tpu.dma_semaphore, #tpu.memory_space<semaphore_mem>>
      %dma_start3A_221 = tpu.memref_squeeze %dma_start3A_220 : memref<1x!tpu.dma_semaphore, #tpu.memory_space<semaphore_mem>> -> memref<!tpu.dma_semaphore, #tpu.memory_space<semaphore_mem>>
      tpu.enqueue_indirect_dma source(%dma_start3A_219 : memref<80000x256xf32, #tpu.memory_space<hbm>>) target(%dma_start3A_216 : memref<16x256xf32, #tpu.memory_space<vmem>>) offsets(%add3A_170 : vector<16xi32>) semaphore(%dma_start3A_221 : memref<!tpu.dma_semaphore, #tpu.memory_space<semaphore_mem>>)
      %mul3A_222 = arith.constant 200 : i32
      %mul3A_223 = arith.muli %select_n3A_143, %mul3A_222 : i32
      %add3A_224 = arith.addi %mul3A_48, %mul3A_223 : i32
      %mul3A_225 = arith.constant 200 : i32
      %mul3A_226 = arith.muli %min3A_147, %mul3A_225 : i32
      %add3A_227 = arith.addi %mul3A_48, %mul3A_226 : i32
      %add3A_228 = vector.broadcast %add3A_224 : i32 to vector<16xi32>
      %add3A_229 = arith.addi %add3A_228, %select_n3A : vector<16xi32>
      %add3A_230 = vector.broadcast %add3A_224 : i32 to vector<16xi32>
      %add3A_231 = arith.addi %add3A_230, %min3A_75 : vector<16xi32>
      %add3A_232 = vector.broadcast %add3A_227 : i32 to vector<16xi32>
      %add3A_233 = arith.addi %add3A_232, %select_n3A : vector<16xi32>
      %add3A_234 = vector.broadcast %add3A_227 : i32 to vector<16xi32>
      %add3A_235 = arith.addi %add3A_234, %min3A_75 : vector<16xi32>
      %dma_start3A_236 = arith.constant 0 : i32
      %dma_start3A_237 = arith.constant 1 : i32
      %dma_start3A_238 = arith.constant 0 : i32
      %dma_start3A_239 = arith.constant 0 : i32
      %dma_start3A_240 = arith.constant 0 : i32
      %dma_start3A_241 = arith.constant 0 : i32
      %dma_start3A_242 = tpu.memref_slice %arg6[%dma_start3A_236, %dma_start3A_237, %dma_start3A_238, %dma_start3A_240, %dma_start3A_241] : memref<2x2x4x16x256xf32, #tpu.memory_space<vmem>> -> memref<1x1x1x16x256xf32, #tpu.memory_space<vmem>>
      %dma_start3A_243 = tpu.memref_squeeze %dma_start3A_242 : memref<1x1x1x16x256xf32, #tpu.memory_space<vmem>> -> memref<16x256xf32, #tpu.memory_space<vmem>>
      %dma_start3A_244 = arith.constant 0 : i32
      %dma_start3A_245 = arith.constant 0 : i32
      %dma_start3A_246 = tpu.memref_slice %arg2[%dma_start3A_244, %dma_start3A_245] : memref<80000x256xf32, #tpu.memory_space<hbm>> -> memref<80000x256xf32, #tpu.memory_space<hbm>>
      %dma_start3A_247 = tpu.memref_slice %arg8[%dma_start3A_239] : memref<2x!tpu.dma_semaphore, #tpu.memory_space<semaphore_mem>> -> memref<1x!tpu.dma_semaphore, #tpu.memory_space<semaphore_mem>>
      %dma_start3A_248 = tpu.memref_squeeze %dma_start3A_247 : memref<1x!tpu.dma_semaphore, #tpu.memory_space<semaphore_mem>> -> memref<!tpu.dma_semaphore, #tpu.memory_space<semaphore_mem>>
      tpu.enqueue_indirect_dma source(%dma_start3A_246 : memref<80000x256xf32, #tpu.memory_space<hbm>>) target(%dma_start3A_243 : memref<16x256xf32, #tpu.memory_space<vmem>>) offsets(%add3A_229 : vector<16xi32>) semaphore(%dma_start3A_248 : memref<!tpu.dma_semaphore, #tpu.memory_space<semaphore_mem>>)
      %dma_start3A_249 = arith.constant 0 : i32
      %dma_start3A_250 = arith.constant 1 : i32
      %dma_start3A_251 = arith.constant 1 : i32
      %dma_start3A_252 = arith.constant 0 : i32
      %dma_start3A_253 = arith.constant 0 : i32
      %dma_start3A_254 = arith.constant 0 : i32
      %dma_start3A_255 = tpu.memref_slice %arg6[%dma_start3A_249, %dma_start3A_250, %dma_start3A_251, %dma_start3A_253, %dma_start3A_254] : memref<2x2x4x16x256xf32, #tpu.memory_space<vmem>> -> memref<1x1x1x16x256xf32, #tpu.memory_space<vmem>>
      %dma_start3A_256 = tpu.memref_squeeze %dma_start3A_255 : memref<1x1x1x16x256xf32, #tpu.memory_space<vmem>> -> memref<16x256xf32, #tpu.memory_space<vmem>>
      %dma_start3A_257 = arith.constant 0 : i32
      %dma_start3A_258 = arith.constant 0 : i32
      %dma_start3A_259 = tpu.memref_slice %arg2[%dma_start3A_257, %dma_start3A_258] : memref<80000x256xf32, #tpu.memory_space<hbm>> -> memref<80000x256xf32, #tpu.memory_space<hbm>>
      %dma_start3A_260 = tpu.memref_slice %arg8[%dma_start3A_252] : memref<2x!tpu.dma_semaphore, #tpu.memory_space<semaphore_mem>> -> memref<1x!tpu.dma_semaphore, #tpu.memory_space<semaphore_mem>>
      %dma_start3A_261 = tpu.memref_squeeze %dma_start3A_260 : memref<1x!tpu.dma_semaphore, #tpu.memory_space<semaphore_mem>> -> memref<!tpu.dma_semaphore, #tpu.memory_space<semaphore_mem>>
      tpu.enqueue_indirect_dma source(%dma_start3A_259 : memref<80000x256xf32, #tpu.memory_space<hbm>>) target(%dma_start3A_256 : memref<16x256xf32, #tpu.memory_space<vmem>>) offsets(%add3A_231 : vector<16xi32>) semaphore(%dma_start3A_261 : memref<!tpu.dma_semaphore, #tpu.memory_space<semaphore_mem>>)
      %dma_start3A_262 = arith.constant 0 : i32
      %dma_start3A_263 = arith.constant 1 : i32
      %dma_start3A_264 = arith.constant 2 : i32
      %dma_start3A_265 = arith.constant 0 : i32
      %dma_start3A_266 = arith.constant 0 : i32
      %dma_start3A_267 = arith.constant 0 : i32
      %dma_start3A_268 = tpu.memref_slice %arg6[%dma_start3A_262, %dma_start3A_263, %dma_start3A_264, %dma_start3A_266, %dma_start3A_267] : memref<2x2x4x16x256xf32, #tpu.memory_space<vmem>> -> memref<1x1x1x16x256xf32, #tpu.memory_space<vmem>>
      %dma_start3A_269 = tpu.memref_squeeze %dma_start3A_268 : memref<1x1x1x16x256xf32, #tpu.memory_space<vmem>> -> memref<16x256xf32, #tpu.memory_space<vmem>>
      %dma_start3A_270 = arith.constant 0 : i32
      %dma_start3A_271 = arith.constant 0 : i32
      %dma_start3A_272 = tpu.memref_slice %arg2[%dma_start3A_270, %dma_start3A_271] : memref<80000x256xf32, #tpu.memory_space<hbm>> -> memref<80000x256xf32, #tpu.memory_space<hbm>>
      %dma_start3A_273 = tpu.memref_slice %arg8[%dma_start3A_265] : memref<2x!tpu.dma_semaphore, #tpu.memory_space<semaphore_mem>> -> memref<1x!tpu.dma_semaphore, #tpu.memory_space<semaphore_mem>>
      %dma_start3A_274 = tpu.memref_squeeze %dma_start3A_273 : memref<1x!tpu.dma_semaphore, #tpu.memory_space<semaphore_mem>> -> memref<!tpu.dma_semaphore, #tpu.memory_space<semaphore_mem>>
      tpu.enqueue_indirect_dma source(%dma_start3A_272 : memref<80000x256xf32, #tpu.memory_space<hbm>>) target(%dma_start3A_269 : memref<16x256xf32, #tpu.memory_space<vmem>>) offsets(%add3A_233 : vector<16xi32>) semaphore(%dma_start3A_274 : memref<!tpu.dma_semaphore, #tpu.memory_space<semaphore_mem>>)
      %dma_start3A_275 = arith.constant 0 : i32
      %dma_start3A_276 = arith.constant 1 : i32
      %dma_start3A_277 = arith.constant 3 : i32
      %dma_start3A_278 = arith.constant 0 : i32
      %dma_start3A_279 = arith.constant 0 : i32
      %dma_start3A_280 = arith.constant 0 : i32
      %dma_start3A_281 = tpu.memref_slice %arg6[%dma_start3A_275, %dma_start3A_276, %dma_start3A_277, %dma_start3A_279, %dma_start3A_280] : memref<2x2x4x16x256xf32, #tpu.memory_space<vmem>> -> memref<1x1x1x16x256xf32, #tpu.memory_space<vmem>>
      %dma_start3A_282 = tpu.memref_squeeze %dma_start3A_281 : memref<1x1x1x16x256xf32, #tpu.memory_space<vmem>> -> memref<16x256xf32, #tpu.memory_space<vmem>>
      %dma_start3A_283 = arith.constant 0 : i32
      %dma_start3A_284 = arith.constant 0 : i32
      %dma_start3A_285 = tpu.memref_slice %arg2[%dma_start3A_283, %dma_start3A_284] : memref<80000x256xf32, #tpu.memory_space<hbm>> -> memref<80000x256xf32, #tpu.memory_space<hbm>>
      %dma_start3A_286 = tpu.memref_slice %arg8[%dma_start3A_278] : memref<2x!tpu.dma_semaphore, #tpu.memory_space<semaphore_mem>> -> memref<1x!tpu.dma_semaphore, #tpu.memory_space<semaphore_mem>>
      %dma_start3A_287 = tpu.memref_squeeze %dma_start3A_286 : memref<1x!tpu.dma_semaphore, #tpu.memory_space<semaphore_mem>> -> memref<!tpu.dma_semaphore, #tpu.memory_space<semaphore_mem>>
      tpu.enqueue_indirect_dma source(%dma_start3A_285 : memref<80000x256xf32, #tpu.memory_space<hbm>>) target(%dma_start3A_282 : memref<16x256xf32, #tpu.memory_space<vmem>>) offsets(%add3A_235 : vector<16xi32>) semaphore(%dma_start3A_287 : memref<!tpu.dma_semaphore, #tpu.memory_space<semaphore_mem>>)
      %scan3A_288 = arith.constant 0 : i32
      %scan3A_289 = arith.constant 7 : i32
      %scan3A_290 = arith.addi %scan3A_288, %scan3A_289 : i32
      %scan3A_291 = arith.constant 1 : i32
      %scan3A_292:4 = scf.for %scan3A_295 = %scan3A_288 to %scan3A_290 step %scan3A_291 iter_args(%scan3A_296 = %mul3A_121, %scan3A_297 = %mul3A_122, %scan3A_298 = %mul3A_155, %scan3A_299 = %mul3A_156) -> (f32, f32, f32, f32)  : i32 {
        %rem3A = arith.constant 2 : i32
        %rem3A_300 = arith.remsi %scan3A_295, %rem3A : i32
        %add3A_301 = arith.constant 1 : i32
        %add3A_302 = arith.addi %scan3A_295, %add3A_301 : i32
        %mul3A_303 = arith.constant 2 : i32
        %mul3A_304 = arith.muli %add3A_302, %mul3A_303 : i32
        %convert_element_type3A_305 = arith.sitofp %mul3A_304 : i32 to f32
        %add3A_306 = arith.constant 5.000000e-01 : f32
        %add3A_307 = arith.addf %convert_element_type3A_305, %add3A_306 : f32
        %mul3A_308 = arith.mulf %add3A_307, %mul3A_43 : f32
        %add3A_309 = arith.addf %sub3A_28, %mul3A_308 : f32
        %ge3A_310 = arith.constant -1.000000e+00 : f32
        %ge3A_311 = arith.cmpf oge, %add3A_309, %ge3A_310 : f32
        %le3A_312 = arith.constant 2.000000e+02 : f32
        %le3A_313 = arith.cmpf ole, %add3A_309, %le3A_312 : f32
        %and3A_314 = arith.andi %ge3A_311, %le3A_313 : i1
        %jit3A_315 = arith.constant 0.000000e+00 : f32
        %jit3A_316 = arith.constant 1.990000e+02 : f32
        %max3A_317 = arith.maximumf %jit3A_315, %add3A_309 : f32
        %min3A_318 = arith.minimumf %jit3A_316, %max3A_317 : f32
        %convert_element_type3A_319 = arith.fptosi %min3A_318 : f32 to i32
        %convert_element_type3A_320 = arith.sitofp %convert_element_type3A_319 : i32 to f32
        %gt3A_321 = arith.cmpf ogt, %convert_element_type3A_320, %min3A_318 : f32
        %sub3A_322 = arith.constant 1 : i32
        %sub3A_323 = arith.subi %convert_element_type3A_319, %sub3A_322 : i32
        %select_n3A_324 = arith.select %gt3A_321, %sub3A_323, %convert_element_type3A_319 : i32
        %add3A_325 = arith.constant 1 : i32
        %add3A_326 = arith.addi %select_n3A_324, %add3A_325 : i32
        %min3A_327 = arith.constant 199 : i32
        %min3A_328 = arith.minsi %add3A_326, %min3A_327 : i32
        %convert_element_type3A_329 = arith.sitofp %select_n3A_324 : i32 to f32
        %sub3A_330 = arith.subf %min3A_318, %convert_element_type3A_329 : f32
        %jit3A_331 = arith.constant 2.500000e-01 : f32
        %jit3A_332 = arith.constant 0.000000e+00 : f32
        %select_n3A_333 = arith.select %and3A_314, %jit3A_331, %jit3A_332 : f32
        %sub3A_334 = arith.constant 1.000000e+00 : f32
        %sub3A_335 = arith.subf %sub3A_334, %sub3A_330 : f32
        %mul3A_336 = arith.mulf %sub3A_335, %select_n3A_333 : f32
        %mul3A_337 = arith.mulf %sub3A_330, %select_n3A_333 : f32
        %add3A_338 = arith.constant 1.000000e+00 : f32
        %add3A_339 = arith.addf %convert_element_type3A_305, %add3A_338 : f32
        %add3A_340 = arith.constant 5.000000e-01 : f32
        %add3A_341 = arith.addf %add3A_339, %add3A_340 : f32
        %mul3A_342 = arith.mulf %add3A_341, %mul3A_43 : f32
        %add3A_343 = arith.addf %sub3A_28, %mul3A_342 : f32
        %ge3A_344 = arith.constant -1.000000e+00 : f32
        %ge3A_345 = arith.cmpf oge, %add3A_343, %ge3A_344 : f32
        %le3A_346 = arith.constant 2.000000e+02 : f32
        %le3A_347 = arith.cmpf ole, %add3A_343, %le3A_346 : f32
        %and3A_348 = arith.andi %ge3A_345, %le3A_347 : i1
        %jit3A_349 = arith.constant 0.000000e+00 : f32
        %jit3A_350 = arith.constant 1.990000e+02 : f32
        %max3A_351 = arith.maximumf %jit3A_349, %add3A_343 : f32
        %min3A_352 = arith.minimumf %jit3A_350, %max3A_351 : f32
        %convert_element_type3A_353 = arith.fptosi %min3A_352 : f32 to i32
        %convert_element_type3A_354 = arith.sitofp %convert_element_type3A_353 : i32 to f32
        %gt3A_355 = arith.cmpf ogt, %convert_element_type3A_354, %min3A_352 : f32
        %sub3A_356 = arith.constant 1 : i32
        %sub3A_357 = arith.subi %convert_element_type3A_353, %sub3A_356 : i32
        %select_n3A_358 = arith.select %gt3A_355, %sub3A_357, %convert_element_type3A_353 : i32
        %add3A_359 = arith.constant 1 : i32
        %add3A_360 = arith.addi %select_n3A_358, %add3A_359 : i32
        %min3A_361 = arith.constant 199 : i32
        %min3A_362 = arith.minsi %add3A_360, %min3A_361 : i32
        %convert_element_type3A_363 = arith.sitofp %select_n3A_358 : i32 to f32
        %sub3A_364 = arith.subf %min3A_352, %convert_element_type3A_363 : f32
        %jit3A_365 = arith.constant 2.500000e-01 : f32
        %jit3A_366 = arith.constant 0.000000e+00 : f32
        %select_n3A_367 = arith.select %and3A_348, %jit3A_365, %jit3A_366 : f32
        %sub3A_368 = arith.constant 1.000000e+00 : f32
        %sub3A_369 = arith.subf %sub3A_368, %sub3A_364 : f32
        %mul3A_370 = arith.mulf %sub3A_369, %select_n3A_367 : f32
        %mul3A_371 = arith.mulf %sub3A_364, %select_n3A_367 : f32
        %lt3A = arith.constant 6 : i32
        %lt3A_372 = arith.cmpi slt, %scan3A_295, %lt3A : i32
        %convert_element_type3A_373 = arith.extui %lt3A_372 : i1 to i32
        %cond3A = arith.constant 0 : i32
        %cond3A_374 = arith.cmpi ne, %convert_element_type3A_373, %cond3A : i32
        scf.if %cond3A_374 {
          %sub3A_708 = arith.constant 1 : i32
          %sub3A_709 = arith.subi %sub3A_708, %rem3A_300 : i32
          %mul3A_710 = arith.constant 200 : i32
          %mul3A_711 = arith.muli %select_n3A_324, %mul3A_710 : i32
          %add3A_712 = arith.addi %mul3A_48, %mul3A_711 : i32
          %mul3A_713 = arith.constant 200 : i32
          %mul3A_714 = arith.muli %min3A_328, %mul3A_713 : i32
          %add3A_715 = arith.addi %mul3A_48, %mul3A_714 : i32
          %add3A_716 = vector.broadcast %add3A_712 : i32 to vector<16xi32>
          %add3A_717 = arith.addi %add3A_716, %select_n3A : vector<16xi32>
          %add3A_718 = vector.broadcast %add3A_712 : i32 to vector<16xi32>
          %add3A_719 = arith.addi %add3A_718, %min3A_75 : vector<16xi32>
          %add3A_720 = vector.broadcast %add3A_715 : i32 to vector<16xi32>
          %add3A_721 = arith.addi %add3A_720, %select_n3A : vector<16xi32>
          %add3A_722 = vector.broadcast %add3A_715 : i32 to vector<16xi32>
          %add3A_723 = arith.addi %add3A_722, %min3A_75 : vector<16xi32>
          %dma_start3A_724 = arith.constant 0 : i32
          %dma_start3A_725 = arith.constant 0 : i32
          %dma_start3A_726 = arith.constant 0 : i32
          %dma_start3A_727 = arith.constant 0 : i32
          %dma_start3A_728 = tpu.memref_slice %arg6[%sub3A_709, %dma_start3A_724, %dma_start3A_725, %dma_start3A_726, %dma_start3A_727] : memref<2x2x4x16x256xf32, #tpu.memory_space<vmem>> -> memref<1x1x1x16x256xf32, #tpu.memory_space<vmem>>
          %dma_start3A_729 = tpu.memref_squeeze %dma_start3A_728 : memref<1x1x1x16x256xf32, #tpu.memory_space<vmem>> -> memref<16x256xf32, #tpu.memory_space<vmem>>
          %dma_start3A_730 = arith.constant 0 : i32
          %dma_start3A_731 = arith.constant 0 : i32
          %dma_start3A_732 = tpu.memref_slice %arg2[%dma_start3A_730, %dma_start3A_731] : memref<80000x256xf32, #tpu.memory_space<hbm>> -> memref<80000x256xf32, #tpu.memory_space<hbm>>
          %dma_start3A_733 = tpu.memref_slice %arg8[%sub3A_709] : memref<2x!tpu.dma_semaphore, #tpu.memory_space<semaphore_mem>> -> memref<1x!tpu.dma_semaphore, #tpu.memory_space<semaphore_mem>>
          %dma_start3A_734 = tpu.memref_squeeze %dma_start3A_733 : memref<1x!tpu.dma_semaphore, #tpu.memory_space<semaphore_mem>> -> memref<!tpu.dma_semaphore, #tpu.memory_space<semaphore_mem>>
          tpu.enqueue_indirect_dma source(%dma_start3A_732 : memref<80000x256xf32, #tpu.memory_space<hbm>>) target(%dma_start3A_729 : memref<16x256xf32, #tpu.memory_space<vmem>>) offsets(%add3A_717 : vector<16xi32>) semaphore(%dma_start3A_734 : memref<!tpu.dma_semaphore, #tpu.memory_space<semaphore_mem>>)
          %dma_start3A_735 = arith.constant 0 : i32
          %dma_start3A_736 = arith.constant 1 : i32
          %dma_start3A_737 = arith.constant 0 : i32
          %dma_start3A_738 = arith.constant 0 : i32
          %dma_start3A_739 = tpu.memref_slice %arg6[%sub3A_709, %dma_start3A_735, %dma_start3A_736, %dma_start3A_737, %dma_start3A_738] : memref<2x2x4x16x256xf32, #tpu.memory_space<vmem>> -> memref<1x1x1x16x256xf32, #tpu.memory_space<vmem>>
          %dma_start3A_740 = tpu.memref_squeeze %dma_start3A_739 : memref<1x1x1x16x256xf32, #tpu.memory_space<vmem>> -> memref<16x256xf32, #tpu.memory_space<vmem>>
          %dma_start3A_741 = arith.constant 0 : i32
          %dma_start3A_742 = arith.constant 0 : i32
          %dma_start3A_743 = tpu.memref_slice %arg2[%dma_start3A_741, %dma_start3A_742] : memref<80000x256xf32, #tpu.memory_space<hbm>> -> memref<80000x256xf32, #tpu.memory_space<hbm>>
          %dma_start3A_744 = tpu.memref_slice %arg8[%sub3A_709] : memref<2x!tpu.dma_semaphore, #tpu.memory_space<semaphore_mem>> -> memref<1x!tpu.dma_semaphore, #tpu.memory_space<semaphore_mem>>
          %dma_start3A_745 = tpu.memref_squeeze %dma_start3A_744 : memref<1x!tpu.dma_semaphore, #tpu.memory_space<semaphore_mem>> -> memref<!tpu.dma_semaphore, #tpu.memory_space<semaphore_mem>>
          tpu.enqueue_indirect_dma source(%dma_start3A_743 : memref<80000x256xf32, #tpu.memory_space<hbm>>) target(%dma_start3A_740 : memref<16x256xf32, #tpu.memory_space<vmem>>) offsets(%add3A_719 : vector<16xi32>) semaphore(%dma_start3A_745 : memref<!tpu.dma_semaphore, #tpu.memory_space<semaphore_mem>>)
          %dma_start3A_746 = arith.constant 0 : i32
          %dma_start3A_747 = arith.constant 2 : i32
          %dma_start3A_748 = arith.constant 0 : i32
          %dma_start3A_749 = arith.constant 0 : i32
          %dma_start3A_750 = tpu.memref_slice %arg6[%sub3A_709, %dma_start3A_746, %dma_start3A_747, %dma_start3A_748, %dma_start3A_749] : memref<2x2x4x16x256xf32, #tpu.memory_space<vmem>> -> memref<1x1x1x16x256xf32, #tpu.memory_space<vmem>>
          %dma_start3A_751 = tpu.memref_squeeze %dma_start3A_750 : memref<1x1x1x16x256xf32, #tpu.memory_space<vmem>> -> memref<16x256xf32, #tpu.memory_space<vmem>>
          %dma_start3A_752 = arith.constant 0 : i32
          %dma_start3A_753 = arith.constant 0 : i32
          %dma_start3A_754 = tpu.memref_slice %arg2[%dma_start3A_752, %dma_start3A_753] : memref<80000x256xf32, #tpu.memory_space<hbm>> -> memref<80000x256xf32, #tpu.memory_space<hbm>>
          %dma_start3A_755 = tpu.memref_slice %arg8[%sub3A_709] : memref<2x!tpu.dma_semaphore, #tpu.memory_space<semaphore_mem>> -> memref<1x!tpu.dma_semaphore, #tpu.memory_space<semaphore_mem>>
          %dma_start3A_756 = tpu.memref_squeeze %dma_start3A_755 : memref<1x!tpu.dma_semaphore, #tpu.memory_space<semaphore_mem>> -> memref<!tpu.dma_semaphore, #tpu.memory_space<semaphore_mem>>
          tpu.enqueue_indirect_dma source(%dma_start3A_754 : memref<80000x256xf32, #tpu.memory_space<hbm>>) target(%dma_start3A_751 : memref<16x256xf32, #tpu.memory_space<vmem>>) offsets(%add3A_721 : vector<16xi32>) semaphore(%dma_start3A_756 : memref<!tpu.dma_semaphore, #tpu.memory_space<semaphore_mem>>)
          %dma_start3A_757 = arith.constant 0 : i32
          %dma_start3A_758 = arith.constant 3 : i32
          %dma_start3A_759 = arith.constant 0 : i32
          %dma_start3A_760 = arith.constant 0 : i32
          %dma_start3A_761 = tpu.memref_slice %arg6[%sub3A_709, %dma_start3A_757, %dma_start3A_758, %dma_start3A_759, %dma_start3A_760] : memref<2x2x4x16x256xf32, #tpu.memory_space<vmem>> -> memref<1x1x1x16x256xf32, #tpu.memory_space<vmem>>
          %dma_start3A_762 = tpu.memref_squeeze %dma_start3A_761 : memref<1x1x1x16x256xf32, #tpu.memory_space<vmem>> -> memref<16x256xf32, #tpu.memory_space<vmem>>
          %dma_start3A_763 = arith.constant 0 : i32
          %dma_start3A_764 = arith.constant 0 : i32
          %dma_start3A_765 = tpu.memref_slice %arg2[%dma_start3A_763, %dma_start3A_764] : memref<80000x256xf32, #tpu.memory_space<hbm>> -> memref<80000x256xf32, #tpu.memory_space<hbm>>
          %dma_start3A_766 = tpu.memref_slice %arg8[%sub3A_709] : memref<2x!tpu.dma_semaphore, #tpu.memory_space<semaphore_mem>> -> memref<1x!tpu.dma_semaphore, #tpu.memory_space<semaphore_mem>>
          %dma_start3A_767 = tpu.memref_squeeze %dma_start3A_766 : memref<1x!tpu.dma_semaphore, #tpu.memory_space<semaphore_mem>> -> memref<!tpu.dma_semaphore, #tpu.memory_space<semaphore_mem>>
          tpu.enqueue_indirect_dma source(%dma_start3A_765 : memref<80000x256xf32, #tpu.memory_space<hbm>>) target(%dma_start3A_762 : memref<16x256xf32, #tpu.memory_space<vmem>>) offsets(%add3A_723 : vector<16xi32>) semaphore(%dma_start3A_767 : memref<!tpu.dma_semaphore, #tpu.memory_space<semaphore_mem>>)
          %mul3A_768 = arith.constant 200 : i32
          %mul3A_769 = arith.muli %select_n3A_358, %mul3A_768 : i32
          %add3A_770 = arith.addi %mul3A_48, %mul3A_769 : i32
          %mul3A_771 = arith.constant 200 : i32
          %mul3A_772 = arith.muli %min3A_362, %mul3A_771 : i32
          %add3A_773 = arith.addi %mul3A_48, %mul3A_772 : i32
          %add3A_774 = vector.broadcast %add3A_770 : i32 to vector<16xi32>
          %add3A_775 = arith.addi %add3A_774, %select_n3A : vector<16xi32>
          %add3A_776 = vector.broadcast %add3A_770 : i32 to vector<16xi32>
          %add3A_777 = arith.addi %add3A_776, %min3A_75 : vector<16xi32>
          %add3A_778 = vector.broadcast %add3A_773 : i32 to vector<16xi32>
          %add3A_779 = arith.addi %add3A_778, %select_n3A : vector<16xi32>
          %add3A_780 = vector.broadcast %add3A_773 : i32 to vector<16xi32>
          %add3A_781 = arith.addi %add3A_780, %min3A_75 : vector<16xi32>
          %dma_start3A_782 = arith.constant 1 : i32
          %dma_start3A_783 = arith.constant 0 : i32
          %dma_start3A_784 = arith.constant 0 : i32
          %dma_start3A_785 = arith.constant 0 : i32
          %dma_start3A_786 = tpu.memref_slice %arg6[%sub3A_709, %dma_start3A_782, %dma_start3A_783, %dma_start3A_784, %dma_start3A_785] : memref<2x2x4x16x256xf32, #tpu.memory_space<vmem>> -> memref<1x1x1x16x256xf32, #tpu.memory_space<vmem>>
          %dma_start3A_787 = tpu.memref_squeeze %dma_start3A_786 : memref<1x1x1x16x256xf32, #tpu.memory_space<vmem>> -> memref<16x256xf32, #tpu.memory_space<vmem>>
          %dma_start3A_788 = arith.constant 0 : i32
          %dma_start3A_789 = arith.constant 0 : i32
          %dma_start3A_790 = tpu.memref_slice %arg2[%dma_start3A_788, %dma_start3A_789] : memref<80000x256xf32, #tpu.memory_space<hbm>> -> memref<80000x256xf32, #tpu.memory_space<hbm>>
          %dma_start3A_791 = tpu.memref_slice %arg8[%sub3A_709] : memref<2x!tpu.dma_semaphore, #tpu.memory_space<semaphore_mem>> -> memref<1x!tpu.dma_semaphore, #tpu.memory_space<semaphore_mem>>
          %dma_start3A_792 = tpu.memref_squeeze %dma_start3A_791 : memref<1x!tpu.dma_semaphore, #tpu.memory_space<semaphore_mem>> -> memref<!tpu.dma_semaphore, #tpu.memory_space<semaphore_mem>>
          tpu.enqueue_indirect_dma source(%dma_start3A_790 : memref<80000x256xf32, #tpu.memory_space<hbm>>) target(%dma_start3A_787 : memref<16x256xf32, #tpu.memory_space<vmem>>) offsets(%add3A_775 : vector<16xi32>) semaphore(%dma_start3A_792 : memref<!tpu.dma_semaphore, #tpu.memory_space<semaphore_mem>>)
          %dma_start3A_793 = arith.constant 1 : i32
          %dma_start3A_794 = arith.constant 1 : i32
          %dma_start3A_795 = arith.constant 0 : i32
          %dma_start3A_796 = arith.constant 0 : i32
          %dma_start3A_797 = tpu.memref_slice %arg6[%sub3A_709, %dma_start3A_793, %dma_start3A_794, %dma_start3A_795, %dma_start3A_796] : memref<2x2x4x16x256xf32, #tpu.memory_space<vmem>> -> memref<1x1x1x16x256xf32, #tpu.memory_space<vmem>>
          %dma_start3A_798 = tpu.memref_squeeze %dma_start3A_797 : memref<1x1x1x16x256xf32, #tpu.memory_space<vmem>> -> memref<16x256xf32, #tpu.memory_space<vmem>>
          %dma_start3A_799 = arith.constant 0 : i32
          %dma_start3A_800 = arith.constant 0 : i32
          %dma_start3A_801 = tpu.memref_slice %arg2[%dma_start3A_799, %dma_start3A_800] : memref<80000x256xf32, #tpu.memory_space<hbm>> -> memref<80000x256xf32, #tpu.memory_space<hbm>>
          %dma_start3A_802 = tpu.memref_slice %arg8[%sub3A_709] : memref<2x!tpu.dma_semaphore, #tpu.memory_space<semaphore_mem>> -> memref<1x!tpu.dma_semaphore, #tpu.memory_space<semaphore_mem>>
          %dma_start3A_803 = tpu.memref_squeeze %dma_start3A_802 : memref<1x!tpu.dma_semaphore, #tpu.memory_space<semaphore_mem>> -> memref<!tpu.dma_semaphore, #tpu.memory_space<semaphore_mem>>
          tpu.enqueue_indirect_dma source(%dma_start3A_801 : memref<80000x256xf32, #tpu.memory_space<hbm>>) target(%dma_start3A_798 : memref<16x256xf32, #tpu.memory_space<vmem>>) offsets(%add3A_777 : vector<16xi32>) semaphore(%dma_start3A_803 : memref<!tpu.dma_semaphore, #tpu.memory_space<semaphore_mem>>)
          %dma_start3A_804 = arith.constant 1 : i32
          %dma_start3A_805 = arith.constant 2 : i32
          %dma_start3A_806 = arith.constant 0 : i32
          %dma_start3A_807 = arith.constant 0 : i32
          %dma_start3A_808 = tpu.memref_slice %arg6[%sub3A_709, %dma_start3A_804, %dma_start3A_805, %dma_start3A_806, %dma_start3A_807] : memref<2x2x4x16x256xf32, #tpu.memory_space<vmem>> -> memref<1x1x1x16x256xf32, #tpu.memory_space<vmem>>
          %dma_start3A_809 = tpu.memref_squeeze %dma_start3A_808 : memref<1x1x1x16x256xf32, #tpu.memory_space<vmem>> -> memref<16x256xf32, #tpu.memory_space<vmem>>
          %dma_start3A_810 = arith.constant 0 : i32
          %dma_start3A_811 = arith.constant 0 : i32
          %dma_start3A_812 = tpu.memref_slice %arg2[%dma_start3A_810, %dma_start3A_811] : memref<80000x256xf32, #tpu.memory_space<hbm>> -> memref<80000x256xf32, #tpu.memory_space<hbm>>
          %dma_start3A_813 = tpu.memref_slice %arg8[%sub3A_709] : memref<2x!tpu.dma_semaphore, #tpu.memory_space<semaphore_mem>> -> memref<1x!tpu.dma_semaphore, #tpu.memory_space<semaphore_mem>>
          %dma_start3A_814 = tpu.memref_squeeze %dma_start3A_813 : memref<1x!tpu.dma_semaphore, #tpu.memory_space<semaphore_mem>> -> memref<!tpu.dma_semaphore, #tpu.memory_space<semaphore_mem>>
          tpu.enqueue_indirect_dma source(%dma_start3A_812 : memref<80000x256xf32, #tpu.memory_space<hbm>>) target(%dma_start3A_809 : memref<16x256xf32, #tpu.memory_space<vmem>>) offsets(%add3A_779 : vector<16xi32>) semaphore(%dma_start3A_814 : memref<!tpu.dma_semaphore, #tpu.memory_space<semaphore_mem>>)
          %dma_start3A_815 = arith.constant 1 : i32
          %dma_start3A_816 = arith.constant 3 : i32
          %dma_start3A_817 = arith.constant 0 : i32
          %dma_start3A_818 = arith.constant 0 : i32
          %dma_start3A_819 = tpu.memref_slice %arg6[%sub3A_709, %dma_start3A_815, %dma_start3A_816, %dma_start3A_817, %dma_start3A_818] : memref<2x2x4x16x256xf32, #tpu.memory_space<vmem>> -> memref<1x1x1x16x256xf32, #tpu.memory_space<vmem>>
          %dma_start3A_820 = tpu.memref_squeeze %dma_start3A_819 : memref<1x1x1x16x256xf32, #tpu.memory_space<vmem>> -> memref<16x256xf32, #tpu.memory_space<vmem>>
          %dma_start3A_821 = arith.constant 0 : i32
          %dma_start3A_822 = arith.constant 0 : i32
          %dma_start3A_823 = tpu.memref_slice %arg2[%dma_start3A_821, %dma_start3A_822] : memref<80000x256xf32, #tpu.memory_space<hbm>> -> memref<80000x256xf32, #tpu.memory_space<hbm>>
          %dma_start3A_824 = tpu.memref_slice %arg8[%sub3A_709] : memref<2x!tpu.dma_semaphore, #tpu.memory_space<semaphore_mem>> -> memref<1x!tpu.dma_semaphore, #tpu.memory_space<semaphore_mem>>
          %dma_start3A_825 = tpu.memref_squeeze %dma_start3A_824 : memref<1x!tpu.dma_semaphore, #tpu.memory_space<semaphore_mem>> -> memref<!tpu.dma_semaphore, #tpu.memory_space<semaphore_mem>>
          tpu.enqueue_indirect_dma source(%dma_start3A_823 : memref<80000x256xf32, #tpu.memory_space<hbm>>) target(%dma_start3A_820 : memref<16x256xf32, #tpu.memory_space<vmem>>) offsets(%add3A_781 : vector<16xi32>) semaphore(%dma_start3A_825 : memref<!tpu.dma_semaphore, #tpu.memory_space<semaphore_mem>>)
        } else {
        }
        %dma_wait3A = arith.constant 0 : i32
        %dma_wait3A_375 = arith.constant 0 : i32
        %dma_wait3A_376 = arith.constant 0 : i32
        %dma_wait3A_377 = arith.constant 0 : i32
        %dma_wait3A_378 = tpu.memref_slice %arg6[%rem3A_300, %dma_wait3A, %dma_wait3A_375, %dma_wait3A_376, %dma_wait3A_377] : memref<2x2x4x16x256xf32, #tpu.memory_space<vmem>> -> memref<1x1x1x16x256xf32, #tpu.memory_space<vmem>>
        %dma_wait3A_379 = tpu.memref_squeeze %dma_wait3A_378 : memref<1x1x1x16x256xf32, #tpu.memory_space<vmem>> -> memref<16x256xf32, #tpu.memory_space<vmem>>
        %dma_wait3A_380 = arith.constant 0 : i32
        %dma_wait3A_381 = arith.constant 0 : i32
        %dma_wait3A_382 = tpu.memref_slice %arg2[%dma_wait3A_380, %dma_wait3A_381] : memref<80000x256xf32, #tpu.memory_space<hbm>> -> memref<80000x256xf32, #tpu.memory_space<hbm>>
        %dma_wait3A_383 = tpu.memref_slice %arg8[%rem3A_300] : memref<2x!tpu.dma_semaphore, #tpu.memory_space<semaphore_mem>> -> memref<1x!tpu.dma_semaphore, #tpu.memory_space<semaphore_mem>>
        %dma_wait3A_384 = tpu.memref_squeeze %dma_wait3A_383 : memref<1x!tpu.dma_semaphore, #tpu.memory_space<semaphore_mem>> -> memref<!tpu.dma_semaphore, #tpu.memory_space<semaphore_mem>>
        tpu.wait_indirect_dma semaphore(%dma_wait3A_384 : memref<!tpu.dma_semaphore, #tpu.memory_space<semaphore_mem>>) src(%dma_wait3A_382 : memref<80000x256xf32, #tpu.memory_space<hbm>>) dst(%dma_wait3A_379 : memref<16x256xf32, #tpu.memory_space<vmem>>)
        %dma_wait3A_385 = arith.constant 0 : i32
        %dma_wait3A_386 = arith.constant 1 : i32
        %dma_wait3A_387 = arith.constant 0 : i32
        %dma_wait3A_388 = arith.constant 0 : i32
        %dma_wait3A_389 = tpu.memref_slice %arg6[%rem3A_300, %dma_wait3A_385, %dma_wait3A_386, %dma_wait3A_387, %dma_wait3A_388] : memref<2x2x4x16x256xf32, #tpu.memory_space<vmem>> -> memref<1x1x1x16x256xf32, #tpu.memory_space<vmem>>
        %dma_wait3A_390 = tpu.memref_squeeze %dma_wait3A_389 : memref<1x1x1x16x256xf32, #tpu.memory_space<vmem>> -> memref<16x256xf32, #tpu.memory_space<vmem>>
        %dma_wait3A_391 = arith.constant 0 : i32
        %dma_wait3A_392 = arith.constant 0 : i32
        %dma_wait3A_393 = tpu.memref_slice %arg2[%dma_wait3A_391, %dma_wait3A_392] : memref<80000x256xf32, #tpu.memory_space<hbm>> -> memref<80000x256xf32, #tpu.memory_space<hbm>>
        %dma_wait3A_394 = tpu.memref_slice %arg8[%rem3A_300] : memref<2x!tpu.dma_semaphore, #tpu.memory_space<semaphore_mem>> -> memref<1x!tpu.dma_semaphore, #tpu.memory_space<semaphore_mem>>
        %dma_wait3A_395 = tpu.memref_squeeze %dma_wait3A_394 : memref<1x!tpu.dma_semaphore, #tpu.memory_space<semaphore_mem>> -> memref<!tpu.dma_semaphore, #tpu.memory_space<semaphore_mem>>
        tpu.wait_indirect_dma semaphore(%dma_wait3A_395 : memref<!tpu.dma_semaphore, #tpu.memory_space<semaphore_mem>>) src(%dma_wait3A_393 : memref<80000x256xf32, #tpu.memory_space<hbm>>) dst(%dma_wait3A_390 : memref<16x256xf32, #tpu.memory_space<vmem>>)
        %dma_wait3A_396 = arith.constant 0 : i32
        %dma_wait3A_397 = arith.constant 2 : i32
        %dma_wait3A_398 = arith.constant 0 : i32
        %dma_wait3A_399 = arith.constant 0 : i32
        %dma_wait3A_400 = tpu.memref_slice %arg6[%rem3A_300, %dma_wait3A_396, %dma_wait3A_397, %dma_wait3A_398, %dma_wait3A_399] : memref<2x2x4x16x256xf32, #tpu.memory_space<vmem>> -> memref<1x1x1x16x256xf32, #tpu.memory_space<vmem>>
        %dma_wait3A_401 = tpu.memref_squeeze %dma_wait3A_400 : memref<1x1x1x16x256xf32, #tpu.memory_space<vmem>> -> memref<16x256xf32, #tpu.memory_space<vmem>>
        %dma_wait3A_402 = arith.constant 0 : i32
        %dma_wait3A_403 = arith.constant 0 : i32
        %dma_wait3A_404 = tpu.memref_slice %arg2[%dma_wait3A_402, %dma_wait3A_403] : memref<80000x256xf32, #tpu.memory_space<hbm>> -> memref<80000x256xf32, #tpu.memory_space<hbm>>
        %dma_wait3A_405 = tpu.memref_slice %arg8[%rem3A_300] : memref<2x!tpu.dma_semaphore, #tpu.memory_space<semaphore_mem>> -> memref<1x!tpu.dma_semaphore, #tpu.memory_space<semaphore_mem>>
        %dma_wait3A_406 = tpu.memref_squeeze %dma_wait3A_405 : memref<1x!tpu.dma_semaphore, #tpu.memory_space<semaphore_mem>> -> memref<!tpu.dma_semaphore, #tpu.memory_space<semaphore_mem>>
        tpu.wait_indirect_dma semaphore(%dma_wait3A_406 : memref<!tpu.dma_semaphore, #tpu.memory_space<semaphore_mem>>) src(%dma_wait3A_404 : memref<80000x256xf32, #tpu.memory_space<hbm>>) dst(%dma_wait3A_401 : memref<16x256xf32, #tpu.memory_space<vmem>>)
        %dma_wait3A_407 = arith.constant 0 : i32
        %dma_wait3A_408 = arith.constant 3 : i32
        %dma_wait3A_409 = arith.constant 0 : i32
        %dma_wait3A_410 = arith.constant 0 : i32
        %dma_wait3A_411 = tpu.memref_slice %arg6[%rem3A_300, %dma_wait3A_407, %dma_wait3A_408, %dma_wait3A_409, %dma_wait3A_410] : memref<2x2x4x16x256xf32, #tpu.memory_space<vmem>> -> memref<1x1x1x16x256xf32, #tpu.memory_space<vmem>>
        %dma_wait3A_412 = tpu.memref_squeeze %dma_wait3A_411 : memref<1x1x1x16x256xf32, #tpu.memory_space<vmem>> -> memref<16x256xf32, #tpu.memory_space<vmem>>
        %dma_wait3A_413 = arith.constant 0 : i32
        %dma_wait3A_414 = arith.constant 0 : i32
        %dma_wait3A_415 = tpu.memref_slice %arg2[%dma_wait3A_413, %dma_wait3A_414] : memref<80000x256xf32, #tpu.memory_space<hbm>> -> memref<80000x256xf32, #tpu.memory_space<hbm>>
        %dma_wait3A_416 = tpu.memref_slice %arg8[%rem3A_300] : memref<2x!tpu.dma_semaphore, #tpu.memory_space<semaphore_mem>> -> memref<1x!tpu.dma_semaphore, #tpu.memory_space<semaphore_mem>>
        %dma_wait3A_417 = tpu.memref_squeeze %dma_wait3A_416 : memref<1x!tpu.dma_semaphore, #tpu.memory_space<semaphore_mem>> -> memref<!tpu.dma_semaphore, #tpu.memory_space<semaphore_mem>>
        tpu.wait_indirect_dma semaphore(%dma_wait3A_417 : memref<!tpu.dma_semaphore, #tpu.memory_space<semaphore_mem>>) src(%dma_wait3A_415 : memref<80000x256xf32, #tpu.memory_space<hbm>>) dst(%dma_wait3A_412 : memref<16x256xf32, #tpu.memory_space<vmem>>)
        %dma_wait3A_418 = arith.constant 1 : i32
        %dma_wait3A_419 = arith.constant 0 : i32
        %dma_wait3A_420 = arith.constant 0 : i32
        %dma_wait3A_421 = arith.constant 0 : i32
        %dma_wait3A_422 = tpu.memref_slice %arg6[%rem3A_300, %dma_wait3A_418, %dma_wait3A_419, %dma_wait3A_420, %dma_wait3A_421] : memref<2x2x4x16x256xf32, #tpu.memory_space<vmem>> -> memref<1x1x1x16x256xf32, #tpu.memory_space<vmem>>
        %dma_wait3A_423 = tpu.memref_squeeze %dma_wait3A_422 : memref<1x1x1x16x256xf32, #tpu.memory_space<vmem>> -> memref<16x256xf32, #tpu.memory_space<vmem>>
        %dma_wait3A_424 = arith.constant 0 : i32
        %dma_wait3A_425 = arith.constant 0 : i32
        %dma_wait3A_426 = tpu.memref_slice %arg2[%dma_wait3A_424, %dma_wait3A_425] : memref<80000x256xf32, #tpu.memory_space<hbm>> -> memref<80000x256xf32, #tpu.memory_space<hbm>>
        %dma_wait3A_427 = tpu.memref_slice %arg8[%rem3A_300] : memref<2x!tpu.dma_semaphore, #tpu.memory_space<semaphore_mem>> -> memref<1x!tpu.dma_semaphore, #tpu.memory_space<semaphore_mem>>
        %dma_wait3A_428 = tpu.memref_squeeze %dma_wait3A_427 : memref<1x!tpu.dma_semaphore, #tpu.memory_space<semaphore_mem>> -> memref<!tpu.dma_semaphore, #tpu.memory_space<semaphore_mem>>
        tpu.wait_indirect_dma semaphore(%dma_wait3A_428 : memref<!tpu.dma_semaphore, #tpu.memory_space<semaphore_mem>>) src(%dma_wait3A_426 : memref<80000x256xf32, #tpu.memory_space<hbm>>) dst(%dma_wait3A_423 : memref<16x256xf32, #tpu.memory_space<vmem>>)
        %dma_wait3A_429 = arith.constant 1 : i32
        %dma_wait3A_430 = arith.constant 1 : i32
        %dma_wait3A_431 = arith.constant 0 : i32
        %dma_wait3A_432 = arith.constant 0 : i32
        %dma_wait3A_433 = tpu.memref_slice %arg6[%rem3A_300, %dma_wait3A_429, %dma_wait3A_430, %dma_wait3A_431, %dma_wait3A_432] : memref<2x2x4x16x256xf32, #tpu.memory_space<vmem>> -> memref<1x1x1x16x256xf32, #tpu.memory_space<vmem>>
        %dma_wait3A_434 = tpu.memref_squeeze %dma_wait3A_433 : memref<1x1x1x16x256xf32, #tpu.memory_space<vmem>> -> memref<16x256xf32, #tpu.memory_space<vmem>>
        %dma_wait3A_435 = arith.constant 0 : i32
        %dma_wait3A_436 = arith.constant 0 : i32
        %dma_wait3A_437 = tpu.memref_slice %arg2[%dma_wait3A_435, %dma_wait3A_436] : memref<80000x256xf32, #tpu.memory_space<hbm>> -> memref<80000x256xf32, #tpu.memory_space<hbm>>
        %dma_wait3A_438 = tpu.memref_slice %arg8[%rem3A_300] : memref<2x!tpu.dma_semaphore, #tpu.memory_space<semaphore_mem>> -> memref<1x!tpu.dma_semaphore, #tpu.memory_space<semaphore_mem>>
        %dma_wait3A_439 = tpu.memref_squeeze %dma_wait3A_438 : memref<1x!tpu.dma_semaphore, #tpu.memory_space<semaphore_mem>> -> memref<!tpu.dma_semaphore, #tpu.memory_space<semaphore_mem>>
        tpu.wait_indirect_dma semaphore(%dma_wait3A_439 : memref<!tpu.dma_semaphore, #tpu.memory_space<semaphore_mem>>) src(%dma_wait3A_437 : memref<80000x256xf32, #tpu.memory_space<hbm>>) dst(%dma_wait3A_434 : memref<16x256xf32, #tpu.memory_space<vmem>>)
        %dma_wait3A_440 = arith.constant 1 : i32
        %dma_wait3A_441 = arith.constant 2 : i32
        %dma_wait3A_442 = arith.constant 0 : i32
        %dma_wait3A_443 = arith.constant 0 : i32
        %dma_wait3A_444 = tpu.memref_slice %arg6[%rem3A_300, %dma_wait3A_440, %dma_wait3A_441, %dma_wait3A_442, %dma_wait3A_443] : memref<2x2x4x16x256xf32, #tpu.memory_space<vmem>> -> memref<1x1x1x16x256xf32, #tpu.memory_space<vmem>>
        %dma_wait3A_445 = tpu.memref_squeeze %dma_wait3A_444 : memref<1x1x1x16x256xf32, #tpu.memory_space<vmem>> -> memref<16x256xf32, #tpu.memory_space<vmem>>
        %dma_wait3A_446 = arith.constant 0 : i32
        %dma_wait3A_447 = arith.constant 0 : i32
        %dma_wait3A_448 = tpu.memref_slice %arg2[%dma_wait3A_446, %dma_wait3A_447] : memref<80000x256xf32, #tpu.memory_space<hbm>> -> memref<80000x256xf32, #tpu.memory_space<hbm>>
        %dma_wait3A_449 = tpu.memref_slice %arg8[%rem3A_300] : memref<2x!tpu.dma_semaphore, #tpu.memory_space<semaphore_mem>> -> memref<1x!tpu.dma_semaphore, #tpu.memory_space<semaphore_mem>>
        %dma_wait3A_450 = tpu.memref_squeeze %dma_wait3A_449 : memref<1x!tpu.dma_semaphore, #tpu.memory_space<semaphore_mem>> -> memref<!tpu.dma_semaphore, #tpu.memory_space<semaphore_mem>>
        tpu.wait_indirect_dma semaphore(%dma_wait3A_450 : memref<!tpu.dma_semaphore, #tpu.memory_space<semaphore_mem>>) src(%dma_wait3A_448 : memref<80000x256xf32, #tpu.memory_space<hbm>>) dst(%dma_wait3A_445 : memref<16x256xf32, #tpu.memory_space<vmem>>)
        %dma_wait3A_451 = arith.constant 1 : i32
        %dma_wait3A_452 = arith.constant 3 : i32
        %dma_wait3A_453 = arith.constant 0 : i32
        %dma_wait3A_454 = arith.constant 0 : i32
        %dma_wait3A_455 = tpu.memref_slice %arg6[%rem3A_300, %dma_wait3A_451, %dma_wait3A_452, %dma_wait3A_453, %dma_wait3A_454] : memref<2x2x4x16x256xf32, #tpu.memory_space<vmem>> -> memref<1x1x1x16x256xf32, #tpu.memory_space<vmem>>
        %dma_wait3A_456 = tpu.memref_squeeze %dma_wait3A_455 : memref<1x1x1x16x256xf32, #tpu.memory_space<vmem>> -> memref<16x256xf32, #tpu.memory_space<vmem>>
        %dma_wait3A_457 = arith.constant 0 : i32
        %dma_wait3A_458 = arith.constant 0 : i32
        %dma_wait3A_459 = tpu.memref_slice %arg2[%dma_wait3A_457, %dma_wait3A_458] : memref<80000x256xf32, #tpu.memory_space<hbm>> -> memref<80000x256xf32, #tpu.memory_space<hbm>>
        %dma_wait3A_460 = tpu.memref_slice %arg8[%rem3A_300] : memref<2x!tpu.dma_semaphore, #tpu.memory_space<semaphore_mem>> -> memref<1x!tpu.dma_semaphore, #tpu.memory_space<semaphore_mem>>
        %dma_wait3A_461 = tpu.memref_squeeze %dma_wait3A_460 : memref<1x!tpu.dma_semaphore, #tpu.memory_space<semaphore_mem>> -> memref<!tpu.dma_semaphore, #tpu.memory_space<semaphore_mem>>
        tpu.wait_indirect_dma semaphore(%dma_wait3A_461 : memref<!tpu.dma_semaphore, #tpu.memory_space<semaphore_mem>>) src(%dma_wait3A_459 : memref<80000x256xf32, #tpu.memory_space<hbm>>) dst(%dma_wait3A_456 : memref<16x256xf32, #tpu.memory_space<vmem>>)
        %mul3A_462 = arith.constant 7 : i32
        %mul3A_463 = arith.muli %scan3A_295, %mul3A_462 : i32
        %slice3A_464 = vector.extract_strided_slice %mul3A_85 {offsets = [0], sizes = [1], strides = [1]} : vector<16xf32> to vector<1xf32>
        %squeeze3A_465 = vector.extract %slice3A_464[0] : f32 from vector<1xf32>
        %slice3A_466 = vector.extract_strided_slice %mul3A_86 {offsets = [0], sizes = [1], strides = [1]} : vector<16xf32> to vector<1xf32>
        %squeeze3A_467 = vector.extract %slice3A_466[0] : f32 from vector<1xf32>
        %mul3A_468 = arith.mulf %scan3A_296, %squeeze3A_465 : f32
        %mul3A_469 = arith.mulf %scan3A_296, %squeeze3A_467 : f32
        %mul3A_470 = arith.mulf %scan3A_297, %squeeze3A_465 : f32
        %mul3A_471 = arith.mulf %scan3A_297, %squeeze3A_467 : f32
        %slice3A_472 = vector.extract_strided_slice %mul3A_85 {offsets = [1], sizes = [1], strides = [1]} : vector<16xf32> to vector<1xf32>
        %squeeze3A_473 = vector.extract %slice3A_472[0] : f32 from vector<1xf32>
        %slice3A_474 = vector.extract_strided_slice %mul3A_86 {offsets = [1], sizes = [1], strides = [1]} : vector<16xf32> to vector<1xf32>
        %squeeze3A_475 = vector.extract %slice3A_474[0] : f32 from vector<1xf32>
        %mul3A_476 = arith.mulf %scan3A_296, %squeeze3A_473 : f32
        %mul3A_477 = arith.mulf %scan3A_296, %squeeze3A_475 : f32
        %mul3A_478 = arith.mulf %scan3A_297, %squeeze3A_473 : f32
        %mul3A_479 = arith.mulf %scan3A_297, %squeeze3A_475 : f32
        %slice3A_480 = vector.extract_strided_slice %mul3A_85 {offsets = [0], sizes = [1], strides = [1]} : vector<16xf32> to vector<1xf32>
        %squeeze3A_481 = vector.extract %slice3A_480[0] : f32 from vector<1xf32>
        %slice3A_482 = vector.extract_strided_slice %mul3A_86 {offsets = [0], sizes = [1], strides = [1]} : vector<16xf32> to vector<1xf32>
        %squeeze3A_483 = vector.extract %slice3A_482[0] : f32 from vector<1xf32>
        %mul3A_484 = arith.mulf %scan3A_298, %squeeze3A_481 : f32
        %mul3A_485 = arith.mulf %scan3A_298, %squeeze3A_483 : f32
        %mul3A_486 = arith.mulf %scan3A_299, %squeeze3A_481 : f32
        %mul3A_487 = arith.mulf %scan3A_299, %squeeze3A_483 : f32
        %slice3A_488 = vector.extract_strided_slice %mul3A_85 {offsets = [1], sizes = [1], strides = [1]} : vector<16xf32> to vector<1xf32>
        %squeeze3A_489 = vector.extract %slice3A_488[0] : f32 from vector<1xf32>
        %slice3A_490 = vector.extract_strided_slice %mul3A_86 {offsets = [1], sizes = [1], strides = [1]} : vector<16xf32> to vector<1xf32>
        %squeeze3A_491 = vector.extract %slice3A_490[0] : f32 from vector<1xf32>
        %mul3A_492 = arith.mulf %scan3A_298, %squeeze3A_489 : f32
        %mul3A_493 = arith.mulf %scan3A_298, %squeeze3A_491 : f32
        %mul3A_494 = arith.mulf %scan3A_299, %squeeze3A_489 : f32
        %mul3A_495 = arith.mulf %scan3A_299, %squeeze3A_491 : f32
        %parallel_loop3A = arith.constant 0 : i32
        %parallel_loop3A_496 = arith.constant 16 : i32
        %parallel_loop3A_497 = arith.constant 1 : i32
        scf.for %parallel_loop3A_708 = %parallel_loop3A to %parallel_loop3A_496 step %parallel_loop3A_497  : i32 {
          %parallel_loop3A_709 = arith.constant 16 : i32
          %parallel_loop3A_710 = arith.muli %parallel_loop3A_708, %parallel_loop3A_709 : i32
          %parallel_loop3A_711 = arith.constant 0 : i32
          %parallel_loop3A_712 = arith.constant 0 : i32
          %parallel_loop3A_713 = arith.constant 0 : i32
          %parallel_loop3A_714 = arith.index_cast %rem3A_300 : i32 to index
          %parallel_loop3A_715 = arith.index_cast %parallel_loop3A_711 : i32 to index
          %parallel_loop3A_716 = arith.index_cast %parallel_loop3A_712 : i32 to index
          %parallel_loop3A_717 = arith.index_cast %parallel_loop3A_713 : i32 to index
          %parallel_loop3A_718 = arith.index_cast %parallel_loop3A_710 : i32 to index
          %parallel_loop3A_719 = tpu.vector_load %arg6[%parallel_loop3A_714, %parallel_loop3A_715, %parallel_loop3A_716, %parallel_loop3A_717, %parallel_loop3A_718] {strides = array<i32>} : memref<2x2x4x16x256xf32, #tpu.memory_space<vmem>>, vector<1x1x1x1x16xf32>,
          %parallel_loop3A_720 = vector.shape_cast %parallel_loop3A_719 : vector<1x1x1x1x16xf32> to vector<16xf32>
          %parallel_loop3A_721 = vector.broadcast %mul3A_468 : f32 to vector<16xf32>
          %parallel_loop3A_722 = arith.mulf %parallel_loop3A_721, %parallel_loop3A_720 : vector<16xf32>
          %parallel_loop3A_723 = arith.constant 0 : i32
          %parallel_loop3A_724 = arith.constant 1 : i32
          %parallel_loop3A_725 = arith.constant 0 : i32
          %parallel_loop3A_726 = arith.index_cast %rem3A_300 : i32 to index
          %parallel_loop3A_727 = arith.index_cast %parallel_loop3A_723 : i32 to index
          %parallel_loop3A_728 = arith.index_cast %parallel_loop3A_724 : i32 to index
          %parallel_loop3A_729 = arith.index_cast %parallel_loop3A_725 : i32 to index
          %parallel_loop3A_730 = arith.index_cast %parallel_loop3A_710 : i32 to index
          %parallel_loop3A_731 = tpu.vector_load %arg6[%parallel_loop3A_726, %parallel_loop3A_727, %parallel_loop3A_728, %parallel_loop3A_729, %parallel_loop3A_730] {strides = array<i32>} : memref<2x2x4x16x256xf32, #tpu.memory_space<vmem>>, vector<1x1x1x1x16xf32>,
          %parallel_loop3A_732 = vector.shape_cast %parallel_loop3A_731 : vector<1x1x1x1x16xf32> to vector<16xf32>
          %parallel_loop3A_733 = vector.broadcast %mul3A_469 : f32 to vector<16xf32>
          %parallel_loop3A_734 = arith.mulf %parallel_loop3A_733, %parallel_loop3A_732 : vector<16xf32>
          %parallel_loop3A_735 = arith.constant 0 : i32
          %parallel_loop3A_736 = arith.constant 2 : i32
          %parallel_loop3A_737 = arith.constant 0 : i32
          %parallel_loop3A_738 = arith.index_cast %rem3A_300 : i32 to index
          %parallel_loop3A_739 = arith.index_cast %parallel_loop3A_735 : i32 to index
          %parallel_loop3A_740 = arith.index_cast %parallel_loop3A_736 : i32 to index
          %parallel_loop3A_741 = arith.index_cast %parallel_loop3A_737 : i32 to index
          %parallel_loop3A_742 = arith.index_cast %parallel_loop3A_710 : i32 to index
          %parallel_loop3A_743 = tpu.vector_load %arg6[%parallel_loop3A_738, %parallel_loop3A_739, %parallel_loop3A_740, %parallel_loop3A_741, %parallel_loop3A_742] {strides = array<i32>} : memref<2x2x4x16x256xf32, #tpu.memory_space<vmem>>, vector<1x1x1x1x16xf32>,
          %parallel_loop3A_744 = vector.shape_cast %parallel_loop3A_743 : vector<1x1x1x1x16xf32> to vector<16xf32>
          %parallel_loop3A_745 = vector.broadcast %mul3A_470 : f32 to vector<16xf32>
          %parallel_loop3A_746 = arith.mulf %parallel_loop3A_745, %parallel_loop3A_744 : vector<16xf32>
          %parallel_loop3A_747 = arith.constant 0 : i32
          %parallel_loop3A_748 = arith.constant 3 : i32
          %parallel_loop3A_749 = arith.constant 0 : i32
          %parallel_loop3A_750 = arith.index_cast %rem3A_300 : i32 to index
          %parallel_loop3A_751 = arith.index_cast %parallel_loop3A_747 : i32 to index
          %parallel_loop3A_752 = arith.index_cast %parallel_loop3A_748 : i32 to index
          %parallel_loop3A_753 = arith.index_cast %parallel_loop3A_749 : i32 to index
          %parallel_loop3A_754 = arith.index_cast %parallel_loop3A_710 : i32 to index
          %parallel_loop3A_755 = tpu.vector_load %arg6[%parallel_loop3A_750, %parallel_loop3A_751, %parallel_loop3A_752, %parallel_loop3A_753, %parallel_loop3A_754] {strides = array<i32>} : memref<2x2x4x16x256xf32, #tpu.memory_space<vmem>>, vector<1x1x1x1x16xf32>,
          %parallel_loop3A_756 = vector.shape_cast %parallel_loop3A_755 : vector<1x1x1x1x16xf32> to vector<16xf32>
          %parallel_loop3A_757 = vector.broadcast %mul3A_471 : f32 to vector<16xf32>
          %parallel_loop3A_758 = arith.mulf %parallel_loop3A_757, %parallel_loop3A_756 : vector<16xf32>
          %parallel_loop3A_759 = arith.constant 0 : i32
          %parallel_loop3A_760 = arith.constant 0 : i32
          %parallel_loop3A_761 = arith.constant 1 : i32
          %parallel_loop3A_762 = arith.index_cast %rem3A_300 : i32 to index
          %parallel_loop3A_763 = arith.index_cast %parallel_loop3A_759 : i32 to index
          %parallel_loop3A_764 = arith.index_cast %parallel_loop3A_760 : i32 to index
          %parallel_loop3A_765 = arith.index_cast %parallel_loop3A_761 : i32 to index
          %parallel_loop3A_766 = arith.index_cast %parallel_loop3A_710 : i32 to index
          %parallel_loop3A_767 = tpu.vector_load %arg6[%parallel_loop3A_762, %parallel_loop3A_763, %parallel_loop3A_764, %parallel_loop3A_765, %parallel_loop3A_766] {strides = array<i32>} : memref<2x2x4x16x256xf32, #tpu.memory_space<vmem>>, vector<1x1x1x1x16xf32>,
          %parallel_loop3A_768 = vector.shape_cast %parallel_loop3A_767 : vector<1x1x1x1x16xf32> to vector<16xf32>
          %parallel_loop3A_769 = vector.broadcast %mul3A_476 : f32 to vector<16xf32>
          %parallel_loop3A_770 = arith.mulf %parallel_loop3A_769, %parallel_loop3A_768 : vector<16xf32>
          %parallel_loop3A_771 = arith.constant 0 : i32
          %parallel_loop3A_772 = arith.constant 1 : i32
          %parallel_loop3A_773 = arith.constant 1 : i32
          %parallel_loop3A_774 = arith.index_cast %rem3A_300 : i32 to index
          %parallel_loop3A_775 = arith.index_cast %parallel_loop3A_771 : i32 to index
          %parallel_loop3A_776 = arith.index_cast %parallel_loop3A_772 : i32 to index
          %parallel_loop3A_777 = arith.index_cast %parallel_loop3A_773 : i32 to index
          %parallel_loop3A_778 = arith.index_cast %parallel_loop3A_710 : i32 to index
          %parallel_loop3A_779 = tpu.vector_load %arg6[%parallel_loop3A_774, %parallel_loop3A_775, %parallel_loop3A_776, %parallel_loop3A_777, %parallel_loop3A_778] {strides = array<i32>} : memref<2x2x4x16x256xf32, #tpu.memory_space<vmem>>, vector<1x1x1x1x16xf32>,
          %parallel_loop3A_780 = vector.shape_cast %parallel_loop3A_779 : vector<1x1x1x1x16xf32> to vector<16xf32>
          %parallel_loop3A_781 = vector.broadcast %mul3A_477 : f32 to vector<16xf32>
          %parallel_loop3A_782 = arith.mulf %parallel_loop3A_781, %parallel_loop3A_780 : vector<16xf32>
          %parallel_loop3A_783 = arith.constant 0 : i32
          %parallel_loop3A_784 = arith.constant 2 : i32
          %parallel_loop3A_785 = arith.constant 1 : i32
          %parallel_loop3A_786 = arith.index_cast %rem3A_300 : i32 to index
          %parallel_loop3A_787 = arith.index_cast %parallel_loop3A_783 : i32 to index
          %parallel_loop3A_788 = arith.index_cast %parallel_loop3A_784 : i32 to index
          %parallel_loop3A_789 = arith.index_cast %parallel_loop3A_785 : i32 to index
          %parallel_loop3A_790 = arith.index_cast %parallel_loop3A_710 : i32 to index
          %parallel_loop3A_791 = tpu.vector_load %arg6[%parallel_loop3A_786, %parallel_loop3A_787, %parallel_loop3A_788, %parallel_loop3A_789, %parallel_loop3A_790] {strides = array<i32>} : memref<2x2x4x16x256xf32, #tpu.memory_space<vmem>>, vector<1x1x1x1x16xf32>,
          %parallel_loop3A_792 = vector.shape_cast %parallel_loop3A_791 : vector<1x1x1x1x16xf32> to vector<16xf32>
          %parallel_loop3A_793 = vector.broadcast %mul3A_478 : f32 to vector<16xf32>
          %parallel_loop3A_794 = arith.mulf %parallel_loop3A_793, %parallel_loop3A_792 : vector<16xf32>
          %parallel_loop3A_795 = arith.constant 0 : i32
          %parallel_loop3A_796 = arith.constant 3 : i32
          %parallel_loop3A_797 = arith.constant 1 : i32
          %parallel_loop3A_798 = arith.index_cast %rem3A_300 : i32 to index
          %parallel_loop3A_799 = arith.index_cast %parallel_loop3A_795 : i32 to index
          %parallel_loop3A_800 = arith.index_cast %parallel_loop3A_796 : i32 to index
          %parallel_loop3A_801 = arith.index_cast %parallel_loop3A_797 : i32 to index
          %parallel_loop3A_802 = arith.index_cast %parallel_loop3A_710 : i32 to index
          %parallel_loop3A_803 = tpu.vector_load %arg6[%parallel_loop3A_798, %parallel_loop3A_799, %parallel_loop3A_800, %parallel_loop3A_801, %parallel_loop3A_802] {strides = array<i32>} : memref<2x2x4x16x256xf32, #tpu.memory_space<vmem>>, vector<1x1x1x1x16xf32>,
          %parallel_loop3A_804 = vector.shape_cast %parallel_loop3A_803 : vector<1x1x1x1x16xf32> to vector<16xf32>
          %parallel_loop3A_805 = vector.broadcast %mul3A_479 : f32 to vector<16xf32>
          %parallel_loop3A_806 = arith.mulf %parallel_loop3A_805, %parallel_loop3A_804 : vector<16xf32>
          %parallel_loop3A_807 = arith.constant 1 : i32
          %parallel_loop3A_808 = arith.constant 0 : i32
          %parallel_loop3A_809 = arith.constant 0 : i32
          %parallel_loop3A_810 = arith.index_cast %rem3A_300 : i32 to index
          %parallel_loop3A_811 = arith.index_cast %parallel_loop3A_807 : i32 to index
          %parallel_loop3A_812 = arith.index_cast %parallel_loop3A_808 : i32 to index
          %parallel_loop3A_813 = arith.index_cast %parallel_loop3A_809 : i32 to index
          %parallel_loop3A_814 = arith.index_cast %parallel_loop3A_710 : i32 to index
          %parallel_loop3A_815 = tpu.vector_load %arg6[%parallel_loop3A_810, %parallel_loop3A_811, %parallel_loop3A_812, %parallel_loop3A_813, %parallel_loop3A_814] {strides = array<i32>} : memref<2x2x4x16x256xf32, #tpu.memory_space<vmem>>, vector<1x1x1x1x16xf32>,
          %parallel_loop3A_816 = vector.shape_cast %parallel_loop3A_815 : vector<1x1x1x1x16xf32> to vector<16xf32>
          %parallel_loop3A_817 = vector.broadcast %mul3A_484 : f32 to vector<16xf32>
          %parallel_loop3A_818 = arith.mulf %parallel_loop3A_817, %parallel_loop3A_816 : vector<16xf32>
          %parallel_loop3A_819 = arith.constant 1 : i32
          %parallel_loop3A_820 = arith.constant 1 : i32
          %parallel_loop3A_821 = arith.constant 0 : i32
          %parallel_loop3A_822 = arith.index_cast %rem3A_300 : i32 to index
          %parallel_loop3A_823 = arith.index_cast %parallel_loop3A_819 : i32 to index
          %parallel_loop3A_824 = arith.index_cast %parallel_loop3A_820 : i32 to index
          %parallel_loop3A_825 = arith.index_cast %parallel_loop3A_821 : i32 to index
          %parallel_loop3A_826 = arith.index_cast %parallel_loop3A_710 : i32 to index
          %parallel_loop3A_827 = tpu.vector_load %arg6[%parallel_loop3A_822, %parallel_loop3A_823, %parallel_loop3A_824, %parallel_loop3A_825, %parallel_loop3A_826] {strides = array<i32>} : memref<2x2x4x16x256xf32, #tpu.memory_space<vmem>>, vector<1x1x1x1x16xf32>,
          %parallel_loop3A_828 = vector.shape_cast %parallel_loop3A_827 : vector<1x1x1x1x16xf32> to vector<16xf32>
          %parallel_loop3A_829 = vector.broadcast %mul3A_485 : f32 to vector<16xf32>
          %parallel_loop3A_830 = arith.mulf %parallel_loop3A_829, %parallel_loop3A_828 : vector<16xf32>
          %parallel_loop3A_831 = arith.constant 1 : i32
          %parallel_loop3A_832 = arith.constant 2 : i32
          %parallel_loop3A_833 = arith.constant 0 : i32
          %parallel_loop3A_834 = arith.index_cast %rem3A_300 : i32 to index
          %parallel_loop3A_835 = arith.index_cast %parallel_loop3A_831 : i32 to index
          %parallel_loop3A_836 = arith.index_cast %parallel_loop3A_832 : i32 to index
          %parallel_loop3A_837 = arith.index_cast %parallel_loop3A_833 : i32 to index
          %parallel_loop3A_838 = arith.index_cast %parallel_loop3A_710 : i32 to index
          %parallel_loop3A_839 = tpu.vector_load %arg6[%parallel_loop3A_834, %parallel_loop3A_835, %parallel_loop3A_836, %parallel_loop3A_837, %parallel_loop3A_838] {strides = array<i32>} : memref<2x2x4x16x256xf32, #tpu.memory_space<vmem>>, vector<1x1x1x1x16xf32>,
          %parallel_loop3A_840 = vector.shape_cast %parallel_loop3A_839 : vector<1x1x1x1x16xf32> to vector<16xf32>
          %parallel_loop3A_841 = vector.broadcast %mul3A_486 : f32 to vector<16xf32>
          %parallel_loop3A_842 = arith.mulf %parallel_loop3A_841, %parallel_loop3A_840 : vector<16xf32>
          %parallel_loop3A_843 = arith.constant 1 : i32
          %parallel_loop3A_844 = arith.constant 3 : i32
          %parallel_loop3A_845 = arith.constant 0 : i32
          %parallel_loop3A_846 = arith.index_cast %rem3A_300 : i32 to index
          %parallel_loop3A_847 = arith.index_cast %parallel_loop3A_843 : i32 to index
          %parallel_loop3A_848 = arith.index_cast %parallel_loop3A_844 : i32 to index
          %parallel_loop3A_849 = arith.index_cast %parallel_loop3A_845 : i32 to index
          %parallel_loop3A_850 = arith.index_cast %parallel_loop3A_710 : i32 to index
          %parallel_loop3A_851 = tpu.vector_load %arg6[%parallel_loop3A_846, %parallel_loop3A_847, %parallel_loop3A_848, %parallel_loop3A_849, %parallel_loop3A_850] {strides = array<i32>} : memref<2x2x4x16x256xf32, #tpu.memory_space<vmem>>, vector<1x1x1x1x16xf32>,
          %parallel_loop3A_852 = vector.shape_cast %parallel_loop3A_851 : vector<1x1x1x1x16xf32> to vector<16xf32>
          %parallel_loop3A_853 = vector.broadcast %mul3A_487 : f32 to vector<16xf32>
          %parallel_loop3A_854 = arith.mulf %parallel_loop3A_853, %parallel_loop3A_852 : vector<16xf32>
          %parallel_loop3A_855 = arith.constant 1 : i32
          %parallel_loop3A_856 = arith.constant 0 : i32
          %parallel_loop3A_857 = arith.constant 1 : i32
          %parallel_loop3A_858 = arith.index_cast %rem3A_300 : i32 to index
          %parallel_loop3A_859 = arith.index_cast %parallel_loop3A_855 : i32 to index
          %parallel_loop3A_860 = arith.index_cast %parallel_loop3A_856 : i32 to index
          %parallel_loop3A_861 = arith.index_cast %parallel_loop3A_857 : i32 to index
          %parallel_loop3A_862 = arith.index_cast %parallel_loop3A_710 : i32 to index
          %parallel_loop3A_863 = tpu.vector_load %arg6[%parallel_loop3A_858, %parallel_loop3A_859, %parallel_loop3A_860, %parallel_loop3A_861, %parallel_loop3A_862] {strides = array<i32>} : memref<2x2x4x16x256xf32, #tpu.memory_space<vmem>>, vector<1x1x1x1x16xf32>,
          %parallel_loop3A_864 = vector.shape_cast %parallel_loop3A_863 : vector<1x1x1x1x16xf32> to vector<16xf32>
          %parallel_loop3A_865 = vector.broadcast %mul3A_492 : f32 to vector<16xf32>
          %parallel_loop3A_866 = arith.mulf %parallel_loop3A_865, %parallel_loop3A_864 : vector<16xf32>
          %parallel_loop3A_867 = arith.constant 1 : i32
          %parallel_loop3A_868 = arith.constant 1 : i32
          %parallel_loop3A_869 = arith.constant 1 : i32
          %parallel_loop3A_870 = arith.index_cast %rem3A_300 : i32 to index
          %parallel_loop3A_871 = arith.index_cast %parallel_loop3A_867 : i32 to index
          %parallel_loop3A_872 = arith.index_cast %parallel_loop3A_868 : i32 to index
          %parallel_loop3A_873 = arith.index_cast %parallel_loop3A_869 : i32 to index
          %parallel_loop3A_874 = arith.index_cast %parallel_loop3A_710 : i32 to index
          %parallel_loop3A_875 = tpu.vector_load %arg6[%parallel_loop3A_870, %parallel_loop3A_871, %parallel_loop3A_872, %parallel_loop3A_873, %parallel_loop3A_874] {strides = array<i32>} : memref<2x2x4x16x256xf32, #tpu.memory_space<vmem>>, vector<1x1x1x1x16xf32>,
          %parallel_loop3A_876 = vector.shape_cast %parallel_loop3A_875 : vector<1x1x1x1x16xf32> to vector<16xf32>
          %parallel_loop3A_877 = vector.broadcast %mul3A_493 : f32 to vector<16xf32>
          %parallel_loop3A_878 = arith.mulf %parallel_loop3A_877, %parallel_loop3A_876 : vector<16xf32>
          %parallel_loop3A_879 = arith.constant 1 : i32
          %parallel_loop3A_880 = arith.constant 2 : i32
          %parallel_loop3A_881 = arith.constant 1 : i32
          %parallel_loop3A_882 = arith.index_cast %rem3A_300 : i32 to index
          %parallel_loop3A_883 = arith.index_cast %parallel_loop3A_879 : i32 to index
          %parallel_loop3A_884 = arith.index_cast %parallel_loop3A_880 : i32 to index
          %parallel_loop3A_885 = arith.index_cast %parallel_loop3A_881 : i32 to index
          %parallel_loop3A_886 = arith.index_cast %parallel_loop3A_710 : i32 to index
          %parallel_loop3A_887 = tpu.vector_load %arg6[%parallel_loop3A_882, %parallel_loop3A_883, %parallel_loop3A_884, %parallel_loop3A_885, %parallel_loop3A_886] {strides = array<i32>} : memref<2x2x4x16x256xf32, #tpu.memory_space<vmem>>, vector<1x1x1x1x16xf32>,
          %parallel_loop3A_888 = vector.shape_cast %parallel_loop3A_887 : vector<1x1x1x1x16xf32> to vector<16xf32>
          %parallel_loop3A_889 = vector.broadcast %mul3A_494 : f32 to vector<16xf32>
          %parallel_loop3A_890 = arith.mulf %parallel_loop3A_889, %parallel_loop3A_888 : vector<16xf32>
          %parallel_loop3A_891 = arith.constant 1 : i32
          %parallel_loop3A_892 = arith.constant 3 : i32
          %parallel_loop3A_893 = arith.constant 1 : i32
          %parallel_loop3A_894 = arith.index_cast %rem3A_300 : i32 to index
          %parallel_loop3A_895 = arith.index_cast %parallel_loop3A_891 : i32 to index
          %parallel_loop3A_896 = arith.index_cast %parallel_loop3A_892 : i32 to index
          %parallel_loop3A_897 = arith.index_cast %parallel_loop3A_893 : i32 to index
          %parallel_loop3A_898 = arith.index_cast %parallel_loop3A_710 : i32 to index
          %parallel_loop3A_899 = tpu.vector_load %arg6[%parallel_loop3A_894, %parallel_loop3A_895, %parallel_loop3A_896, %parallel_loop3A_897, %parallel_loop3A_898] {strides = array<i32>} : memref<2x2x4x16x256xf32, #tpu.memory_space<vmem>>, vector<1x1x1x1x16xf32>,
          %parallel_loop3A_900 = vector.shape_cast %parallel_loop3A_899 : vector<1x1x1x1x16xf32> to vector<16xf32>
          %parallel_loop3A_901 = vector.broadcast %mul3A_495 : f32 to vector<16xf32>
          %parallel_loop3A_902 = arith.mulf %parallel_loop3A_901, %parallel_loop3A_900 : vector<16xf32>
          %parallel_loop3A_903 = arith.addf %parallel_loop3A_722, %parallel_loop3A_734 : vector<16xf32>
          %parallel_loop3A_904 = arith.addf %parallel_loop3A_746, %parallel_loop3A_758 : vector<16xf32>
          %parallel_loop3A_905 = arith.addf %parallel_loop3A_770, %parallel_loop3A_782 : vector<16xf32>
          %parallel_loop3A_906 = arith.addf %parallel_loop3A_794, %parallel_loop3A_806 : vector<16xf32>
          %parallel_loop3A_907 = arith.addf %parallel_loop3A_818, %parallel_loop3A_830 : vector<16xf32>
          %parallel_loop3A_908 = arith.addf %parallel_loop3A_842, %parallel_loop3A_854 : vector<16xf32>
          %parallel_loop3A_909 = arith.addf %parallel_loop3A_866, %parallel_loop3A_878 : vector<16xf32>
          %parallel_loop3A_910 = arith.addf %parallel_loop3A_890, %parallel_loop3A_902 : vector<16xf32>
          %parallel_loop3A_911 = arith.addf %parallel_loop3A_903, %parallel_loop3A_904 : vector<16xf32>
          %parallel_loop3A_912 = arith.addf %parallel_loop3A_905, %parallel_loop3A_906 : vector<16xf32>
          %parallel_loop3A_913 = arith.addf %parallel_loop3A_907, %parallel_loop3A_908 : vector<16xf32>
          %parallel_loop3A_914 = arith.addf %parallel_loop3A_909, %parallel_loop3A_910 : vector<16xf32>
          %parallel_loop3A_915 = arith.addf %parallel_loop3A_911, %parallel_loop3A_912 : vector<16xf32>
          %parallel_loop3A_916 = arith.addf %parallel_loop3A_913, %parallel_loop3A_914 : vector<16xf32>
          %parallel_loop3A_917 = arith.addf %parallel_loop3A_915, %parallel_loop3A_916 : vector<16xf32>
          %parallel_loop3A_918 = arith.constant 0 : i32
          %parallel_loop3A_919 = arith.addi %mul3A_463, %parallel_loop3A_918 : i32
          %parallel_loop3A_920 = arith.index_cast %parallel_loop3A_919 : i32 to index
          %parallel_loop3A_921 = arith.index_cast %parallel_loop3A_710 : i32 to index
          %parallel_loop3A_922 = tpu.vector_load %arg7[%parallel_loop3A_920, %parallel_loop3A_921] {strides = array<i32>} : memref<49x256xf32, #tpu.memory_space<vmem>>, vector<1x16xf32>,
          %parallel_loop3A_923 = vector.shape_cast %parallel_loop3A_922 : vector<1x16xf32> to vector<16xf32>
          %parallel_loop3A_924 = vector.shape_cast %parallel_loop3A_917 : vector<16xf32> to vector<1x16xf32>
          tpu.vector_store %arg7[%parallel_loop3A_920, %parallel_loop3A_921], %parallel_loop3A_924 {strides = array<i32>} : memref<49x256xf32, #tpu.memory_space<vmem>>, vector<1x16xf32>,
        } {sc.loop_unroll_factor = 8 : i64, sc.parallel_access}
        %slice3A_498 = vector.extract_strided_slice %mul3A_85 {offsets = [2], sizes = [1], strides = [1]} : vector<16xf32> to vector<1xf32>
        %squeeze3A_499 = vector.extract %slice3A_498[0] : f32 from vector<1xf32>
        %slice3A_500 = vector.extract_strided_slice %mul3A_86 {offsets = [2], sizes = [1], strides = [1]} : vector<16xf32> to vector<1xf32>
        %squeeze3A_501 = vector.extract %slice3A_500[0] : f32 from vector<1xf32>
        %mul3A_502 = arith.mulf %scan3A_296, %squeeze3A_499 : f32
        %mul3A_503 = arith.mulf %scan3A_296, %squeeze3A_501 : f32
        %mul3A_504 = arith.mulf %scan3A_297, %squeeze3A_499 : f32
        %mul3A_505 = arith.mulf %scan3A_297, %squeeze3A_501 : f32
        %slice3A_506 = vector.extract_strided_slice %mul3A_85 {offsets = [3], sizes = [1], strides = [1]} : vector<16xf32> to vector<1xf32>
        %squeeze3A_507 = vector.extract %slice3A_506[0] : f32 from vector<1xf32>
        %slice3A_508 = vector.extract_strided_slice %mul3A_86 {offsets = [3], sizes = [1], strides = [1]} : vector<16xf32> to vector<1xf32>
        %squeeze3A_509 = vector.extract %slice3A_508[0] : f32 from vector<1xf32>
        %mul3A_510 = arith.mulf %scan3A_296, %squeeze3A_507 : f32
        %mul3A_511 = arith.mulf %scan3A_296, %squeeze3A_509 : f32
        %mul3A_512 = arith.mulf %scan3A_297, %squeeze3A_507 : f32
        %mul3A_513 = arith.mulf %scan3A_297, %squeeze3A_509 : f32
        %slice3A_514 = vector.extract_strided_slice %mul3A_85 {offsets = [2], sizes = [1], strides = [1]} : vector<16xf32> to vector<1xf32>
        %squeeze3A_515 = vector.extract %slice3A_514[0] : f32 from vector<1xf32>
        %slice3A_516 = vector.extract_strided_slice %mul3A_86 {offsets = [2], sizes = [1], strides = [1]} : vector<16xf32> to vector<1xf32>
        %squeeze3A_517 = vector.extract %slice3A_516[0] : f32 from vector<1xf32>
        %mul3A_518 = arith.mulf %scan3A_298, %squeeze3A_515 : f32
        %mul3A_519 = arith.mulf %scan3A_298, %squeeze3A_517 : f32
        %mul3A_520 = arith.mulf %scan3A_299, %squeeze3A_515 : f32
        %mul3A_521 = arith.mulf %scan3A_299, %squeeze3A_517 : f32
        %slice3A_522 = vector.extract_strided_slice %mul3A_85 {offsets = [3], sizes = [1], strides = [1]} : vector<16xf32> to vector<1xf32>
        %squeeze3A_523 = vector.extract %slice3A_522[0] : f32 from vector<1xf32>
        %slice3A_524 = vector.extract_strided_slice %mul3A_86 {offsets = [3], sizes = [1], strides = [1]} : vector<16xf32> to vector<1xf32>
        %squeeze3A_525 = vector.extract %slice3A_524[0] : f32 from vector<1xf32>
        %mul3A_526 = arith.mulf %scan3A_298, %squeeze3A_523 : f32
        %mul3A_527 = arith.mulf %scan3A_298, %squeeze3A_525 : f32
        %mul3A_528 = arith.mulf %scan3A_299, %squeeze3A_523 : f32
        %mul3A_529 = arith.mulf %scan3A_299, %squeeze3A_525 : f32
        %parallel_loop3A_530 = arith.constant 0 : i32
        %parallel_loop3A_531 = arith.constant 16 : i32
        %parallel_loop3A_532 = arith.constant 1 : i32
        scf.for %parallel_loop3A_708 = %parallel_loop3A_530 to %parallel_loop3A_531 step %parallel_loop3A_532  : i32 {
          %parallel_loop3A_709 = arith.constant 16 : i32
          %parallel_loop3A_710 = arith.muli %parallel_loop3A_708, %parallel_loop3A_709 : i32
          %parallel_loop3A_711 = arith.constant 0 : i32
          %parallel_loop3A_712 = arith.constant 0 : i32
          %parallel_loop3A_713 = arith.constant 2 : i32
          %parallel_loop3A_714 = arith.index_cast %rem3A_300 : i32 to index
          %parallel_loop3A_715 = arith.index_cast %parallel_loop3A_711 : i32 to index
          %parallel_loop3A_716 = arith.index_cast %parallel_loop3A_712 : i32 to index
          %parallel_loop3A_717 = arith.index_cast %parallel_loop3A_713 : i32 to index
          %parallel_loop3A_718 = arith.index_cast %parallel_loop3A_710 : i32 to index
          %parallel_loop3A_719 = tpu.vector_load %arg6[%parallel_loop3A_714, %parallel_loop3A_715, %parallel_loop3A_716, %parallel_loop3A_717, %parallel_loop3A_718] {strides = array<i32>} : memref<2x2x4x16x256xf32, #tpu.memory_space<vmem>>, vector<1x1x1x1x16xf32>,
          %parallel_loop3A_720 = vector.shape_cast %parallel_loop3A_719 : vector<1x1x1x1x16xf32> to vector<16xf32>
          %parallel_loop3A_721 = vector.broadcast %mul3A_502 : f32 to vector<16xf32>
          %parallel_loop3A_722 = arith.mulf %parallel_loop3A_721, %parallel_loop3A_720 : vector<16xf32>
          %parallel_loop3A_723 = arith.constant 0 : i32
          %parallel_loop3A_724 = arith.constant 1 : i32
          %parallel_loop3A_725 = arith.constant 2 : i32
          %parallel_loop3A_726 = arith.index_cast %rem3A_300 : i32 to index
          %parallel_loop3A_727 = arith.index_cast %parallel_loop3A_723 : i32 to index
          %parallel_loop3A_728 = arith.index_cast %parallel_loop3A_724 : i32 to index
          %parallel_loop3A_729 = arith.index_cast %parallel_loop3A_725 : i32 to index
          %parallel_loop3A_730 = arith.index_cast %parallel_loop3A_710 : i32 to index
          %parallel_loop3A_731 = tpu.vector_load %arg6[%parallel_loop3A_726, %parallel_loop3A_727, %parallel_loop3A_728, %parallel_loop3A_729, %parallel_loop3A_730] {strides = array<i32>} : memref<2x2x4x16x256xf32, #tpu.memory_space<vmem>>, vector<1x1x1x1x16xf32>,
          %parallel_loop3A_732 = vector.shape_cast %parallel_loop3A_731 : vector<1x1x1x1x16xf32> to vector<16xf32>
          %parallel_loop3A_733 = vector.broadcast %mul3A_503 : f32 to vector<16xf32>
          %parallel_loop3A_734 = arith.mulf %parallel_loop3A_733, %parallel_loop3A_732 : vector<16xf32>
          %parallel_loop3A_735 = arith.constant 0 : i32
          %parallel_loop3A_736 = arith.constant 2 : i32
          %parallel_loop3A_737 = arith.constant 2 : i32
          %parallel_loop3A_738 = arith.index_cast %rem3A_300 : i32 to index
          %parallel_loop3A_739 = arith.index_cast %parallel_loop3A_735 : i32 to index
          %parallel_loop3A_740 = arith.index_cast %parallel_loop3A_736 : i32 to index
          %parallel_loop3A_741 = arith.index_cast %parallel_loop3A_737 : i32 to index
          %parallel_loop3A_742 = arith.index_cast %parallel_loop3A_710 : i32 to index
          %parallel_loop3A_743 = tpu.vector_load %arg6[%parallel_loop3A_738, %parallel_loop3A_739, %parallel_loop3A_740, %parallel_loop3A_741, %parallel_loop3A_742] {strides = array<i32>} : memref<2x2x4x16x256xf32, #tpu.memory_space<vmem>>, vector<1x1x1x1x16xf32>,
          %parallel_loop3A_744 = vector.shape_cast %parallel_loop3A_743 : vector<1x1x1x1x16xf32> to vector<16xf32>
          %parallel_loop3A_745 = vector.broadcast %mul3A_504 : f32 to vector<16xf32>
          %parallel_loop3A_746 = arith.mulf %parallel_loop3A_745, %parallel_loop3A_744 : vector<16xf32>
          %parallel_loop3A_747 = arith.constant 0 : i32
          %parallel_loop3A_748 = arith.constant 3 : i32
          %parallel_loop3A_749 = arith.constant 2 : i32
          %parallel_loop3A_750 = arith.index_cast %rem3A_300 : i32 to index
          %parallel_loop3A_751 = arith.index_cast %parallel_loop3A_747 : i32 to index
          %parallel_loop3A_752 = arith.index_cast %parallel_loop3A_748 : i32 to index
          %parallel_loop3A_753 = arith.index_cast %parallel_loop3A_749 : i32 to index
          %parallel_loop3A_754 = arith.index_cast %parallel_loop3A_710 : i32 to index
          %parallel_loop3A_755 = tpu.vector_load %arg6[%parallel_loop3A_750, %parallel_loop3A_751, %parallel_loop3A_752, %parallel_loop3A_753, %parallel_loop3A_754] {strides = array<i32>} : memref<2x2x4x16x256xf32, #tpu.memory_space<vmem>>, vector<1x1x1x1x16xf32>,
          %parallel_loop3A_756 = vector.shape_cast %parallel_loop3A_755 : vector<1x1x1x1x16xf32> to vector<16xf32>
          %parallel_loop3A_757 = vector.broadcast %mul3A_505 : f32 to vector<16xf32>
          %parallel_loop3A_758 = arith.mulf %parallel_loop3A_757, %parallel_loop3A_756 : vector<16xf32>
          %parallel_loop3A_759 = arith.constant 0 : i32
          %parallel_loop3A_760 = arith.constant 0 : i32
          %parallel_loop3A_761 = arith.constant 3 : i32
          %parallel_loop3A_762 = arith.index_cast %rem3A_300 : i32 to index
          %parallel_loop3A_763 = arith.index_cast %parallel_loop3A_759 : i32 to index
          %parallel_loop3A_764 = arith.index_cast %parallel_loop3A_760 : i32 to index
          %parallel_loop3A_765 = arith.index_cast %parallel_loop3A_761 : i32 to index
          %parallel_loop3A_766 = arith.index_cast %parallel_loop3A_710 : i32 to index
          %parallel_loop3A_767 = tpu.vector_load %arg6[%parallel_loop3A_762, %parallel_loop3A_763, %parallel_loop3A_764, %parallel_loop3A_765, %parallel_loop3A_766] {strides = array<i32>} : memref<2x2x4x16x256xf32, #tpu.memory_space<vmem>>, vector<1x1x1x1x16xf32>,
          %parallel_loop3A_768 = vector.shape_cast %parallel_loop3A_767 : vector<1x1x1x1x16xf32> to vector<16xf32>
          %parallel_loop3A_769 = vector.broadcast %mul3A_510 : f32 to vector<16xf32>
          %parallel_loop3A_770 = arith.mulf %parallel_loop3A_769, %parallel_loop3A_768 : vector<16xf32>
          %parallel_loop3A_771 = arith.constant 0 : i32
          %parallel_loop3A_772 = arith.constant 1 : i32
          %parallel_loop3A_773 = arith.constant 3 : i32
          %parallel_loop3A_774 = arith.index_cast %rem3A_300 : i32 to index
          %parallel_loop3A_775 = arith.index_cast %parallel_loop3A_771 : i32 to index
          %parallel_loop3A_776 = arith.index_cast %parallel_loop3A_772 : i32 to index
          %parallel_loop3A_777 = arith.index_cast %parallel_loop3A_773 : i32 to index
          %parallel_loop3A_778 = arith.index_cast %parallel_loop3A_710 : i32 to index
          %parallel_loop3A_779 = tpu.vector_load %arg6[%parallel_loop3A_774, %parallel_loop3A_775, %parallel_loop3A_776, %parallel_loop3A_777, %parallel_loop3A_778] {strides = array<i32>} : memref<2x2x4x16x256xf32, #tpu.memory_space<vmem>>, vector<1x1x1x1x16xf32>,
          %parallel_loop3A_780 = vector.shape_cast %parallel_loop3A_779 : vector<1x1x1x1x16xf32> to vector<16xf32>
          %parallel_loop3A_781 = vector.broadcast %mul3A_511 : f32 to vector<16xf32>
          %parallel_loop3A_782 = arith.mulf %parallel_loop3A_781, %parallel_loop3A_780 : vector<16xf32>
          %parallel_loop3A_783 = arith.constant 0 : i32
          %parallel_loop3A_784 = arith.constant 2 : i32
          %parallel_loop3A_785 = arith.constant 3 : i32
          %parallel_loop3A_786 = arith.index_cast %rem3A_300 : i32 to index
          %parallel_loop3A_787 = arith.index_cast %parallel_loop3A_783 : i32 to index
          %parallel_loop3A_788 = arith.index_cast %parallel_loop3A_784 : i32 to index
          %parallel_loop3A_789 = arith.index_cast %parallel_loop3A_785 : i32 to index
          %parallel_loop3A_790 = arith.index_cast %parallel_loop3A_710 : i32 to index
          %parallel_loop3A_791 = tpu.vector_load %arg6[%parallel_loop3A_786, %parallel_loop3A_787, %parallel_loop3A_788, %parallel_loop3A_789, %parallel_loop3A_790] {strides = array<i32>} : memref<2x2x4x16x256xf32, #tpu.memory_space<vmem>>, vector<1x1x1x1x16xf32>,
          %parallel_loop3A_792 = vector.shape_cast %parallel_loop3A_791 : vector<1x1x1x1x16xf32> to vector<16xf32>
          %parallel_loop3A_793 = vector.broadcast %mul3A_512 : f32 to vector<16xf32>
          %parallel_loop3A_794 = arith.mulf %parallel_loop3A_793, %parallel_loop3A_792 : vector<16xf32>
          %parallel_loop3A_795 = arith.constant 0 : i32
          %parallel_loop3A_796 = arith.constant 3 : i32
          %parallel_loop3A_797 = arith.constant 3 : i32
          %parallel_loop3A_798 = arith.index_cast %rem3A_300 : i32 to index
          %parallel_loop3A_799 = arith.index_cast %parallel_loop3A_795 : i32 to index
          %parallel_loop3A_800 = arith.index_cast %parallel_loop3A_796 : i32 to index
          %parallel_loop3A_801 = arith.index_cast %parallel_loop3A_797 : i32 to index
          %parallel_loop3A_802 = arith.index_cast %parallel_loop3A_710 : i32 to index
          %parallel_loop3A_803 = tpu.vector_load %arg6[%parallel_loop3A_798, %parallel_loop3A_799, %parallel_loop3A_800, %parallel_loop3A_801, %parallel_loop3A_802] {strides = array<i32>} : memref<2x2x4x16x256xf32, #tpu.memory_space<vmem>>, vector<1x1x1x1x16xf32>,
          %parallel_loop3A_804 = vector.shape_cast %parallel_loop3A_803 : vector<1x1x1x1x16xf32> to vector<16xf32>
          %parallel_loop3A_805 = vector.broadcast %mul3A_513 : f32 to vector<16xf32>
          %parallel_loop3A_806 = arith.mulf %parallel_loop3A_805, %parallel_loop3A_804 : vector<16xf32>
          %parallel_loop3A_807 = arith.constant 1 : i32
          %parallel_loop3A_808 = arith.constant 0 : i32
          %parallel_loop3A_809 = arith.constant 2 : i32
          %parallel_loop3A_810 = arith.index_cast %rem3A_300 : i32 to index
          %parallel_loop3A_811 = arith.index_cast %parallel_loop3A_807 : i32 to index
          %parallel_loop3A_812 = arith.index_cast %parallel_loop3A_808 : i32 to index
          %parallel_loop3A_813 = arith.index_cast %parallel_loop3A_809 : i32 to index
          %parallel_loop3A_814 = arith.index_cast %parallel_loop3A_710 : i32 to index
          %parallel_loop3A_815 = tpu.vector_load %arg6[%parallel_loop3A_810, %parallel_loop3A_811, %parallel_loop3A_812, %parallel_loop3A_813, %parallel_loop3A_814] {strides = array<i32>} : memref<2x2x4x16x256xf32, #tpu.memory_space<vmem>>, vector<1x1x1x1x16xf32>,
          %parallel_loop3A_816 = vector.shape_cast %parallel_loop3A_815 : vector<1x1x1x1x16xf32> to vector<16xf32>
          %parallel_loop3A_817 = vector.broadcast %mul3A_518 : f32 to vector<16xf32>
          %parallel_loop3A_818 = arith.mulf %parallel_loop3A_817, %parallel_loop3A_816 : vector<16xf32>
          %parallel_loop3A_819 = arith.constant 1 : i32
          %parallel_loop3A_820 = arith.constant 1 : i32
          %parallel_loop3A_821 = arith.constant 2 : i32
          %parallel_loop3A_822 = arith.index_cast %rem3A_300 : i32 to index
          %parallel_loop3A_823 = arith.index_cast %parallel_loop3A_819 : i32 to index
          %parallel_loop3A_824 = arith.index_cast %parallel_loop3A_820 : i32 to index
          %parallel_loop3A_825 = arith.index_cast %parallel_loop3A_821 : i32 to index
          %parallel_loop3A_826 = arith.index_cast %parallel_loop3A_710 : i32 to index
          %parallel_loop3A_827 = tpu.vector_load %arg6[%parallel_loop3A_822, %parallel_loop3A_823, %parallel_loop3A_824, %parallel_loop3A_825, %parallel_loop3A_826] {strides = array<i32>} : memref<2x2x4x16x256xf32, #tpu.memory_space<vmem>>, vector<1x1x1x1x16xf32>,
          %parallel_loop3A_828 = vector.shape_cast %parallel_loop3A_827 : vector<1x1x1x1x16xf32> to vector<16xf32>
          %parallel_loop3A_829 = vector.broadcast %mul3A_519 : f32 to vector<16xf32>
          %parallel_loop3A_830 = arith.mulf %parallel_loop3A_829, %parallel_loop3A_828 : vector<16xf32>
          %parallel_loop3A_831 = arith.constant 1 : i32
          %parallel_loop3A_832 = arith.constant 2 : i32
          %parallel_loop3A_833 = arith.constant 2 : i32
          %parallel_loop3A_834 = arith.index_cast %rem3A_300 : i32 to index
          %parallel_loop3A_835 = arith.index_cast %parallel_loop3A_831 : i32 to index
          %parallel_loop3A_836 = arith.index_cast %parallel_loop3A_832 : i32 to index
          %parallel_loop3A_837 = arith.index_cast %parallel_loop3A_833 : i32 to index
          %parallel_loop3A_838 = arith.index_cast %parallel_loop3A_710 : i32 to index
          %parallel_loop3A_839 = tpu.vector_load %arg6[%parallel_loop3A_834, %parallel_loop3A_835, %parallel_loop3A_836, %parallel_loop3A_837, %parallel_loop3A_838] {strides = array<i32>} : memref<2x2x4x16x256xf32, #tpu.memory_space<vmem>>, vector<1x1x1x1x16xf32>,
          %parallel_loop3A_840 = vector.shape_cast %parallel_loop3A_839 : vector<1x1x1x1x16xf32> to vector<16xf32>
          %parallel_loop3A_841 = vector.broadcast %mul3A_520 : f32 to vector<16xf32>
          %parallel_loop3A_842 = arith.mulf %parallel_loop3A_841, %parallel_loop3A_840 : vector<16xf32>
          %parallel_loop3A_843 = arith.constant 1 : i32
          %parallel_loop3A_844 = arith.constant 3 : i32
          %parallel_loop3A_845 = arith.constant 2 : i32
          %parallel_loop3A_846 = arith.index_cast %rem3A_300 : i32 to index
          %parallel_loop3A_847 = arith.index_cast %parallel_loop3A_843 : i32 to index
          %parallel_loop3A_848 = arith.index_cast %parallel_loop3A_844 : i32 to index
          %parallel_loop3A_849 = arith.index_cast %parallel_loop3A_845 : i32 to index
          %parallel_loop3A_850 = arith.index_cast %parallel_loop3A_710 : i32 to index
          %parallel_loop3A_851 = tpu.vector_load %arg6[%parallel_loop3A_846, %parallel_loop3A_847, %parallel_loop3A_848, %parallel_loop3A_849, %parallel_loop3A_850] {strides = array<i32>} : memref<2x2x4x16x256xf32, #tpu.memory_space<vmem>>, vector<1x1x1x1x16xf32>,
          %parallel_loop3A_852 = vector.shape_cast %parallel_loop3A_851 : vector<1x1x1x1x16xf32> to vector<16xf32>
          %parallel_loop3A_853 = vector.broadcast %mul3A_521 : f32 to vector<16xf32>
          %parallel_loop3A_854 = arith.mulf %parallel_loop3A_853, %parallel_loop3A_852 : vector<16xf32>
          %parallel_loop3A_855 = arith.constant 1 : i32
          %parallel_loop3A_856 = arith.constant 0 : i32
          %parallel_loop3A_857 = arith.constant 3 : i32
          %parallel_loop3A_858 = arith.index_cast %rem3A_300 : i32 to index
          %parallel_loop3A_859 = arith.index_cast %parallel_loop3A_855 : i32 to index
          %parallel_loop3A_860 = arith.index_cast %parallel_loop3A_856 : i32 to index
          %parallel_loop3A_861 = arith.index_cast %parallel_loop3A_857 : i32 to index
          %parallel_loop3A_862 = arith.index_cast %parallel_loop3A_710 : i32 to index
          %parallel_loop3A_863 = tpu.vector_load %arg6[%parallel_loop3A_858, %parallel_loop3A_859, %parallel_loop3A_860, %parallel_loop3A_861, %parallel_loop3A_862] {strides = array<i32>} : memref<2x2x4x16x256xf32, #tpu.memory_space<vmem>>, vector<1x1x1x1x16xf32>,
          %parallel_loop3A_864 = vector.shape_cast %parallel_loop3A_863 : vector<1x1x1x1x16xf32> to vector<16xf32>
          %parallel_loop3A_865 = vector.broadcast %mul3A_526 : f32 to vector<16xf32>
          %parallel_loop3A_866 = arith.mulf %parallel_loop3A_865, %parallel_loop3A_864 : vector<16xf32>
          %parallel_loop3A_867 = arith.constant 1 : i32
          %parallel_loop3A_868 = arith.constant 1 : i32
          %parallel_loop3A_869 = arith.constant 3 : i32
          %parallel_loop3A_870 = arith.index_cast %rem3A_300 : i32 to index
          %parallel_loop3A_871 = arith.index_cast %parallel_loop3A_867 : i32 to index
          %parallel_loop3A_872 = arith.index_cast %parallel_loop3A_868 : i32 to index
          %parallel_loop3A_873 = arith.index_cast %parallel_loop3A_869 : i32 to index
          %parallel_loop3A_874 = arith.index_cast %parallel_loop3A_710 : i32 to index
          %parallel_loop3A_875 = tpu.vector_load %arg6[%parallel_loop3A_870, %parallel_loop3A_871, %parallel_loop3A_872, %parallel_loop3A_873, %parallel_loop3A_874] {strides = array<i32>} : memref<2x2x4x16x256xf32, #tpu.memory_space<vmem>>, vector<1x1x1x1x16xf32>,
          %parallel_loop3A_876 = vector.shape_cast %parallel_loop3A_875 : vector<1x1x1x1x16xf32> to vector<16xf32>
          %parallel_loop3A_877 = vector.broadcast %mul3A_527 : f32 to vector<16xf32>
          %parallel_loop3A_878 = arith.mulf %parallel_loop3A_877, %parallel_loop3A_876 : vector<16xf32>
          %parallel_loop3A_879 = arith.constant 1 : i32
          %parallel_loop3A_880 = arith.constant 2 : i32
          %parallel_loop3A_881 = arith.constant 3 : i32
          %parallel_loop3A_882 = arith.index_cast %rem3A_300 : i32 to index
          %parallel_loop3A_883 = arith.index_cast %parallel_loop3A_879 : i32 to index
          %parallel_loop3A_884 = arith.index_cast %parallel_loop3A_880 : i32 to index
          %parallel_loop3A_885 = arith.index_cast %parallel_loop3A_881 : i32 to index
          %parallel_loop3A_886 = arith.index_cast %parallel_loop3A_710 : i32 to index
          %parallel_loop3A_887 = tpu.vector_load %arg6[%parallel_loop3A_882, %parallel_loop3A_883, %parallel_loop3A_884, %parallel_loop3A_885, %parallel_loop3A_886] {strides = array<i32>} : memref<2x2x4x16x256xf32, #tpu.memory_space<vmem>>, vector<1x1x1x1x16xf32>,
          %parallel_loop3A_888 = vector.shape_cast %parallel_loop3A_887 : vector<1x1x1x1x16xf32> to vector<16xf32>
          %parallel_loop3A_889 = vector.broadcast %mul3A_528 : f32 to vector<16xf32>
          %parallel_loop3A_890 = arith.mulf %parallel_loop3A_889, %parallel_loop3A_888 : vector<16xf32>
          %parallel_loop3A_891 = arith.constant 1 : i32
          %parallel_loop3A_892 = arith.constant 3 : i32
          %parallel_loop3A_893 = arith.constant 3 : i32
          %parallel_loop3A_894 = arith.index_cast %rem3A_300 : i32 to index
          %parallel_loop3A_895 = arith.index_cast %parallel_loop3A_891 : i32 to index
          %parallel_loop3A_896 = arith.index_cast %parallel_loop3A_892 : i32 to index
          %parallel_loop3A_897 = arith.index_cast %parallel_loop3A_893 : i32 to index
          %parallel_loop3A_898 = arith.index_cast %parallel_loop3A_710 : i32 to index
          %parallel_loop3A_899 = tpu.vector_load %arg6[%parallel_loop3A_894, %parallel_loop3A_895, %parallel_loop3A_896, %parallel_loop3A_897, %parallel_loop3A_898] {strides = array<i32>} : memref<2x2x4x16x256xf32, #tpu.memory_space<vmem>>, vector<1x1x1x1x16xf32>,
          %parallel_loop3A_900 = vector.shape_cast %parallel_loop3A_899 : vector<1x1x1x1x16xf32> to vector<16xf32>
          %parallel_loop3A_901 = vector.broadcast %mul3A_529 : f32 to vector<16xf32>
          %parallel_loop3A_902 = arith.mulf %parallel_loop3A_901, %parallel_loop3A_900 : vector<16xf32>
          %parallel_loop3A_903 = arith.addf %parallel_loop3A_722, %parallel_loop3A_734 : vector<16xf32>
          %parallel_loop3A_904 = arith.addf %parallel_loop3A_746, %parallel_loop3A_758 : vector<16xf32>
          %parallel_loop3A_905 = arith.addf %parallel_loop3A_770, %parallel_loop3A_782 : vector<16xf32>
          %parallel_loop3A_906 = arith.addf %parallel_loop3A_794, %parallel_loop3A_806 : vector<16xf32>
          %parallel_loop3A_907 = arith.addf %parallel_loop3A_818, %parallel_loop3A_830 : vector<16xf32>
          %parallel_loop3A_908 = arith.addf %parallel_loop3A_842, %parallel_loop3A_854 : vector<16xf32>
          %parallel_loop3A_909 = arith.addf %parallel_loop3A_866, %parallel_loop3A_878 : vector<16xf32>
          %parallel_loop3A_910 = arith.addf %parallel_loop3A_890, %parallel_loop3A_902 : vector<16xf32>
          %parallel_loop3A_911 = arith.addf %parallel_loop3A_903, %parallel_loop3A_904 : vector<16xf32>
          %parallel_loop3A_912 = arith.addf %parallel_loop3A_905, %parallel_loop3A_906 : vector<16xf32>
          %parallel_loop3A_913 = arith.addf %parallel_loop3A_907, %parallel_loop3A_908 : vector<16xf32>
          %parallel_loop3A_914 = arith.addf %parallel_loop3A_909, %parallel_loop3A_910 : vector<16xf32>
          %parallel_loop3A_915 = arith.addf %parallel_loop3A_911, %parallel_loop3A_912 : vector<16xf32>
          %parallel_loop3A_916 = arith.addf %parallel_loop3A_913, %parallel_loop3A_914 : vector<16xf32>
          %parallel_loop3A_917 = arith.addf %parallel_loop3A_915, %parallel_loop3A_916 : vector<16xf32>
          %parallel_loop3A_918 = arith.constant 1 : i32
          %parallel_loop3A_919 = arith.addi %mul3A_463, %parallel_loop3A_918 : i32
          %parallel_loop3A_920 = arith.index_cast %parallel_loop3A_919 : i32 to index
          %parallel_loop3A_921 = arith.index_cast %parallel_loop3A_710 : i32 to index
          %parallel_loop3A_922 = tpu.vector_load %arg7[%parallel_loop3A_920, %parallel_loop3A_921] {strides = array<i32>} : memref<49x256xf32, #tpu.memory_space<vmem>>, vector<1x16xf32>,
          %parallel_loop3A_923 = vector.shape_cast %parallel_loop3A_922 : vector<1x16xf32> to vector<16xf32>
          %parallel_loop3A_924 = vector.shape_cast %parallel_loop3A_917 : vector<16xf32> to vector<1x16xf32>
          tpu.vector_store %arg7[%parallel_loop3A_920, %parallel_loop3A_921], %parallel_loop3A_924 {strides = array<i32>} : memref<49x256xf32, #tpu.memory_space<vmem>>, vector<1x16xf32>,
        } {sc.loop_unroll_factor = 8 : i64, sc.parallel_access}
        %slice3A_533 = vector.extract_strided_slice %mul3A_85 {offsets = [4], sizes = [1], strides = [1]} : vector<16xf32> to vector<1xf32>
        %squeeze3A_534 = vector.extract %slice3A_533[0] : f32 from vector<1xf32>
        %slice3A_535 = vector.extract_strided_slice %mul3A_86 {offsets = [4], sizes = [1], strides = [1]} : vector<16xf32> to vector<1xf32>
        %squeeze3A_536 = vector.extract %slice3A_535[0] : f32 from vector<1xf32>
        %mul3A_537 = arith.mulf %scan3A_296, %squeeze3A_534 : f32
        %mul3A_538 = arith.mulf %scan3A_296, %squeeze3A_536 : f32
        %mul3A_539 = arith.mulf %scan3A_297, %squeeze3A_534 : f32
        %mul3A_540 = arith.mulf %scan3A_297, %squeeze3A_536 : f32
        %slice3A_541 = vector.extract_strided_slice %mul3A_85 {offsets = [5], sizes = [1], strides = [1]} : vector<16xf32> to vector<1xf32>
        %squeeze3A_542 = vector.extract %slice3A_541[0] : f32 from vector<1xf32>
        %slice3A_543 = vector.extract_strided_slice %mul3A_86 {offsets = [5], sizes = [1], strides = [1]} : vector<16xf32> to vector<1xf32>
        %squeeze3A_544 = vector.extract %slice3A_543[0] : f32 from vector<1xf32>
        %mul3A_545 = arith.mulf %scan3A_296, %squeeze3A_542 : f32
        %mul3A_546 = arith.mulf %scan3A_296, %squeeze3A_544 : f32
        %mul3A_547 = arith.mulf %scan3A_297, %squeeze3A_542 : f32
        %mul3A_548 = arith.mulf %scan3A_297, %squeeze3A_544 : f32
        %slice3A_549 = vector.extract_strided_slice %mul3A_85 {offsets = [4], sizes = [1], strides = [1]} : vector<16xf32> to vector<1xf32>
        %squeeze3A_550 = vector.extract %slice3A_549[0] : f32 from vector<1xf32>
        %slice3A_551 = vector.extract_strided_slice %mul3A_86 {offsets = [4], sizes = [1], strides = [1]} : vector<16xf32> to vector<1xf32>
        %squeeze3A_552 = vector.extract %slice3A_551[0] : f32 from vector<1xf32>
        %mul3A_553 = arith.mulf %scan3A_298, %squeeze3A_550 : f32
        %mul3A_554 = arith.mulf %scan3A_298, %squeeze3A_552 : f32
        %mul3A_555 = arith.mulf %scan3A_299, %squeeze3A_550 : f32
        %mul3A_556 = arith.mulf %scan3A_299, %squeeze3A_552 : f32
        %slice3A_557 = vector.extract_strided_slice %mul3A_85 {offsets = [5], sizes = [1], strides = [1]} : vector<16xf32> to vector<1xf32>
        %squeeze3A_558 = vector.extract %slice3A_557[0] : f32 from vector<1xf32>
        %slice3A_559 = vector.extract_strided_slice %mul3A_86 {offsets = [5], sizes = [1], strides = [1]} : vector<16xf32> to vector<1xf32>
        %squeeze3A_560 = vector.extract %slice3A_559[0] : f32 from vector<1xf32>
        %mul3A_561 = arith.mulf %scan3A_298, %squeeze3A_558 : f32
        %mul3A_562 = arith.mulf %scan3A_298, %squeeze3A_560 : f32
        %mul3A_563 = arith.mulf %scan3A_299, %squeeze3A_558 : f32
        %mul3A_564 = arith.mulf %scan3A_299, %squeeze3A_560 : f32
        %parallel_loop3A_565 = arith.constant 0 : i32
        %parallel_loop3A_566 = arith.constant 16 : i32
        %parallel_loop3A_567 = arith.constant 1 : i32
        scf.for %parallel_loop3A_708 = %parallel_loop3A_565 to %parallel_loop3A_566 step %parallel_loop3A_567  : i32 {
          %parallel_loop3A_709 = arith.constant 16 : i32
          %parallel_loop3A_710 = arith.muli %parallel_loop3A_708, %parallel_loop3A_709 : i32
          %parallel_loop3A_711 = arith.constant 0 : i32
          %parallel_loop3A_712 = arith.constant 0 : i32
          %parallel_loop3A_713 = arith.constant 4 : i32
          %parallel_loop3A_714 = arith.index_cast %rem3A_300 : i32 to index
          %parallel_loop3A_715 = arith.index_cast %parallel_loop3A_711 : i32 to index
          %parallel_loop3A_716 = arith.index_cast %parallel_loop3A_712 : i32 to index
          %parallel_loop3A_717 = arith.index_cast %parallel_loop3A_713 : i32 to index
          %parallel_loop3A_718 = arith.index_cast %parallel_loop3A_710 : i32 to index
          %parallel_loop3A_719 = tpu.vector_load %arg6[%parallel_loop3A_714, %parallel_loop3A_715, %parallel_loop3A_716, %parallel_loop3A_717, %parallel_loop3A_718] {strides = array<i32>} : memref<2x2x4x16x256xf32, #tpu.memory_space<vmem>>, vector<1x1x1x1x16xf32>,
          %parallel_loop3A_720 = vector.shape_cast %parallel_loop3A_719 : vector<1x1x1x1x16xf32> to vector<16xf32>
          %parallel_loop3A_721 = vector.broadcast %mul3A_537 : f32 to vector<16xf32>
          %parallel_loop3A_722 = arith.mulf %parallel_loop3A_721, %parallel_loop3A_720 : vector<16xf32>
          %parallel_loop3A_723 = arith.constant 0 : i32
          %parallel_loop3A_724 = arith.constant 1 : i32
          %parallel_loop3A_725 = arith.constant 4 : i32
          %parallel_loop3A_726 = arith.index_cast %rem3A_300 : i32 to index
          %parallel_loop3A_727 = arith.index_cast %parallel_loop3A_723 : i32 to index
          %parallel_loop3A_728 = arith.index_cast %parallel_loop3A_724 : i32 to index
          %parallel_loop3A_729 = arith.index_cast %parallel_loop3A_725 : i32 to index
          %parallel_loop3A_730 = arith.index_cast %parallel_loop3A_710 : i32 to index
          %parallel_loop3A_731 = tpu.vector_load %arg6[%parallel_loop3A_726, %parallel_loop3A_727, %parallel_loop3A_728, %parallel_loop3A_729, %parallel_loop3A_730] {strides = array<i32>} : memref<2x2x4x16x256xf32, #tpu.memory_space<vmem>>, vector<1x1x1x1x16xf32>,
          %parallel_loop3A_732 = vector.shape_cast %parallel_loop3A_731 : vector<1x1x1x1x16xf32> to vector<16xf32>
          %parallel_loop3A_733 = vector.broadcast %mul3A_538 : f32 to vector<16xf32>
          %parallel_loop3A_734 = arith.mulf %parallel_loop3A_733, %parallel_loop3A_732 : vector<16xf32>
          %parallel_loop3A_735 = arith.constant 0 : i32
          %parallel_loop3A_736 = arith.constant 2 : i32
          %parallel_loop3A_737 = arith.constant 4 : i32
          %parallel_loop3A_738 = arith.index_cast %rem3A_300 : i32 to index
          %parallel_loop3A_739 = arith.index_cast %parallel_loop3A_735 : i32 to index
          %parallel_loop3A_740 = arith.index_cast %parallel_loop3A_736 : i32 to index
          %parallel_loop3A_741 = arith.index_cast %parallel_loop3A_737 : i32 to index
          %parallel_loop3A_742 = arith.index_cast %parallel_loop3A_710 : i32 to index
          %parallel_loop3A_743 = tpu.vector_load %arg6[%parallel_loop3A_738, %parallel_loop3A_739, %parallel_loop3A_740, %parallel_loop3A_741, %parallel_loop3A_742] {strides = array<i32>} : memref<2x2x4x16x256xf32, #tpu.memory_space<vmem>>, vector<1x1x1x1x16xf32>,
          %parallel_loop3A_744 = vector.shape_cast %parallel_loop3A_743 : vector<1x1x1x1x16xf32> to vector<16xf32>
          %parallel_loop3A_745 = vector.broadcast %mul3A_539 : f32 to vector<16xf32>
          %parallel_loop3A_746 = arith.mulf %parallel_loop3A_745, %parallel_loop3A_744 : vector<16xf32>
          %parallel_loop3A_747 = arith.constant 0 : i32
          %parallel_loop3A_748 = arith.constant 3 : i32
          %parallel_loop3A_749 = arith.constant 4 : i32
          %parallel_loop3A_750 = arith.index_cast %rem3A_300 : i32 to index
          %parallel_loop3A_751 = arith.index_cast %parallel_loop3A_747 : i32 to index
          %parallel_loop3A_752 = arith.index_cast %parallel_loop3A_748 : i32 to index
          %parallel_loop3A_753 = arith.index_cast %parallel_loop3A_749 : i32 to index
          %parallel_loop3A_754 = arith.index_cast %parallel_loop3A_710 : i32 to index
          %parallel_loop3A_755 = tpu.vector_load %arg6[%parallel_loop3A_750, %parallel_loop3A_751, %parallel_loop3A_752, %parallel_loop3A_753, %parallel_loop3A_754] {strides = array<i32>} : memref<2x2x4x16x256xf32, #tpu.memory_space<vmem>>, vector<1x1x1x1x16xf32>,
          %parallel_loop3A_756 = vector.shape_cast %parallel_loop3A_755 : vector<1x1x1x1x16xf32> to vector<16xf32>
          %parallel_loop3A_757 = vector.broadcast %mul3A_540 : f32 to vector<16xf32>
          %parallel_loop3A_758 = arith.mulf %parallel_loop3A_757, %parallel_loop3A_756 : vector<16xf32>
          %parallel_loop3A_759 = arith.constant 0 : i32
          %parallel_loop3A_760 = arith.constant 0 : i32
          %parallel_loop3A_761 = arith.constant 5 : i32
          %parallel_loop3A_762 = arith.index_cast %rem3A_300 : i32 to index
          %parallel_loop3A_763 = arith.index_cast %parallel_loop3A_759 : i32 to index
          %parallel_loop3A_764 = arith.index_cast %parallel_loop3A_760 : i32 to index
          %parallel_loop3A_765 = arith.index_cast %parallel_loop3A_761 : i32 to index
          %parallel_loop3A_766 = arith.index_cast %parallel_loop3A_710 : i32 to index
          %parallel_loop3A_767 = tpu.vector_load %arg6[%parallel_loop3A_762, %parallel_loop3A_763, %parallel_loop3A_764, %parallel_loop3A_765, %parallel_loop3A_766] {strides = array<i32>} : memref<2x2x4x16x256xf32, #tpu.memory_space<vmem>>, vector<1x1x1x1x16xf32>,
          %parallel_loop3A_768 = vector.shape_cast %parallel_loop3A_767 : vector<1x1x1x1x16xf32> to vector<16xf32>
          %parallel_loop3A_769 = vector.broadcast %mul3A_545 : f32 to vector<16xf32>
          %parallel_loop3A_770 = arith.mulf %parallel_loop3A_769, %parallel_loop3A_768 : vector<16xf32>
          %parallel_loop3A_771 = arith.constant 0 : i32
          %parallel_loop3A_772 = arith.constant 1 : i32
          %parallel_loop3A_773 = arith.constant 5 : i32
          %parallel_loop3A_774 = arith.index_cast %rem3A_300 : i32 to index
          %parallel_loop3A_775 = arith.index_cast %parallel_loop3A_771 : i32 to index
          %parallel_loop3A_776 = arith.index_cast %parallel_loop3A_772 : i32 to index
          %parallel_loop3A_777 = arith.index_cast %parallel_loop3A_773 : i32 to index
          %parallel_loop3A_778 = arith.index_cast %parallel_loop3A_710 : i32 to index
          %parallel_loop3A_779 = tpu.vector_load %arg6[%parallel_loop3A_774, %parallel_loop3A_775, %parallel_loop3A_776, %parallel_loop3A_777, %parallel_loop3A_778] {strides = array<i32>} : memref<2x2x4x16x256xf32, #tpu.memory_space<vmem>>, vector<1x1x1x1x16xf32>,
          %parallel_loop3A_780 = vector.shape_cast %parallel_loop3A_779 : vector<1x1x1x1x16xf32> to vector<16xf32>
          %parallel_loop3A_781 = vector.broadcast %mul3A_546 : f32 to vector<16xf32>
          %parallel_loop3A_782 = arith.mulf %parallel_loop3A_781, %parallel_loop3A_780 : vector<16xf32>
          %parallel_loop3A_783 = arith.constant 0 : i32
          %parallel_loop3A_784 = arith.constant 2 : i32
          %parallel_loop3A_785 = arith.constant 5 : i32
          %parallel_loop3A_786 = arith.index_cast %rem3A_300 : i32 to index
          %parallel_loop3A_787 = arith.index_cast %parallel_loop3A_783 : i32 to index
          %parallel_loop3A_788 = arith.index_cast %parallel_loop3A_784 : i32 to index
          %parallel_loop3A_789 = arith.index_cast %parallel_loop3A_785 : i32 to index
          %parallel_loop3A_790 = arith.index_cast %parallel_loop3A_710 : i32 to index
          %parallel_loop3A_791 = tpu.vector_load %arg6[%parallel_loop3A_786, %parallel_loop3A_787, %parallel_loop3A_788, %parallel_loop3A_789, %parallel_loop3A_790] {strides = array<i32>} : memref<2x2x4x16x256xf32, #tpu.memory_space<vmem>>, vector<1x1x1x1x16xf32>,
          %parallel_loop3A_792 = vector.shape_cast %parallel_loop3A_791 : vector<1x1x1x1x16xf32> to vector<16xf32>
          %parallel_loop3A_793 = vector.broadcast %mul3A_547 : f32 to vector<16xf32>
          %parallel_loop3A_794 = arith.mulf %parallel_loop3A_793, %parallel_loop3A_792 : vector<16xf32>
          %parallel_loop3A_795 = arith.constant 0 : i32
          %parallel_loop3A_796 = arith.constant 3 : i32
          %parallel_loop3A_797 = arith.constant 5 : i32
          %parallel_loop3A_798 = arith.index_cast %rem3A_300 : i32 to index
          %parallel_loop3A_799 = arith.index_cast %parallel_loop3A_795 : i32 to index
          %parallel_loop3A_800 = arith.index_cast %parallel_loop3A_796 : i32 to index
          %parallel_loop3A_801 = arith.index_cast %parallel_loop3A_797 : i32 to index
          %parallel_loop3A_802 = arith.index_cast %parallel_loop3A_710 : i32 to index
          %parallel_loop3A_803 = tpu.vector_load %arg6[%parallel_loop3A_798, %parallel_loop3A_799, %parallel_loop3A_800, %parallel_loop3A_801, %parallel_loop3A_802] {strides = array<i32>} : memref<2x2x4x16x256xf32, #tpu.memory_space<vmem>>, vector<1x1x1x1x16xf32>,
          %parallel_loop3A_804 = vector.shape_cast %parallel_loop3A_803 : vector<1x1x1x1x16xf32> to vector<16xf32>
          %parallel_loop3A_805 = vector.broadcast %mul3A_548 : f32 to vector<16xf32>
          %parallel_loop3A_806 = arith.mulf %parallel_loop3A_805, %parallel_loop3A_804 : vector<16xf32>
          %parallel_loop3A_807 = arith.constant 1 : i32
          %parallel_loop3A_808 = arith.constant 0 : i32
          %parallel_loop3A_809 = arith.constant 4 : i32
          %parallel_loop3A_810 = arith.index_cast %rem3A_300 : i32 to index
          %parallel_loop3A_811 = arith.index_cast %parallel_loop3A_807 : i32 to index
          %parallel_loop3A_812 = arith.index_cast %parallel_loop3A_808 : i32 to index
          %parallel_loop3A_813 = arith.index_cast %parallel_loop3A_809 : i32 to index
          %parallel_loop3A_814 = arith.index_cast %parallel_loop3A_710 : i32 to index
          %parallel_loop3A_815 = tpu.vector_load %arg6[%parallel_loop3A_810, %parallel_loop3A_811, %parallel_loop3A_812, %parallel_loop3A_813, %parallel_loop3A_814] {strides = array<i32>} : memref<2x2x4x16x256xf32, #tpu.memory_space<vmem>>, vector<1x1x1x1x16xf32>,
          %parallel_loop3A_816 = vector.shape_cast %parallel_loop3A_815 : vector<1x1x1x1x16xf32> to vector<16xf32>
          %parallel_loop3A_817 = vector.broadcast %mul3A_553 : f32 to vector<16xf32>
          %parallel_loop3A_818 = arith.mulf %parallel_loop3A_817, %parallel_loop3A_816 : vector<16xf32>
          %parallel_loop3A_819 = arith.constant 1 : i32
          %parallel_loop3A_820 = arith.constant 1 : i32
          %parallel_loop3A_821 = arith.constant 4 : i32
          %parallel_loop3A_822 = arith.index_cast %rem3A_300 : i32 to index
          %parallel_loop3A_823 = arith.index_cast %parallel_loop3A_819 : i32 to index
          %parallel_loop3A_824 = arith.index_cast %parallel_loop3A_820 : i32 to index
          %parallel_loop3A_825 = arith.index_cast %parallel_loop3A_821 : i32 to index
          %parallel_loop3A_826 = arith.index_cast %parallel_loop3A_710 : i32 to index
          %parallel_loop3A_827 = tpu.vector_load %arg6[%parallel_loop3A_822, %parallel_loop3A_823, %parallel_loop3A_824, %parallel_loop3A_825, %parallel_loop3A_826] {strides = array<i32>} : memref<2x2x4x16x256xf32, #tpu.memory_space<vmem>>, vector<1x1x1x1x16xf32>,
          %parallel_loop3A_828 = vector.shape_cast %parallel_loop3A_827 : vector<1x1x1x1x16xf32> to vector<16xf32>
          %parallel_loop3A_829 = vector.broadcast %mul3A_554 : f32 to vector<16xf32>
          %parallel_loop3A_830 = arith.mulf %parallel_loop3A_829, %parallel_loop3A_828 : vector<16xf32>
          %parallel_loop3A_831 = arith.constant 1 : i32
          %parallel_loop3A_832 = arith.constant 2 : i32
          %parallel_loop3A_833 = arith.constant 4 : i32
          %parallel_loop3A_834 = arith.index_cast %rem3A_300 : i32 to index
          %parallel_loop3A_835 = arith.index_cast %parallel_loop3A_831 : i32 to index
          %parallel_loop3A_836 = arith.index_cast %parallel_loop3A_832 : i32 to index
          %parallel_loop3A_837 = arith.index_cast %parallel_loop3A_833 : i32 to index
          %parallel_loop3A_838 = arith.index_cast %parallel_loop3A_710 : i32 to index
          %parallel_loop3A_839 = tpu.vector_load %arg6[%parallel_loop3A_834, %parallel_loop3A_835, %parallel_loop3A_836, %parallel_loop3A_837, %parallel_loop3A_838] {strides = array<i32>} : memref<2x2x4x16x256xf32, #tpu.memory_space<vmem>>, vector<1x1x1x1x16xf32>,
          %parallel_loop3A_840 = vector.shape_cast %parallel_loop3A_839 : vector<1x1x1x1x16xf32> to vector<16xf32>
          %parallel_loop3A_841 = vector.broadcast %mul3A_555 : f32 to vector<16xf32>
          %parallel_loop3A_842 = arith.mulf %parallel_loop3A_841, %parallel_loop3A_840 : vector<16xf32>
          %parallel_loop3A_843 = arith.constant 1 : i32
          %parallel_loop3A_844 = arith.constant 3 : i32
          %parallel_loop3A_845 = arith.constant 4 : i32
          %parallel_loop3A_846 = arith.index_cast %rem3A_300 : i32 to index
          %parallel_loop3A_847 = arith.index_cast %parallel_loop3A_843 : i32 to index
          %parallel_loop3A_848 = arith.index_cast %parallel_loop3A_844 : i32 to index
          %parallel_loop3A_849 = arith.index_cast %parallel_loop3A_845 : i32 to index
          %parallel_loop3A_850 = arith.index_cast %parallel_loop3A_710 : i32 to index
          %parallel_loop3A_851 = tpu.vector_load %arg6[%parallel_loop3A_846, %parallel_loop3A_847, %parallel_loop3A_848, %parallel_loop3A_849, %parallel_loop3A_850] {strides = array<i32>} : memref<2x2x4x16x256xf32, #tpu.memory_space<vmem>>, vector<1x1x1x1x16xf32>,
          %parallel_loop3A_852 = vector.shape_cast %parallel_loop3A_851 : vector<1x1x1x1x16xf32> to vector<16xf32>
          %parallel_loop3A_853 = vector.broadcast %mul3A_556 : f32 to vector<16xf32>
          %parallel_loop3A_854 = arith.mulf %parallel_loop3A_853, %parallel_loop3A_852 : vector<16xf32>
          %parallel_loop3A_855 = arith.constant 1 : i32
          %parallel_loop3A_856 = arith.constant 0 : i32
          %parallel_loop3A_857 = arith.constant 5 : i32
          %parallel_loop3A_858 = arith.index_cast %rem3A_300 : i32 to index
          %parallel_loop3A_859 = arith.index_cast %parallel_loop3A_855 : i32 to index
          %parallel_loop3A_860 = arith.index_cast %parallel_loop3A_856 : i32 to index
          %parallel_loop3A_861 = arith.index_cast %parallel_loop3A_857 : i32 to index
          %parallel_loop3A_862 = arith.index_cast %parallel_loop3A_710 : i32 to index
          %parallel_loop3A_863 = tpu.vector_load %arg6[%parallel_loop3A_858, %parallel_loop3A_859, %parallel_loop3A_860, %parallel_loop3A_861, %parallel_loop3A_862] {strides = array<i32>} : memref<2x2x4x16x256xf32, #tpu.memory_space<vmem>>, vector<1x1x1x1x16xf32>,
          %parallel_loop3A_864 = vector.shape_cast %parallel_loop3A_863 : vector<1x1x1x1x16xf32> to vector<16xf32>
          %parallel_loop3A_865 = vector.broadcast %mul3A_561 : f32 to vector<16xf32>
          %parallel_loop3A_866 = arith.mulf %parallel_loop3A_865, %parallel_loop3A_864 : vector<16xf32>
          %parallel_loop3A_867 = arith.constant 1 : i32
          %parallel_loop3A_868 = arith.constant 1 : i32
          %parallel_loop3A_869 = arith.constant 5 : i32
          %parallel_loop3A_870 = arith.index_cast %rem3A_300 : i32 to index
          %parallel_loop3A_871 = arith.index_cast %parallel_loop3A_867 : i32 to index
          %parallel_loop3A_872 = arith.index_cast %parallel_loop3A_868 : i32 to index
          %parallel_loop3A_873 = arith.index_cast %parallel_loop3A_869 : i32 to index
          %parallel_loop3A_874 = arith.index_cast %parallel_loop3A_710 : i32 to index
          %parallel_loop3A_875 = tpu.vector_load %arg6[%parallel_loop3A_870, %parallel_loop3A_871, %parallel_loop3A_872, %parallel_loop3A_873, %parallel_loop3A_874] {strides = array<i32>} : memref<2x2x4x16x256xf32, #tpu.memory_space<vmem>>, vector<1x1x1x1x16xf32>,
          %parallel_loop3A_876 = vector.shape_cast %parallel_loop3A_875 : vector<1x1x1x1x16xf32> to vector<16xf32>
          %parallel_loop3A_877 = vector.broadcast %mul3A_562 : f32 to vector<16xf32>
          %parallel_loop3A_878 = arith.mulf %parallel_loop3A_877, %parallel_loop3A_876 : vector<16xf32>
          %parallel_loop3A_879 = arith.constant 1 : i32
          %parallel_loop3A_880 = arith.constant 2 : i32
          %parallel_loop3A_881 = arith.constant 5 : i32
          %parallel_loop3A_882 = arith.index_cast %rem3A_300 : i32 to index
          %parallel_loop3A_883 = arith.index_cast %parallel_loop3A_879 : i32 to index
          %parallel_loop3A_884 = arith.index_cast %parallel_loop3A_880 : i32 to index
          %parallel_loop3A_885 = arith.index_cast %parallel_loop3A_881 : i32 to index
          %parallel_loop3A_886 = arith.index_cast %parallel_loop3A_710 : i32 to index
          %parallel_loop3A_887 = tpu.vector_load %arg6[%parallel_loop3A_882, %parallel_loop3A_883, %parallel_loop3A_884, %parallel_loop3A_885, %parallel_loop3A_886] {strides = array<i32>} : memref<2x2x4x16x256xf32, #tpu.memory_space<vmem>>, vector<1x1x1x1x16xf32>,
          %parallel_loop3A_888 = vector.shape_cast %parallel_loop3A_887 : vector<1x1x1x1x16xf32> to vector<16xf32>
          %parallel_loop3A_889 = vector.broadcast %mul3A_563 : f32 to vector<16xf32>
          %parallel_loop3A_890 = arith.mulf %parallel_loop3A_889, %parallel_loop3A_888 : vector<16xf32>
          %parallel_loop3A_891 = arith.constant 1 : i32
          %parallel_loop3A_892 = arith.constant 3 : i32
          %parallel_loop3A_893 = arith.constant 5 : i32
          %parallel_loop3A_894 = arith.index_cast %rem3A_300 : i32 to index
          %parallel_loop3A_895 = arith.index_cast %parallel_loop3A_891 : i32 to index
          %parallel_loop3A_896 = arith.index_cast %parallel_loop3A_892 : i32 to index
          %parallel_loop3A_897 = arith.index_cast %parallel_loop3A_893 : i32 to index
          %parallel_loop3A_898 = arith.index_cast %parallel_loop3A_710 : i32 to index
          %parallel_loop3A_899 = tpu.vector_load %arg6[%parallel_loop3A_894, %parallel_loop3A_895, %parallel_loop3A_896, %parallel_loop3A_897, %parallel_loop3A_898] {strides = array<i32>} : memref<2x2x4x16x256xf32, #tpu.memory_space<vmem>>, vector<1x1x1x1x16xf32>,
          %parallel_loop3A_900 = vector.shape_cast %parallel_loop3A_899 : vector<1x1x1x1x16xf32> to vector<16xf32>
          %parallel_loop3A_901 = vector.broadcast %mul3A_564 : f32 to vector<16xf32>
          %parallel_loop3A_902 = arith.mulf %parallel_loop3A_901, %parallel_loop3A_900 : vector<16xf32>
          %parallel_loop3A_903 = arith.addf %parallel_loop3A_722, %parallel_loop3A_734 : vector<16xf32>
          %parallel_loop3A_904 = arith.addf %parallel_loop3A_746, %parallel_loop3A_758 : vector<16xf32>
          %parallel_loop3A_905 = arith.addf %parallel_loop3A_770, %parallel_loop3A_782 : vector<16xf32>
          %parallel_loop3A_906 = arith.addf %parallel_loop3A_794, %parallel_loop3A_806 : vector<16xf32>
          %parallel_loop3A_907 = arith.addf %parallel_loop3A_818, %parallel_loop3A_830 : vector<16xf32>
          %parallel_loop3A_908 = arith.addf %parallel_loop3A_842, %parallel_loop3A_854 : vector<16xf32>
          %parallel_loop3A_909 = arith.addf %parallel_loop3A_866, %parallel_loop3A_878 : vector<16xf32>
          %parallel_loop3A_910 = arith.addf %parallel_loop3A_890, %parallel_loop3A_902 : vector<16xf32>
          %parallel_loop3A_911 = arith.addf %parallel_loop3A_903, %parallel_loop3A_904 : vector<16xf32>
          %parallel_loop3A_912 = arith.addf %parallel_loop3A_905, %parallel_loop3A_906 : vector<16xf32>
          %parallel_loop3A_913 = arith.addf %parallel_loop3A_907, %parallel_loop3A_908 : vector<16xf32>
          %parallel_loop3A_914 = arith.addf %parallel_loop3A_909, %parallel_loop3A_910 : vector<16xf32>
          %parallel_loop3A_915 = arith.addf %parallel_loop3A_911, %parallel_loop3A_912 : vector<16xf32>
          %parallel_loop3A_916 = arith.addf %parallel_loop3A_913, %parallel_loop3A_914 : vector<16xf32>
          %parallel_loop3A_917 = arith.addf %parallel_loop3A_915, %parallel_loop3A_916 : vector<16xf32>
          %parallel_loop3A_918 = arith.constant 2 : i32
          %parallel_loop3A_919 = arith.addi %mul3A_463, %parallel_loop3A_918 : i32
          %parallel_loop3A_920 = arith.index_cast %parallel_loop3A_919 : i32 to index
          %parallel_loop3A_921 = arith.index_cast %parallel_loop3A_710 : i32 to index
          %parallel_loop3A_922 = tpu.vector_load %arg7[%parallel_loop3A_920, %parallel_loop3A_921] {strides = array<i32>} : memref<49x256xf32, #tpu.memory_space<vmem>>, vector<1x16xf32>,
          %parallel_loop3A_923 = vector.shape_cast %parallel_loop3A_922 : vector<1x16xf32> to vector<16xf32>
          %parallel_loop3A_924 = vector.shape_cast %parallel_loop3A_917 : vector<16xf32> to vector<1x16xf32>
          tpu.vector_store %arg7[%parallel_loop3A_920, %parallel_loop3A_921], %parallel_loop3A_924 {strides = array<i32>} : memref<49x256xf32, #tpu.memory_space<vmem>>, vector<1x16xf32>,
        } {sc.loop_unroll_factor = 8 : i64, sc.parallel_access}
        %slice3A_568 = vector.extract_strided_slice %mul3A_85 {offsets = [6], sizes = [1], strides = [1]} : vector<16xf32> to vector<1xf32>
        %squeeze3A_569 = vector.extract %slice3A_568[0] : f32 from vector<1xf32>
        %slice3A_570 = vector.extract_strided_slice %mul3A_86 {offsets = [6], sizes = [1], strides = [1]} : vector<16xf32> to vector<1xf32>
        %squeeze3A_571 = vector.extract %slice3A_570[0] : f32 from vector<1xf32>
        %mul3A_572 = arith.mulf %scan3A_296, %squeeze3A_569 : f32
        %mul3A_573 = arith.mulf %scan3A_296, %squeeze3A_571 : f32
        %mul3A_574 = arith.mulf %scan3A_297, %squeeze3A_569 : f32
        %mul3A_575 = arith.mulf %scan3A_297, %squeeze3A_571 : f32
        %slice3A_576 = vector.extract_strided_slice %mul3A_85 {offsets = [7], sizes = [1], strides = [1]} : vector<16xf32> to vector<1xf32>
        %squeeze3A_577 = vector.extract %slice3A_576[0] : f32 from vector<1xf32>
        %slice3A_578 = vector.extract_strided_slice %mul3A_86 {offsets = [7], sizes = [1], strides = [1]} : vector<16xf32> to vector<1xf32>
        %squeeze3A_579 = vector.extract %slice3A_578[0] : f32 from vector<1xf32>
        %mul3A_580 = arith.mulf %scan3A_296, %squeeze3A_577 : f32
        %mul3A_581 = arith.mulf %scan3A_296, %squeeze3A_579 : f32
        %mul3A_582 = arith.mulf %scan3A_297, %squeeze3A_577 : f32
        %mul3A_583 = arith.mulf %scan3A_297, %squeeze3A_579 : f32
        %slice3A_584 = vector.extract_strided_slice %mul3A_85 {offsets = [6], sizes = [1], strides = [1]} : vector<16xf32> to vector<1xf32>
        %squeeze3A_585 = vector.extract %slice3A_584[0] : f32 from vector<1xf32>
        %slice3A_586 = vector.extract_strided_slice %mul3A_86 {offsets = [6], sizes = [1], strides = [1]} : vector<16xf32> to vector<1xf32>
        %squeeze3A_587 = vector.extract %slice3A_586[0] : f32 from vector<1xf32>
        %mul3A_588 = arith.mulf %scan3A_298, %squeeze3A_585 : f32
        %mul3A_589 = arith.mulf %scan3A_298, %squeeze3A_587 : f32
        %mul3A_590 = arith.mulf %scan3A_299, %squeeze3A_585 : f32
        %mul3A_591 = arith.mulf %scan3A_299, %squeeze3A_587 : f32
        %slice3A_592 = vector.extract_strided_slice %mul3A_85 {offsets = [7], sizes = [1], strides = [1]} : vector<16xf32> to vector<1xf32>
        %squeeze3A_593 = vector.extract %slice3A_592[0] : f32 from vector<1xf32>
        %slice3A_594 = vector.extract_strided_slice %mul3A_86 {offsets = [7], sizes = [1], strides = [1]} : vector<16xf32> to vector<1xf32>
        %squeeze3A_595 = vector.extract %slice3A_594[0] : f32 from vector<1xf32>
        %mul3A_596 = arith.mulf %scan3A_298, %squeeze3A_593 : f32
        %mul3A_597 = arith.mulf %scan3A_298, %squeeze3A_595 : f32
        %mul3A_598 = arith.mulf %scan3A_299, %squeeze3A_593 : f32
        %mul3A_599 = arith.mulf %scan3A_299, %squeeze3A_595 : f32
        %parallel_loop3A_600 = arith.constant 0 : i32
        %parallel_loop3A_601 = arith.constant 16 : i32
        %parallel_loop3A_602 = arith.constant 1 : i32
        scf.for %parallel_loop3A_708 = %parallel_loop3A_600 to %parallel_loop3A_601 step %parallel_loop3A_602  : i32 {
          %parallel_loop3A_709 = arith.constant 16 : i32
          %parallel_loop3A_710 = arith.muli %parallel_loop3A_708, %parallel_loop3A_709 : i32
          %parallel_loop3A_711 = arith.constant 0 : i32
          %parallel_loop3A_712 = arith.constant 0 : i32
          %parallel_loop3A_713 = arith.constant 6 : i32
          %parallel_loop3A_714 = arith.index_cast %rem3A_300 : i32 to index
          %parallel_loop3A_715 = arith.index_cast %parallel_loop3A_711 : i32 to index
          %parallel_loop3A_716 = arith.index_cast %parallel_loop3A_712 : i32 to index
          %parallel_loop3A_717 = arith.index_cast %parallel_loop3A_713 : i32 to index
          %parallel_loop3A_718 = arith.index_cast %parallel_loop3A_710 : i32 to index
          %parallel_loop3A_719 = tpu.vector_load %arg6[%parallel_loop3A_714, %parallel_loop3A_715, %parallel_loop3A_716, %parallel_loop3A_717, %parallel_loop3A_718] {strides = array<i32>} : memref<2x2x4x16x256xf32, #tpu.memory_space<vmem>>, vector<1x1x1x1x16xf32>,
          %parallel_loop3A_720 = vector.shape_cast %parallel_loop3A_719 : vector<1x1x1x1x16xf32> to vector<16xf32>
          %parallel_loop3A_721 = vector.broadcast %mul3A_572 : f32 to vector<16xf32>
          %parallel_loop3A_722 = arith.mulf %parallel_loop3A_721, %parallel_loop3A_720 : vector<16xf32>
          %parallel_loop3A_723 = arith.constant 0 : i32
          %parallel_loop3A_724 = arith.constant 1 : i32
          %parallel_loop3A_725 = arith.constant 6 : i32
          %parallel_loop3A_726 = arith.index_cast %rem3A_300 : i32 to index
          %parallel_loop3A_727 = arith.index_cast %parallel_loop3A_723 : i32 to index
          %parallel_loop3A_728 = arith.index_cast %parallel_loop3A_724 : i32 to index
          %parallel_loop3A_729 = arith.index_cast %parallel_loop3A_725 : i32 to index
          %parallel_loop3A_730 = arith.index_cast %parallel_loop3A_710 : i32 to index
          %parallel_loop3A_731 = tpu.vector_load %arg6[%parallel_loop3A_726, %parallel_loop3A_727, %parallel_loop3A_728, %parallel_loop3A_729, %parallel_loop3A_730] {strides = array<i32>} : memref<2x2x4x16x256xf32, #tpu.memory_space<vmem>>, vector<1x1x1x1x16xf32>,
          %parallel_loop3A_732 = vector.shape_cast %parallel_loop3A_731 : vector<1x1x1x1x16xf32> to vector<16xf32>
          %parallel_loop3A_733 = vector.broadcast %mul3A_573 : f32 to vector<16xf32>
          %parallel_loop3A_734 = arith.mulf %parallel_loop3A_733, %parallel_loop3A_732 : vector<16xf32>
          %parallel_loop3A_735 = arith.constant 0 : i32
          %parallel_loop3A_736 = arith.constant 2 : i32
          %parallel_loop3A_737 = arith.constant 6 : i32
          %parallel_loop3A_738 = arith.index_cast %rem3A_300 : i32 to index
          %parallel_loop3A_739 = arith.index_cast %parallel_loop3A_735 : i32 to index
          %parallel_loop3A_740 = arith.index_cast %parallel_loop3A_736 : i32 to index
          %parallel_loop3A_741 = arith.index_cast %parallel_loop3A_737 : i32 to index
          %parallel_loop3A_742 = arith.index_cast %parallel_loop3A_710 : i32 to index
          %parallel_loop3A_743 = tpu.vector_load %arg6[%parallel_loop3A_738, %parallel_loop3A_739, %parallel_loop3A_740, %parallel_loop3A_741, %parallel_loop3A_742] {strides = array<i32>} : memref<2x2x4x16x256xf32, #tpu.memory_space<vmem>>, vector<1x1x1x1x16xf32>,
          %parallel_loop3A_744 = vector.shape_cast %parallel_loop3A_743 : vector<1x1x1x1x16xf32> to vector<16xf32>
          %parallel_loop3A_745 = vector.broadcast %mul3A_574 : f32 to vector<16xf32>
          %parallel_loop3A_746 = arith.mulf %parallel_loop3A_745, %parallel_loop3A_744 : vector<16xf32>
          %parallel_loop3A_747 = arith.constant 0 : i32
          %parallel_loop3A_748 = arith.constant 3 : i32
          %parallel_loop3A_749 = arith.constant 6 : i32
          %parallel_loop3A_750 = arith.index_cast %rem3A_300 : i32 to index
          %parallel_loop3A_751 = arith.index_cast %parallel_loop3A_747 : i32 to index
          %parallel_loop3A_752 = arith.index_cast %parallel_loop3A_748 : i32 to index
          %parallel_loop3A_753 = arith.index_cast %parallel_loop3A_749 : i32 to index
          %parallel_loop3A_754 = arith.index_cast %parallel_loop3A_710 : i32 to index
          %parallel_loop3A_755 = tpu.vector_load %arg6[%parallel_loop3A_750, %parallel_loop3A_751, %parallel_loop3A_752, %parallel_loop3A_753, %parallel_loop3A_754] {strides = array<i32>} : memref<2x2x4x16x256xf32, #tpu.memory_space<vmem>>, vector<1x1x1x1x16xf32>,
          %parallel_loop3A_756 = vector.shape_cast %parallel_loop3A_755 : vector<1x1x1x1x16xf32> to vector<16xf32>
          %parallel_loop3A_757 = vector.broadcast %mul3A_575 : f32 to vector<16xf32>
          %parallel_loop3A_758 = arith.mulf %parallel_loop3A_757, %parallel_loop3A_756 : vector<16xf32>
          %parallel_loop3A_759 = arith.constant 0 : i32
          %parallel_loop3A_760 = arith.constant 0 : i32
          %parallel_loop3A_761 = arith.constant 7 : i32
          %parallel_loop3A_762 = arith.index_cast %rem3A_300 : i32 to index
          %parallel_loop3A_763 = arith.index_cast %parallel_loop3A_759 : i32 to index
          %parallel_loop3A_764 = arith.index_cast %parallel_loop3A_760 : i32 to index
          %parallel_loop3A_765 = arith.index_cast %parallel_loop3A_761 : i32 to index
          %parallel_loop3A_766 = arith.index_cast %parallel_loop3A_710 : i32 to index
          %parallel_loop3A_767 = tpu.vector_load %arg6[%parallel_loop3A_762, %parallel_loop3A_763, %parallel_loop3A_764, %parallel_loop3A_765, %parallel_loop3A_766] {strides = array<i32>} : memref<2x2x4x16x256xf32, #tpu.memory_space<vmem>>, vector<1x1x1x1x16xf32>,
          %parallel_loop3A_768 = vector.shape_cast %parallel_loop3A_767 : vector<1x1x1x1x16xf32> to vector<16xf32>
          %parallel_loop3A_769 = vector.broadcast %mul3A_580 : f32 to vector<16xf32>
          %parallel_loop3A_770 = arith.mulf %parallel_loop3A_769, %parallel_loop3A_768 : vector<16xf32>
          %parallel_loop3A_771 = arith.constant 0 : i32
          %parallel_loop3A_772 = arith.constant 1 : i32
          %parallel_loop3A_773 = arith.constant 7 : i32
          %parallel_loop3A_774 = arith.index_cast %rem3A_300 : i32 to index
          %parallel_loop3A_775 = arith.index_cast %parallel_loop3A_771 : i32 to index
          %parallel_loop3A_776 = arith.index_cast %parallel_loop3A_772 : i32 to index
          %parallel_loop3A_777 = arith.index_cast %parallel_loop3A_773 : i32 to index
          %parallel_loop3A_778 = arith.index_cast %parallel_loop3A_710 : i32 to index
          %parallel_loop3A_779 = tpu.vector_load %arg6[%parallel_loop3A_774, %parallel_loop3A_775, %parallel_loop3A_776, %parallel_loop3A_777, %parallel_loop3A_778] {strides = array<i32>} : memref<2x2x4x16x256xf32, #tpu.memory_space<vmem>>, vector<1x1x1x1x16xf32>,
          %parallel_loop3A_780 = vector.shape_cast %parallel_loop3A_779 : vector<1x1x1x1x16xf32> to vector<16xf32>
          %parallel_loop3A_781 = vector.broadcast %mul3A_581 : f32 to vector<16xf32>
          %parallel_loop3A_782 = arith.mulf %parallel_loop3A_781, %parallel_loop3A_780 : vector<16xf32>
          %parallel_loop3A_783 = arith.constant 0 : i32
          %parallel_loop3A_784 = arith.constant 2 : i32
          %parallel_loop3A_785 = arith.constant 7 : i32
          %parallel_loop3A_786 = arith.index_cast %rem3A_300 : i32 to index
          %parallel_loop3A_787 = arith.index_cast %parallel_loop3A_783 : i32 to index
          %parallel_loop3A_788 = arith.index_cast %parallel_loop3A_784 : i32 to index
          %parallel_loop3A_789 = arith.index_cast %parallel_loop3A_785 : i32 to index
          %parallel_loop3A_790 = arith.index_cast %parallel_loop3A_710 : i32 to index
          %parallel_loop3A_791 = tpu.vector_load %arg6[%parallel_loop3A_786, %parallel_loop3A_787, %parallel_loop3A_788, %parallel_loop3A_789, %parallel_loop3A_790] {strides = array<i32>} : memref<2x2x4x16x256xf32, #tpu.memory_space<vmem>>, vector<1x1x1x1x16xf32>,
          %parallel_loop3A_792 = vector.shape_cast %parallel_loop3A_791 : vector<1x1x1x1x16xf32> to vector<16xf32>
          %parallel_loop3A_793 = vector.broadcast %mul3A_582 : f32 to vector<16xf32>
          %parallel_loop3A_794 = arith.mulf %parallel_loop3A_793, %parallel_loop3A_792 : vector<16xf32>
          %parallel_loop3A_795 = arith.constant 0 : i32
          %parallel_loop3A_796 = arith.constant 3 : i32
          %parallel_loop3A_797 = arith.constant 7 : i32
          %parallel_loop3A_798 = arith.index_cast %rem3A_300 : i32 to index
          %parallel_loop3A_799 = arith.index_cast %parallel_loop3A_795 : i32 to index
          %parallel_loop3A_800 = arith.index_cast %parallel_loop3A_796 : i32 to index
          %parallel_loop3A_801 = arith.index_cast %parallel_loop3A_797 : i32 to index
          %parallel_loop3A_802 = arith.index_cast %parallel_loop3A_710 : i32 to index
          %parallel_loop3A_803 = tpu.vector_load %arg6[%parallel_loop3A_798, %parallel_loop3A_799, %parallel_loop3A_800, %parallel_loop3A_801, %parallel_loop3A_802] {strides = array<i32>} : memref<2x2x4x16x256xf32, #tpu.memory_space<vmem>>, vector<1x1x1x1x16xf32>,
          %parallel_loop3A_804 = vector.shape_cast %parallel_loop3A_803 : vector<1x1x1x1x16xf32> to vector<16xf32>
          %parallel_loop3A_805 = vector.broadcast %mul3A_583 : f32 to vector<16xf32>
          %parallel_loop3A_806 = arith.mulf %parallel_loop3A_805, %parallel_loop3A_804 : vector<16xf32>
          %parallel_loop3A_807 = arith.constant 1 : i32
          %parallel_loop3A_808 = arith.constant 0 : i32
          %parallel_loop3A_809 = arith.constant 6 : i32
          %parallel_loop3A_810 = arith.index_cast %rem3A_300 : i32 to index
          %parallel_loop3A_811 = arith.index_cast %parallel_loop3A_807 : i32 to index
          %parallel_loop3A_812 = arith.index_cast %parallel_loop3A_808 : i32 to index
          %parallel_loop3A_813 = arith.index_cast %parallel_loop3A_809 : i32 to index
          %parallel_loop3A_814 = arith.index_cast %parallel_loop3A_710 : i32 to index
          %parallel_loop3A_815 = tpu.vector_load %arg6[%parallel_loop3A_810, %parallel_loop3A_811, %parallel_loop3A_812, %parallel_loop3A_813, %parallel_loop3A_814] {strides = array<i32>} : memref<2x2x4x16x256xf32, #tpu.memory_space<vmem>>, vector<1x1x1x1x16xf32>,
          %parallel_loop3A_816 = vector.shape_cast %parallel_loop3A_815 : vector<1x1x1x1x16xf32> to vector<16xf32>
          %parallel_loop3A_817 = vector.broadcast %mul3A_588 : f32 to vector<16xf32>
          %parallel_loop3A_818 = arith.mulf %parallel_loop3A_817, %parallel_loop3A_816 : vector<16xf32>
          %parallel_loop3A_819 = arith.constant 1 : i32
          %parallel_loop3A_820 = arith.constant 1 : i32
          %parallel_loop3A_821 = arith.constant 6 : i32
          %parallel_loop3A_822 = arith.index_cast %rem3A_300 : i32 to index
          %parallel_loop3A_823 = arith.index_cast %parallel_loop3A_819 : i32 to index
          %parallel_loop3A_824 = arith.index_cast %parallel_loop3A_820 : i32 to index
          %parallel_loop3A_825 = arith.index_cast %parallel_loop3A_821 : i32 to index
          %parallel_loop3A_826 = arith.index_cast %parallel_loop3A_710 : i32 to index
          %parallel_loop3A_827 = tpu.vector_load %arg6[%parallel_loop3A_822, %parallel_loop3A_823, %parallel_loop3A_824, %parallel_loop3A_825, %parallel_loop3A_826] {strides = array<i32>} : memref<2x2x4x16x256xf32, #tpu.memory_space<vmem>>, vector<1x1x1x1x16xf32>,
          %parallel_loop3A_828 = vector.shape_cast %parallel_loop3A_827 : vector<1x1x1x1x16xf32> to vector<16xf32>
          %parallel_loop3A_829 = vector.broadcast %mul3A_589 : f32 to vector<16xf32>
          %parallel_loop3A_830 = arith.mulf %parallel_loop3A_829, %parallel_loop3A_828 : vector<16xf32>
          %parallel_loop3A_831 = arith.constant 1 : i32
          %parallel_loop3A_832 = arith.constant 2 : i32
          %parallel_loop3A_833 = arith.constant 6 : i32
          %parallel_loop3A_834 = arith.index_cast %rem3A_300 : i32 to index
          %parallel_loop3A_835 = arith.index_cast %parallel_loop3A_831 : i32 to index
          %parallel_loop3A_836 = arith.index_cast %parallel_loop3A_832 : i32 to index
          %parallel_loop3A_837 = arith.index_cast %parallel_loop3A_833 : i32 to index
          %parallel_loop3A_838 = arith.index_cast %parallel_loop3A_710 : i32 to index
          %parallel_loop3A_839 = tpu.vector_load %arg6[%parallel_loop3A_834, %parallel_loop3A_835, %parallel_loop3A_836, %parallel_loop3A_837, %parallel_loop3A_838] {strides = array<i32>} : memref<2x2x4x16x256xf32, #tpu.memory_space<vmem>>, vector<1x1x1x1x16xf32>,
          %parallel_loop3A_840 = vector.shape_cast %parallel_loop3A_839 : vector<1x1x1x1x16xf32> to vector<16xf32>
          %parallel_loop3A_841 = vector.broadcast %mul3A_590 : f32 to vector<16xf32>
          %parallel_loop3A_842 = arith.mulf %parallel_loop3A_841, %parallel_loop3A_840 : vector<16xf32>
          %parallel_loop3A_843 = arith.constant 1 : i32
          %parallel_loop3A_844 = arith.constant 3 : i32
          %parallel_loop3A_845 = arith.constant 6 : i32
          %parallel_loop3A_846 = arith.index_cast %rem3A_300 : i32 to index
          %parallel_loop3A_847 = arith.index_cast %parallel_loop3A_843 : i32 to index
          %parallel_loop3A_848 = arith.index_cast %parallel_loop3A_844 : i32 to index
          %parallel_loop3A_849 = arith.index_cast %parallel_loop3A_845 : i32 to index
          %parallel_loop3A_850 = arith.index_cast %parallel_loop3A_710 : i32 to index
          %parallel_loop3A_851 = tpu.vector_load %arg6[%parallel_loop3A_846, %parallel_loop3A_847, %parallel_loop3A_848, %parallel_loop3A_849, %parallel_loop3A_850] {strides = array<i32>} : memref<2x2x4x16x256xf32, #tpu.memory_space<vmem>>, vector<1x1x1x1x16xf32>,
          %parallel_loop3A_852 = vector.shape_cast %parallel_loop3A_851 : vector<1x1x1x1x16xf32> to vector<16xf32>
          %parallel_loop3A_853 = vector.broadcast %mul3A_591 : f32 to vector<16xf32>
          %parallel_loop3A_854 = arith.mulf %parallel_loop3A_853, %parallel_loop3A_852 : vector<16xf32>
          %parallel_loop3A_855 = arith.constant 1 : i32
          %parallel_loop3A_856 = arith.constant 0 : i32
          %parallel_loop3A_857 = arith.constant 7 : i32
          %parallel_loop3A_858 = arith.index_cast %rem3A_300 : i32 to index
          %parallel_loop3A_859 = arith.index_cast %parallel_loop3A_855 : i32 to index
          %parallel_loop3A_860 = arith.index_cast %parallel_loop3A_856 : i32 to index
          %parallel_loop3A_861 = arith.index_cast %parallel_loop3A_857 : i32 to index
          %parallel_loop3A_862 = arith.index_cast %parallel_loop3A_710 : i32 to index
          %parallel_loop3A_863 = tpu.vector_load %arg6[%parallel_loop3A_858, %parallel_loop3A_859, %parallel_loop3A_860, %parallel_loop3A_861, %parallel_loop3A_862] {strides = array<i32>} : memref<2x2x4x16x256xf32, #tpu.memory_space<vmem>>, vector<1x1x1x1x16xf32>,
          %parallel_loop3A_864 = vector.shape_cast %parallel_loop3A_863 : vector<1x1x1x1x16xf32> to vector<16xf32>
          %parallel_loop3A_865 = vector.broadcast %mul3A_596 : f32 to vector<16xf32>
          %parallel_loop3A_866 = arith.mulf %parallel_loop3A_865, %parallel_loop3A_864 : vector<16xf32>
          %parallel_loop3A_867 = arith.constant 1 : i32
          %parallel_loop3A_868 = arith.constant 1 : i32
          %parallel_loop3A_869 = arith.constant 7 : i32
          %parallel_loop3A_870 = arith.index_cast %rem3A_300 : i32 to index
          %parallel_loop3A_871 = arith.index_cast %parallel_loop3A_867 : i32 to index
          %parallel_loop3A_872 = arith.index_cast %parallel_loop3A_868 : i32 to index
          %parallel_loop3A_873 = arith.index_cast %parallel_loop3A_869 : i32 to index
          %parallel_loop3A_874 = arith.index_cast %parallel_loop3A_710 : i32 to index
          %parallel_loop3A_875 = tpu.vector_load %arg6[%parallel_loop3A_870, %parallel_loop3A_871, %parallel_loop3A_872, %parallel_loop3A_873, %parallel_loop3A_874] {strides = array<i32>} : memref<2x2x4x16x256xf32, #tpu.memory_space<vmem>>, vector<1x1x1x1x16xf32>,
          %parallel_loop3A_876 = vector.shape_cast %parallel_loop3A_875 : vector<1x1x1x1x16xf32> to vector<16xf32>
          %parallel_loop3A_877 = vector.broadcast %mul3A_597 : f32 to vector<16xf32>
          %parallel_loop3A_878 = arith.mulf %parallel_loop3A_877, %parallel_loop3A_876 : vector<16xf32>
          %parallel_loop3A_879 = arith.constant 1 : i32
          %parallel_loop3A_880 = arith.constant 2 : i32
          %parallel_loop3A_881 = arith.constant 7 : i32
          %parallel_loop3A_882 = arith.index_cast %rem3A_300 : i32 to index
          %parallel_loop3A_883 = arith.index_cast %parallel_loop3A_879 : i32 to index
          %parallel_loop3A_884 = arith.index_cast %parallel_loop3A_880 : i32 to index
          %parallel_loop3A_885 = arith.index_cast %parallel_loop3A_881 : i32 to index
          %parallel_loop3A_886 = arith.index_cast %parallel_loop3A_710 : i32 to index
          %parallel_loop3A_887 = tpu.vector_load %arg6[%parallel_loop3A_882, %parallel_loop3A_883, %parallel_loop3A_884, %parallel_loop3A_885, %parallel_loop3A_886] {strides = array<i32>} : memref<2x2x4x16x256xf32, #tpu.memory_space<vmem>>, vector<1x1x1x1x16xf32>,
          %parallel_loop3A_888 = vector.shape_cast %parallel_loop3A_887 : vector<1x1x1x1x16xf32> to vector<16xf32>
          %parallel_loop3A_889 = vector.broadcast %mul3A_598 : f32 to vector<16xf32>
          %parallel_loop3A_890 = arith.mulf %parallel_loop3A_889, %parallel_loop3A_888 : vector<16xf32>
          %parallel_loop3A_891 = arith.constant 1 : i32
          %parallel_loop3A_892 = arith.constant 3 : i32
          %parallel_loop3A_893 = arith.constant 7 : i32
          %parallel_loop3A_894 = arith.index_cast %rem3A_300 : i32 to index
          %parallel_loop3A_895 = arith.index_cast %parallel_loop3A_891 : i32 to index
          %parallel_loop3A_896 = arith.index_cast %parallel_loop3A_892 : i32 to index
          %parallel_loop3A_897 = arith.index_cast %parallel_loop3A_893 : i32 to index
          %parallel_loop3A_898 = arith.index_cast %parallel_loop3A_710 : i32 to index
          %parallel_loop3A_899 = tpu.vector_load %arg6[%parallel_loop3A_894, %parallel_loop3A_895, %parallel_loop3A_896, %parallel_loop3A_897, %parallel_loop3A_898] {strides = array<i32>} : memref<2x2x4x16x256xf32, #tpu.memory_space<vmem>>, vector<1x1x1x1x16xf32>,
          %parallel_loop3A_900 = vector.shape_cast %parallel_loop3A_899 : vector<1x1x1x1x16xf32> to vector<16xf32>
          %parallel_loop3A_901 = vector.broadcast %mul3A_599 : f32 to vector<16xf32>
          %parallel_loop3A_902 = arith.mulf %parallel_loop3A_901, %parallel_loop3A_900 : vector<16xf32>
          %parallel_loop3A_903 = arith.addf %parallel_loop3A_722, %parallel_loop3A_734 : vector<16xf32>
          %parallel_loop3A_904 = arith.addf %parallel_loop3A_746, %parallel_loop3A_758 : vector<16xf32>
          %parallel_loop3A_905 = arith.addf %parallel_loop3A_770, %parallel_loop3A_782 : vector<16xf32>
          %parallel_loop3A_906 = arith.addf %parallel_loop3A_794, %parallel_loop3A_806 : vector<16xf32>
          %parallel_loop3A_907 = arith.addf %parallel_loop3A_818, %parallel_loop3A_830 : vector<16xf32>
          %parallel_loop3A_908 = arith.addf %parallel_loop3A_842, %parallel_loop3A_854 : vector<16xf32>
          %parallel_loop3A_909 = arith.addf %parallel_loop3A_866, %parallel_loop3A_878 : vector<16xf32>
          %parallel_loop3A_910 = arith.addf %parallel_loop3A_890, %parallel_loop3A_902 : vector<16xf32>
          %parallel_loop3A_911 = arith.addf %parallel_loop3A_903, %parallel_loop3A_904 : vector<16xf32>
          %parallel_loop3A_912 = arith.addf %parallel_loop3A_905, %parallel_loop3A_906 : vector<16xf32>
          %parallel_loop3A_913 = arith.addf %parallel_loop3A_907, %parallel_loop3A_908 : vector<16xf32>
          %parallel_loop3A_914 = arith.addf %parallel_loop3A_909, %parallel_loop3A_910 : vector<16xf32>
          %parallel_loop3A_915 = arith.addf %parallel_loop3A_911, %parallel_loop3A_912 : vector<16xf32>
          %parallel_loop3A_916 = arith.addf %parallel_loop3A_913, %parallel_loop3A_914 : vector<16xf32>
          %parallel_loop3A_917 = arith.addf %parallel_loop3A_915, %parallel_loop3A_916 : vector<16xf32>
          %parallel_loop3A_918 = arith.constant 3 : i32
          %parallel_loop3A_919 = arith.addi %mul3A_463, %parallel_loop3A_918 : i32
          %parallel_loop3A_920 = arith.index_cast %parallel_loop3A_919 : i32 to index
          %parallel_loop3A_921 = arith.index_cast %parallel_loop3A_710 : i32 to index
          %parallel_loop3A_922 = tpu.vector_load %arg7[%parallel_loop3A_920, %parallel_loop3A_921] {strides = array<i32>} : memref<49x256xf32, #tpu.memory_space<vmem>>, vector<1x16xf32>,
          %parallel_loop3A_923 = vector.shape_cast %parallel_loop3A_922 : vector<1x16xf32> to vector<16xf32>
          %parallel_loop3A_924 = vector.shape_cast %parallel_loop3A_917 : vector<16xf32> to vector<1x16xf32>
          tpu.vector_store %arg7[%parallel_loop3A_920, %parallel_loop3A_921], %parallel_loop3A_924 {strides = array<i32>} : memref<49x256xf32, #tpu.memory_space<vmem>>, vector<1x16xf32>,
        } {sc.loop_unroll_factor = 8 : i64, sc.parallel_access}
        %slice3A_603 = vector.extract_strided_slice %mul3A_85 {offsets = [8], sizes = [1], strides = [1]} : vector<16xf32> to vector<1xf32>
        %squeeze3A_604 = vector.extract %slice3A_603[0] : f32 from vector<1xf32>
        %slice3A_605 = vector.extract_strided_slice %mul3A_86 {offsets = [8], sizes = [1], strides = [1]} : vector<16xf32> to vector<1xf32>
        %squeeze3A_606 = vector.extract %slice3A_605[0] : f32 from vector<1xf32>
        %mul3A_607 = arith.mulf %scan3A_296, %squeeze3A_604 : f32
        %mul3A_608 = arith.mulf %scan3A_296, %squeeze3A_606 : f32
        %mul3A_609 = arith.mulf %scan3A_297, %squeeze3A_604 : f32
        %mul3A_610 = arith.mulf %scan3A_297, %squeeze3A_606 : f32
        %slice3A_611 = vector.extract_strided_slice %mul3A_85 {offsets = [9], sizes = [1], strides = [1]} : vector<16xf32> to vector<1xf32>
        %squeeze3A_612 = vector.extract %slice3A_611[0] : f32 from vector<1xf32>
        %slice3A_613 = vector.extract_strided_slice %mul3A_86 {offsets = [9], sizes = [1], strides = [1]} : vector<16xf32> to vector<1xf32>
        %squeeze3A_614 = vector.extract %slice3A_613[0] : f32 from vector<1xf32>
        %mul3A_615 = arith.mulf %scan3A_296, %squeeze3A_612 : f32
        %mul3A_616 = arith.mulf %scan3A_296, %squeeze3A_614 : f32
        %mul3A_617 = arith.mulf %scan3A_297, %squeeze3A_612 : f32
        %mul3A_618 = arith.mulf %scan3A_297, %squeeze3A_614 : f32
        %slice3A_619 = vector.extract_strided_slice %mul3A_85 {offsets = [8], sizes = [1], strides = [1]} : vector<16xf32> to vector<1xf32>
        %squeeze3A_620 = vector.extract %slice3A_619[0] : f32 from vector<1xf32>
        %slice3A_621 = vector.extract_strided_slice %mul3A_86 {offsets = [8], sizes = [1], strides = [1]} : vector<16xf32> to vector<1xf32>
        %squeeze3A_622 = vector.extract %slice3A_621[0] : f32 from vector<1xf32>
        %mul3A_623 = arith.mulf %scan3A_298, %squeeze3A_620 : f32
        %mul3A_624 = arith.mulf %scan3A_298, %squeeze3A_622 : f32
        %mul3A_625 = arith.mulf %scan3A_299, %squeeze3A_620 : f32
        %mul3A_626 = arith.mulf %scan3A_299, %squeeze3A_622 : f32
        %slice3A_627 = vector.extract_strided_slice %mul3A_85 {offsets = [9], sizes = [1], strides = [1]} : vector<16xf32> to vector<1xf32>
        %squeeze3A_628 = vector.extract %slice3A_627[0] : f32 from vector<1xf32>
        %slice3A_629 = vector.extract_strided_slice %mul3A_86 {offsets = [9], sizes = [1], strides = [1]} : vector<16xf32> to vector<1xf32>
        %squeeze3A_630 = vector.extract %slice3A_629[0] : f32 from vector<1xf32>
        %mul3A_631 = arith.mulf %scan3A_298, %squeeze3A_628 : f32
        %mul3A_632 = arith.mulf %scan3A_298, %squeeze3A_630 : f32
        %mul3A_633 = arith.mulf %scan3A_299, %squeeze3A_628 : f32
        %mul3A_634 = arith.mulf %scan3A_299, %squeeze3A_630 : f32
        %parallel_loop3A_635 = arith.constant 0 : i32
        %parallel_loop3A_636 = arith.constant 16 : i32
        %parallel_loop3A_637 = arith.constant 1 : i32
        scf.for %parallel_loop3A_708 = %parallel_loop3A_635 to %parallel_loop3A_636 step %parallel_loop3A_637  : i32 {
          %parallel_loop3A_709 = arith.constant 16 : i32
          %parallel_loop3A_710 = arith.muli %parallel_loop3A_708, %parallel_loop3A_709 : i32
          %parallel_loop3A_711 = arith.constant 0 : i32
          %parallel_loop3A_712 = arith.constant 0 : i32
          %parallel_loop3A_713 = arith.constant 8 : i32
          %parallel_loop3A_714 = arith.index_cast %rem3A_300 : i32 to index
          %parallel_loop3A_715 = arith.index_cast %parallel_loop3A_711 : i32 to index
          %parallel_loop3A_716 = arith.index_cast %parallel_loop3A_712 : i32 to index
          %parallel_loop3A_717 = arith.index_cast %parallel_loop3A_713 : i32 to index
          %parallel_loop3A_718 = arith.index_cast %parallel_loop3A_710 : i32 to index
          %parallel_loop3A_719 = tpu.vector_load %arg6[%parallel_loop3A_714, %parallel_loop3A_715, %parallel_loop3A_716, %parallel_loop3A_717, %parallel_loop3A_718] {strides = array<i32>} : memref<2x2x4x16x256xf32, #tpu.memory_space<vmem>>, vector<1x1x1x1x16xf32>,
          %parallel_loop3A_720 = vector.shape_cast %parallel_loop3A_719 : vector<1x1x1x1x16xf32> to vector<16xf32>
          %parallel_loop3A_721 = vector.broadcast %mul3A_607 : f32 to vector<16xf32>
          %parallel_loop3A_722 = arith.mulf %parallel_loop3A_721, %parallel_loop3A_720 : vector<16xf32>
          %parallel_loop3A_723 = arith.constant 0 : i32
          %parallel_loop3A_724 = arith.constant 1 : i32
          %parallel_loop3A_725 = arith.constant 8 : i32
          %parallel_loop3A_726 = arith.index_cast %rem3A_300 : i32 to index
          %parallel_loop3A_727 = arith.index_cast %parallel_loop3A_723 : i32 to index
          %parallel_loop3A_728 = arith.index_cast %parallel_loop3A_724 : i32 to index
          %parallel_loop3A_729 = arith.index_cast %parallel_loop3A_725 : i32 to index
          %parallel_loop3A_730 = arith.index_cast %parallel_loop3A_710 : i32 to index
          %parallel_loop3A_731 = tpu.vector_load %arg6[%parallel_loop3A_726, %parallel_loop3A_727, %parallel_loop3A_728, %parallel_loop3A_729, %parallel_loop3A_730] {strides = array<i32>} : memref<2x2x4x16x256xf32, #tpu.memory_space<vmem>>, vector<1x1x1x1x16xf32>,
          %parallel_loop3A_732 = vector.shape_cast %parallel_loop3A_731 : vector<1x1x1x1x16xf32> to vector<16xf32>
          %parallel_loop3A_733 = vector.broadcast %mul3A_608 : f32 to vector<16xf32>
          %parallel_loop3A_734 = arith.mulf %parallel_loop3A_733, %parallel_loop3A_732 : vector<16xf32>
          %parallel_loop3A_735 = arith.constant 0 : i32
          %parallel_loop3A_736 = arith.constant 2 : i32
          %parallel_loop3A_737 = arith.constant 8 : i32
          %parallel_loop3A_738 = arith.index_cast %rem3A_300 : i32 to index
          %parallel_loop3A_739 = arith.index_cast %parallel_loop3A_735 : i32 to index
          %parallel_loop3A_740 = arith.index_cast %parallel_loop3A_736 : i32 to index
          %parallel_loop3A_741 = arith.index_cast %parallel_loop3A_737 : i32 to index
          %parallel_loop3A_742 = arith.index_cast %parallel_loop3A_710 : i32 to index
          %parallel_loop3A_743 = tpu.vector_load %arg6[%parallel_loop3A_738, %parallel_loop3A_739, %parallel_loop3A_740, %parallel_loop3A_741, %parallel_loop3A_742] {strides = array<i32>} : memref<2x2x4x16x256xf32, #tpu.memory_space<vmem>>, vector<1x1x1x1x16xf32>,
          %parallel_loop3A_744 = vector.shape_cast %parallel_loop3A_743 : vector<1x1x1x1x16xf32> to vector<16xf32>
          %parallel_loop3A_745 = vector.broadcast %mul3A_609 : f32 to vector<16xf32>
          %parallel_loop3A_746 = arith.mulf %parallel_loop3A_745, %parallel_loop3A_744 : vector<16xf32>
          %parallel_loop3A_747 = arith.constant 0 : i32
          %parallel_loop3A_748 = arith.constant 3 : i32
          %parallel_loop3A_749 = arith.constant 8 : i32
          %parallel_loop3A_750 = arith.index_cast %rem3A_300 : i32 to index
          %parallel_loop3A_751 = arith.index_cast %parallel_loop3A_747 : i32 to index
          %parallel_loop3A_752 = arith.index_cast %parallel_loop3A_748 : i32 to index
          %parallel_loop3A_753 = arith.index_cast %parallel_loop3A_749 : i32 to index
          %parallel_loop3A_754 = arith.index_cast %parallel_loop3A_710 : i32 to index
          %parallel_loop3A_755 = tpu.vector_load %arg6[%parallel_loop3A_750, %parallel_loop3A_751, %parallel_loop3A_752, %parallel_loop3A_753, %parallel_loop3A_754] {strides = array<i32>} : memref<2x2x4x16x256xf32, #tpu.memory_space<vmem>>, vector<1x1x1x1x16xf32>,
          %parallel_loop3A_756 = vector.shape_cast %parallel_loop3A_755 : vector<1x1x1x1x16xf32> to vector<16xf32>
          %parallel_loop3A_757 = vector.broadcast %mul3A_610 : f32 to vector<16xf32>
          %parallel_loop3A_758 = arith.mulf %parallel_loop3A_757, %parallel_loop3A_756 : vector<16xf32>
          %parallel_loop3A_759 = arith.constant 0 : i32
          %parallel_loop3A_760 = arith.constant 0 : i32
          %parallel_loop3A_761 = arith.constant 9 : i32
          %parallel_loop3A_762 = arith.index_cast %rem3A_300 : i32 to index
          %parallel_loop3A_763 = arith.index_cast %parallel_loop3A_759 : i32 to index
          %parallel_loop3A_764 = arith.index_cast %parallel_loop3A_760 : i32 to index
          %parallel_loop3A_765 = arith.index_cast %parallel_loop3A_761 : i32 to index
          %parallel_loop3A_766 = arith.index_cast %parallel_loop3A_710 : i32 to index
          %parallel_loop3A_767 = tpu.vector_load %arg6[%parallel_loop3A_762, %parallel_loop3A_763, %parallel_loop3A_764, %parallel_loop3A_765, %parallel_loop3A_766] {strides = array<i32>} : memref<2x2x4x16x256xf32, #tpu.memory_space<vmem>>, vector<1x1x1x1x16xf32>,
          %parallel_loop3A_768 = vector.shape_cast %parallel_loop3A_767 : vector<1x1x1x1x16xf32> to vector<16xf32>
          %parallel_loop3A_769 = vector.broadcast %mul3A_615 : f32 to vector<16xf32>
          %parallel_loop3A_770 = arith.mulf %parallel_loop3A_769, %parallel_loop3A_768 : vector<16xf32>
          %parallel_loop3A_771 = arith.constant 0 : i32
          %parallel_loop3A_772 = arith.constant 1 : i32
          %parallel_loop3A_773 = arith.constant 9 : i32
          %parallel_loop3A_774 = arith.index_cast %rem3A_300 : i32 to index
          %parallel_loop3A_775 = arith.index_cast %parallel_loop3A_771 : i32 to index
          %parallel_loop3A_776 = arith.index_cast %parallel_loop3A_772 : i32 to index
          %parallel_loop3A_777 = arith.index_cast %parallel_loop3A_773 : i32 to index
          %parallel_loop3A_778 = arith.index_cast %parallel_loop3A_710 : i32 to index
          %parallel_loop3A_779 = tpu.vector_load %arg6[%parallel_loop3A_774, %parallel_loop3A_775, %parallel_loop3A_776, %parallel_loop3A_777, %parallel_loop3A_778] {strides = array<i32>} : memref<2x2x4x16x256xf32, #tpu.memory_space<vmem>>, vector<1x1x1x1x16xf32>,
          %parallel_loop3A_780 = vector.shape_cast %parallel_loop3A_779 : vector<1x1x1x1x16xf32> to vector<16xf32>
          %parallel_loop3A_781 = vector.broadcast %mul3A_616 : f32 to vector<16xf32>
          %parallel_loop3A_782 = arith.mulf %parallel_loop3A_781, %parallel_loop3A_780 : vector<16xf32>
          %parallel_loop3A_783 = arith.constant 0 : i32
          %parallel_loop3A_784 = arith.constant 2 : i32
          %parallel_loop3A_785 = arith.constant 9 : i32
          %parallel_loop3A_786 = arith.index_cast %rem3A_300 : i32 to index
          %parallel_loop3A_787 = arith.index_cast %parallel_loop3A_783 : i32 to index
          %parallel_loop3A_788 = arith.index_cast %parallel_loop3A_784 : i32 to index
          %parallel_loop3A_789 = arith.index_cast %parallel_loop3A_785 : i32 to index
          %parallel_loop3A_790 = arith.index_cast %parallel_loop3A_710 : i32 to index
          %parallel_loop3A_791 = tpu.vector_load %arg6[%parallel_loop3A_786, %parallel_loop3A_787, %parallel_loop3A_788, %parallel_loop3A_789, %parallel_loop3A_790] {strides = array<i32>} : memref<2x2x4x16x256xf32, #tpu.memory_space<vmem>>, vector<1x1x1x1x16xf32>,
          %parallel_loop3A_792 = vector.shape_cast %parallel_loop3A_791 : vector<1x1x1x1x16xf32> to vector<16xf32>
          %parallel_loop3A_793 = vector.broadcast %mul3A_617 : f32 to vector<16xf32>
          %parallel_loop3A_794 = arith.mulf %parallel_loop3A_793, %parallel_loop3A_792 : vector<16xf32>
          %parallel_loop3A_795 = arith.constant 0 : i32
          %parallel_loop3A_796 = arith.constant 3 : i32
          %parallel_loop3A_797 = arith.constant 9 : i32
          %parallel_loop3A_798 = arith.index_cast %rem3A_300 : i32 to index
          %parallel_loop3A_799 = arith.index_cast %parallel_loop3A_795 : i32 to index
          %parallel_loop3A_800 = arith.index_cast %parallel_loop3A_796 : i32 to index
          %parallel_loop3A_801 = arith.index_cast %parallel_loop3A_797 : i32 to index
          %parallel_loop3A_802 = arith.index_cast %parallel_loop3A_710 : i32 to index
          %parallel_loop3A_803 = tpu.vector_load %arg6[%parallel_loop3A_798, %parallel_loop3A_799, %parallel_loop3A_800, %parallel_loop3A_801, %parallel_loop3A_802] {strides = array<i32>} : memref<2x2x4x16x256xf32, #tpu.memory_space<vmem>>, vector<1x1x1x1x16xf32>,
          %parallel_loop3A_804 = vector.shape_cast %parallel_loop3A_803 : vector<1x1x1x1x16xf32> to vector<16xf32>
          %parallel_loop3A_805 = vector.broadcast %mul3A_618 : f32 to vector<16xf32>
          %parallel_loop3A_806 = arith.mulf %parallel_loop3A_805, %parallel_loop3A_804 : vector<16xf32>
          %parallel_loop3A_807 = arith.constant 1 : i32
          %parallel_loop3A_808 = arith.constant 0 : i32
          %parallel_loop3A_809 = arith.constant 8 : i32
          %parallel_loop3A_810 = arith.index_cast %rem3A_300 : i32 to index
          %parallel_loop3A_811 = arith.index_cast %parallel_loop3A_807 : i32 to index
          %parallel_loop3A_812 = arith.index_cast %parallel_loop3A_808 : i32 to index
          %parallel_loop3A_813 = arith.index_cast %parallel_loop3A_809 : i32 to index
          %parallel_loop3A_814 = arith.index_cast %parallel_loop3A_710 : i32 to index
          %parallel_loop3A_815 = tpu.vector_load %arg6[%parallel_loop3A_810, %parallel_loop3A_811, %parallel_loop3A_812, %parallel_loop3A_813, %parallel_loop3A_814] {strides = array<i32>} : memref<2x2x4x16x256xf32, #tpu.memory_space<vmem>>, vector<1x1x1x1x16xf32>,
          %parallel_loop3A_816 = vector.shape_cast %parallel_loop3A_815 : vector<1x1x1x1x16xf32> to vector<16xf32>
          %parallel_loop3A_817 = vector.broadcast %mul3A_623 : f32 to vector<16xf32>
          %parallel_loop3A_818 = arith.mulf %parallel_loop3A_817, %parallel_loop3A_816 : vector<16xf32>
          %parallel_loop3A_819 = arith.constant 1 : i32
          %parallel_loop3A_820 = arith.constant 1 : i32
          %parallel_loop3A_821 = arith.constant 8 : i32
          %parallel_loop3A_822 = arith.index_cast %rem3A_300 : i32 to index
          %parallel_loop3A_823 = arith.index_cast %parallel_loop3A_819 : i32 to index
          %parallel_loop3A_824 = arith.index_cast %parallel_loop3A_820 : i32 to index
          %parallel_loop3A_825 = arith.index_cast %parallel_loop3A_821 : i32 to index
          %parallel_loop3A_826 = arith.index_cast %parallel_loop3A_710 : i32 to index
          %parallel_loop3A_827 = tpu.vector_load %arg6[%parallel_loop3A_822, %parallel_loop3A_823, %parallel_loop3A_824, %parallel_loop3A_825, %parallel_loop3A_826] {strides = array<i32>} : memref<2x2x4x16x256xf32, #tpu.memory_space<vmem>>, vector<1x1x1x1x16xf32>,
          %parallel_loop3A_828 = vector.shape_cast %parallel_loop3A_827 : vector<1x1x1x1x16xf32> to vector<16xf32>
          %parallel_loop3A_829 = vector.broadcast %mul3A_624 : f32 to vector<16xf32>
          %parallel_loop3A_830 = arith.mulf %parallel_loop3A_829, %parallel_loop3A_828 : vector<16xf32>
          %parallel_loop3A_831 = arith.constant 1 : i32
          %parallel_loop3A_832 = arith.constant 2 : i32
          %parallel_loop3A_833 = arith.constant 8 : i32
          %parallel_loop3A_834 = arith.index_cast %rem3A_300 : i32 to index
          %parallel_loop3A_835 = arith.index_cast %parallel_loop3A_831 : i32 to index
          %parallel_loop3A_836 = arith.index_cast %parallel_loop3A_832 : i32 to index
          %parallel_loop3A_837 = arith.index_cast %parallel_loop3A_833 : i32 to index
          %parallel_loop3A_838 = arith.index_cast %parallel_loop3A_710 : i32 to index
          %parallel_loop3A_839 = tpu.vector_load %arg6[%parallel_loop3A_834, %parallel_loop3A_835, %parallel_loop3A_836, %parallel_loop3A_837, %parallel_loop3A_838] {strides = array<i32>} : memref<2x2x4x16x256xf32, #tpu.memory_space<vmem>>, vector<1x1x1x1x16xf32>,
          %parallel_loop3A_840 = vector.shape_cast %parallel_loop3A_839 : vector<1x1x1x1x16xf32> to vector<16xf32>
          %parallel_loop3A_841 = vector.broadcast %mul3A_625 : f32 to vector<16xf32>
          %parallel_loop3A_842 = arith.mulf %parallel_loop3A_841, %parallel_loop3A_840 : vector<16xf32>
          %parallel_loop3A_843 = arith.constant 1 : i32
          %parallel_loop3A_844 = arith.constant 3 : i32
          %parallel_loop3A_845 = arith.constant 8 : i32
          %parallel_loop3A_846 = arith.index_cast %rem3A_300 : i32 to index
          %parallel_loop3A_847 = arith.index_cast %parallel_loop3A_843 : i32 to index
          %parallel_loop3A_848 = arith.index_cast %parallel_loop3A_844 : i32 to index
          %parallel_loop3A_849 = arith.index_cast %parallel_loop3A_845 : i32 to index
          %parallel_loop3A_850 = arith.index_cast %parallel_loop3A_710 : i32 to index
          %parallel_loop3A_851 = tpu.vector_load %arg6[%parallel_loop3A_846, %parallel_loop3A_847, %parallel_loop3A_848, %parallel_loop3A_849, %parallel_loop3A_850] {strides = array<i32>} : memref<2x2x4x16x256xf32, #tpu.memory_space<vmem>>, vector<1x1x1x1x16xf32>,
          %parallel_loop3A_852 = vector.shape_cast %parallel_loop3A_851 : vector<1x1x1x1x16xf32> to vector<16xf32>
          %parallel_loop3A_853 = vector.broadcast %mul3A_626 : f32 to vector<16xf32>
          %parallel_loop3A_854 = arith.mulf %parallel_loop3A_853, %parallel_loop3A_852 : vector<16xf32>
          %parallel_loop3A_855 = arith.constant 1 : i32
          %parallel_loop3A_856 = arith.constant 0 : i32
          %parallel_loop3A_857 = arith.constant 9 : i32
          %parallel_loop3A_858 = arith.index_cast %rem3A_300 : i32 to index
          %parallel_loop3A_859 = arith.index_cast %parallel_loop3A_855 : i32 to index
          %parallel_loop3A_860 = arith.index_cast %parallel_loop3A_856 : i32 to index
          %parallel_loop3A_861 = arith.index_cast %parallel_loop3A_857 : i32 to index
          %parallel_loop3A_862 = arith.index_cast %parallel_loop3A_710 : i32 to index
          %parallel_loop3A_863 = tpu.vector_load %arg6[%parallel_loop3A_858, %parallel_loop3A_859, %parallel_loop3A_860, %parallel_loop3A_861, %parallel_loop3A_862] {strides = array<i32>} : memref<2x2x4x16x256xf32, #tpu.memory_space<vmem>>, vector<1x1x1x1x16xf32>,
          %parallel_loop3A_864 = vector.shape_cast %parallel_loop3A_863 : vector<1x1x1x1x16xf32> to vector<16xf32>
          %parallel_loop3A_865 = vector.broadcast %mul3A_631 : f32 to vector<16xf32>
          %parallel_loop3A_866 = arith.mulf %parallel_loop3A_865, %parallel_loop3A_864 : vector<16xf32>
          %parallel_loop3A_867 = arith.constant 1 : i32
          %parallel_loop3A_868 = arith.constant 1 : i32
          %parallel_loop3A_869 = arith.constant 9 : i32
          %parallel_loop3A_870 = arith.index_cast %rem3A_300 : i32 to index
          %parallel_loop3A_871 = arith.index_cast %parallel_loop3A_867 : i32 to index
          %parallel_loop3A_872 = arith.index_cast %parallel_loop3A_868 : i32 to index
          %parallel_loop3A_873 = arith.index_cast %parallel_loop3A_869 : i32 to index
          %parallel_loop3A_874 = arith.index_cast %parallel_loop3A_710 : i32 to index
          %parallel_loop3A_875 = tpu.vector_load %arg6[%parallel_loop3A_870, %parallel_loop3A_871, %parallel_loop3A_872, %parallel_loop3A_873, %parallel_loop3A_874] {strides = array<i32>} : memref<2x2x4x16x256xf32, #tpu.memory_space<vmem>>, vector<1x1x1x1x16xf32>,
          %parallel_loop3A_876 = vector.shape_cast %parallel_loop3A_875 : vector<1x1x1x1x16xf32> to vector<16xf32>
          %parallel_loop3A_877 = vector.broadcast %mul3A_632 : f32 to vector<16xf32>
          %parallel_loop3A_878 = arith.mulf %parallel_loop3A_877, %parallel_loop3A_876 : vector<16xf32>
          %parallel_loop3A_879 = arith.constant 1 : i32
          %parallel_loop3A_880 = arith.constant 2 : i32
          %parallel_loop3A_881 = arith.constant 9 : i32
          %parallel_loop3A_882 = arith.index_cast %rem3A_300 : i32 to index
          %parallel_loop3A_883 = arith.index_cast %parallel_loop3A_879 : i32 to index
          %parallel_loop3A_884 = arith.index_cast %parallel_loop3A_880 : i32 to index
          %parallel_loop3A_885 = arith.index_cast %parallel_loop3A_881 : i32 to index
          %parallel_loop3A_886 = arith.index_cast %parallel_loop3A_710 : i32 to index
          %parallel_loop3A_887 = tpu.vector_load %arg6[%parallel_loop3A_882, %parallel_loop3A_883, %parallel_loop3A_884, %parallel_loop3A_885, %parallel_loop3A_886] {strides = array<i32>} : memref<2x2x4x16x256xf32, #tpu.memory_space<vmem>>, vector<1x1x1x1x16xf32>,
          %parallel_loop3A_888 = vector.shape_cast %parallel_loop3A_887 : vector<1x1x1x1x16xf32> to vector<16xf32>
          %parallel_loop3A_889 = vector.broadcast %mul3A_633 : f32 to vector<16xf32>
          %parallel_loop3A_890 = arith.mulf %parallel_loop3A_889, %parallel_loop3A_888 : vector<16xf32>
          %parallel_loop3A_891 = arith.constant 1 : i32
          %parallel_loop3A_892 = arith.constant 3 : i32
          %parallel_loop3A_893 = arith.constant 9 : i32
          %parallel_loop3A_894 = arith.index_cast %rem3A_300 : i32 to index
          %parallel_loop3A_895 = arith.index_cast %parallel_loop3A_891 : i32 to index
          %parallel_loop3A_896 = arith.index_cast %parallel_loop3A_892 : i32 to index
          %parallel_loop3A_897 = arith.index_cast %parallel_loop3A_893 : i32 to index
          %parallel_loop3A_898 = arith.index_cast %parallel_loop3A_710 : i32 to index
          %parallel_loop3A_899 = tpu.vector_load %arg6[%parallel_loop3A_894, %parallel_loop3A_895, %parallel_loop3A_896, %parallel_loop3A_897, %parallel_loop3A_898] {strides = array<i32>} : memref<2x2x4x16x256xf32, #tpu.memory_space<vmem>>, vector<1x1x1x1x16xf32>,
          %parallel_loop3A_900 = vector.shape_cast %parallel_loop3A_899 : vector<1x1x1x1x16xf32> to vector<16xf32>
          %parallel_loop3A_901 = vector.broadcast %mul3A_634 : f32 to vector<16xf32>
          %parallel_loop3A_902 = arith.mulf %parallel_loop3A_901, %parallel_loop3A_900 : vector<16xf32>
          %parallel_loop3A_903 = arith.addf %parallel_loop3A_722, %parallel_loop3A_734 : vector<16xf32>
          %parallel_loop3A_904 = arith.addf %parallel_loop3A_746, %parallel_loop3A_758 : vector<16xf32>
          %parallel_loop3A_905 = arith.addf %parallel_loop3A_770, %parallel_loop3A_782 : vector<16xf32>
          %parallel_loop3A_906 = arith.addf %parallel_loop3A_794, %parallel_loop3A_806 : vector<16xf32>
          %parallel_loop3A_907 = arith.addf %parallel_loop3A_818, %parallel_loop3A_830 : vector<16xf32>
          %parallel_loop3A_908 = arith.addf %parallel_loop3A_842, %parallel_loop3A_854 : vector<16xf32>
          %parallel_loop3A_909 = arith.addf %parallel_loop3A_866, %parallel_loop3A_878 : vector<16xf32>
          %parallel_loop3A_910 = arith.addf %parallel_loop3A_890, %parallel_loop3A_902 : vector<16xf32>
          %parallel_loop3A_911 = arith.addf %parallel_loop3A_903, %parallel_loop3A_904 : vector<16xf32>
          %parallel_loop3A_912 = arith.addf %parallel_loop3A_905, %parallel_loop3A_906 : vector<16xf32>
          %parallel_loop3A_913 = arith.addf %parallel_loop3A_907, %parallel_loop3A_908 : vector<16xf32>
          %parallel_loop3A_914 = arith.addf %parallel_loop3A_909, %parallel_loop3A_910 : vector<16xf32>
          %parallel_loop3A_915 = arith.addf %parallel_loop3A_911, %parallel_loop3A_912 : vector<16xf32>
          %parallel_loop3A_916 = arith.addf %parallel_loop3A_913, %parallel_loop3A_914 : vector<16xf32>
          %parallel_loop3A_917 = arith.addf %parallel_loop3A_915, %parallel_loop3A_916 : vector<16xf32>
          %parallel_loop3A_918 = arith.constant 4 : i32
          %parallel_loop3A_919 = arith.addi %mul3A_463, %parallel_loop3A_918 : i32
          %parallel_loop3A_920 = arith.index_cast %parallel_loop3A_919 : i32 to index
          %parallel_loop3A_921 = arith.index_cast %parallel_loop3A_710 : i32 to index
          %parallel_loop3A_922 = tpu.vector_load %arg7[%parallel_loop3A_920, %parallel_loop3A_921] {strides = array<i32>} : memref<49x256xf32, #tpu.memory_space<vmem>>, vector<1x16xf32>,
          %parallel_loop3A_923 = vector.shape_cast %parallel_loop3A_922 : vector<1x16xf32> to vector<16xf32>
          %parallel_loop3A_924 = vector.shape_cast %parallel_loop3A_917 : vector<16xf32> to vector<1x16xf32>
          tpu.vector_store %arg7[%parallel_loop3A_920, %parallel_loop3A_921], %parallel_loop3A_924 {strides = array<i32>} : memref<49x256xf32, #tpu.memory_space<vmem>>, vector<1x16xf32>,
        } {sc.loop_unroll_factor = 8 : i64, sc.parallel_access}
        %slice3A_638 = vector.extract_strided_slice %mul3A_85 {offsets = [10], sizes = [1], strides = [1]} : vector<16xf32> to vector<1xf32>
        %squeeze3A_639 = vector.extract %slice3A_638[0] : f32 from vector<1xf32>
        %slice3A_640 = vector.extract_strided_slice %mul3A_86 {offsets = [10], sizes = [1], strides = [1]} : vector<16xf32> to vector<1xf32>
        %squeeze3A_641 = vector.extract %slice3A_640[0] : f32 from vector<1xf32>
        %mul3A_642 = arith.mulf %scan3A_296, %squeeze3A_639 : f32
        %mul3A_643 = arith.mulf %scan3A_296, %squeeze3A_641 : f32
        %mul3A_644 = arith.mulf %scan3A_297, %squeeze3A_639 : f32
        %mul3A_645 = arith.mulf %scan3A_297, %squeeze3A_641 : f32
        %slice3A_646 = vector.extract_strided_slice %mul3A_85 {offsets = [11], sizes = [1], strides = [1]} : vector<16xf32> to vector<1xf32>
        %squeeze3A_647 = vector.extract %slice3A_646[0] : f32 from vector<1xf32>
        %slice3A_648 = vector.extract_strided_slice %mul3A_86 {offsets = [11], sizes = [1], strides = [1]} : vector<16xf32> to vector<1xf32>
        %squeeze3A_649 = vector.extract %slice3A_648[0] : f32 from vector<1xf32>
        %mul3A_650 = arith.mulf %scan3A_296, %squeeze3A_647 : f32
        %mul3A_651 = arith.mulf %scan3A_296, %squeeze3A_649 : f32
        %mul3A_652 = arith.mulf %scan3A_297, %squeeze3A_647 : f32
        %mul3A_653 = arith.mulf %scan3A_297, %squeeze3A_649 : f32
        %slice3A_654 = vector.extract_strided_slice %mul3A_85 {offsets = [10], sizes = [1], strides = [1]} : vector<16xf32> to vector<1xf32>
        %squeeze3A_655 = vector.extract %slice3A_654[0] : f32 from vector<1xf32>
        %slice3A_656 = vector.extract_strided_slice %mul3A_86 {offsets = [10], sizes = [1], strides = [1]} : vector<16xf32> to vector<1xf32>
        %squeeze3A_657 = vector.extract %slice3A_656[0] : f32 from vector<1xf32>
        %mul3A_658 = arith.mulf %scan3A_298, %squeeze3A_655 : f32
        %mul3A_659 = arith.mulf %scan3A_298, %squeeze3A_657 : f32
        %mul3A_660 = arith.mulf %scan3A_299, %squeeze3A_655 : f32
        %mul3A_661 = arith.mulf %scan3A_299, %squeeze3A_657 : f32
        %slice3A_662 = vector.extract_strided_slice %mul3A_85 {offsets = [11], sizes = [1], strides = [1]} : vector<16xf32> to vector<1xf32>
        %squeeze3A_663 = vector.extract %slice3A_662[0] : f32 from vector<1xf32>
        %slice3A_664 = vector.extract_strided_slice %mul3A_86 {offsets = [11], sizes = [1], strides = [1]} : vector<16xf32> to vector<1xf32>
        %squeeze3A_665 = vector.extract %slice3A_664[0] : f32 from vector<1xf32>
        %mul3A_666 = arith.mulf %scan3A_298, %squeeze3A_663 : f32
        %mul3A_667 = arith.mulf %scan3A_298, %squeeze3A_665 : f32
        %mul3A_668 = arith.mulf %scan3A_299, %squeeze3A_663 : f32
        %mul3A_669 = arith.mulf %scan3A_299, %squeeze3A_665 : f32
        %parallel_loop3A_670 = arith.constant 0 : i32
        %parallel_loop3A_671 = arith.constant 16 : i32
        %parallel_loop3A_672 = arith.constant 1 : i32
        scf.for %parallel_loop3A_708 = %parallel_loop3A_670 to %parallel_loop3A_671 step %parallel_loop3A_672  : i32 {
          %parallel_loop3A_709 = arith.constant 16 : i32
          %parallel_loop3A_710 = arith.muli %parallel_loop3A_708, %parallel_loop3A_709 : i32
          %parallel_loop3A_711 = arith.constant 0 : i32
          %parallel_loop3A_712 = arith.constant 0 : i32
          %parallel_loop3A_713 = arith.constant 10 : i32
          %parallel_loop3A_714 = arith.index_cast %rem3A_300 : i32 to index
          %parallel_loop3A_715 = arith.index_cast %parallel_loop3A_711 : i32 to index
          %parallel_loop3A_716 = arith.index_cast %parallel_loop3A_712 : i32 to index
          %parallel_loop3A_717 = arith.index_cast %parallel_loop3A_713 : i32 to index
          %parallel_loop3A_718 = arith.index_cast %parallel_loop3A_710 : i32 to index
          %parallel_loop3A_719 = tpu.vector_load %arg6[%parallel_loop3A_714, %parallel_loop3A_715, %parallel_loop3A_716, %parallel_loop3A_717, %parallel_loop3A_718] {strides = array<i32>} : memref<2x2x4x16x256xf32, #tpu.memory_space<vmem>>, vector<1x1x1x1x16xf32>,
          %parallel_loop3A_720 = vector.shape_cast %parallel_loop3A_719 : vector<1x1x1x1x16xf32> to vector<16xf32>
          %parallel_loop3A_721 = vector.broadcast %mul3A_642 : f32 to vector<16xf32>
          %parallel_loop3A_722 = arith.mulf %parallel_loop3A_721, %parallel_loop3A_720 : vector<16xf32>
          %parallel_loop3A_723 = arith.constant 0 : i32
          %parallel_loop3A_724 = arith.constant 1 : i32
          %parallel_loop3A_725 = arith.constant 10 : i32
          %parallel_loop3A_726 = arith.index_cast %rem3A_300 : i32 to index
          %parallel_loop3A_727 = arith.index_cast %parallel_loop3A_723 : i32 to index
          %parallel_loop3A_728 = arith.index_cast %parallel_loop3A_724 : i32 to index
          %parallel_loop3A_729 = arith.index_cast %parallel_loop3A_725 : i32 to index
          %parallel_loop3A_730 = arith.index_cast %parallel_loop3A_710 : i32 to index
          %parallel_loop3A_731 = tpu.vector_load %arg6[%parallel_loop3A_726, %parallel_loop3A_727, %parallel_loop3A_728, %parallel_loop3A_729, %parallel_loop3A_730] {strides = array<i32>} : memref<2x2x4x16x256xf32, #tpu.memory_space<vmem>>, vector<1x1x1x1x16xf32>,
          %parallel_loop3A_732 = vector.shape_cast %parallel_loop3A_731 : vector<1x1x1x1x16xf32> to vector<16xf32>
          %parallel_loop3A_733 = vector.broadcast %mul3A_643 : f32 to vector<16xf32>
          %parallel_loop3A_734 = arith.mulf %parallel_loop3A_733, %parallel_loop3A_732 : vector<16xf32>
          %parallel_loop3A_735 = arith.constant 0 : i32
          %parallel_loop3A_736 = arith.constant 2 : i32
          %parallel_loop3A_737 = arith.constant 10 : i32
          %parallel_loop3A_738 = arith.index_cast %rem3A_300 : i32 to index
          %parallel_loop3A_739 = arith.index_cast %parallel_loop3A_735 : i32 to index
          %parallel_loop3A_740 = arith.index_cast %parallel_loop3A_736 : i32 to index
          %parallel_loop3A_741 = arith.index_cast %parallel_loop3A_737 : i32 to index
          %parallel_loop3A_742 = arith.index_cast %parallel_loop3A_710 : i32 to index
          %parallel_loop3A_743 = tpu.vector_load %arg6[%parallel_loop3A_738, %parallel_loop3A_739, %parallel_loop3A_740, %parallel_loop3A_741, %parallel_loop3A_742] {strides = array<i32>} : memref<2x2x4x16x256xf32, #tpu.memory_space<vmem>>, vector<1x1x1x1x16xf32>,
          %parallel_loop3A_744 = vector.shape_cast %parallel_loop3A_743 : vector<1x1x1x1x16xf32> to vector<16xf32>
          %parallel_loop3A_745 = vector.broadcast %mul3A_644 : f32 to vector<16xf32>
          %parallel_loop3A_746 = arith.mulf %parallel_loop3A_745, %parallel_loop3A_744 : vector<16xf32>
          %parallel_loop3A_747 = arith.constant 0 : i32
          %parallel_loop3A_748 = arith.constant 3 : i32
          %parallel_loop3A_749 = arith.constant 10 : i32
          %parallel_loop3A_750 = arith.index_cast %rem3A_300 : i32 to index
          %parallel_loop3A_751 = arith.index_cast %parallel_loop3A_747 : i32 to index
          %parallel_loop3A_752 = arith.index_cast %parallel_loop3A_748 : i32 to index
          %parallel_loop3A_753 = arith.index_cast %parallel_loop3A_749 : i32 to index
          %parallel_loop3A_754 = arith.index_cast %parallel_loop3A_710 : i32 to index
          %parallel_loop3A_755 = tpu.vector_load %arg6[%parallel_loop3A_750, %parallel_loop3A_751, %parallel_loop3A_752, %parallel_loop3A_753, %parallel_loop3A_754] {strides = array<i32>} : memref<2x2x4x16x256xf32, #tpu.memory_space<vmem>>, vector<1x1x1x1x16xf32>,
          %parallel_loop3A_756 = vector.shape_cast %parallel_loop3A_755 : vector<1x1x1x1x16xf32> to vector<16xf32>
          %parallel_loop3A_757 = vector.broadcast %mul3A_645 : f32 to vector<16xf32>
          %parallel_loop3A_758 = arith.mulf %parallel_loop3A_757, %parallel_loop3A_756 : vector<16xf32>
          %parallel_loop3A_759 = arith.constant 0 : i32
          %parallel_loop3A_760 = arith.constant 0 : i32
          %parallel_loop3A_761 = arith.constant 11 : i32
          %parallel_loop3A_762 = arith.index_cast %rem3A_300 : i32 to index
          %parallel_loop3A_763 = arith.index_cast %parallel_loop3A_759 : i32 to index
          %parallel_loop3A_764 = arith.index_cast %parallel_loop3A_760 : i32 to index
          %parallel_loop3A_765 = arith.index_cast %parallel_loop3A_761 : i32 to index
          %parallel_loop3A_766 = arith.index_cast %parallel_loop3A_710 : i32 to index
          %parallel_loop3A_767 = tpu.vector_load %arg6[%parallel_loop3A_762, %parallel_loop3A_763, %parallel_loop3A_764, %parallel_loop3A_765, %parallel_loop3A_766] {strides = array<i32>} : memref<2x2x4x16x256xf32, #tpu.memory_space<vmem>>, vector<1x1x1x1x16xf32>,
          %parallel_loop3A_768 = vector.shape_cast %parallel_loop3A_767 : vector<1x1x1x1x16xf32> to vector<16xf32>
          %parallel_loop3A_769 = vector.broadcast %mul3A_650 : f32 to vector<16xf32>
          %parallel_loop3A_770 = arith.mulf %parallel_loop3A_769, %parallel_loop3A_768 : vector<16xf32>
          %parallel_loop3A_771 = arith.constant 0 : i32
          %parallel_loop3A_772 = arith.constant 1 : i32
          %parallel_loop3A_773 = arith.constant 11 : i32
          %parallel_loop3A_774 = arith.index_cast %rem3A_300 : i32 to index
          %parallel_loop3A_775 = arith.index_cast %parallel_loop3A_771 : i32 to index
          %parallel_loop3A_776 = arith.index_cast %parallel_loop3A_772 : i32 to index
          %parallel_loop3A_777 = arith.index_cast %parallel_loop3A_773 : i32 to index
          %parallel_loop3A_778 = arith.index_cast %parallel_loop3A_710 : i32 to index
          %parallel_loop3A_779 = tpu.vector_load %arg6[%parallel_loop3A_774, %parallel_loop3A_775, %parallel_loop3A_776, %parallel_loop3A_777, %parallel_loop3A_778] {strides = array<i32>} : memref<2x2x4x16x256xf32, #tpu.memory_space<vmem>>, vector<1x1x1x1x16xf32>,
          %parallel_loop3A_780 = vector.shape_cast %parallel_loop3A_779 : vector<1x1x1x1x16xf32> to vector<16xf32>
          %parallel_loop3A_781 = vector.broadcast %mul3A_651 : f32 to vector<16xf32>
          %parallel_loop3A_782 = arith.mulf %parallel_loop3A_781, %parallel_loop3A_780 : vector<16xf32>
          %parallel_loop3A_783 = arith.constant 0 : i32
          %parallel_loop3A_784 = arith.constant 2 : i32
          %parallel_loop3A_785 = arith.constant 11 : i32
          %parallel_loop3A_786 = arith.index_cast %rem3A_300 : i32 to index
          %parallel_loop3A_787 = arith.index_cast %parallel_loop3A_783 : i32 to index
          %parallel_loop3A_788 = arith.index_cast %parallel_loop3A_784 : i32 to index
          %parallel_loop3A_789 = arith.index_cast %parallel_loop3A_785 : i32 to index
          %parallel_loop3A_790 = arith.index_cast %parallel_loop3A_710 : i32 to index
          %parallel_loop3A_791 = tpu.vector_load %arg6[%parallel_loop3A_786, %parallel_loop3A_787, %parallel_loop3A_788, %parallel_loop3A_789, %parallel_loop3A_790] {strides = array<i32>} : memref<2x2x4x16x256xf32, #tpu.memory_space<vmem>>, vector<1x1x1x1x16xf32>,
          %parallel_loop3A_792 = vector.shape_cast %parallel_loop3A_791 : vector<1x1x1x1x16xf32> to vector<16xf32>
          %parallel_loop3A_793 = vector.broadcast %mul3A_652 : f32 to vector<16xf32>
          %parallel_loop3A_794 = arith.mulf %parallel_loop3A_793, %parallel_loop3A_792 : vector<16xf32>
          %parallel_loop3A_795 = arith.constant 0 : i32
          %parallel_loop3A_796 = arith.constant 3 : i32
          %parallel_loop3A_797 = arith.constant 11 : i32
          %parallel_loop3A_798 = arith.index_cast %rem3A_300 : i32 to index
          %parallel_loop3A_799 = arith.index_cast %parallel_loop3A_795 : i32 to index
          %parallel_loop3A_800 = arith.index_cast %parallel_loop3A_796 : i32 to index
          %parallel_loop3A_801 = arith.index_cast %parallel_loop3A_797 : i32 to index
          %parallel_loop3A_802 = arith.index_cast %parallel_loop3A_710 : i32 to index
          %parallel_loop3A_803 = tpu.vector_load %arg6[%parallel_loop3A_798, %parallel_loop3A_799, %parallel_loop3A_800, %parallel_loop3A_801, %parallel_loop3A_802] {strides = array<i32>} : memref<2x2x4x16x256xf32, #tpu.memory_space<vmem>>, vector<1x1x1x1x16xf32>,
          %parallel_loop3A_804 = vector.shape_cast %parallel_loop3A_803 : vector<1x1x1x1x16xf32> to vector<16xf32>
          %parallel_loop3A_805 = vector.broadcast %mul3A_653 : f32 to vector<16xf32>
          %parallel_loop3A_806 = arith.mulf %parallel_loop3A_805, %parallel_loop3A_804 : vector<16xf32>
          %parallel_loop3A_807 = arith.constant 1 : i32
          %parallel_loop3A_808 = arith.constant 0 : i32
          %parallel_loop3A_809 = arith.constant 10 : i32
          %parallel_loop3A_810 = arith.index_cast %rem3A_300 : i32 to index
          %parallel_loop3A_811 = arith.index_cast %parallel_loop3A_807 : i32 to index
          %parallel_loop3A_812 = arith.index_cast %parallel_loop3A_808 : i32 to index
          %parallel_loop3A_813 = arith.index_cast %parallel_loop3A_809 : i32 to index
          %parallel_loop3A_814 = arith.index_cast %parallel_loop3A_710 : i32 to index
          %parallel_loop3A_815 = tpu.vector_load %arg6[%parallel_loop3A_810, %parallel_loop3A_811, %parallel_loop3A_812, %parallel_loop3A_813, %parallel_loop3A_814] {strides = array<i32>} : memref<2x2x4x16x256xf32, #tpu.memory_space<vmem>>, vector<1x1x1x1x16xf32>,
          %parallel_loop3A_816 = vector.shape_cast %parallel_loop3A_815 : vector<1x1x1x1x16xf32> to vector<16xf32>
          %parallel_loop3A_817 = vector.broadcast %mul3A_658 : f32 to vector<16xf32>
          %parallel_loop3A_818 = arith.mulf %parallel_loop3A_817, %parallel_loop3A_816 : vector<16xf32>
          %parallel_loop3A_819 = arith.constant 1 : i32
          %parallel_loop3A_820 = arith.constant 1 : i32
          %parallel_loop3A_821 = arith.constant 10 : i32
          %parallel_loop3A_822 = arith.index_cast %rem3A_300 : i32 to index
          %parallel_loop3A_823 = arith.index_cast %parallel_loop3A_819 : i32 to index
          %parallel_loop3A_824 = arith.index_cast %parallel_loop3A_820 : i32 to index
          %parallel_loop3A_825 = arith.index_cast %parallel_loop3A_821 : i32 to index
          %parallel_loop3A_826 = arith.index_cast %parallel_loop3A_710 : i32 to index
          %parallel_loop3A_827 = tpu.vector_load %arg6[%parallel_loop3A_822, %parallel_loop3A_823, %parallel_loop3A_824, %parallel_loop3A_825, %parallel_loop3A_826] {strides = array<i32>} : memref<2x2x4x16x256xf32, #tpu.memory_space<vmem>>, vector<1x1x1x1x16xf32>,
          %parallel_loop3A_828 = vector.shape_cast %parallel_loop3A_827 : vector<1x1x1x1x16xf32> to vector<16xf32>
          %parallel_loop3A_829 = vector.broadcast %mul3A_659 : f32 to vector<16xf32>
          %parallel_loop3A_830 = arith.mulf %parallel_loop3A_829, %parallel_loop3A_828 : vector<16xf32>
          %parallel_loop3A_831 = arith.constant 1 : i32
          %parallel_loop3A_832 = arith.constant 2 : i32
          %parallel_loop3A_833 = arith.constant 10 : i32
          %parallel_loop3A_834 = arith.index_cast %rem3A_300 : i32 to index
          %parallel_loop3A_835 = arith.index_cast %parallel_loop3A_831 : i32 to index
          %parallel_loop3A_836 = arith.index_cast %parallel_loop3A_832 : i32 to index
          %parallel_loop3A_837 = arith.index_cast %parallel_loop3A_833 : i32 to index
          %parallel_loop3A_838 = arith.index_cast %parallel_loop3A_710 : i32 to index
          %parallel_loop3A_839 = tpu.vector_load %arg6[%parallel_loop3A_834, %parallel_loop3A_835, %parallel_loop3A_836, %parallel_loop3A_837, %parallel_loop3A_838] {strides = array<i32>} : memref<2x2x4x16x256xf32, #tpu.memory_space<vmem>>, vector<1x1x1x1x16xf32>,
          %parallel_loop3A_840 = vector.shape_cast %parallel_loop3A_839 : vector<1x1x1x1x16xf32> to vector<16xf32>
          %parallel_loop3A_841 = vector.broadcast %mul3A_660 : f32 to vector<16xf32>
          %parallel_loop3A_842 = arith.mulf %parallel_loop3A_841, %parallel_loop3A_840 : vector<16xf32>
          %parallel_loop3A_843 = arith.constant 1 : i32
          %parallel_loop3A_844 = arith.constant 3 : i32
          %parallel_loop3A_845 = arith.constant 10 : i32
          %parallel_loop3A_846 = arith.index_cast %rem3A_300 : i32 to index
          %parallel_loop3A_847 = arith.index_cast %parallel_loop3A_843 : i32 to index
          %parallel_loop3A_848 = arith.index_cast %parallel_loop3A_844 : i32 to index
          %parallel_loop3A_849 = arith.index_cast %parallel_loop3A_845 : i32 to index
          %parallel_loop3A_850 = arith.index_cast %parallel_loop3A_710 : i32 to index
          %parallel_loop3A_851 = tpu.vector_load %arg6[%parallel_loop3A_846, %parallel_loop3A_847, %parallel_loop3A_848, %parallel_loop3A_849, %parallel_loop3A_850] {strides = array<i32>} : memref<2x2x4x16x256xf32, #tpu.memory_space<vmem>>, vector<1x1x1x1x16xf32>,
          %parallel_loop3A_852 = vector.shape_cast %parallel_loop3A_851 : vector<1x1x1x1x16xf32> to vector<16xf32>
          %parallel_loop3A_853 = vector.broadcast %mul3A_661 : f32 to vector<16xf32>
          %parallel_loop3A_854 = arith.mulf %parallel_loop3A_853, %parallel_loop3A_852 : vector<16xf32>
          %parallel_loop3A_855 = arith.constant 1 : i32
          %parallel_loop3A_856 = arith.constant 0 : i32
          %parallel_loop3A_857 = arith.constant 11 : i32
          %parallel_loop3A_858 = arith.index_cast %rem3A_300 : i32 to index
          %parallel_loop3A_859 = arith.index_cast %parallel_loop3A_855 : i32 to index
          %parallel_loop3A_860 = arith.index_cast %parallel_loop3A_856 : i32 to index
          %parallel_loop3A_861 = arith.index_cast %parallel_loop3A_857 : i32 to index
          %parallel_loop3A_862 = arith.index_cast %parallel_loop3A_710 : i32 to index
          %parallel_loop3A_863 = tpu.vector_load %arg6[%parallel_loop3A_858, %parallel_loop3A_859, %parallel_loop3A_860, %parallel_loop3A_861, %parallel_loop3A_862] {strides = array<i32>} : memref<2x2x4x16x256xf32, #tpu.memory_space<vmem>>, vector<1x1x1x1x16xf32>,
          %parallel_loop3A_864 = vector.shape_cast %parallel_loop3A_863 : vector<1x1x1x1x16xf32> to vector<16xf32>
          %parallel_loop3A_865 = vector.broadcast %mul3A_666 : f32 to vector<16xf32>
          %parallel_loop3A_866 = arith.mulf %parallel_loop3A_865, %parallel_loop3A_864 : vector<16xf32>
          %parallel_loop3A_867 = arith.constant 1 : i32
          %parallel_loop3A_868 = arith.constant 1 : i32
          %parallel_loop3A_869 = arith.constant 11 : i32
          %parallel_loop3A_870 = arith.index_cast %rem3A_300 : i32 to index
          %parallel_loop3A_871 = arith.index_cast %parallel_loop3A_867 : i32 to index
          %parallel_loop3A_872 = arith.index_cast %parallel_loop3A_868 : i32 to index
          %parallel_loop3A_873 = arith.index_cast %parallel_loop3A_869 : i32 to index
          %parallel_loop3A_874 = arith.index_cast %parallel_loop3A_710 : i32 to index
          %parallel_loop3A_875 = tpu.vector_load %arg6[%parallel_loop3A_870, %parallel_loop3A_871, %parallel_loop3A_872, %parallel_loop3A_873, %parallel_loop3A_874] {strides = array<i32>} : memref<2x2x4x16x256xf32, #tpu.memory_space<vmem>>, vector<1x1x1x1x16xf32>,
          %parallel_loop3A_876 = vector.shape_cast %parallel_loop3A_875 : vector<1x1x1x1x16xf32> to vector<16xf32>
          %parallel_loop3A_877 = vector.broadcast %mul3A_667 : f32 to vector<16xf32>
          %parallel_loop3A_878 = arith.mulf %parallel_loop3A_877, %parallel_loop3A_876 : vector<16xf32>
          %parallel_loop3A_879 = arith.constant 1 : i32
          %parallel_loop3A_880 = arith.constant 2 : i32
          %parallel_loop3A_881 = arith.constant 11 : i32
          %parallel_loop3A_882 = arith.index_cast %rem3A_300 : i32 to index
          %parallel_loop3A_883 = arith.index_cast %parallel_loop3A_879 : i32 to index
          %parallel_loop3A_884 = arith.index_cast %parallel_loop3A_880 : i32 to index
          %parallel_loop3A_885 = arith.index_cast %parallel_loop3A_881 : i32 to index
          %parallel_loop3A_886 = arith.index_cast %parallel_loop3A_710 : i32 to index
          %parallel_loop3A_887 = tpu.vector_load %arg6[%parallel_loop3A_882, %parallel_loop3A_883, %parallel_loop3A_884, %parallel_loop3A_885, %parallel_loop3A_886] {strides = array<i32>} : memref<2x2x4x16x256xf32, #tpu.memory_space<vmem>>, vector<1x1x1x1x16xf32>,
          %parallel_loop3A_888 = vector.shape_cast %parallel_loop3A_887 : vector<1x1x1x1x16xf32> to vector<16xf32>
          %parallel_loop3A_889 = vector.broadcast %mul3A_668 : f32 to vector<16xf32>
          %parallel_loop3A_890 = arith.mulf %parallel_loop3A_889, %parallel_loop3A_888 : vector<16xf32>
          %parallel_loop3A_891 = arith.constant 1 : i32
          %parallel_loop3A_892 = arith.constant 3 : i32
          %parallel_loop3A_893 = arith.constant 11 : i32
          %parallel_loop3A_894 = arith.index_cast %rem3A_300 : i32 to index
          %parallel_loop3A_895 = arith.index_cast %parallel_loop3A_891 : i32 to index
          %parallel_loop3A_896 = arith.index_cast %parallel_loop3A_892 : i32 to index
          %parallel_loop3A_897 = arith.index_cast %parallel_loop3A_893 : i32 to index
          %parallel_loop3A_898 = arith.index_cast %parallel_loop3A_710 : i32 to index
          %parallel_loop3A_899 = tpu.vector_load %arg6[%parallel_loop3A_894, %parallel_loop3A_895, %parallel_loop3A_896, %parallel_loop3A_897, %parallel_loop3A_898] {strides = array<i32>} : memref<2x2x4x16x256xf32, #tpu.memory_space<vmem>>, vector<1x1x1x1x16xf32>,
          %parallel_loop3A_900 = vector.shape_cast %parallel_loop3A_899 : vector<1x1x1x1x16xf32> to vector<16xf32>
          %parallel_loop3A_901 = vector.broadcast %mul3A_669 : f32 to vector<16xf32>
          %parallel_loop3A_902 = arith.mulf %parallel_loop3A_901, %parallel_loop3A_900 : vector<16xf32>
          %parallel_loop3A_903 = arith.addf %parallel_loop3A_722, %parallel_loop3A_734 : vector<16xf32>
          %parallel_loop3A_904 = arith.addf %parallel_loop3A_746, %parallel_loop3A_758 : vector<16xf32>
          %parallel_loop3A_905 = arith.addf %parallel_loop3A_770, %parallel_loop3A_782 : vector<16xf32>
          %parallel_loop3A_906 = arith.addf %parallel_loop3A_794, %parallel_loop3A_806 : vector<16xf32>
          %parallel_loop3A_907 = arith.addf %parallel_loop3A_818, %parallel_loop3A_830 : vector<16xf32>
          %parallel_loop3A_908 = arith.addf %parallel_loop3A_842, %parallel_loop3A_854 : vector<16xf32>
          %parallel_loop3A_909 = arith.addf %parallel_loop3A_866, %parallel_loop3A_878 : vector<16xf32>
          %parallel_loop3A_910 = arith.addf %parallel_loop3A_890, %parallel_loop3A_902 : vector<16xf32>
          %parallel_loop3A_911 = arith.addf %parallel_loop3A_903, %parallel_loop3A_904 : vector<16xf32>
          %parallel_loop3A_912 = arith.addf %parallel_loop3A_905, %parallel_loop3A_906 : vector<16xf32>
          %parallel_loop3A_913 = arith.addf %parallel_loop3A_907, %parallel_loop3A_908 : vector<16xf32>
          %parallel_loop3A_914 = arith.addf %parallel_loop3A_909, %parallel_loop3A_910 : vector<16xf32>
          %parallel_loop3A_915 = arith.addf %parallel_loop3A_911, %parallel_loop3A_912 : vector<16xf32>
          %parallel_loop3A_916 = arith.addf %parallel_loop3A_913, %parallel_loop3A_914 : vector<16xf32>
          %parallel_loop3A_917 = arith.addf %parallel_loop3A_915, %parallel_loop3A_916 : vector<16xf32>
          %parallel_loop3A_918 = arith.constant 5 : i32
          %parallel_loop3A_919 = arith.addi %mul3A_463, %parallel_loop3A_918 : i32
          %parallel_loop3A_920 = arith.index_cast %parallel_loop3A_919 : i32 to index
          %parallel_loop3A_921 = arith.index_cast %parallel_loop3A_710 : i32 to index
          %parallel_loop3A_922 = tpu.vector_load %arg7[%parallel_loop3A_920, %parallel_loop3A_921] {strides = array<i32>} : memref<49x256xf32, #tpu.memory_space<vmem>>, vector<1x16xf32>,
          %parallel_loop3A_923 = vector.shape_cast %parallel_loop3A_922 : vector<1x16xf32> to vector<16xf32>
          %parallel_loop3A_924 = vector.shape_cast %parallel_loop3A_917 : vector<16xf32> to vector<1x16xf32>
          tpu.vector_store %arg7[%parallel_loop3A_920, %parallel_loop3A_921], %parallel_loop3A_924 {strides = array<i32>} : memref<49x256xf32, #tpu.memory_space<vmem>>, vector<1x16xf32>,
        } {sc.loop_unroll_factor = 8 : i64, sc.parallel_access}
        %slice3A_673 = vector.extract_strided_slice %mul3A_85 {offsets = [12], sizes = [1], strides = [1]} : vector<16xf32> to vector<1xf32>
        %squeeze3A_674 = vector.extract %slice3A_673[0] : f32 from vector<1xf32>
        %slice3A_675 = vector.extract_strided_slice %mul3A_86 {offsets = [12], sizes = [1], strides = [1]} : vector<16xf32> to vector<1xf32>
        %squeeze3A_676 = vector.extract %slice3A_675[0] : f32 from vector<1xf32>
        %mul3A_677 = arith.mulf %scan3A_296, %squeeze3A_674 : f32
        %mul3A_678 = arith.mulf %scan3A_296, %squeeze3A_676 : f32
        %mul3A_679 = arith.mulf %scan3A_297, %squeeze3A_674 : f32
        %mul3A_680 = arith.mulf %scan3A_297, %squeeze3A_676 : f32
        %slice3A_681 = vector.extract_strided_slice %mul3A_85 {offsets = [13], sizes = [1], strides = [1]} : vector<16xf32> to vector<1xf32>
        %squeeze3A_682 = vector.extract %slice3A_681[0] : f32 from vector<1xf32>
        %slice3A_683 = vector.extract_strided_slice %mul3A_86 {offsets = [13], sizes = [1], strides = [1]} : vector<16xf32> to vector<1xf32>
        %squeeze3A_684 = vector.extract %slice3A_683[0] : f32 from vector<1xf32>
        %mul3A_685 = arith.mulf %scan3A_296, %squeeze3A_682 : f32
        %mul3A_686 = arith.mulf %scan3A_296, %squeeze3A_684 : f32
        %mul3A_687 = arith.mulf %scan3A_297, %squeeze3A_682 : f32
        %mul3A_688 = arith.mulf %scan3A_297, %squeeze3A_684 : f32
        %slice3A_689 = vector.extract_strided_slice %mul3A_85 {offsets = [12], sizes = [1], strides = [1]} : vector<16xf32> to vector<1xf32>
        %squeeze3A_690 = vector.extract %slice3A_689[0] : f32 from vector<1xf32>
        %slice3A_691 = vector.extract_strided_slice %mul3A_86 {offsets = [12], sizes = [1], strides = [1]} : vector<16xf32> to vector<1xf32>
        %squeeze3A_692 = vector.extract %slice3A_691[0] : f32 from vector<1xf32>
        %mul3A_693 = arith.mulf %scan3A_298, %squeeze3A_690 : f32
        %mul3A_694 = arith.mulf %scan3A_298, %squeeze3A_692 : f32
        %mul3A_695 = arith.mulf %scan3A_299, %squeeze3A_690 : f32
        %mul3A_696 = arith.mulf %scan3A_299, %squeeze3A_692 : f32
        %slice3A_697 = vector.extract_strided_slice %mul3A_85 {offsets = [13], sizes = [1], strides = [1]} : vector<16xf32> to vector<1xf32>
        %squeeze3A_698 = vector.extract %slice3A_697[0] : f32 from vector<1xf32>
        %slice3A_699 = vector.extract_strided_slice %mul3A_86 {offsets = [13], sizes = [1], strides = [1]} : vector<16xf32> to vector<1xf32>
        %squeeze3A_700 = vector.extract %slice3A_699[0] : f32 from vector<1xf32>
        %mul3A_701 = arith.mulf %scan3A_298, %squeeze3A_698 : f32
        %mul3A_702 = arith.mulf %scan3A_298, %squeeze3A_700 : f32
        %mul3A_703 = arith.mulf %scan3A_299, %squeeze3A_698 : f32
        %mul3A_704 = arith.mulf %scan3A_299, %squeeze3A_700 : f32
        %parallel_loop3A_705 = arith.constant 0 : i32
        %parallel_loop3A_706 = arith.constant 16 : i32
        %parallel_loop3A_707 = arith.constant 1 : i32
        scf.for %parallel_loop3A_708 = %parallel_loop3A_705 to %parallel_loop3A_706 step %parallel_loop3A_707  : i32 {
          %parallel_loop3A_709 = arith.constant 16 : i32
          %parallel_loop3A_710 = arith.muli %parallel_loop3A_708, %parallel_loop3A_709 : i32
          %parallel_loop3A_711 = arith.constant 0 : i32
          %parallel_loop3A_712 = arith.constant 0 : i32
          %parallel_loop3A_713 = arith.constant 12 : i32
          %parallel_loop3A_714 = arith.index_cast %rem3A_300 : i32 to index
          %parallel_loop3A_715 = arith.index_cast %parallel_loop3A_711 : i32 to index
          %parallel_loop3A_716 = arith.index_cast %parallel_loop3A_712 : i32 to index
          %parallel_loop3A_717 = arith.index_cast %parallel_loop3A_713 : i32 to index
          %parallel_loop3A_718 = arith.index_cast %parallel_loop3A_710 : i32 to index
          %parallel_loop3A_719 = tpu.vector_load %arg6[%parallel_loop3A_714, %parallel_loop3A_715, %parallel_loop3A_716, %parallel_loop3A_717, %parallel_loop3A_718] {strides = array<i32>} : memref<2x2x4x16x256xf32, #tpu.memory_space<vmem>>, vector<1x1x1x1x16xf32>,
          %parallel_loop3A_720 = vector.shape_cast %parallel_loop3A_719 : vector<1x1x1x1x16xf32> to vector<16xf32>
          %parallel_loop3A_721 = vector.broadcast %mul3A_677 : f32 to vector<16xf32>
          %parallel_loop3A_722 = arith.mulf %parallel_loop3A_721, %parallel_loop3A_720 : vector<16xf32>
          %parallel_loop3A_723 = arith.constant 0 : i32
          %parallel_loop3A_724 = arith.constant 1 : i32
          %parallel_loop3A_725 = arith.constant 12 : i32
          %parallel_loop3A_726 = arith.index_cast %rem3A_300 : i32 to index
          %parallel_loop3A_727 = arith.index_cast %parallel_loop3A_723 : i32 to index
          %parallel_loop3A_728 = arith.index_cast %parallel_loop3A_724 : i32 to index
          %parallel_loop3A_729 = arith.index_cast %parallel_loop3A_725 : i32 to index
          %parallel_loop3A_730 = arith.index_cast %parallel_loop3A_710 : i32 to index
          %parallel_loop3A_731 = tpu.vector_load %arg6[%parallel_loop3A_726, %parallel_loop3A_727, %parallel_loop3A_728, %parallel_loop3A_729, %parallel_loop3A_730] {strides = array<i32>} : memref<2x2x4x16x256xf32, #tpu.memory_space<vmem>>, vector<1x1x1x1x16xf32>,
          %parallel_loop3A_732 = vector.shape_cast %parallel_loop3A_731 : vector<1x1x1x1x16xf32> to vector<16xf32>
          %parallel_loop3A_733 = vector.broadcast %mul3A_678 : f32 to vector<16xf32>
          %parallel_loop3A_734 = arith.mulf %parallel_loop3A_733, %parallel_loop3A_732 : vector<16xf32>
          %parallel_loop3A_735 = arith.constant 0 : i32
          %parallel_loop3A_736 = arith.constant 2 : i32
          %parallel_loop3A_737 = arith.constant 12 : i32
          %parallel_loop3A_738 = arith.index_cast %rem3A_300 : i32 to index
          %parallel_loop3A_739 = arith.index_cast %parallel_loop3A_735 : i32 to index
          %parallel_loop3A_740 = arith.index_cast %parallel_loop3A_736 : i32 to index
          %parallel_loop3A_741 = arith.index_cast %parallel_loop3A_737 : i32 to index
          %parallel_loop3A_742 = arith.index_cast %parallel_loop3A_710 : i32 to index
          %parallel_loop3A_743 = tpu.vector_load %arg6[%parallel_loop3A_738, %parallel_loop3A_739, %parallel_loop3A_740, %parallel_loop3A_741, %parallel_loop3A_742] {strides = array<i32>} : memref<2x2x4x16x256xf32, #tpu.memory_space<vmem>>, vector<1x1x1x1x16xf32>,
          %parallel_loop3A_744 = vector.shape_cast %parallel_loop3A_743 : vector<1x1x1x1x16xf32> to vector<16xf32>
          %parallel_loop3A_745 = vector.broadcast %mul3A_679 : f32 to vector<16xf32>
          %parallel_loop3A_746 = arith.mulf %parallel_loop3A_745, %parallel_loop3A_744 : vector<16xf32>
          %parallel_loop3A_747 = arith.constant 0 : i32
          %parallel_loop3A_748 = arith.constant 3 : i32
          %parallel_loop3A_749 = arith.constant 12 : i32
          %parallel_loop3A_750 = arith.index_cast %rem3A_300 : i32 to index
          %parallel_loop3A_751 = arith.index_cast %parallel_loop3A_747 : i32 to index
          %parallel_loop3A_752 = arith.index_cast %parallel_loop3A_748 : i32 to index
          %parallel_loop3A_753 = arith.index_cast %parallel_loop3A_749 : i32 to index
          %parallel_loop3A_754 = arith.index_cast %parallel_loop3A_710 : i32 to index
          %parallel_loop3A_755 = tpu.vector_load %arg6[%parallel_loop3A_750, %parallel_loop3A_751, %parallel_loop3A_752, %parallel_loop3A_753, %parallel_loop3A_754] {strides = array<i32>} : memref<2x2x4x16x256xf32, #tpu.memory_space<vmem>>, vector<1x1x1x1x16xf32>,
          %parallel_loop3A_756 = vector.shape_cast %parallel_loop3A_755 : vector<1x1x1x1x16xf32> to vector<16xf32>
          %parallel_loop3A_757 = vector.broadcast %mul3A_680 : f32 to vector<16xf32>
          %parallel_loop3A_758 = arith.mulf %parallel_loop3A_757, %parallel_loop3A_756 : vector<16xf32>
          %parallel_loop3A_759 = arith.constant 0 : i32
          %parallel_loop3A_760 = arith.constant 0 : i32
          %parallel_loop3A_761 = arith.constant 13 : i32
          %parallel_loop3A_762 = arith.index_cast %rem3A_300 : i32 to index
          %parallel_loop3A_763 = arith.index_cast %parallel_loop3A_759 : i32 to index
          %parallel_loop3A_764 = arith.index_cast %parallel_loop3A_760 : i32 to index
          %parallel_loop3A_765 = arith.index_cast %parallel_loop3A_761 : i32 to index
          %parallel_loop3A_766 = arith.index_cast %parallel_loop3A_710 : i32 to index
          %parallel_loop3A_767 = tpu.vector_load %arg6[%parallel_loop3A_762, %parallel_loop3A_763, %parallel_loop3A_764, %parallel_loop3A_765, %parallel_loop3A_766] {strides = array<i32>} : memref<2x2x4x16x256xf32, #tpu.memory_space<vmem>>, vector<1x1x1x1x16xf32>,
          %parallel_loop3A_768 = vector.shape_cast %parallel_loop3A_767 : vector<1x1x1x1x16xf32> to vector<16xf32>
          %parallel_loop3A_769 = vector.broadcast %mul3A_685 : f32 to vector<16xf32>
          %parallel_loop3A_770 = arith.mulf %parallel_loop3A_769, %parallel_loop3A_768 : vector<16xf32>
          %parallel_loop3A_771 = arith.constant 0 : i32
          %parallel_loop3A_772 = arith.constant 1 : i32
          %parallel_loop3A_773 = arith.constant 13 : i32
          %parallel_loop3A_774 = arith.index_cast %rem3A_300 : i32 to index
          %parallel_loop3A_775 = arith.index_cast %parallel_loop3A_771 : i32 to index
          %parallel_loop3A_776 = arith.index_cast %parallel_loop3A_772 : i32 to index
          %parallel_loop3A_777 = arith.index_cast %parallel_loop3A_773 : i32 to index
          %parallel_loop3A_778 = arith.index_cast %parallel_loop3A_710 : i32 to index
          %parallel_loop3A_779 = tpu.vector_load %arg6[%parallel_loop3A_774, %parallel_loop3A_775, %parallel_loop3A_776, %parallel_loop3A_777, %parallel_loop3A_778] {strides = array<i32>} : memref<2x2x4x16x256xf32, #tpu.memory_space<vmem>>, vector<1x1x1x1x16xf32>,
          %parallel_loop3A_780 = vector.shape_cast %parallel_loop3A_779 : vector<1x1x1x1x16xf32> to vector<16xf32>
          %parallel_loop3A_781 = vector.broadcast %mul3A_686 : f32 to vector<16xf32>
          %parallel_loop3A_782 = arith.mulf %parallel_loop3A_781, %parallel_loop3A_780 : vector<16xf32>
          %parallel_loop3A_783 = arith.constant 0 : i32
          %parallel_loop3A_784 = arith.constant 2 : i32
          %parallel_loop3A_785 = arith.constant 13 : i32
          %parallel_loop3A_786 = arith.index_cast %rem3A_300 : i32 to index
          %parallel_loop3A_787 = arith.index_cast %parallel_loop3A_783 : i32 to index
          %parallel_loop3A_788 = arith.index_cast %parallel_loop3A_784 : i32 to index
          %parallel_loop3A_789 = arith.index_cast %parallel_loop3A_785 : i32 to index
          %parallel_loop3A_790 = arith.index_cast %parallel_loop3A_710 : i32 to index
          %parallel_loop3A_791 = tpu.vector_load %arg6[%parallel_loop3A_786, %parallel_loop3A_787, %parallel_loop3A_788, %parallel_loop3A_789, %parallel_loop3A_790] {strides = array<i32>} : memref<2x2x4x16x256xf32, #tpu.memory_space<vmem>>, vector<1x1x1x1x16xf32>,
          %parallel_loop3A_792 = vector.shape_cast %parallel_loop3A_791 : vector<1x1x1x1x16xf32> to vector<16xf32>
          %parallel_loop3A_793 = vector.broadcast %mul3A_687 : f32 to vector<16xf32>
          %parallel_loop3A_794 = arith.mulf %parallel_loop3A_793, %parallel_loop3A_792 : vector<16xf32>
          %parallel_loop3A_795 = arith.constant 0 : i32
          %parallel_loop3A_796 = arith.constant 3 : i32
          %parallel_loop3A_797 = arith.constant 13 : i32
          %parallel_loop3A_798 = arith.index_cast %rem3A_300 : i32 to index
          %parallel_loop3A_799 = arith.index_cast %parallel_loop3A_795 : i32 to index
          %parallel_loop3A_800 = arith.index_cast %parallel_loop3A_796 : i32 to index
          %parallel_loop3A_801 = arith.index_cast %parallel_loop3A_797 : i32 to index
          %parallel_loop3A_802 = arith.index_cast %parallel_loop3A_710 : i32 to index
          %parallel_loop3A_803 = tpu.vector_load %arg6[%parallel_loop3A_798, %parallel_loop3A_799, %parallel_loop3A_800, %parallel_loop3A_801, %parallel_loop3A_802] {strides = array<i32>} : memref<2x2x4x16x256xf32, #tpu.memory_space<vmem>>, vector<1x1x1x1x16xf32>,
          %parallel_loop3A_804 = vector.shape_cast %parallel_loop3A_803 : vector<1x1x1x1x16xf32> to vector<16xf32>
          %parallel_loop3A_805 = vector.broadcast %mul3A_688 : f32 to vector<16xf32>
          %parallel_loop3A_806 = arith.mulf %parallel_loop3A_805, %parallel_loop3A_804 : vector<16xf32>
          %parallel_loop3A_807 = arith.constant 1 : i32
          %parallel_loop3A_808 = arith.constant 0 : i32
          %parallel_loop3A_809 = arith.constant 12 : i32
          %parallel_loop3A_810 = arith.index_cast %rem3A_300 : i32 to index
          %parallel_loop3A_811 = arith.index_cast %parallel_loop3A_807 : i32 to index
          %parallel_loop3A_812 = arith.index_cast %parallel_loop3A_808 : i32 to index
          %parallel_loop3A_813 = arith.index_cast %parallel_loop3A_809 : i32 to index
          %parallel_loop3A_814 = arith.index_cast %parallel_loop3A_710 : i32 to index
          %parallel_loop3A_815 = tpu.vector_load %arg6[%parallel_loop3A_810, %parallel_loop3A_811, %parallel_loop3A_812, %parallel_loop3A_813, %parallel_loop3A_814] {strides = array<i32>} : memref<2x2x4x16x256xf32, #tpu.memory_space<vmem>>, vector<1x1x1x1x16xf32>,
          %parallel_loop3A_816 = vector.shape_cast %parallel_loop3A_815 : vector<1x1x1x1x16xf32> to vector<16xf32>
          %parallel_loop3A_817 = vector.broadcast %mul3A_693 : f32 to vector<16xf32>
          %parallel_loop3A_818 = arith.mulf %parallel_loop3A_817, %parallel_loop3A_816 : vector<16xf32>
          %parallel_loop3A_819 = arith.constant 1 : i32
          %parallel_loop3A_820 = arith.constant 1 : i32
          %parallel_loop3A_821 = arith.constant 12 : i32
          %parallel_loop3A_822 = arith.index_cast %rem3A_300 : i32 to index
          %parallel_loop3A_823 = arith.index_cast %parallel_loop3A_819 : i32 to index
          %parallel_loop3A_824 = arith.index_cast %parallel_loop3A_820 : i32 to index
          %parallel_loop3A_825 = arith.index_cast %parallel_loop3A_821 : i32 to index
          %parallel_loop3A_826 = arith.index_cast %parallel_loop3A_710 : i32 to index
          %parallel_loop3A_827 = tpu.vector_load %arg6[%parallel_loop3A_822, %parallel_loop3A_823, %parallel_loop3A_824, %parallel_loop3A_825, %parallel_loop3A_826] {strides = array<i32>} : memref<2x2x4x16x256xf32, #tpu.memory_space<vmem>>, vector<1x1x1x1x16xf32>,
          %parallel_loop3A_828 = vector.shape_cast %parallel_loop3A_827 : vector<1x1x1x1x16xf32> to vector<16xf32>
          %parallel_loop3A_829 = vector.broadcast %mul3A_694 : f32 to vector<16xf32>
          %parallel_loop3A_830 = arith.mulf %parallel_loop3A_829, %parallel_loop3A_828 : vector<16xf32>
          %parallel_loop3A_831 = arith.constant 1 : i32
          %parallel_loop3A_832 = arith.constant 2 : i32
          %parallel_loop3A_833 = arith.constant 12 : i32
          %parallel_loop3A_834 = arith.index_cast %rem3A_300 : i32 to index
          %parallel_loop3A_835 = arith.index_cast %parallel_loop3A_831 : i32 to index
          %parallel_loop3A_836 = arith.index_cast %parallel_loop3A_832 : i32 to index
          %parallel_loop3A_837 = arith.index_cast %parallel_loop3A_833 : i32 to index
          %parallel_loop3A_838 = arith.index_cast %parallel_loop3A_710 : i32 to index
          %parallel_loop3A_839 = tpu.vector_load %arg6[%parallel_loop3A_834, %parallel_loop3A_835, %parallel_loop3A_836, %parallel_loop3A_837, %parallel_loop3A_838] {strides = array<i32>} : memref<2x2x4x16x256xf32, #tpu.memory_space<vmem>>, vector<1x1x1x1x16xf32>,
          %parallel_loop3A_840 = vector.shape_cast %parallel_loop3A_839 : vector<1x1x1x1x16xf32> to vector<16xf32>
          %parallel_loop3A_841 = vector.broadcast %mul3A_695 : f32 to vector<16xf32>
          %parallel_loop3A_842 = arith.mulf %parallel_loop3A_841, %parallel_loop3A_840 : vector<16xf32>
          %parallel_loop3A_843 = arith.constant 1 : i32
          %parallel_loop3A_844 = arith.constant 3 : i32
          %parallel_loop3A_845 = arith.constant 12 : i32
          %parallel_loop3A_846 = arith.index_cast %rem3A_300 : i32 to index
          %parallel_loop3A_847 = arith.index_cast %parallel_loop3A_843 : i32 to index
          %parallel_loop3A_848 = arith.index_cast %parallel_loop3A_844 : i32 to index
          %parallel_loop3A_849 = arith.index_cast %parallel_loop3A_845 : i32 to index
          %parallel_loop3A_850 = arith.index_cast %parallel_loop3A_710 : i32 to index
          %parallel_loop3A_851 = tpu.vector_load %arg6[%parallel_loop3A_846, %parallel_loop3A_847, %parallel_loop3A_848, %parallel_loop3A_849, %parallel_loop3A_850] {strides = array<i32>} : memref<2x2x4x16x256xf32, #tpu.memory_space<vmem>>, vector<1x1x1x1x16xf32>,
          %parallel_loop3A_852 = vector.shape_cast %parallel_loop3A_851 : vector<1x1x1x1x16xf32> to vector<16xf32>
          %parallel_loop3A_853 = vector.broadcast %mul3A_696 : f32 to vector<16xf32>
          %parallel_loop3A_854 = arith.mulf %parallel_loop3A_853, %parallel_loop3A_852 : vector<16xf32>
          %parallel_loop3A_855 = arith.constant 1 : i32
          %parallel_loop3A_856 = arith.constant 0 : i32
          %parallel_loop3A_857 = arith.constant 13 : i32
          %parallel_loop3A_858 = arith.index_cast %rem3A_300 : i32 to index
          %parallel_loop3A_859 = arith.index_cast %parallel_loop3A_855 : i32 to index
          %parallel_loop3A_860 = arith.index_cast %parallel_loop3A_856 : i32 to index
          %parallel_loop3A_861 = arith.index_cast %parallel_loop3A_857 : i32 to index
          %parallel_loop3A_862 = arith.index_cast %parallel_loop3A_710 : i32 to index
          %parallel_loop3A_863 = tpu.vector_load %arg6[%parallel_loop3A_858, %parallel_loop3A_859, %parallel_loop3A_860, %parallel_loop3A_861, %parallel_loop3A_862] {strides = array<i32>} : memref<2x2x4x16x256xf32, #tpu.memory_space<vmem>>, vector<1x1x1x1x16xf32>,
          %parallel_loop3A_864 = vector.shape_cast %parallel_loop3A_863 : vector<1x1x1x1x16xf32> to vector<16xf32>
          %parallel_loop3A_865 = vector.broadcast %mul3A_701 : f32 to vector<16xf32>
          %parallel_loop3A_866 = arith.mulf %parallel_loop3A_865, %parallel_loop3A_864 : vector<16xf32>
          %parallel_loop3A_867 = arith.constant 1 : i32
          %parallel_loop3A_868 = arith.constant 1 : i32
          %parallel_loop3A_869 = arith.constant 13 : i32
          %parallel_loop3A_870 = arith.index_cast %rem3A_300 : i32 to index
          %parallel_loop3A_871 = arith.index_cast %parallel_loop3A_867 : i32 to index
          %parallel_loop3A_872 = arith.index_cast %parallel_loop3A_868 : i32 to index
          %parallel_loop3A_873 = arith.index_cast %parallel_loop3A_869 : i32 to index
          %parallel_loop3A_874 = arith.index_cast %parallel_loop3A_710 : i32 to index
          %parallel_loop3A_875 = tpu.vector_load %arg6[%parallel_loop3A_870, %parallel_loop3A_871, %parallel_loop3A_872, %parallel_loop3A_873, %parallel_loop3A_874] {strides = array<i32>} : memref<2x2x4x16x256xf32, #tpu.memory_space<vmem>>, vector<1x1x1x1x16xf32>,
          %parallel_loop3A_876 = vector.shape_cast %parallel_loop3A_875 : vector<1x1x1x1x16xf32> to vector<16xf32>
          %parallel_loop3A_877 = vector.broadcast %mul3A_702 : f32 to vector<16xf32>
          %parallel_loop3A_878 = arith.mulf %parallel_loop3A_877, %parallel_loop3A_876 : vector<16xf32>
          %parallel_loop3A_879 = arith.constant 1 : i32
          %parallel_loop3A_880 = arith.constant 2 : i32
          %parallel_loop3A_881 = arith.constant 13 : i32
          %parallel_loop3A_882 = arith.index_cast %rem3A_300 : i32 to index
          %parallel_loop3A_883 = arith.index_cast %parallel_loop3A_879 : i32 to index
          %parallel_loop3A_884 = arith.index_cast %parallel_loop3A_880 : i32 to index
          %parallel_loop3A_885 = arith.index_cast %parallel_loop3A_881 : i32 to index
          %parallel_loop3A_886 = arith.index_cast %parallel_loop3A_710 : i32 to index
          %parallel_loop3A_887 = tpu.vector_load %arg6[%parallel_loop3A_882, %parallel_loop3A_883, %parallel_loop3A_884, %parallel_loop3A_885, %parallel_loop3A_886] {strides = array<i32>} : memref<2x2x4x16x256xf32, #tpu.memory_space<vmem>>, vector<1x1x1x1x16xf32>,
          %parallel_loop3A_888 = vector.shape_cast %parallel_loop3A_887 : vector<1x1x1x1x16xf32> to vector<16xf32>
          %parallel_loop3A_889 = vector.broadcast %mul3A_703 : f32 to vector<16xf32>
          %parallel_loop3A_890 = arith.mulf %parallel_loop3A_889, %parallel_loop3A_888 : vector<16xf32>
          %parallel_loop3A_891 = arith.constant 1 : i32
          %parallel_loop3A_892 = arith.constant 3 : i32
          %parallel_loop3A_893 = arith.constant 13 : i32
          %parallel_loop3A_894 = arith.index_cast %rem3A_300 : i32 to index
          %parallel_loop3A_895 = arith.index_cast %parallel_loop3A_891 : i32 to index
          %parallel_loop3A_896 = arith.index_cast %parallel_loop3A_892 : i32 to index
          %parallel_loop3A_897 = arith.index_cast %parallel_loop3A_893 : i32 to index
          %parallel_loop3A_898 = arith.index_cast %parallel_loop3A_710 : i32 to index
          %parallel_loop3A_899 = tpu.vector_load %arg6[%parallel_loop3A_894, %parallel_loop3A_895, %parallel_loop3A_896, %parallel_loop3A_897, %parallel_loop3A_898] {strides = array<i32>} : memref<2x2x4x16x256xf32, #tpu.memory_space<vmem>>, vector<1x1x1x1x16xf32>,
          %parallel_loop3A_900 = vector.shape_cast %parallel_loop3A_899 : vector<1x1x1x1x16xf32> to vector<16xf32>
          %parallel_loop3A_901 = vector.broadcast %mul3A_704 : f32 to vector<16xf32>
          %parallel_loop3A_902 = arith.mulf %parallel_loop3A_901, %parallel_loop3A_900 : vector<16xf32>
          %parallel_loop3A_903 = arith.addf %parallel_loop3A_722, %parallel_loop3A_734 : vector<16xf32>
          %parallel_loop3A_904 = arith.addf %parallel_loop3A_746, %parallel_loop3A_758 : vector<16xf32>
          %parallel_loop3A_905 = arith.addf %parallel_loop3A_770, %parallel_loop3A_782 : vector<16xf32>
          %parallel_loop3A_906 = arith.addf %parallel_loop3A_794, %parallel_loop3A_806 : vector<16xf32>
          %parallel_loop3A_907 = arith.addf %parallel_loop3A_818, %parallel_loop3A_830 : vector<16xf32>
          %parallel_loop3A_908 = arith.addf %parallel_loop3A_842, %parallel_loop3A_854 : vector<16xf32>
          %parallel_loop3A_909 = arith.addf %parallel_loop3A_866, %parallel_loop3A_878 : vector<16xf32>
          %parallel_loop3A_910 = arith.addf %parallel_loop3A_890, %parallel_loop3A_902 : vector<16xf32>
          %parallel_loop3A_911 = arith.addf %parallel_loop3A_903, %parallel_loop3A_904 : vector<16xf32>
          %parallel_loop3A_912 = arith.addf %parallel_loop3A_905, %parallel_loop3A_906 : vector<16xf32>
          %parallel_loop3A_913 = arith.addf %parallel_loop3A_907, %parallel_loop3A_908 : vector<16xf32>
          %parallel_loop3A_914 = arith.addf %parallel_loop3A_909, %parallel_loop3A_910 : vector<16xf32>
          %parallel_loop3A_915 = arith.addf %parallel_loop3A_911, %parallel_loop3A_912 : vector<16xf32>
          %parallel_loop3A_916 = arith.addf %parallel_loop3A_913, %parallel_loop3A_914 : vector<16xf32>
          %parallel_loop3A_917 = arith.addf %parallel_loop3A_915, %parallel_loop3A_916 : vector<16xf32>
          %parallel_loop3A_918 = arith.constant 6 : i32
          %parallel_loop3A_919 = arith.addi %mul3A_463, %parallel_loop3A_918 : i32
          %parallel_loop3A_920 = arith.index_cast %parallel_loop3A_919 : i32 to index
          %parallel_loop3A_921 = arith.index_cast %parallel_loop3A_710 : i32 to index
          %parallel_loop3A_922 = tpu.vector_load %arg7[%parallel_loop3A_920, %parallel_loop3A_921] {strides = array<i32>} : memref<49x256xf32, #tpu.memory_space<vmem>>, vector<1x16xf32>,
          %parallel_loop3A_923 = vector.shape_cast %parallel_loop3A_922 : vector<1x16xf32> to vector<16xf32>
          %parallel_loop3A_924 = vector.shape_cast %parallel_loop3A_917 : vector<16xf32> to vector<1x16xf32>
          tpu.vector_store %arg7[%parallel_loop3A_920, %parallel_loop3A_921], %parallel_loop3A_924 {strides = array<i32>} : memref<49x256xf32, #tpu.memory_space<vmem>>, vector<1x16xf32>,
        } {sc.loop_unroll_factor = 8 : i64, sc.parallel_access}
        scf.yield %mul3A_336, %mul3A_337, %mul3A_370, %mul3A_371 : f32, f32, f32, f32
      }
      %scan3A_293 = arith.constant 7 : i32
      "tpu.region"() ({
        %run_scoped3A = tpu.sem_alloc : memref<!tpu.dma_semaphore, #tpu.memory_space<semaphore_mem>>
        %dma_start3A_295 = arith.constant 0 : i32
        %dma_start3A_296 = arith.constant 0 : i32
        %dma_start3A_297 = tpu.memref_slice %arg4[%add3A_13, %dma_start3A_295, %dma_start3A_296] : memref<1024x49x256xf32, #tpu.memory_space<hbm>> -> memref<1x49x256xf32, #tpu.memory_space<hbm>>
        %dma_start3A_298 = tpu.memref_squeeze %dma_start3A_297 : memref<1x49x256xf32, #tpu.memory_space<hbm>> -> memref<49x256xf32, #tpu.memory_space<hbm>>
        %dma_start3A_299 = arith.constant 0 : i32
        %dma_start3A_300 = arith.constant 0 : i32
        %dma_start3A_301 = tpu.memref_slice %arg4[%add3A_13, %dma_start3A_299, %dma_start3A_300] : memref<1024x49x256xf32, #tpu.memory_space<hbm>> -> memref<1x49x256xf32, #tpu.memory_space<hbm>>
        %dma_start3A_302 = tpu.memref_squeeze %dma_start3A_301 : memref<1x49x256xf32, #tpu.memory_space<hbm>> -> memref<49x256xf32, #tpu.memory_space<hbm>>
        tpu.enqueue_dma source(%arg7 : memref<49x256xf32, #tpu.memory_space<vmem>>) target(%dma_start3A_302 : memref<49x256xf32, #tpu.memory_space<hbm>>) target_semaphore(%run_scoped3A : memref<!tpu.dma_semaphore, #tpu.memory_space<semaphore_mem>>)
        %dma_wait3A = arith.constant 0 : i32
        %dma_wait3A_303 = arith.constant 0 : i32
        %dma_wait3A_304 = tpu.memref_slice %arg4[%add3A_13, %dma_wait3A, %dma_wait3A_303] : memref<1024x49x256xf32, #tpu.memory_space<hbm>> -> memref<1x49x256xf32, #tpu.memory_space<hbm>>
        %dma_wait3A_305 = tpu.memref_squeeze %dma_wait3A_304 : memref<1x49x256xf32, #tpu.memory_space<hbm>> -> memref<49x256xf32, #tpu.memory_space<hbm>>
        %dma_wait3A_306 = arith.constant 0 : i32
        %dma_wait3A_307 = arith.constant 0 : i32
        %dma_wait3A_308 = tpu.memref_slice %arg4[%add3A_13, %dma_wait3A_306, %dma_wait3A_307] : memref<1024x49x256xf32, #tpu.memory_space<hbm>> -> memref<1x49x256xf32, #tpu.memory_space<hbm>>
        %dma_wait3A_309 = tpu.memref_squeeze %dma_wait3A_308 : memref<1x49x256xf32, #tpu.memory_space<hbm>> -> memref<49x256xf32, #tpu.memory_space<hbm>>
        tpu.wait_dma2 semaphore(%run_scoped3A : memref<!tpu.dma_semaphore, #tpu.memory_space<semaphore_mem>>) src(%arg7 : memref<49x256xf32, #tpu.memory_space<vmem>>) dst(%dma_wait3A_309 : memref<49x256xf32, #tpu.memory_space<hbm>>)
        tpu.yield
      }) : () -> ()
      %scan3A_294 = arith.constant 0 : i32
      scf.yield %scan3A_294 : i32
    }
    %scan3A_8 = arith.constant 32 : i32
    return
  }
}

</mosaic_0001>

<sc_bundles>
// kernel: kernel.3.cloned.1.call-start
scs
__scs_entry_jumppad:
0x0: {  	(pc) =	sbr.rel $0x88, $3  }
0x1: {  	(tag) =	ssettag $0x0;
	lr =	simm.s32 $0x1  }
0x2: {  	[smem:$0x3F9F] =	sst lr;
	_ =	strace $0xD0000000  }
0x3: {  	_ = 	snop  }
0x4: {  	_ = 	snop  }
0x5: {  	_ = 	snop  }
0x6: {  	_ = 	snop  }
0x7: {  	_ = 	snop  }
__scs_overlays_trampoline_lowered:
0x8: {  	[smem:$0x3FAE] =	sst s0  }
0x9: {  	[smem:$0x3FAF] =	sst s1  }
0xa: {  	[smem:$0x3FB0] =	sst s2  }
0xb: {  	[smem:$0x3FB1] =	sst s3  }
0xc: {  	[smem:$0x3FB2] =	sst s4  }
0xd: {  	[smem:$0x3FB3] =	sst s5  }
0xe: {  	[smem:$0x3FB4] =	sst s6  }
0xf: {  	[smem:$0x3FB5] =	sst s7  }
0x10: {  	[smem:$0x3FB6] =	sst s8  }
0x11: {  	[smem:$0x3FB7] =	sst s9;
	s0 =	simm.s32 @!p0 $0x0  }
0x12: {  	s1 =	sld [smem:$0x3F9D];
	s0 =	simm.s32 @p0 $0x1  }
0x13: {  	[smem:$0x3FB8] =	sst s0;
	s0 =	simm.s32 @!p1 $0x0  }
0x14: {  	s2 =	sld [smem:$0x3F9C];
	s0 =	simm.s32 @p1 $0x1  }
0x15: {  	[smem:$0x3FB9] =	sst s0;
	s0 =	simm.s32 @!p2 $0x0  }
0x16: {  	s3 =	sld [smem:$0x3FDB];
	s0 =	simm.s32 @p2 $0x1  }
0x17: {  	s4 =	simm.s32 $0x1BF5;
	[smem:$0x3FBB] =	sst s0  }
0x18: {  	s0 =	sld [smem:$0x3F9E];
	_ =	swait.ge [sflag:s4], $0x0  }
0x19: {  	s7 =	sld [smem:$0x3F9F]  }
0x1a: {  	s8 =	sadd.s32 $0xFFFFE003, lr  }
0x1b: {  	s9 =	sadd.s32 $0xFFFFFEF7, lr;
	s5 =	simm.s32 $0xFFFFFFFF;
	p2 =	slt.u32 s8, $0xFFFFF086  }
0x1c: {  	p1 =	slt.u32 s9, $0xF7A;
	s5 =	simm.s32 @!p2 $0x0  }
0x1d: {  	s5 =	simm.s32 @p1 $0x1;
	p0 =	seq.s32 s7, s2  }
0x1e: {  	s7 =	smul.u32 @!p0 $0xF7A, s2;
	p2 =	seq.s32 @!p0 s5, $0x0  }
0x1f: {  	s9 =	smul.u32 $0xF7A, s1;
	s8 =	simm.s32 @!p0 $0x1BF5;
	p2 =	por !p2, p0  }
0x20: {  	[sflag:s8] =	ssyncset.s32 @!p0 $0xFFFFF086;
	s6 =	sadd.s32 @!p0 s3, s7;
	s7 =	simm.s32 @!p0 $0x108  }
0x21: {  	s3 =	sadd.s32 s3, s9;
	s6 =	sadd.s32 @!p0 $0x88, s6;
	s7 =	simm.s32 @p2 $0x1082  }
0x22: {  	[simem:s7], [sflag:s8] =	dma.local @!p0 [hbm:s6], $0xF7A  }
0x23: {  	s9 =	sor.u32 $0xD0000000, s2;
	s6 =	simm.s32 $0x108;
	_ =	swait.ge @!p0 [sflag:s8], $0x0  }
0x24: {  	s3 =	sadd.s32 $0x88, s3;
	s6 =	simm.s32 @!p1 $0x1082;
	[sflag:s4] =	ssyncset.s32 $0xFFFFF086  }
0x25: {  	[simem:s6], [sflag:s4] =	dma.local [hbm:s3], $0xF7A  }
0x26: {  	[smem:$0x3F9F] =	sst s1;
	(tag) =	ssettag s2;
	_ =	strace s9  }
0x27: {  	s1 =	sld [smem:$0x3FAF]  }
0x28: {  	s2 =	sld [smem:$0x3FB0]  }
0x29: {  	s4 =	sld [smem:$0x3FB2]  }
0x2a: {  	p0 =	seq.s32 s5, $0x0;
	s5 =	sld [smem:$0x3FB3]  }
0x2b: {  	s6 =	sld [smem:$0x3FB4]  }
0x2c: {  	s7 =	sld [smem:$0x3FB5]  }
0x2d: {  	s3 =	simm.s32 $0x108;
	s8 =	sld [smem:$0x3FB6]  }
0x2e: {  	s3 =	simm.s32 @!p0 $0x1082;
	s9 =	sld [smem:$0x3FB7]  }
0x2f: {  	lr =	sadd.s32 s0, s3;
	s0 =	sld [smem:$0x3FAE]  }
0x30: {  	s3 =	sld [smem:$0x3FB1]  }
0x31: {  	[smem:$0x3FBA] =	sst s10  }
0x32: {  	s10 =	sld [smem:$0x3FB8];
	_ =	sdelay $0x3  }
0x33: {  	p0 =	seq.s32 s10, $0x1;
	s10 =	sld [smem:$0x3FBA];
	_ =	sdelay $0x3  }
0x34: {  	[smem:$0x3FBA] =	sst s10  }
0x35: {  	s10 =	sld [smem:$0x3FB9];
	_ =	sdelay $0x3  }
0x36: {  	p1 =	seq.s32 s10, $0x1;
	s10 =	sld [smem:$0x3FBA];
	_ =	sdelay $0x3  }
0x37: {  	[smem:$0x3FBA] =	sst s10  }
0x38: {  	s10 =	sld [smem:$0x3FBB]  }
0x39: {  	_ = 	snop;
	(pc) =	sbr.ind lr, $3  }
0x3a: {  	_ = 	snop  }
0x3b: {  	_ = 	snop  }
0x3c: {  	p2 =	seq.s32 s10, $0x1;
	s10 =	sld [smem:$0x3FBA]  }
0x3d: {  	_ =	shalt  }
0x3e: {  	_ =	shalt  }
0x3f: {  	_ =	shalt  }
0x40: {  	_ =	shalt  }
0x41: {  	_ =	shalt  }
0x42: {  	_ =	shalt  }
0x43: {  	_ =	shalt  }
0x44: {  	_ =	shalt  }
0x45: {  	_ =	shalt  }
0x46: {  	_ =	shalt  }
0x47: {  	_ =	shalt  }
0x48: {  	_ =	shalt  }
0x49: {  	_ =	shalt  }
0x4a: {  	_ =	shalt  }
0x4b: {  	_ =	shalt  }
0x4c: {  	_ =	shalt  }
0x4d: {  	_ =	shalt  }
0x4e: {  	_ =	shalt  }
0x4f: {  	_ =	shalt  }
0x50: {  	_ =	shalt  }
0x51: {  	_ =	shalt  }
0x52: {  	_ =	shalt  }
0x53: {  	_ =	shalt  }
0x54: {  	_ =	shalt  }
0x55: {  	_ =	shalt  }
0x56: {  	_ =	shalt  }
0x57: {  	_ =	shalt  }
0x58: {  	_ =	shalt  }
0x59: {  	_ =	shalt  }
0x5a: {  	_ =	shalt  }
0x5b: {  	_ =	shalt  }
0x5c: {  	_ =	shalt  }
0x5d: {  	_ =	shalt  }
0x5e: {  	_ =	shalt  }
0x5f: {  	_ =	shalt  }
0x60: {  	_ =	shalt  }
0x61: {  	_ =	shalt  }
0x62: {  	_ =	shalt  }
0x63: {  	_ =	shalt  }
0x64: {  	_ =	shalt  }
0x65: {  	_ =	shalt  }
0x66: {  	_ =	shalt  }
0x67: {  	_ =	shalt  }
0x68: {  	_ =	shalt  }
0x69: {  	_ =	shalt  }
0x6a: {  	_ =	shalt  }
0x6b: {  	_ =	shalt  }
0x6c: {  	_ =	shalt  }
0x6d: {  	_ =	shalt  }
0x6e: {  	_ =	shalt  }
0x6f: {  	_ =	shalt  }
0x70: {  	_ =	shalt  }
0x71: {  	_ =	shalt  }
0x72: {  	_ =	shalt  }
0x73: {  	_ =	shalt  }
0x74: {  	_ =	shalt  }
0x75: {  	_ =	shalt  }
0x76: {  	_ =	shalt  }
0x77: {  	_ =	shalt  }
0x78: {  	_ =	shalt  }
0x79: {  	_ =	shalt  }
0x7a: {  	_ =	shalt  }
0x7b: {  	_ =	shalt  }
0x7c: {  	_ =	shalt  }
0x7d: {  	_ =	shalt  }
0x7e: {  	_ =	shalt  }
0x7f: {  	_ =	shalt  }
0x80: {  	_ =	shalt  }
0x81: {  	_ =	shalt  }
0x82: {  	_ =	shalt  }
0x83: {  	_ =	shalt  }
0x84: {  	_ =	shalt  }
0x85: {  	_ =	shalt  }
0x86: {  	_ =	shalt  }
0x87: {  	_ =	shalt  }
.Lfunc_end0:
.L_simem_size_0:
called_computation.1_lowered:
.L_overlay_start_0:
0x88: {  	s2 =	sld [smem:$0x3FD9]  }
0x89: {  	s3 =	sld [smem:$0x3FFE];
	_ =	sdelay $0x1  }
0x8a: {  	s1 =	srdreg.scid  }
0x8b: {  	s0 =	sand.u32 $0x1, s1  }
0x8c: {  	s17 =	sshll.u32 s0, $0xA;
	s2 =	sadd.s32 s3, s2  }
0x8d: {  	s2 =	sadd.s32 s2, s17  }
0x8e: {  	[smem:$0x3FC6] =	sst s2  }
0x8f: {  	_ = 	snop  }
0x90: {  	s2 =	sld [smem:$0x3FC9]  }
0x91: {  	s18 =	sld [smem:$0x3FD0];
	(tm) =	ssettm $0x1  }
0x92: {  	s4 =	sld [smem:$0x3FFB];
	_ =	sdelay $0x3  }
0x93: {  	_ =	strace s4  }
0x94: {  	s4 =	sld [smem:$0x3FFC];
	_ =	sdelay $0x3  }
0x95: {  	_ =	strace s4  }
0x96: {  	s4 =	sld [smem:$0x3FFD];
	_ =	sdelay $0x3  }
0x97: {  	_ =	strace s4  }
0x98: {  	_ =	strace $0x8FFFFFFF  }
0x99: {  	s19 =	sld [smem:$0x3FDB];
	_ =	sdelay $0x1  }
0x9a: {  	s5 =	simm.s32 $_scs_section_size  }
0x9b: {  	s6 =	simm.s32 $_size__tile_overlayer_lowered;
	s7 =	simm.s32 $_tile_overlayer_lowered  }
0x9c: {  	s22 =	simm.s32 $0x1BFF;
	s21 =	sshll.u32 s7, $0x1;
	s4 =	sadd.s32 s5, s19  }
0x9d: {  	s8 =	simm.s32 $0x0;
	s20 =	sshll.u32 s6, $0x1;
	s6 =	sadd.s32 s21, s4  }
0x9e: {  	[timem:s8], [sflag:s22] =	dma.local [hbm:s6], s20  }
0x9f: {  	_ =	swait.ge [sflag:s22], s20  }
0xa0: {  	s5 =	ssub.s32 $0x0, s20;
	[sflag:s22] =	ssyncset.done $0x0  }
0xa1: {  	[sflag:s22] =	ssyncadd.s32 s5;
	_ =	sdelay $0x1  }
0xa2: {  	s23 =	simm.s32 $0x1B8B  }
0xa3: {  	_ =	swait.ge [sflag:s23], $0x1  }
0xa4: {  	[sflag:s23] =	ssyncset.done $0x0  }
0xa5: {  	s25 =	simm.s32 $0x1B8E;
	s24 =	sld [smem:$0x3FFE];
	[sflag:s23] =	ssyncadd.s32 $0xFFFFFFFF  }
0xa6: {  	s26 =	simm.s32 $execute0_lowered;
	[smem:$0x3FD2] =	sst s25  }
0xa7: {  	s6 =	sshll.u32 s26, $0x1;
	_ =	strace $0x80000046;
	[dreg:$0x1] =	wrdreg $0xFFFFFFFF  }
0xa8: {  	s28 =	simm.s32 $_size_execute0_lowered;
	s4 =	sadd.s32 s4, s6;
	[dreg:$0x0] =	wrdreg $0x0  }
0xa9: {  	s6 =	sshll.u32 s28, $0x1;
	[dreg:$0x2] =	wrdreg s4  }
0xaa: {  	[dreg:$0x3] =	wrdreg s6  }
0xab: {  	[dreg:$0x4] =	wrdreg $0xC0  }
0xac: {  	_ =	task [dreg:s8], $0x5FFFF  }
0xad: {  	[dreg:$0x1] =	wrdreg $0xFFFFFFFF  }
0xae: {  	[dreg:$0x0] =	wrdreg $0x60  }
0xaf: {  	[dreg:$0x2] =	wrdreg s2  }
0xb0: {  	[dreg:$0x3] =	wrdreg s18  }
0xb1: {  	[dreg:$0x4] =	wrdreg s24  }
0xb2: {  	[dreg:$0x5] =	wrdreg $0x9  }
0xb3: {  	_ =	task.clear_ibuf [dreg:s8], $0x6FFFF;
	_ =	strace $0x90000046  }
0xb4: {  	s29 =	simm.s32 $0x9;
	_ =	strace $0x80000048  }
0xb5: {  	_ =	swait.ge [sflag:s29], $0x1  }
0xb6: {  	[sflag:s29] =	ssyncadd.s32 $0xFFFFFFFF  }
0xb7: {  	_ =	strace $0x90000048  }
0xb8: {  	_ =	sfence  }
0xb9: {  	s30 =	sld [smem:$0x0];
	_ =	sdelay $0x2  }
0xba: {  	s31 =	sshll.u32 s1, $0xD;
	s1 =	sshrl.u32 s1, $0x2  }
0xbb: {  	s3 =	sand.u32 $0x4000, s31;
	s1 =	sadd.s32 s1, s30  }
0xbc: {  	s0 =	sor.u32 s3, s0;
	s1 =	sshll.u32 s1, $0x11  }
0xbd: {  	s0 =	sor.u32 s1, s0  }
0xbe: {  	s0 =	sadd.s32 $0x8F2B, s0  }
0xbf: {  	[sflag:s0] =	ssyncadd.remote.s32 $0x1  }
0xc0: {  	_ =	sfence.sel $0xFFFF  }
0xc1: {  	[dreg:$0x0] =	wrdreg $0xFFFFFFFF;
	(pc) =	sbr.abs _section_cstart, $3  }
0xc2: {  	[dreg:$0x1] =	wrdreg $0xFFFFFFFF  }
0xc3: {  	_ =	task.clear_ibuf [dreg:s8], $0x2FFFF;
	_ =	strace $0x9FFFFFFF  }
0xc4: {  	(tm) =	ssettm $0x7FFFFFFF  }
0xc5: {  	_ =	shalt  }
tec
execute0_lowered:
.L_overlay_start_1:
0x0: {  	(tag) =	ssettag $0x1  }
0x1: {  	v0 =	vimm.f32 $1.550000000e+01;
	vm0 =	vcmask $0x300  }
0x2: {  	v0 =	vsel vm0, $0x3F000000, v0;
	vm0 =	vcmask $0x704  }
0x3: {  	v0 =	vsel vm0, $0x3FC00000, v0;
	vm0 =	vcmask $0xB08  }
0x4: {  	v0 =	vsel vm0, $0x40200000, v0;
	vm0 =	vcmask $0xF0C  }
0x5: {  	v0 =	vsel vm0, $0x40600000, v0;
	vm0 =	vcmask $0x1310  }
0x6: {  	v0 =	vsel vm0, $0x40900000, v0;
	vm0 =	vcmask $0x1714  }
0x7: {  	v0 =	vsel vm0, $0x40B00000, v0;
	vm0 =	vcmask $0x1B18  }
0x8: {  	v0 =	vsel vm0, $0x40D00000, v0;
	vm0 =	vcmask $0x1F1C  }
0x9: {  	s0 =	rddreg [dreg:$0x1];
	v0 =	vsel vm0, $0x40F00000, v0;
	vm0 =	vcmask $0x2320  }
0xa: {  	s1 =	rddreg [dreg:$0x2];
	s2 =	srdreg.scid;
	s5 =	simm.s32 $0x0;
	v5 =	vlaneseq.u32;
	v0 =	vsel vm0, $0x41080000, v0;
	vm0 =	vcmask $0x2724  }
0xb: {  	s4 =	stileid.u32;
	s2 =	sand.u32 $0x1, s2;
	[smem:$0x7FF] =	sst s5;
	v61 =	vand.u32 $0x7, v5;
	v0 =	vsel vm0, $0x41180000, v0;
	vm0 =	vcmask $0x2B28  }
0xc: {  	s1 =	sadd.s32 $0x800, s1;
	v4 =	vshrl.u32 v5, $0x3;
	s3 =	sshll.u32 s2, $0x4;
	s2 =	ssub.s32 $0x2, s2;
	v0 =	vsel vm0, $0x41280000, v0;
	vm0 =	vcmask $0x2F2C  }
0xd: {  	v63 =	vor.u32 $0x8, v5;
	_ =	strace $0x80000047;
	[dreg:$0x4] =	wrdreg s1;
	s3 =	sor.u32 s4, s3;
	v0 =	vsel vm0, $0x41380000, v0;
	vm0 =	vcmask $0x3330  }
0xe: {  	[tilespmem:$0x1FFD0] =	vst v61;
	v62 =	vmul.u32 $0x8, v4;
	s26 =	sshrl.u32 s2, $0x1;
	s28 =	sshll.u32 s3, $0x6;
	s30 =	sshll.u32 s3, $0x5;
	v0 =	vsel vm0, $0x41480000, v0;
	vm0 =	vcmask $0x3734  }
0xf: {  	[tilespmem:$0x1FFF0] =	vst v63;
	s29 =	ssub.s32 s2, s26;
	s0 =	sadd.s32 s0, s28;
	[dreg:$0x6] =	wrdreg s30;
	v0 =	vsel vm0, $0x41580000, v0;
	vm0 =	vcmask $0x3B38  }
0x10: {  	[tilespmem:$0x1FFE0] =	vst v62;
	s31 =	smax.u32 s29, $0x1;
	[dreg:$0x5] =	wrdreg s0;
	v0 =	vsel vm0, $0x41680000, v0  }
0x11: {  	s1 =	simm.s32 $0x0;
	[dreg:$0x7] =	wrdreg s31;
	vm0 =	vmmov $0xffff;
	[tilespmem:$0x1FFC0] =	vst v0  }
.LBB2_1:
0x12: {  	[dreg:$0x8] =	wrdreg s1  }
0x13: {  	s0 =	simm.s32 $0x0;
	s30 =	rddreg [dreg:$0x5];
	s31 =	simm.s32 $0x3  }
0x14: {  	[tilespmem:s0], [sflag:$0x3] =	stream.linear.gather [hbm4b:s30+s0], $0x200, $0x38;
	[tilespmem:$0x13A00] =	vst v63  }
0x15: {  	_ =	swait.ge [sflag:s31], $0x200  }
0x16: {  	[sflag:s31] =	ssyncset.done $0x0  }
0x17: {  	s3 =	simm.s32 $0x0;
	[sflag:s31] =	ssyncadd.s32 $0xFFFFFE00  }
.LBB2_2:
0x18: {  	s0 =	sshll.u32 s3, $0x4  }
0x19: {  	s0 =	sand.u32 $0x3FFFFFF0, s0  }
0x1a: {  	v6 =	vld [tilespmem:s0+$0x0];
	_ =	sdelay $0x4  }
0x1b: {  	(v2sf) =	vpush v6, $0x0  }
0x1c: {  	(v2sf) =	vpush v6, $0x1  }
0x1d: {  	(v2sf) =	vpush v6, $0x2  }
0x1e: {  	(v2sf) =	vpush v6, $0x3  }
0x1f: {  	(v2sf) =	vpush v6, $0x4;
	_ =	sdelay $0xa  }
0x20: {  	s2 =	spop (v2sf)  }
0x21: {  	s7 =	spop (v2sf)  }
0x22: {  	s1 =	spop (v2sf)  }
0x23: {  	s8 =	spop (v2sf)  }
0x24: {  	s1 =	smul.f32 $2.500000000e-01, s1;
	s4 =	spop (v2sf)  }
0x25: {  	s4 =	smul.f32 $2.500000000e-01, s4  }
0x26: {  	s6 =	sadd.f32 $-5.000000000e-01, s1  }
0x27: {  	s9 =	sadd.f32 $-5.000000000e-01, s4;
	_ =	sdelay $0x1  }
0x28: {  	s0 =	smul.f32 $2.500000000e-01, s7;
	s1 =	ssub.f32 s9, s6  }
0x29: {  	s10 =	smul.f32 $2.500000000e-01, s8  }
0x2a: {  	s11 =	sadd.f32 $-5.000000000e-01, s0;
	s7 =	smul.f32 $7.142857460e-02, s1  }
0x2b: {  	s1 =	sadd.f32 $-5.000000000e-01, s10  }
0x2c: {  	s12 =	smul.f32 $5.000000000e-01, s7  }
0x2d: {  	v0 =	vld [tilespmem:$0x1FFC0];
	s1 =	ssub.f32 s1, s11  }
0x2e: {  	s0 =	sadd.f32 s12, s6;
	_ =	sdelay $0x1  }
0x2f: {  	s5 =	smul.f32 $7.142857460e-02, s1;
	s13 =	smax.f32 s0, $0.0e+00  }
0x30: {  	s1 =	smin.f32 s13, $1.990000000e+02  }
0x31: {  	v42 =	vmul.f32 s5, v0;
	s4 =	scvt.f32.s32 s1;
	_ =	sdelay $0x1  }
0x32: {  	v10 =	vadd.f32 s11, v42;
	s14 =	scvt.s32.f32 s4;
	_ =	sdelay $0x1  }
0x33: {  	v6 =	vmax.f32 v10, $0.0e+00;
	p0 =	slt.f32 s1, s14  }
0x34: {  	[dreg:$0x9] =	wrdreg s3;
	s3 =	simm.s32 $0x1;
	s2 =	scvt.f32.s32 s2;
	v11 =	vmin.f32 v6, $1.990000000e+02  }
0x35: {  	s16 =	smul.f32 $1.500000000e+00, s7;
	v6 =	vtrunc.f32 v11;
	s3 =	simm.s32 @!p0 $0x0  }
0x36: {  	v43 =	vimm.s32 $0x0;
	[dreg:$0xa] =	wrdreg s6;
	s11 =	smul.u32 $0x9C40, s2;
	v7 =	vcvt.f32.s32 v6;
	vm1 =	vlt.f32 v11, v6;
	s4 =	ssub.s32 s4, s3  }
0x37: {  	s2 =	sadd.f32 s16, s6;
	v6 =	vsel vm1, $0xFFFFFFFF, v43;
	s15 =	smul.u32 $0xC8, s4;
	s6 =	sadd.s32 $0x1, s4  }
0x38: {  	v51 =	vimm.f32 $0.0e+00;
	v4 =	vadd.s32 v7, v6;
	p0 =	slt.s32 s6, $0xC7  }
0x39: {  	v1 =	vld [tilespmem:$0x1FFD0];
	vm2 =	vle.f32 v10, $2.000000000e+02;
	v9 =	vadd.s32 $0x1, v4;
	v17 =	vcvt.s32.f32 v4;
	s17 =	sadd.s32 s11, s15;
	s6 =	simm.s32 @!p0 $0xC7  }
0x3a: {  	v2 =	vld [tilespmem:$0x1FFE0];
	v5 =	vand.u32 $0x7, v4;
	vm1 =	vlt.s32 v9, $0xC7;
	v7 =	vadd.s32 s17, v4;
	s19 =	smul.u32 $0xC8, s6  }
0x3b: {  	v3 =	vld [tilespmem:$0x1FFF0];
	s3 =	smax.f32 s2, $0.0e+00;
	v44 =	vnsel vm1, $0xC7, v9;
	v11 =	vsub.f32 v11, v17;
	v8 =	vshll.u32 v7, $0x1  }
0x3c: {  	s3 =	smin.f32 s3, $1.990000000e+02;
	vm1 =	vge.f32 v10, $-1.000000000e+00;
	v13 =	vadd.s32 s17, v44;
	v8 =	vand.u32 $0xFFFFFFF0, v8;
	s8 =	sadd.s32 s11, s19  }
0x3d: {  	s18 =	scvt.f32.s32 s3;
	v46 =	vand.u32 $0x7, v44;
	v12 =	vor.u32 v5, v8;
	v15 =	vadd.s32 s8, v4  }
0x3e: {  	v13 =	vshll.u32 v13, $0x1;
	v45 =	vperm.xlane v12, v1;
	v15 =	vshll.u32 v15, $0x1  }
0x3f: {  	s20 =	scvt.s32.f32 s18;
	vm1 =	vmand vm1, vm2;
	v13 =	vand.u32 $0xFFFFFFF0, v13;
	v15 =	vand.u32 $0xFFFFFFF0, v15  }
0x40: {  	v12 =	vperm.xlane v12, v3;
	v14 =	vadd.s32 v2, v45;
	v47 =	vor.u32 v5, v15  }
0x41: {  	v50 =	vsub.f32 $1.000000000e+00, v11;
	p0 =	slt.f32 s3, s20;
	v13 =	vor.u32 v46, v13;
	v15 =	vperm.xlane v47, v1  }
0x42: {  	s6 =	simm.s32 $0x1;
	v52 =	vsel vm1, $0x3F800000, v51;
	v16 =	vperm.xlane v13, v1;
	v12 =	vadd.s32 v2, v12  }
0x43: {  	s9 =	rddreg [dreg:$0x0];
	s6 =	simm.s32 @!p0 $0x0;
	v49 =	vadd.s32 v2, v15;
	v15 =	vmul.f32 v50, v52  }
0x44: {  	s10 =	simm.s32 $0x200;
	s5 =	simm.s32 $0x0;
	v13 =	vperm.xlane v13, v3;
	s6 =	ssub.s32 s18, s6;
	v16 =	vadd.s32 v2, v16  }
0x45: {  	v11 =	vmul.f32 v11, v52;
	v48 =	vadd.s32 s8, v44;
	[tilespmem:s10], [sflag:$0x1] =	stream.indirect_vreg.gather [hbm4b:s9+s5], $0x80, v14, vm0, $0xb8;
	(v2sf) =	vpush v15, $0x0;
	[tilespmem:$0x13A00] =	vst v63  }
0x46: {  	s21 =	simm.s32 $0xA00;
	v10 =	vshll.u32 v48, $0x1;
	v13 =	vadd.s32 v2, v13;
	s22 =	smul.u32 $0xC8, s6  }
0x47: {  	v10 =	vand.u32 $0xFFFFFFF0, v10;
	(v2sf) =	vpush v11, $0x0;
	[tilespmem:s21], [sflag:$0x1] =	stream.indirect_vreg.gather [hbm4b:s9+s5], $0x80, v12, vm0, $0xb8;
	[tilespmem:$0x13A00] =	vst v63  }
0x48: {  	s23 =	simm.s32 $0x1200;
	[dreg:$0xb] =	wrdreg s7;
	v10 =	vor.u32 v46, v10;
	s7 =	sadd.s32 s11, s22;
	v14 =	vperm.xlane v47, v3;
	(v2sf) =	vpush v15, $0x1  }
0x49: {  	v53 =	vperm.xlane v10, v1;
	[tilespmem:s23], [sflag:$0x1] =	stream.indirect_vreg.gather [hbm4b:s9+s5], $0x80, v16, vm0, $0xb8;
	[tilespmem:$0x13A00] =	vst v63  }
0x4a: {  	s24 =	simm.s32 $0x1A00;
	v54 =	vadd.s32 s7, v4;
	v14 =	vadd.s32 v2, v14;
	(v2sf) =	vpush v11, $0x1  }
0x4b: {  	v17 =	vshll.u32 v54, $0x1;
	(v2sf) =	vpush v15, $0x2;
	[tilespmem:s24], [sflag:$0x1] =	stream.indirect_vreg.gather [hbm4b:s9+s5], $0x80, v13, vm0, $0xb8;
	[tilespmem:$0x13A00] =	vst v63  }
0x4c: {  	s25 =	simm.s32 $0x2200;
	v10 =	vperm.xlane v10, v3;
	v55 =	vadd.s32 v2, v53;
	v56 =	vand.u32 $0xFFFFFFF0, v17  }
0x4d: {  	v13 =	vor.u32 v5, v56;
	[tilespmem:s25], [sflag:$0x1] =	stream.indirect_vreg.gather [hbm4b:s9+s5], $0x80, v49, vm0, $0xb8;
	[tilespmem:$0x13A00] =	vst v63  }
0x4e: {  	s26 =	simm.s32 $0x2A00;
	s12 =	simm.s32 $0x3A00;
	s8 =	sadd.s32 $0x1, s6;
	v10 =	vadd.s32 v2, v10;
	(v2sf) =	vpush v11, $0x2;
	v58 =	vperm.xlane v13, v1  }
0x4f: {  	(v2sf) =	vpush v15, $0x3;
	[tilespmem:s26], [sflag:$0x1] =	stream.indirect_vreg.gather [hbm4b:s9+s5], $0x80, v14, vm0, $0xb8;
	[tilespmem:$0x13A00] =	vst v63  }
0x50: {  	p1 =	sle.f32 s0, $2.000000000e+02;
	p0 =	slt.s32 s8, $0xC7;
	v57 =	vadd.s32 s7, v44;
	s10 =	simm.s32 $0x3200;
	v16 =	vadd.s32 v2, v58  }
0x51: {  	v13 =	vperm.xlane v13, v3;
	v14 =	vshll.u32 v57, $0x1;
	[tilespmem:s10], [sflag:$0x1] =	stream.indirect_vreg.gather [hbm4b:s9+s5], $0x80, v55, vm0, $0xb8;
	[tilespmem:$0x13A00] =	vst v63  }
0x52: {  	[dreg:$0xc] =	wrdreg s11;
	s4 =	scvt.s32.f32 s4;
	s8 =	simm.s32 @!p0 $0xC7;
	(v2sf) =	vpush v11, $0x3;
	v14 =	vand.u32 $0xFFFFFFF0, v14  }
0x53: {  	(v2sf) =	vpush v15, $0x4;
	v13 =	vadd.s32 v2, v13;
	v59 =	vor.u32 v46, v14;
	[tilespmem:s12], [sflag:$0x1] =	stream.indirect_vreg.gather [hbm4b:s9+s5], $0x80, v10, vm0, $0xb8;
	[tilespmem:$0x13A00] =	vst v63  }
0x54: {  	s13 =	simm.s32 $0x4200;
	s31 =	smul.u32 $0xC8, s8;
	v14 =	vperm.xlane v59, v1;
	s17 =	spop (v2sf)  }
0x55: {  	(v2sf) =	vpush v11, $0x4;
	[tilespmem:s13], [sflag:$0x1] =	stream.indirect_vreg.gather [hbm4b:s9+s5], $0x80, v16, vm0, $0xb8;
	[tilespmem:$0x13A00] =	vst v63  }
0x56: {  	s14 =	simm.s32 $0x4A00;
	(v2sf) =	vpush v15, $0x5;
	v14 =	vadd.s32 v2, v14;
	[dreg:$0xd] =	wrdreg s17;
	s18 =	spop (v2sf)  }
0x57: {  	s7 =	sadd.s32 s11, s31;
	[dreg:$0xe] =	wrdreg s18;
	s19 =	spop (v2sf)  }
0x58: {  	v60 =	vadd.s32 s7, v4;
	(v2sf) =	vpush v11, $0x5;
	[tilespmem:s14], [sflag:$0x1] =	stream.indirect_vreg.gather [hbm4b:s9+s5], $0x80, v13, vm0, $0xb8;
	[tilespmem:$0x13A00] =	vst v63  }
0x59: {  	(v2sf) =	vpush v15, $0x6;
	v12 =	vperm.xlane v59, v3;
	v10 =	vshll.u32 v60, $0x1;
	[dreg:$0xf] =	wrdreg s19;
	s21 =	spop (v2sf)  }
0x5a: {  	s15 =	simm.s32 $0x5200;
	v10 =	vand.u32 $0xFFFFFFF0, v10;
	(v2sf) =	vpush v11, $0x6;
	[dreg:$0x10] =	wrdreg s21;
	s23 =	spop (v2sf)  }
0x5b: {  	v12 =	vadd.s32 v2, v12;
	v10 =	vor.u32 v5, v10;
	(v2sf) =	vpush v15, $0x7;
	[tilespmem:s15], [sflag:$0x1] =	stream.indirect_vreg.gather [hbm4b:s9+s5], $0x80, v14, vm0, $0xb8;
	[tilespmem:$0x13A00] =	vst v63  }
0x5c: {  	p0 =	sge.f32 s0, $-1.000000000e+00;
	v61 =	vperm.xlane v10, v1;
	(v2sf) =	vpush v11, $0x7;
	[dreg:$0x11] =	wrdreg s23  }
0x5d: {  	s16 =	simm.s32 $0x5A00;
	s24 =	spop (v2sf);
	s15 =	ssub.f32 s1, s4  }
0x5e: {  	(v2sf) =	vpush v15, $0x8;
	v13 =	vadd.s32 v2, v61;
	s4 =	simm.f32 $2.500000000e-01;
	[dreg:$0x12] =	wrdreg s24;
	s25 =	spop (v2sf)  }
0x5f: {  	v10 =	vperm.xlane v10, v3;
	(v2sf) =	vpush v11, $0x8;
	s4 =	simm.s32 @!p1 $0x0;
	s24 =	scvt.s32.f32 s6;
	p1 =	sle.f32 s2, $2.000000000e+02  }
0x60: {  	(v2sf) =	vpush v15, $0x9;
	[tilespmem:s16], [sflag:$0x1] =	stream.indirect_vreg.gather [hbm4b:s9+s5], $0x80, v12, vm0, $0xb8;
	[tilespmem:$0x13A00] =	vst v63  }
0x61: {  	v10 =	vadd.s32 v2, v10;
	[dreg:$0x13] =	wrdreg s25;
	s26 =	spop (v2sf)  }
0x62: {  	s20 =	simm.s32 $0x6200;
	(v2sf) =	vpush v11, $0x9;
	s18 =	ssub.f32 $1.000000000e+00, s15;
	s31 =	spop (v2sf)  }
0x63: {  	(v2sf) =	vpush v15, $0xA;
	[tilespmem:s20], [sflag:$0x1] =	stream.indirect_vreg.gather [hbm4b:s9+s5], $0x80, v13, vm0, $0xb8;
	[tilespmem:$0x13A00] =	vst v63  }
0x64: {  	s4 =	simm.s32 @!p0 $0x0;
	p0 =	sge.f32 s2, $-1.000000000e+00;
	s8 =	spop (v2sf)  }
0x65: {  	s22 =	simm.s32 $0x6A00;
	v62 =	vadd.s32 s7, v44;
	[dreg:$0x14] =	wrdreg s26;
	(v2sf) =	vpush v11, $0xA;
	s10 =	spop (v2sf)  }
0x66: {  	(v2sf) =	vpush v15, $0xB;
	[tilespmem:s22], [sflag:$0x1] =	stream.indirect_vreg.gather [hbm4b:s9+s5], $0x80, v10, vm0, $0xb8;
	v10 =	vshll.u32 v62, $0x1;
	[tilespmem:$0x13A00] =	vst v63  }
0x67: {  	s0 =	smul.f32 s15, s4;
	(v2sf) =	vpush v11, $0xB;
	s11 =	spop (v2sf);
	v10 =	vand.u32 $0xFFFFFFF0, v10  }
0x68: {  	s3 =	ssub.f32 s3, s24;
	(v2sf) =	vpush v15, $0xC;
	s12 =	spop (v2sf);
	v10 =	vor.u32 v46, v10  }
0x69: {  	s7 =	simm.f32 $2.500000000e-01;
	[dreg:$0x15] =	wrdreg s31;
	v63 =	vperm.xlane v10, v1;
	s13 =	spop (v2sf);
	(v2sf) =	vpush v11, $0xC  }
0x6a: {  	s7 =	simm.s32 @!p1 $0x0;
	s1 =	smul.f32 s18, s4;
	s14 =	spop (v2sf);
	(v2sf) =	vpush v15, $0xD  }
0x6b: {  	s7 =	simm.s32 @!p0 $0x0;
	[dreg:$0x16] =	wrdreg s8;
	v12 =	vadd.s32 v2, v63;
	s16 =	spop (v2sf);
	(v2sf) =	vpush v11, $0xD  }
0x6c: {  	s31 =	ssub.f32 $1.000000000e+00, s3;
	s3 =	smul.f32 s3, s7;
	v10 =	vperm.xlane v10, v3  }
0x6d: {  	[dreg:$0x17] =	wrdreg s10;
	s20 =	spop (v2sf)  }
0x6e: {  	[dreg:$0x18] =	wrdreg s11;
	v10 =	vadd.s32 v2, v10;
	s21 =	spop (v2sf)  }
0x6f: {  	s17 =	simm.s32 $0x7200;
	s2 =	smul.f32 s31, s7;
	s22 =	spop (v2sf)  }
0x70: {  	[tilespmem:s17], [sflag:$0x1] =	stream.indirect_vreg.gather [hbm4b:s9+s5], $0x80, v12, vm0, $0xb8;
	[tilespmem:$0x13A00] =	vst v63  }
0x71: {  	[dreg:$0x19] =	wrdreg s12;
	s23 =	spop (v2sf)  }
0x72: {  	s19 =	simm.s32 $0x7A00;
	[dreg:$0x1a] =	wrdreg s13;
	s26 =	spop (v2sf)  }
0x73: {  	[tilespmem:s19], [sflag:$0x1] =	stream.indirect_vreg.gather [hbm4b:s9+s5], $0x80, v10, vm0, $0xb8;
	[tilespmem:$0x13A00] =	vst v63  }
0x74: {  	[dreg:$0x1b] =	wrdreg s14;
	s25 =	spop (v2sf)  }
0x75: {  	[dreg:$0x1c] =	wrdreg s16;
	s4 =	spop (v2sf)  }
0x76: {  	[dreg:$0x1d] =	wrdreg s20;
	s6 =	spop (v2sf)  }
0x77: {  	[tilespmem:$0x1FF80] =	vst v4;
	[dreg:$0x1e] =	wrdreg s21;
	s8 =	spop (v2sf)  }
0x78: {  	[tilespmem:$0x1FF90] =	vst v5;
	[dreg:$0x1f] =	wrdreg s22;
	s28 =	spop (v2sf)  }
0x79: {  	[tilespmem:$0x1FFA0] =	vst v44;
	[smem:$0x7FC] =	sst s23;
	s30 =	spop (v2sf)  }
0x7a: {  	[tilespmem:$0x1FFB0] =	vst v46;
	[smem:$0x7FD] =	sst s26;
	s29 =	spop (v2sf)  }
.LBB2_4:
0x7b: {  	s31 =	sadd.s32 $0x1, s5  }
0x7c: {  	s7 =	sshll.u32 s31, $0x1  }
0x7d: {  	s7 =	scvt.s32.f32 s7  }
0x7e: {  	s9 =	sshllo.u32 s31, $0x1  }
0x7f: {  	s9 =	scvt.s32.f32 s9;
	s7 =	sadd.f32 $5.000000000e-01, s7  }
0x80: {  	s10 =	rddreg [dreg:$0xb]  }
0x81: {  	s9 =	sadd.f32 $5.000000000e-01, s9;
	s7 =	smul.f32 s7, s10  }
0x82: {  	s11 =	rddreg [dreg:$0xa]  }
0x83: {  	s9 =	smul.f32 s9, s10;
	s10 =	sadd.f32 s7, s11  }
0x84: {  	_ = 	snop  }
0x85: {  	s7 =	smax.f32 s10, $0.0e+00  }
0x86: {  	s26 =	sadd.f32 s9, s11;
	s11 =	smin.f32 s7, $1.990000000e+02  }
0x87: {  	s7 =	scvt.f32.s32 s11;
	_ =	sdelay $0x1  }
0x88: {  	s9 =	smax.f32 s26, $0.0e+00;
	s13 =	scvt.s32.f32 s7  }
0x89: {  	s9 =	smin.f32 s9, $1.990000000e+02  }
0x8a: {  	s12 =	scvt.f32.s32 s9;
	p0 =	slt.f32 s11, s13  }
0x8b: {  	s13 =	simm.s32 $0x1  }
0x8c: {  	s14 =	scvt.s32.f32 s12;
	s13 =	simm.s32 @!p0 $0x0;
	p0 =	seq.s32 s5, $0x6  }
.Ltmp0:
0x8d: {  	_ = 	snop;
	(pc) =	sbr.rel @p0 .LBB2_6-.Ltmp0, $4  }
0x8e: {  	p1 =	slt.f32 s9, s14  }
0x8f: {  	s14 =	simm.s32 $0x1  }
0x90: {  	s14 =	simm.s32 @!p1 $0x0  }
0x91: {  	s13 =	ssub.s32 s7, s13;
	s7 =	sand.u32 $0x1, s5;
	s12 =	ssub.s32 s12, s14  }
0x92: {  	v3 =	vld [tilespmem:$0x1FF80];
	_ =	sdelay $0x1  }
0x93: {  	s14 =	smul.u32 $0xC8, s13;
	v4 =	vld [tilespmem:$0x1FF90]  }
0x94: {  	s20 =	rddreg [dreg:$0xc];
	v5 =	vld [tilespmem:$0x1FFA0]  }
0x95: {  	v0 =	vld [tilespmem:$0x1FFD0];
	s14 =	sadd.s32 s20, s14  }
0x96: {  	v1 =	vld [tilespmem:$0x1FFE0];
	v10 =	vadd.s32 s14, v3  }
0x97: {  	v2 =	vld [tilespmem:$0x1FFF0];
	v10 =	vshll.u32 v10, $0x1  }
0x98: {  	v6 =	vld [tilespmem:$0x1FFB0];
	v10 =	vand.u32 $0xFFFFFFF0, v10  }
0x99: {  	s15 =	sadd.s32 $0x1, s13;
	v10 =	vor.u32 v4, v10  }
0x9a: {  	p0 =	slt.s32 s15, $0xC7;
	v11 =	vadd.s32 s14, v5;
	v12 =	vperm.xlane v10, v0  }
0x9b: {  	s15 =	simm.s32 @!p0 $0xC7;
	v11 =	vshll.u32 v11, $0x1  }
0x9c: {  	s21 =	smul.u32 $0xC8, s15;
	v11 =	vand.u32 $0xFFFFFFF0, v11;
	v10 =	vperm.xlane v10, v2;
	v12 =	vadd.s32 v1, v12  }
0x9d: {  	v11 =	vor.u32 v6, v11  }
0x9e: {  	s22 =	sxor.u32 $0x1, s7;
	s16 =	sadd.s32 s20, s21;
	v14 =	vperm.xlane v11, v0;
	v10 =	vadd.s32 v1, v10  }
0x9f: {  	s18 =	rddreg [dreg:$0x0];
	s14 =	sshll.u32 s22, $0xF;
	v13 =	vadd.s32 s16, v3  }
0xa0: {  	s19 =	simm.s32 $0x0;
	s15 =	sadd.s32 $0x1, s22;
	s17 =	sor.u32 $0x200, s14;
	v13 =	vshll.u32 v13, $0x1;
	v11 =	vperm.xlane v11, v2;
	v14 =	vadd.s32 v1, v14  }
0xa1: {  	v13 =	vand.u32 $0xFFFFFFF0, v13;
	[tilespmem:s17], [sflag:s15] =	stream.indirect_vreg.gather [hbm4b:s18+s19], $0x80, v12, vm0, $0xb8;
	[tilespmem:$0x13A00] =	vst v63  }
0xa2: {  	s23 =	sor.u32 $0xA00, s14;
	v44 =	vor.u32 v4, v13;
	v11 =	vadd.s32 v1, v11  }
0xa3: {  	v13 =	vperm.xlane v44, v0;
	[tilespmem:s23], [sflag:s15] =	stream.indirect_vreg.gather [hbm4b:s18+s19], $0x80, v10, vm0, $0xb8;
	[tilespmem:$0x13A00] =	vst v63  }
0xa4: {  	s22 =	smul.u32 $0xC8, s12;
	s24 =	sor.u32 $0x1200, s14;
	v46 =	vadd.s32 s16, v5;
	v12 =	vperm.xlane v44, v2  }
0xa5: {  	v48 =	vshll.u32 v46, $0x1;
	v45 =	vadd.s32 v1, v13;
	[tilespmem:s24], [sflag:s15] =	stream.indirect_vreg.gather [hbm4b:s18+s19], $0x80, v14, vm0, $0xb8;
	[tilespmem:$0x13A00] =	vst v63  }
0xa6: {  	s17 =	sor.u32 $0x1A00, s14;
	v47 =	vadd.s32 v1, v12;
	v12 =	vand.u32 $0xFFFFFFF0, v48;
	s23 =	sadd.s32 s20, s22  }
0xa7: {  	v49 =	vor.u32 v6, v12;
	[tilespmem:s17], [sflag:s15] =	stream.indirect_vreg.gather [hbm4b:s18+s19], $0x80, v11, vm0, $0xb8;
	[tilespmem:$0x13A00] =	vst v63  }
0xa8: {  	v50 =	vadd.s32 s23, v3;
	v12 =	vperm.xlane v49, v0;
	s17 =	sadd.s32 $0x1, s12  }
0xa9: {  	s21 =	sor.u32 $0x2200, s14;
	v52 =	vshll.u32 v50, $0x1;
	p0 =	slt.s32 s17, $0xC7  }
0xaa: {  	v10 =	vperm.xlane v49, v2;
	v51 =	vadd.s32 v1, v12;
	v12 =	vand.u32 $0xFFFFFFF0, v52;
	[tilespmem:s21], [sflag:s15] =	stream.indirect_vreg.gather [hbm4b:s18+s19], $0x80, v45, vm0, $0xb8;
	[tilespmem:$0x13A00] =	vst v63  }
0xab: {  	v12 =	vor.u32 v4, v12;
	s17 =	simm.s32 @!p0 $0xC7  }
0xac: {  	v53 =	vadd.s32 s23, v5;
	s24 =	sor.u32 $0x2A00, s14;
	v10 =	vadd.s32 v1, v10;
	v54 =	vperm.xlane v12, v0;
	s17 =	smul.u32 $0xC8, s17  }
0xad: {  	v13 =	vshll.u32 v53, $0x1;
	[tilespmem:s24], [sflag:s15] =	stream.indirect_vreg.gather [hbm4b:s18+s19], $0x80, v47, vm0, $0xb8;
	[tilespmem:$0x13A00] =	vst v63  }
0xae: {  	v13 =	vand.u32 $0xFFFFFFF0, v13;
	s21 =	sor.u32 $0x3200, s14;
	v12 =	vperm.xlane v12, v2;
	v55 =	vadd.s32 v1, v54;
	s22 =	sadd.s32 s20, s17  }
0xaf: {  	v13 =	vor.u32 v6, v13;
	[tilespmem:s21], [sflag:s15] =	stream.indirect_vreg.gather [hbm4b:s18+s19], $0x80, v51, vm0, $0xb8;
	[tilespmem:$0x13A00] =	vst v63  }
0xb0: {  	s23 =	sor.u32 $0x3A00, s14;
	v15 =	vperm.xlane v13, v0;
	v12 =	vadd.s32 v1, v12;
	v56 =	vadd.s32 s22, v3  }
0xb1: {  	v57 =	vshll.u32 v56, $0x1;
	[tilespmem:s23], [sflag:s15] =	stream.indirect_vreg.gather [hbm4b:s18+s19], $0x80, v10, vm0, $0xb8;
	[tilespmem:$0x13A00] =	vst v63  }
0xb2: {  	v13 =	vperm.xlane v13, v2;
	v58 =	vadd.s32 v1, v15;
	s24 =	sor.u32 $0x4200, s14;
	v10 =	vand.u32 $0xFFFFFFF0, v57  }
0xb3: {  	v10 =	vor.u32 v4, v10;
	[tilespmem:s24], [sflag:s15] =	stream.indirect_vreg.gather [hbm4b:s18+s19], $0x80, v55, vm0, $0xb8;
	[tilespmem:$0x13A00] =	vst v63  }
0xb4: {  	v13 =	vadd.s32 v1, v13;
	s17 =	sor.u32 $0x4A00, s14;
	v59 =	vadd.s32 s22, v5;
	v60 =	vperm.xlane v10, v0  }
0xb5: {  	v11 =	vshll.u32 v59, $0x1;
	[tilespmem:s17], [sflag:s15] =	stream.indirect_vreg.gather [hbm4b:s18+s19], $0x80, v12, vm0, $0xb8;
	[tilespmem:$0x13A00] =	vst v63  }
0xb6: {  	s20 =	sor.u32 $0x5200, s14;
	v11 =	vand.u32 $0xFFFFFFF0, v11;
	v10 =	vperm.xlane v10, v2;
	v61 =	vadd.s32 v1, v60  }
0xb7: {  	v11 =	vor.u32 v6, v11;
	[tilespmem:s20], [sflag:s15] =	stream.indirect_vreg.gather [hbm4b:s18+s19], $0x80, v58, vm0, $0xb8;
	[tilespmem:$0x13A00] =	vst v63  }
0xb8: {  	s21 =	sor.u32 $0x5A00, s14;
	v62 =	vperm.xlane v11, v0;
	v10 =	vadd.s32 v1, v10  }
0xb9: {  	[tilespmem:s21], [sflag:s15] =	stream.indirect_vreg.gather [hbm4b:s18+s19], $0x80, v13, vm0, $0xb8;
	[tilespmem:$0x13A00] =	vst v63  }
0xba: {  	s22 =	sor.u32 $0x6200, s14;
	v11 =	vperm.xlane v11, v2;
	v63 =	vadd.s32 v1, v62  }
0xbb: {  	[tilespmem:s22], [sflag:s15] =	stream.indirect_vreg.gather [hbm4b:s18+s19], $0x80, v61, vm0, $0xb8;
	[tilespmem:$0x13A00] =	vst v63  }
0xbc: {  	s23 =	sor.u32 $0x6A00, s14;
	v11 =	vadd.s32 v1, v11  }
0xbd: {  	[tilespmem:s23], [sflag:s15] =	stream.indirect_vreg.gather [hbm4b:s18+s19], $0x80, v10, vm0, $0xb8;
	[tilespmem:$0x13A00] =	vst v63  }
0xbe: {  	s24 =	sor.u32 $0x7200, s14  }
0xbf: {  	[tilespmem:s24], [sflag:s15] =	stream.indirect_vreg.gather [hbm4b:s18+s19], $0x80, v63, vm0, $0xb8;
	[tilespmem:$0x13A00] =	vst v63  }
0xc0: {  	s14 =	sor.u32 $0x7A00, s14  }
0xc1: {  	[tilespmem:s14], [sflag:s15] =	stream.indirect_vreg.gather [hbm4b:s18+s19], $0x80, v11, vm0, $0xb8;
	[tilespmem:$0x13A00] =	vst v63  }
.LBB2_6:
0xc2: {  	s13 =	scvt.s32.f32 s13;
	_ =	sdelay $0x1  }
0xc3: {  	p0 =	sle.f32 s10, $2.000000000e+02;
	s11 =	ssub.f32 s11, s13  }
0xc4: {  	p1 =	sge.f32 s10, $-1.000000000e+00;
	s12 =	scvt.s32.f32 s12;
	s13 =	simm.f32 $2.500000000e-01  }
0xc5: {  	s13 =	simm.s32 @!p0 $0x0;
	s24 =	ssub.f32 $1.000000000e+00, s11  }
0xc6: {  	s9 =	ssub.f32 s9, s12;
	s13 =	simm.s32 @!p1 $0x0  }
0xc7: {  	s10 =	smul.f32 s24, s13  }
0xc8: {  	s12 =	simm.f32 $2.500000000e-01;
	p0 =	sle.f32 s26, $2.000000000e+02;
	s14 =	ssub.f32 $1.000000000e+00, s9  }
0xc9: {  	p1 =	sge.f32 s26, $-1.000000000e+00;
	[smem:$0x7FB] =	sst s10;
	s10 =	sadd.s32 $0x1, s7  }
0xca: {  	s12 =	simm.s32 @!p0 $0x0;
	s11 =	smul.f32 s11, s13;
	_ =	swait.ge [sflag:s10], $0x1000  }
0xcb: {  	s12 =	simm.s32 @!p1 $0x0;
	[sflag:s10] =	ssyncset.done $0x0  }
0xcc: {  	s26 =	smul.f32 s14, s12;
	[smem:$0x7FA] =	sst s11;
	[sflag:s10] =	ssyncadd.s32 $0xFFFFF000  }
0xcd: {  	s9 =	smul.f32 s9, s12;
	_ =	swait.ge [sflag:s10], $0x1000  }
0xce: {  	[smem:$0x7F9] =	sst s26;
	[sflag:s10] =	ssyncset.done $0x0  }
0xcf: {  	[smem:$0x7F8] =	sst s9;
	[sflag:s10] =	ssyncadd.s32 $0xFFFFF000  }
0xd0: {  	_ =	swait.ge [sflag:s10], $0x1000  }
0xd1: {  	s22 =	smul.u32 $0x700, s5;
	s19 =	rddreg [dreg:$0xd]  }
0xd2: {  	s20 =	rddreg [dreg:$0xe];
	s9 =	smul.f32 s1, s19  }
0xd3: {  	s11 =	smul.f32 s1, s20  }
0xd4: {  	[sflag:s10] =	ssyncset.done $0x0;
	s12 =	smul.f32 s0, s19  }
0xd5: {  	[sflag:s10] =	ssyncadd.s32 $0xFFFFF000;
	s13 =	smul.f32 s0, s20  }
0xd6: {  	s26 =	smul.f32 s2, s19;
	_ =	swait.ge [sflag:s10], $0x1000  }
0xd7: {  	s18 =	smul.f32 s2, s20;
	[sflag:s10] =	ssyncset.done $0x0  }
0xd8: {  	s19 =	smul.f32 s3, s19;
	s23 =	rddreg [dreg:$0xf];
	[sflag:s10] =	ssyncadd.s32 $0xFFFFF000  }
0xd9: {  	s20 =	smul.f32 s3, s20;
	s24 =	rddreg [dreg:$0x10];
	_ =	swait.ge [sflag:s10], $0x1000  }
0xda: {  	v13 =	vmov s12;
	s12 =	smul.u32 $0x380, s5;
	[sflag:s10] =	ssyncset.done $0x0  }
0xdb: {  	s14 =	smul.f32 s1, s23;
	[sflag:s10] =	ssyncadd.s32 $0xFFFFF000  }
0xdc: {  	s15 =	smul.f32 s1, s24;
	_ =	swait.ge [sflag:s10], $0x1000  }
0xdd: {  	s16 =	smul.f32 s0, s23;
	[sflag:s10] =	ssyncset.done $0x0  }
0xde: {  	v19 =	vmov s26;
	s26 =	sshll.u32 s7, $0xF;
	s17 =	smul.f32 s0, s24;
	[sflag:s10] =	ssyncadd.s32 $0xFFFFF000  }
0xdf: {  	v11 =	vmov s9;
	s21 =	smul.f32 s2, s23;
	s7 =	sor.u32 $0x200, s26;
	_ =	swait.ge [sflag:s10], $0x1000  }
0xe0: {  	v12 =	vmov s11;
	s9 =	sand.u32 $0x380, s12;
	v10 =	vmov s7;
	v16 =	vmov s15;
	s15 =	smul.f32 s2, s24;
	[sflag:s10] =	ssyncset.done $0x0  }
0xe1: {  	v14 =	vmov s13;
	v20 =	vmov s18;
	v18 =	vmov s17;
	s17 =	smul.f32 s3, s23;
	s23 =	sand.u32 $0x3800, s22;
	[sflag:s10] =	ssyncadd.s32 $0xFFFFF000  }
0xe2: {  	v21 =	vmov s19;
	v22 =	vmov s20;
	v15 =	vmov s14;
	s24 =	smul.f32 s3, s24;
	s9 =	sor.u32 s9, s23;
	_ =	swait.ge [sflag:s10], $0x1000  }
0xe3: {  	v17 =	vmov s16;
	v23 =	vmov s21;
	v24 =	vmov s15;
	s9 =	sadd.s32 $0x10200, s9;
	[sflag:s10] =	ssyncset.done $0x0  }
0xe4: {  	p0 =	por $0x1, $0x1;
	s7 =	simm.s32 $0x0;
	v25 =	vmov s17;
	v26 =	vmov s24;
	v27 =	vmov s9;
	[sflag:s10] =	ssyncadd.s32 $0xFFFFF000  }
.LBB2_7:
0xe5: {  	v28 =	vld.idx.msk [tilespmem:v10+s7+$0x0 ss:$0x1], $0xffff  }
0xe6: {  	v29 =	vld.idx.msk [tilespmem:v10+s7+$0x1000 ss:$0x1], $0xffff  }
0xe7: {  	v30 =	vld.idx.msk [tilespmem:v10+s7+$0x2000 ss:$0x1], $0xffff  }
0xe8: {  	v31 =	vld.idx.msk [tilespmem:v10+s7+$0x3000 ss:$0x1], $0xffff  }
0xe9: {  	v32 =	vld.idx.msk [tilespmem:v10+s7+$0x80 ss:$0x1], $0xffff  }
0xea: {  	v33 =	vld.idx.msk [tilespmem:v10+s7+$0x1080 ss:$0x1], $0xffff  }
0xeb: {  	v34 =	vld.idx.msk [tilespmem:v10+s7+$0x2080 ss:$0x1], $0xffff  }
0xec: {  	v35 =	vld.idx.msk [tilespmem:v10+s7+$0x3080 ss:$0x1], $0xffff  }
0xed: {  	v36 =	vld.idx.msk [tilespmem:v10+s7+$0x4000 ss:$0x1], $0xffff  }
0xee: {  	v37 =	vld.idx.msk [tilespmem:v10+s7+$0x5000 ss:$0x1], $0xffff  }
0xef: {  	v38 =	vld.idx.msk [tilespmem:v10+s7+$0x6000 ss:$0x1], $0xffff  }
0xf0: {  	v39 =	vld.idx.msk [tilespmem:v10+s7+$0x7000 ss:$0x1], $0xffff  }
0xf1: {  	v40 =	vld.idx.msk [tilespmem:v10+s7+$0x4080 ss:$0x1], $0xffff  }
0xf2: {  	v41 =	vld.idx.msk [tilespmem:v10+s7+$0x5080 ss:$0x1], $0xffff  }
0xf3: {  	v42 =	vld.idx.msk [tilespmem:v10+s7+$0x6080 ss:$0x1], $0xffff  }
0xf4: {  	v43 =	vld.idx.msk [tilespmem:v10+s7+$0x7080 ss:$0x1], $0xffff  }
0xf5: {  	v44 =	vld.idx.msk [tilespmem:v10+s7+$0x10 ss:$0x1], $0xffff  }
0xf6: {  	v45 =	vld.idx.msk [tilespmem:v10+s7+$0x1010 ss:$0x1], $0xffff  }
0xf7: {  	v46 =	vld.idx.msk [tilespmem:v10+s7+$0x2010 ss:$0x1], $0xffff  }
0xf8: {  	v47 =	vld.idx.msk [tilespmem:v10+s7+$0x3010 ss:$0x1], $0xffff  }
0xf9: {  	v48 =	vld.idx.msk [tilespmem:v10+s7+$0x90 ss:$0x1], $0xffff  }
0xfa: {  	v49 =	vld.idx.msk [tilespmem:v10+s7+$0x1090 ss:$0x1], $0xffff  }
0xfb: {  	v50 =	vld.idx.msk [tilespmem:v10+s7+$0x2090 ss:$0x1], $0xffff  }
0xfc: {  	v51 =	vld.idx.msk [tilespmem:v10+s7+$0x3090 ss:$0x1], $0xffff  }
0xfd: {  	v52 =	vld.idx.msk [tilespmem:v10+s7+$0x4010 ss:$0x1], $0xffff  }
0xfe: {  	v53 =	vld.idx.msk [tilespmem:v10+s7+$0x5010 ss:$0x1], $0xffff  }
0xff: {  	v54 =	vld.idx.msk [tilespmem:v10+s7+$0x6010 ss:$0x1], $0xffff  }
0x100: {  	v55 =	vld.idx.msk [tilespmem:v10+s7+$0x7010 ss:$0x1], $0xffff  }
0x101: {  	v56 =	vld.idx.msk [tilespmem:v10+s7+$0x4090 ss:$0x1], $0xffff  }
0x102: {  	v57 =	vld.idx.msk [tilespmem:v10+s7+$0x5090 ss:$0x1], $0xffff  }
0x103: {  	v58 =	vld.idx.msk [tilespmem:v10+s7+$0x6090 ss:$0x1], $0xffff  }
0x104: {  	v59 =	vld.idx.msk [tilespmem:v10+s7+$0x7090 ss:$0x1], $0xffff  }
0x105: {  	v60 =	vld.idx.msk [tilespmem:v10+s7+$0x20 ss:$0x1], $0xffff  }
0x106: {  	v61 =	vld.idx.msk [tilespmem:v10+s7+$0x1020 ss:$0x1], $0xffff  }
0x107: {  	v62 =	vld.idx.msk [tilespmem:v10+s7+$0x2020 ss:$0x1], $0xffff  }
0x108: {  	v63 =	vld.idx.msk [tilespmem:v10+s7+$0x3020 ss:$0x1], $0xffff  }
0x109: {  	v1 =	vld.idx.msk [tilespmem:v10+s7+$0xA0 ss:$0x1], $0xffff  }
0x10a: {  	v2 =	vld.idx.msk [tilespmem:v10+s7+$0x10A0 ss:$0x1], $0xffff  }
0x10b: {  	v0 =	vld.idx.msk [tilespmem:v10+s7+$0x20A0 ss:$0x1], $0xffff  }
0x10c: {  	v7 =	vld.idx.msk [tilespmem:v10+s7+$0x30A0 ss:$0x1], $0xffff  }
0x10d: {  	v9 =	vld.idx.msk [tilespmem:v10+s7+$0x4020 ss:$0x1], $0xffff  }
0x10e: {  	v4 =	vld.idx.msk [tilespmem:v10+s7+$0x40A0 ss:$0x1], $0xffff  }
0x10f: {  	v5 =	vld.idx.msk [tilespmem:v10+s7+$0x30 ss:$0x1], $0xffff  }
0x110: {  	v8 =	vld.idx.msk [tilespmem:v10+s7+$0x5020 ss:$0x1], $0xffff  }
0x111: {  	v6 =	vld.idx.msk [tilespmem:v10+s7+$0x6020 ss:$0x1], $0xffff  }
0x112: {  	v3 =	vld.idx.msk [tilespmem:v10+s7+$0x7020 ss:$0x1], $0xffff;
	v28 =	vmul.f32 v28, v11;
	v29 =	vmul.f32 v29, v12  }
0x113: {  	[tilespmem:$0x1FF30] =	vst v4;
	v4 =	vld.idx.msk [tilespmem:v10+s7+$0x50A0 ss:$0x1], $0xffff;
	v30 =	vmul.f32 v30, v13;
	v31 =	vmul.f32 v31, v14  }
0x114: {  	v32 =	vmul.f32 v32, v15;
	v33 =	vmul.f32 v33, v16;
	[tilespmem:$0x1FF60] =	vst v5;
	v5 =	vld.idx.msk [tilespmem:v10+s7+$0x1030 ss:$0x1], $0xffff  }
0x115: {  	v34 =	vmul.f32 v34, v17;
	v35 =	vmul.f32 v35, v18;
	v28 =	vadd.f32 v29, v28;
	v29 =	vld.idx.msk [tilespmem:v10+s7+$0x2030 ss:$0x1], $0xffff  }
0x116: {  	v36 =	vmul.f32 v36, v19;
	v37 =	vmul.f32 v37, v20;
	v30 =	vadd.f32 v31, v30;
	v31 =	vld.idx.msk [tilespmem:v10+s7+$0x3030 ss:$0x1], $0xffff  }
0x117: {  	v38 =	vmul.f32 v38, v21;
	v39 =	vmul.f32 v39, v22;
	v32 =	vadd.f32 v33, v32;
	v33 =	vld.idx.msk [tilespmem:v10+s7+$0xB0 ss:$0x1], $0xffff  }
0x118: {  	v40 =	vmul.f32 v40, v23;
	v41 =	vmul.f32 v41, v24;
	v34 =	vadd.f32 v35, v34;
	v35 =	vld.idx.msk [tilespmem:v10+s7+$0x10B0 ss:$0x1], $0xffff  }
0x119: {  	v0 =	vmul.f32 v0, v17;
	v36 =	vadd.f32 v37, v36;
	v37 =	vadd.f32 v39, v38;
	v38 =	vld.idx.msk [tilespmem:v10+s7+$0x20B0 ss:$0x1], $0xffff  }
0x11a: {  	v7 =	vmul.f32 v7, v18;
	v6 =	vmul.f32 v6, v21;
	v39 =	vadd.f32 v41, v40;
	v41 =	vld.idx.msk [tilespmem:v10+s7+$0x30B0 ss:$0x1], $0xffff  }
0x11b: {  	v3 =	vmul.f32 v3, v22;
	v40 =	vmul.f32 v46, v13;
	v46 =	vld.idx.msk [tilespmem:v10+s7+$0x7030 ss:$0x1], $0xffff  }
0x11c: {  	v9 =	vmul.f32 v9, v19;
	v8 =	vmul.f32 v8, v20;
	v0 =	vadd.f32 v7, v0;
	v7 =	vld.idx.msk [tilespmem:v10+s7+$0x40C0 ss:$0x1], $0xffff  }
0x11d: {  	v3 =	vadd.f32 v3, v6;
	v6 =	vld.idx.msk [tilespmem:v10+s7+$0x50C0 ss:$0x1], $0xffff  }
0x11e: {  	v8 =	vadd.f32 v8, v9;
	v9 =	vld.idx.msk [tilespmem:v10+s7+$0x60C0 ss:$0x1], $0xffff  }
0x11f: {  	v28 =	vadd.f32 v30, v28;
	v30 =	vadd.f32 v34, v32;
	v32 =	vld.idx.msk [tilespmem:v10+s7+$0x4030 ss:$0x1], $0xffff  }
0x120: {  	v34 =	vadd.f32 v37, v36;
	v36 =	vmul.f32 v44, v11;
	v44 =	vld.idx.msk [tilespmem:v10+s7+$0x6030 ss:$0x1], $0xffff  }
0x121: {  	v42 =	vmul.f32 v42, v25;
	v43 =	vmul.f32 v43, v26;
	v3 =	vadd.f32 v3, v8;
	v8 =	vld [tilespmem:$0x1FF60]  }
0x122: {  	v37 =	vmul.f32 v45, v12;
	[tilespmem:$0x1FF40] =	vst v4;
	v4 =	vld.idx.msk [tilespmem:v10+s7+$0x60A0 ss:$0x1], $0xffff  }
0x123: {  	v45 =	vmul.f32 v49, v16;
	[tilespmem:$0x1FF70] =	vst v5;
	v5 =	vadd.f32 v43, v42;
	v42 =	vld.idx.msk [tilespmem:v10+s7+$0x5030 ss:$0x1], $0xffff  }
0x124: {  	v49 =	vmul.f32 v52, v19;
	v52 =	vmul.f32 v55, v22;
	v43 =	vld.idx.msk [tilespmem:v10+s7+$0x60B0 ss:$0x1], $0xffff;
	v28 =	vadd.f32 v30, v28  }
0x125: {  	v30 =	vmul.f32 v48, v15;
	v48 =	vld.idx.msk [tilespmem:v10+s7+$0x40B0 ss:$0x1], $0xffff;
	v39 =	vadd.f32 v5, v39;
	v5 =	vmul.f32 v47, v14  }
0x126: {  	v36 =	vadd.f32 v37, v36;
	v37 =	vld.idx.msk [tilespmem:v10+s7+$0x50B0 ss:$0x1], $0xffff;
	v47 =	vmul.f32 v51, v18;
	v51 =	vmul.f32 v54, v21  }
0x127: {  	v54 =	vld.idx.msk [tilespmem:v10+s7+$0x2040 ss:$0x1], $0xffff;
	v7 =	vmul.f32 v7, v23;
	v6 =	vmul.f32 v6, v24;
	v30 =	vadd.f32 v45, v30  }
0x128: {  	v45 =	vld.idx.msk [tilespmem:v10+s7+$0x70B0 ss:$0x1], $0xffff;
	v34 =	vadd.f32 v39, v34;
	v39 =	vmul.f32 v50, v17;
	v50 =	vmul.f32 v53, v20  }
0x129: {  	v53 =	vmul.f32 v56, v23;
	v56 =	vmul.f32 v59, v26;
	v59 =	vadd.f32 v52, v51;
	v51 =	vld.idx.msk [tilespmem:v10+s7+$0x1040 ss:$0x1], $0xffff  }
0x12a: {  	v52 =	vld.idx.msk [tilespmem:v10+s7+$0x6040 ss:$0x1], $0xffff  }
0x12b: {  	v6 =	vadd.f32 v6, v7;
	v7 =	vld.idx.msk [tilespmem:v10+s7+$0x10E0 ss:$0x1], $0xffff  }
0x12c: {  	v55 =	vmul.f32 v58, v25;
	[tilespmem:$0x1FF50] =	vst v4;
	v4 =	vld.idx.msk [tilespmem:v10+s7+$0x70A0 ss:$0x1], $0xffff  }
0x12d: {  	v40 =	vadd.f32 v5, v40;
	v5 =	vmul.f32 v57, v24;
	v39 =	vadd.f32 v47, v39;
	v47 =	vld.idx.msk [tilespmem:v10+s7+$0x40 ss:$0x1], $0xffff  }
0x12e: {  	v49 =	vadd.f32 v50, v49;
	v50 =	vld.idx.msk [tilespmem:v10+s7+$0xC0 ss:$0x1], $0xffff  }
0x12f: {  	v5 =	vadd.f32 v5, v53;
	v57 =	vadd.f32 v56, v55;
	v53 =	vld.idx.msk [tilespmem:v10+s7+$0x10C0 ss:$0x1], $0xffff  }
0x130: {  	v36 =	vadd.f32 v40, v36;
	v56 =	vld.idx.msk [tilespmem:v10+s7+$0x20C0 ss:$0x1], $0xffff;
	v28 =	vadd.f32 v34, v28  }
0x131: {  	v34 =	vld.idx.msk [tilespmem:v10+s7+$0x7040 ss:$0x1], $0xffff;
	v48 =	vmul.f32 v48, v23;
	v37 =	vmul.f32 v37, v24;
	v30 =	vadd.f32 v39, v30  }
0x132: {  	v39 =	vld.idx.msk [tilespmem:v10+s7+$0x3040 ss:$0x1], $0xffff;
	v58 =	vadd.f32 v59, v49;
	v59 =	vadd.f32 v57, v5  }
0x133: {  	v2 =	vmul.f32 v2, v16;
	v57 =	vld.idx.msk [tilespmem:v10+s7+$0x30C0 ss:$0x1], $0xffff;
	v37 =	vadd.f32 v37, v48;
	v30 =	vadd.f32 v30, v36  }
0x134: {  	v48 =	vld.idx.msk [tilespmem:v10+s7+$0x3060 ss:$0x1], $0xffff;
	v36 =	vmul.f32 v60, v11;
	v60 =	vmul.f32 v61, v12;
	v40 =	vadd.f32 v59, v58  }
0x135: {  	v61 =	vmul.f32 v62, v13;
	v59 =	vmul.f32 v33, v15;
	v33 =	vld.idx.msk [tilespmem:v10+s7+$0x2050 ss:$0x1], $0xffff  }
0x136: {  	v62 =	vmul.f32 v63, v14;
	v63 =	vmul.f32 v1, v15;
	v1 =	vadd.f32 v40, v30;
	v40 =	vld.idx.msk [tilespmem:v10+s7+$0x4040 ss:$0x1], $0xffff  }
0x137: {  	v60 =	vadd.f32 v60, v36;
	v36 =	vld.idx.msk [tilespmem:v10+s7+$0x5040 ss:$0x1], $0xffff  }
0x138: {  	v49 =	vadd.f32 v62, v61;
	v61 =	vld [tilespmem:$0x1FF30];
	v2 =	vadd.f32 v2, v63  }
0x139: {  	v62 =	vld [tilespmem:$0x1FF40]  }
0x13a: {  	v63 =	vld [tilespmem:$0x1FF50];
	v30 =	vadd.f32 v49, v60;
	v0 =	vadd.f32 v0, v2;
	v60 =	vmul.f32 v35, v16  }
0x13b: {  	v4 =	vmul.f32 v4, v26;
	v39 =	vmul.f32 v39, v14;
	v2 =	vld.idx.msk [tilespmem:v10+s7+$0x70C0 ss:$0x1], $0xffff  }
0x13c: {  	v35 =	vld.idx.msk [tilespmem:v10+s7+$0x30D0 ss:$0x1], $0xffff;
	v0 =	vadd.f32 v0, v30;
	v30 =	vadd.f32 v60, v59;
	v59 =	vmul.f32 v43, v25  }
0x13d: {  	v60 =	vmul.f32 v45, v26;
	v43 =	vld.idx.msk [tilespmem:v10+s7+$0x5050 ss:$0x1], $0xffff;
	v45 =	vmul.f32 v54, v13  }
0x13e: {  	v5 =	vmul.f32 v61, v23;
	v61 =	vmul.f32 v38, v17;
	v38 =	vld.idx.msk [tilespmem:v10+s7+$0x3050 ss:$0x1], $0xffff  }
0x13f: {  	v58 =	vmul.f32 v63, v25;
	v63 =	vmul.f32 v42, v20;
	v42 =	vld.idx.msk [tilespmem:v10+s7+$0xD0 ss:$0x1], $0xffff  }
0x140: {  	v55 =	vmul.f32 v62, v24;
	v62 =	vmul.f32 v41, v18;
	v41 =	vld.idx.msk [tilespmem:v10+s7+$0x40D0 ss:$0x1], $0xffff  }
0x141: {  	v40 =	vmul.f32 v40, v19;
	v36 =	vmul.f32 v36, v20;
	v39 =	vadd.f32 v39, v45;
	v45 =	vld.idx.msk [tilespmem:v10+s7+$0x1060 ss:$0x1], $0xffff  }
0x142: {  	v46 =	vmul.f32 v46, v22;
	v5 =	vadd.f32 v55, v5;
	v4 =	vadd.f32 v4, v58;
	v58 =	vld [tilespmem:$0x1FF70]  }
0x143: {  	v32 =	vmul.f32 v32, v19;
	v44 =	vmul.f32 v44, v21;
	v55 =	vld.idx.msk [tilespmem:v10+s7+$0x50 ss:$0x1], $0xffff;
	v36 =	vadd.f32 v36, v40  }
0x144: {  	v40 =	vld.idx.msk [tilespmem:v10+s7+$0xE0 ss:$0x1], $0xffff;
	v4 =	vadd.f32 v4, v5;
	v5 =	vmul.f32 v29, v13;
	v29 =	vmul.f32 v31, v14  }
0x145: {  	v32 =	vadd.f32 v63, v32;
	v63 =	vmul.f32 v51, v12;
	v51 =	vld.idx.msk [tilespmem:v10+s7+$0x3070 ss:$0x1], $0xffff;
	v31 =	vadd.f32 v60, v59  }
0x146: {  	v3 =	vadd.f32 v4, v3;
	v5 =	vadd.f32 v29, v5;
	v29 =	vld.idx.msk [tilespmem:v10+s7+$0x10D0 ss:$0x1], $0xffff  }
0x147: {  	v4 =	vadd.f32 v62, v61;
	v61 =	vadd.f32 v46, v44;
	v44 =	vld.idx.msk [tilespmem:v10+s7+$0x4050 ss:$0x1], $0xffff  }
0x148: {  	v46 =	vld.idx.msk [tilespmem:v10+s7+$0x50D0 ss:$0x1], $0xffff  }
0x149: {  	v9 =	vmul.f32 v9, v25;
	v31 =	vadd.f32 v31, v37;
	v37 =	vld.idx.msk [tilespmem:v10+s7+$0x60 ss:$0x1], $0xffff  }
0x14a: {  	v8 =	vmul.f32 v8, v11;
	v49 =	vmul.f32 v58, v12;
	v58 =	vld.idx.msk [tilespmem:v10+s7+$0x1050 ss:$0x1], $0xffff  }
0x14b: {  	v7 =	vmul.f32 v7, v16;
	v54 =	vmul.f32 v50, v15;
	v62 =	vadd.f32 v61, v32;
	v32 =	vld.idx.msk [tilespmem:v10+s7+$0x7050 ss:$0x1], $0xffff  }
0x14c: {  	v59 =	vmul.f32 v53, v16;
	v4 =	vadd.f32 v4, v30;
	v30 =	vadd.f32 v3, v0;
	v3 =	vld.idx.msk [tilespmem:v10+s7+$0x2060 ss:$0x1], $0xffff  }
0x14d: {  	v2 =	vmul.f32 v2, v26;
	v61 =	vmul.f32 v57, v18;
	v57 =	vld.idx.msk [tilespmem:v10+s7+$0x5060 ss:$0x1], $0xffff  }
0x14e: {  	v34 =	vmul.f32 v34, v22;
	v35 =	vmul.f32 v35, v18;
	v0 =	vadd.f32 v59, v54;
	v59 =	vld.idx.msk [tilespmem:v10+s7+$0x7060 ss:$0x1], $0xffff  }
0x14f: {  	v60 =	vmul.f32 v56, v17;
	v2 =	vadd.f32 v2, v9;
	v8 =	vadd.f32 v49, v8;
	v49 =	vld.idx.msk [tilespmem:v10+s7+$0x20D0 ss:$0x1], $0xffff  }
0x150: {  	v43 =	vmul.f32 v43, v20;
	v56 =	vmul.f32 v42, v15;
	v31 =	vadd.f32 v31, v62;
	v62 =	vld.idx.msk [tilespmem:v10+s7+$0x70D0 ss:$0x1], $0xffff  }
0x151: {  	v41 =	vmul.f32 v41, v23;
	v54 =	vmul.f32 v33, v13;
	v5 =	vadd.f32 v5, v8;
	v8 =	vld.idx.msk [tilespmem:v10+s7+$0x6050 ss:$0x1], $0xffff  }
0x152: {  	v2 =	vadd.f32 v2, v6;
	v46 =	vmul.f32 v46, v24;
	v53 =	vmul.f32 v58, v12;
	v58 =	vld.idx.msk [tilespmem:v10+s7+$0x6060 ss:$0x1], $0xffff  }
0x153: {  	v29 =	vmul.f32 v29, v16;
	v4 =	vadd.f32 v4, v5;
	v5 =	vmul.f32 v47, v11;
	v47 =	vld.idx.msk [tilespmem:v10+s7+$0x60D0 ss:$0x1], $0xffff  }
0x154: {  	v44 =	vmul.f32 v44, v19;
	v41 =	vadd.f32 v46, v41;
	v46 =	vld.idx.msk [tilespmem:v10+s7+$0x70 ss:$0x1], $0xffff;
	v42 =	vmul.f32 v57, v20  }
0x155: {  	v57 =	vld.idx.msk [tilespmem:v10+s7+$0x30F0 ss:$0x1], $0xffff;
	v31 =	vadd.f32 v31, v4;
	v5 =	vadd.f32 v63, v5;
	v63 =	vmul.f32 v52, v21  }
0x156: {  	v4 =	vadd.f32 v61, v60;
	v52 =	vmul.f32 v55, v11;
	v55 =	vmul.f32 v38, v14;
	v38 =	vld.idx.msk [tilespmem:v10+s7+$0x4060 ss:$0x1], $0xffff  }
0x157: {  	v32 =	vmul.f32 v32, v22;
	v43 =	vadd.f32 v43, v44;
	v3 =	vmul.f32 v3, v13;
	v60 =	vld.idx.msk [tilespmem:v10+s7+$0x40E0 ss:$0x1], $0xffff  }
0x158: {  	v50 =	vmul.f32 v62, v26;
	v8 =	vmul.f32 v8, v21;
	v0 =	vadd.f32 v4, v0;
	v4 =	vld.idx.msk [tilespmem:v10+s7+$0x20E0 ss:$0x1], $0xffff  }
0x159: {  	v34 =	vadd.f32 v34, v63;
	v5 =	vadd.f32 v39, v5;
	v39 =	vld.idx.msk [tilespmem:v10+s7+$0x30E0 ss:$0x1], $0xffff;
	v63 =	vmul.f32 v37, v11  }
0x15a: {  	v6 =	vadd.f32 v55, v54;
	v54 =	vmul.f32 v40, v15;
	v55 =	vld.idx.msk [tilespmem:v10+s7+$0x10F0 ss:$0x1], $0xffff;
	v58 =	vmul.f32 v58, v21  }
0x15b: {  	v47 =	vmul.f32 v47, v25;
	v8 =	vadd.f32 v32, v8;
	v32 =	vld.idx.msk [tilespmem:v10+s7+$0x70E0 ss:$0x1], $0xffff;
	v9 =	vadd.f32 v34, v36  }
0x15c: {  	v37 =	vmul.f32 v57, v18;
	v0 =	vadd.f32 v0, v5;
	v5 =	vadd.f32 v29, v56;
	v29 =	vld.idx.msk [tilespmem:v10+s7+$0x50E0 ss:$0x1], $0xffff  }
0x15d: {  	v34 =	vadd.f32 v53, v52;
	v52 =	vmul.f32 v48, v14;
	v53 =	vld.idx.msk [tilespmem:v10+s7+$0xF0 ss:$0x1], $0xffff;
	v36 =	vmul.f32 v59, v22  }
0x15e: {  	v56 =	vld.idx.msk [tilespmem:v10+s7+$0x20F0 ss:$0x1], $0xffff;
	v61 =	vadd.f32 v50, v47;
	v8 =	vadd.f32 v8, v43;
	v38 =	vmul.f32 v38, v19  }
0x15f: {  	v59 =	vld.idx.msk [tilespmem:v10+s7+$0x4070 ss:$0x1], $0xffff;
	v2 =	vadd.f32 v2, v9;
	v9 =	vmul.f32 v49, v17;
	v6 =	vadd.f32 v6, v34  }
0x160: {  	v33 =	vmul.f32 v60, v23;
	v60 =	vld.idx.msk [tilespmem:v10+s7+$0x5070 ss:$0x1], $0xffff;
	v3 =	vadd.f32 v52, v3;
	v36 =	vadd.f32 v36, v58  }
0x161: {  	v50 =	vmul.f32 v45, v12;
	v62 =	vadd.f32 v61, v41;
	v41 =	vld.idx.msk [tilespmem:v10+s7+$0x2070 ss:$0x1], $0xffff;
	v9 =	vadd.f32 v35, v9  }
0x162: {  	v4 =	vmul.f32 v4, v17;
	v38 =	vadd.f32 v42, v38;
	v61 =	vld.idx.msk [tilespmem:v10+s7+$0x7070 ss:$0x1], $0xffff;
	v0 =	vadd.f32 v2, v0  }
0x163: {  	v40 =	vmul.f32 v55, v16;
	v35 =	vld.idx.msk [tilespmem:v10+s7+$0x60E0 ss:$0x1], $0xffff;
	v2 =	vadd.f32 v7, v54;
	v5 =	vadd.f32 v9, v5  }
0x164: {  	v32 =	vmul.f32 v32, v26;
	v8 =	vadd.f32 v62, v8;
	v29 =	vmul.f32 v29, v24;
	v62 =	vld.idx.msk [tilespmem:v10+s7+$0x40F0 ss:$0x1], $0xffff  }
0x165: {  	v36 =	vadd.f32 v36, v38;
	v52 =	vmul.f32 v53, v15;
	v9 =	vld.idx.msk [tilespmem:v10+s7+$0x1070 ss:$0x1], $0xffff;
	v5 =	vadd.f32 v5, v6  }
0x166: {  	v53 =	vld.idx.msk [tilespmem:v10+s7+$0x70F0 ss:$0x1], $0xffff;
	v54 =	vmul.f32 v56, v17;
	v7 =	vmul.f32 v60, v20;
	v29 =	vadd.f32 v29, v33  }
0x167: {  	v48 =	vld.idx.msk [tilespmem:v10+s7+$0x50F0 ss:$0x1], $0xffff;
	v38 =	vadd.f32 v40, v52;
	v5 =	vadd.f32 v8, v5;
	v8 =	vmul.f32 v39, v18  }
0x168: {  	v6 =	vadd.f32 v50, v63;
	v50 =	vmul.f32 v51, v14;
	v51 =	vld.idx.msk [tilespmem:v10+s7+$0x60F0 ss:$0x1], $0xffff;
	v35 =	vmul.f32 v35, v25  }
0x169: {  	v63 =	vmul.f32 v46, v11;
	v49 =	vmul.f32 v41, v13;
	v4 =	vadd.f32 v8, v4;
	v8 =	vld.idx.msk [tilespmem:v10+s7+$0x6070 ss:$0x1], $0xffff  }
0x16a: {  	v55 =	vmul.f32 v61, v22;
	v32 =	vadd.f32 v32, v35;
	v9 =	vmul.f32 v9, v12  }
0x16b: {  	v3 =	vadd.f32 v3, v6;
	v33 =	vmul.f32 v62, v23;
	v57 =	vmul.f32 v53, v26  }
0x16c: {  	v35 =	vmul.f32 v48, v24;
	v29 =	vadd.f32 v32, v29;
	v6 =	vadd.f32 v9, v63  }
0x16d: {  	v9 =	vmul.f32 v59, v19;
	v32 =	vadd.f32 v37, v54;
	v56 =	vmul.f32 v51, v25  }
0x16e: {  	v2 =	vadd.f32 v4, v2;
	v4 =	vadd.f32 v50, v49;
	v8 =	vmul.f32 v8, v21  }
0x16f: {  	v7 =	vadd.f32 v7, v9;
	v9 =	vadd.f32 v35, v33  }
0x170: {  	v58 =	vadd.f32 v57, v56;
	v8 =	vadd.f32 v55, v8  }
0x171: {  	[tilespmem:v27+s7+$0x0 ss:$0x1] =	vst.idx.msk $0xffff, v28;
	v59 =	vadd.f32 v32, v38;
	v4 =	vadd.f32 v4, v6  }
0x172: {  	[tilespmem:v27+s7+$0x10 ss:$0x1] =	vst.idx.msk $0xffff, v1;
	v61 =	vadd.f32 v58, v9;
	v60 =	vadd.f32 v8, v7  }
0x173: {  	p1 =	por p0, p0;
	[tilespmem:v27+s7+$0x20 ss:$0x1] =	vst.idx.msk $0xffff, v30;
	v62 =	vadd.f32 v29, v36;
	v2 =	vadd.f32 v2, v3  }
.Ltmp1:
0x174: {  	[tilespmem:v27+s7+$0x30 ss:$0x1] =	vst.idx.msk $0xffff, v31;
	v4 =	vadd.f32 v59, v4;
	v1 =	vadd.f32 v61, v60;
	(pc) =	sbr.rel @p1 .LBB2_7-.Ltmp1, $4  }
0x175: {  	[tilespmem:v27+s7+$0x40 ss:$0x1] =	vst.idx.msk $0xffff, v0;
	v63 =	vadd.f32 v62, v2  }
0x176: {  	[tilespmem:v27+s7+$0x50 ss:$0x1] =	vst.idx.msk $0xffff, v5;
	v1 =	vadd.f32 v1, v4  }
0x177: {  	[tilespmem:v27+s7+$0x60 ss:$0x1] =	vst.idx.msk $0xffff, v63  }
0x178: {  	p0 =	por $0x0, $0x0;
	[tilespmem:v27+s7+$0x70 ss:$0x1] =	vst.idx.msk $0xffff, v1;
	s7 =	simm.s32 $0x400  }
0x179: {  	s5 =	smul.u32 $0x7, s5;
	s18 =	rddreg [dreg:$0x11]  }
0x17a: {  	s19 =	rddreg [dreg:$0x12];
	s7 =	smul.f32 s1, s18  }
0x17b: {  	s9 =	smul.f32 s1, s19  }
0x17c: {  	s10 =	smul.f32 s0, s18  }
0x17d: {  	s21 =	rddreg [dreg:$0x13];
	s11 =	smul.f32 s0, s19  }
0x17e: {  	s22 =	rddreg [dreg:$0x14];
	s12 =	smul.f32 s1, s21  }
0x17f: {  	s13 =	smul.f32 s1, s22  }
0x180: {  	s14 =	smul.f32 s0, s21  }
0x181: {  	s15 =	smul.f32 s0, s22  }
0x182: {  	s16 =	smul.f32 s2, s18  }
0x183: {  	s17 =	smul.f32 s2, s19  }
0x184: {  	s18 =	smul.f32 s3, s18  }
0x185: {  	s19 =	smul.f32 s3, s19  }
0x186: {  	s20 =	smul.f32 s2, s21;
	s24 =	sadd.s32 $0x1, s5;
	v11 =	vmov s7;
	v12 =	vmov s9  }
0x187: {  	s26 =	smul.f32 s2, s22;
	v13 =	vmov s10;
	v14 =	vmov s11;
	v15 =	vmov s12;
	s12 =	sshll.u32 s24, $0x8;
	s7 =	sshll.u32 s24, $0x7  }
0x188: {  	s23 =	smul.f32 s3, s21;
	v16 =	vmov s13;
	v17 =	vmov s14;
	v18 =	vmov s15;
	s10 =	sand.u32 $0x7800, s12;
	s7 =	sand.u32 $0x380, s7  }
0x189: {  	s24 =	smul.f32 s3, s22;
	v19 =	vmov s16;
	v20 =	vmov s17;
	v21 =	vmov s18;
	s7 =	sor.u32 s7, s10  }
0x18a: {  	v22 =	vmov s19;
	v23 =	vmov s20;
	v24 =	vmov s26;
	s26 =	sadd.s32 $0x10200, s7  }
0x18b: {  	p0 =	por $0x1, $0x1;
	v25 =	vmov s23;
	v26 =	vmov s24;
	s7 =	simm.s32 $0x0;
	v27 =	vmov s26  }
.LBB2_9:
0x18c: {  	v0 =	vld.idx.msk [tilespmem:v10+s7+$0x100 ss:$0x1], $0xffff  }
0x18d: {  	v1 =	vld.idx.msk [tilespmem:v10+s7+$0x1100 ss:$0x1], $0xffff  }
0x18e: {  	v2 =	vld.idx.msk [tilespmem:v10+s7+$0x2100 ss:$0x1], $0xffff  }
0x18f: {  	v3 =	vld.idx.msk [tilespmem:v10+s7+$0x3100 ss:$0x1], $0xffff  }
0x190: {  	v4 =	vld.idx.msk [tilespmem:v10+s7+$0x180 ss:$0x1], $0xffff  }
0x191: {  	v5 =	vld.idx.msk [tilespmem:v10+s7+$0x1180 ss:$0x1], $0xffff  }
0x192: {  	v6 =	vld.idx.msk [tilespmem:v10+s7+$0x2180 ss:$0x1], $0xffff  }
0x193: {  	v7 =	vld.idx.msk [tilespmem:v10+s7+$0x3180 ss:$0x1], $0xffff  }
0x194: {  	v8 =	vld.idx.msk [tilespmem:v10+s7+$0x4100 ss:$0x1], $0xffff  }
0x195: {  	v9 =	vld.idx.msk [tilespmem:v10+s7+$0x5100 ss:$0x1], $0xffff  }
0x196: {  	v28 =	vld.idx.msk [tilespmem:v10+s7+$0x6100 ss:$0x1], $0xffff  }
0x197: {  	v29 =	vld.idx.msk [tilespmem:v10+s7+$0x7100 ss:$0x1], $0xffff  }
0x198: {  	v30 =	vld.idx.msk [tilespmem:v10+s7+$0x4180 ss:$0x1], $0xffff  }
0x199: {  	v31 =	vld.idx.msk [tilespmem:v10+s7+$0x5180 ss:$0x1], $0xffff  }
0x19a: {  	v32 =	vld.idx.msk [tilespmem:v10+s7+$0x6180 ss:$0x1], $0xffff  }
0x19b: {  	v33 =	vld.idx.msk [tilespmem:v10+s7+$0x7180 ss:$0x1], $0xffff  }
0x19c: {  	v34 =	vld.idx.msk [tilespmem:v10+s7+$0x110 ss:$0x1], $0xffff  }
0x19d: {  	v35 =	vld.idx.msk [tilespmem:v10+s7+$0x1110 ss:$0x1], $0xffff  }
0x19e: {  	v36 =	vld.idx.msk [tilespmem:v10+s7+$0x2110 ss:$0x1], $0xffff  }
0x19f: {  	v37 =	vld.idx.msk [tilespmem:v10+s7+$0x3110 ss:$0x1], $0xffff  }
0x1a0: {  	v38 =	vld.idx.msk [tilespmem:v10+s7+$0x190 ss:$0x1], $0xffff  }
0x1a1: {  	v39 =	vld.idx.msk [tilespmem:v10+s7+$0x1190 ss:$0x1], $0xffff  }
0x1a2: {  	v40 =	vld.idx.msk [tilespmem:v10+s7+$0x2190 ss:$0x1], $0xffff  }
0x1a3: {  	v41 =	vld.idx.msk [tilespmem:v10+s7+$0x3190 ss:$0x1], $0xffff  }
0x1a4: {  	v42 =	vld.idx.msk [tilespmem:v10+s7+$0x4110 ss:$0x1], $0xffff  }
0x1a5: {  	v43 =	vld.idx.msk [tilespmem:v10+s7+$0x5110 ss:$0x1], $0xffff  }
0x1a6: {  	v44 =	vld.idx.msk [tilespmem:v10+s7+$0x6110 ss:$0x1], $0xffff  }
0x1a7: {  	v45 =	vld.idx.msk [tilespmem:v10+s7+$0x7110 ss:$0x1], $0xffff  }
0x1a8: {  	v46 =	vld.idx.msk [tilespmem:v10+s7+$0x4190 ss:$0x1], $0xffff  }
0x1a9: {  	v47 =	vld.idx.msk [tilespmem:v10+s7+$0x5190 ss:$0x1], $0xffff  }
0x1aa: {  	v48 =	vld.idx.msk [tilespmem:v10+s7+$0x6190 ss:$0x1], $0xffff  }
0x1ab: {  	v49 =	vld.idx.msk [tilespmem:v10+s7+$0x7190 ss:$0x1], $0xffff  }
0x1ac: {  	v50 =	vld.idx.msk [tilespmem:v10+s7+$0x120 ss:$0x1], $0xffff  }
0x1ad: {  	v51 =	vld.idx.msk [tilespmem:v10+s7+$0x1120 ss:$0x1], $0xffff  }
0x1ae: {  	v52 =	vld.idx.msk [tilespmem:v10+s7+$0x2120 ss:$0x1], $0xffff  }
0x1af: {  	v53 =	vld.idx.msk [tilespmem:v10+s7+$0x3120 ss:$0x1], $0xffff  }
0x1b0: {  	v54 =	vld.idx.msk [tilespmem:v10+s7+$0x1A0 ss:$0x1], $0xffff  }
0x1b1: {  	v55 =	vld.idx.msk [tilespmem:v10+s7+$0x11A0 ss:$0x1], $0xffff  }
0x1b2: {  	v56 =	vld.idx.msk [tilespmem:v10+s7+$0x21A0 ss:$0x1], $0xffff  }
0x1b3: {  	v57 =	vld.idx.msk [tilespmem:v10+s7+$0x31A0 ss:$0x1], $0xffff  }
0x1b4: {  	v58 =	vld.idx.msk [tilespmem:v10+s7+$0x4120 ss:$0x1], $0xffff  }
0x1b5: {  	v62 =	vld.idx.msk [tilespmem:v10+s7+$0x41A0 ss:$0x1], $0xffff  }
0x1b6: {  	v63 =	vld.idx.msk [tilespmem:v10+s7+$0x130 ss:$0x1], $0xffff  }
0x1b7: {  	v59 =	vld.idx.msk [tilespmem:v10+s7+$0x5120 ss:$0x1], $0xffff  }
0x1b8: {  	v60 =	vld.idx.msk [tilespmem:v10+s7+$0x6120 ss:$0x1], $0xffff;
	v0 =	vmul.f32 v0, v11  }
0x1b9: {  	v61 =	vld.idx.msk [tilespmem:v10+s7+$0x7120 ss:$0x1], $0xffff;
	v1 =	vmul.f32 v1, v12;
	v2 =	vmul.f32 v2, v13  }
0x1ba: {  	[tilespmem:$0x1FEF0] =	vst v62;
	v62 =	vld.idx.msk [tilespmem:v10+s7+$0x51A0 ss:$0x1], $0xffff;
	v3 =	vmul.f32 v3, v14;
	v4 =	vmul.f32 v4, v15  }
0x1bb: {  	v5 =	vmul.f32 v5, v16;
	[tilespmem:$0x1FF20] =	vst v63;
	v6 =	vmul.f32 v6, v17;
	v63 =	vld.idx.msk [tilespmem:v10+s7+$0x1130 ss:$0x1], $0xffff  }
0x1bc: {  	v7 =	vmul.f32 v7, v18;
	v8 =	vmul.f32 v8, v19;
	v0 =	vadd.f32 v1, v0;
	v1 =	vld.idx.msk [tilespmem:v10+s7+$0x2130 ss:$0x1], $0xffff  }
0x1bd: {  	v9 =	vmul.f32 v9, v20;
	v28 =	vmul.f32 v28, v21;
	v2 =	vadd.f32 v3, v2;
	v3 =	vld.idx.msk [tilespmem:v10+s7+$0x3130 ss:$0x1], $0xffff  }
0x1be: {  	v29 =	vmul.f32 v29, v22;
	v30 =	vmul.f32 v30, v23;
	v4 =	vadd.f32 v5, v4;
	v5 =	vld.idx.msk [tilespmem:v10+s7+$0x1B0 ss:$0x1], $0xffff  }
0x1bf: {  	v31 =	vmul.f32 v31, v24;
	v32 =	vmul.f32 v32, v25;
	v6 =	vadd.f32 v7, v6;
	v7 =	vld.idx.msk [tilespmem:v10+s7+$0x11B0 ss:$0x1], $0xffff  }
0x1c0: {  	v33 =	vmul.f32 v33, v26;
	v8 =	vadd.f32 v9, v8;
	v9 =	vadd.f32 v29, v28;
	v28 =	vld.idx.msk [tilespmem:v10+s7+$0x21B0 ss:$0x1], $0xffff  }
0x1c1: {  	v29 =	vadd.f32 v31, v30;
	v31 =	vld.idx.msk [tilespmem:v10+s7+$0x31B0 ss:$0x1], $0xffff  }
0x1c2: {  	v30 =	vadd.f32 v33, v32;
	v32 =	vld.idx.msk [tilespmem:v10+s7+$0x5130 ss:$0x1], $0xffff  }
0x1c3: {  	v33 =	vmul.f32 v37, v14;
	v0 =	vadd.f32 v2, v0;
	v2 =	vadd.f32 v6, v4;
	v4 =	vld.idx.msk [tilespmem:v10+s7+$0x4130 ss:$0x1], $0xffff  }
0x1c4: {  	v37 =	vmul.f32 v41, v18;
	v6 =	vadd.f32 v9, v8;
	v8 =	vmul.f32 v34, v11;
	v34 =	vld.idx.msk [tilespmem:v10+s7+$0x6130 ss:$0x1], $0xffff  }
0x1c5: {  	v9 =	vmul.f32 v35, v12;
	v29 =	vadd.f32 v30, v29;
	v30 =	vmul.f32 v36, v13;
	v36 =	vld.idx.msk [tilespmem:v10+s7+$0x7130 ss:$0x1], $0xffff  }
0x1c6: {  	v35 =	vmul.f32 v39, v16;
	v39 =	vmul.f32 v42, v19;
	[tilespmem:$0x1FF00] =	vst v62;
	v62 =	vld.idx.msk [tilespmem:v10+s7+$0x61A0 ss:$0x1], $0xffff  }
0x1c7: {  	v42 =	vmul.f32 v45, v22;
	v0 =	vadd.f32 v2, v0;
	v2 =	vmul.f32 v38, v15;
	v38 =	vld.idx.msk [tilespmem:v10+s7+$0x41B0 ss:$0x1], $0xffff  }
0x1c8: {  	v45 =	vmul.f32 v48, v25;
	v48 =	vmul.f32 v49, v26;
	v8 =	vadd.f32 v9, v8;
	v9 =	vld.idx.msk [tilespmem:v10+s7+$0x51B0 ss:$0x1], $0xffff  }
0x1c9: {  	v6 =	vadd.f32 v29, v6;
	v29 =	vmul.f32 v40, v17;
	v30 =	vadd.f32 v33, v30;
	v33 =	vld.idx.msk [tilespmem:v10+s7+$0x61B0 ss:$0x1], $0xffff  }
0x1ca: {  	v40 =	vmul.f32 v43, v20;
	v43 =	vmul.f32 v46, v23;
	v46 =	vld.idx.msk [tilespmem:v10+s7+$0x21C0 ss:$0x1], $0xffff  }
0x1cb: {  	v48 =	vadd.f32 v48, v45;
	v45 =	vmul.f32 v53, v14;
	v53 =	vmul.f32 v60, v21;
	v60 =	vld [tilespmem:$0x1FEF0]  }
0x1cc: {  	v41 =	vmul.f32 v44, v21;
	v2 =	vadd.f32 v35, v2;
	v35 =	vld.idx.msk [tilespmem:v10+s7+$0x71B0 ss:$0x1], $0xffff  }
0x1cd: {  	v44 =	vmul.f32 v47, v24;
	v29 =	vadd.f32 v37, v29;
	v37 =	vld.idx.msk [tilespmem:v10+s7+$0x140 ss:$0x1], $0xffff  }
0x1ce: {  	v39 =	vadd.f32 v40, v39;
	v40 =	vadd.f32 v42, v41;
	v41 =	vld.idx.msk [tilespmem:v10+s7+$0x1140 ss:$0x1], $0xffff  }
0x1cf: {  	v49 =	vadd.f32 v44, v43;
	v44 =	vld.idx.msk [tilespmem:v10+s7+$0x2140 ss:$0x1], $0xffff  }
0x1d0: {  	v1 =	vmul.f32 v1, v13;
	v3 =	vmul.f32 v3, v14;
	v8 =	vadd.f32 v30, v8;
	v30 =	vld.idx.msk [tilespmem:v10+s7+$0x3140 ss:$0x1], $0xffff  }
0x1d1: {  	v5 =	vmul.f32 v5, v15;
	v7 =	vmul.f32 v7, v16;
	v43 =	vld.idx.msk [tilespmem:v10+s7+$0x11C0 ss:$0x1], $0xffff  }
0x1d2: {  	v0 =	vadd.f32 v6, v0;
	v6 =	vmul.f32 v54, v15;
	v54 =	vmul.f32 v61, v22;
	v61 =	vld [tilespmem:$0x1FF00]  }
0x1d3: {  	v42 =	vmul.f32 v51, v12;
	v51 =	vmul.f32 v58, v19;
	v58 =	vld.idx.msk [tilespmem:v10+s7+$0x31D0 ss:$0x1], $0xffff  }
0x1d4: {  	v1 =	vadd.f32 v3, v1;
	v3 =	vld.idx.msk [tilespmem:v10+s7+$0x11D0 ss:$0x1], $0xffff  }
0x1d5: {  	v5 =	vadd.f32 v7, v5;
	v7 =	vld.idx.msk [tilespmem:v10+s7+$0x21D0 ss:$0x1], $0xffff  }
0x1d6: {  	v47 =	vmul.f32 v55, v16;
	[tilespmem:$0x1FF10] =	vst v62;
	v62 =	vld.idx.msk [tilespmem:v10+s7+$0x71A0 ss:$0x1], $0xffff  }
0x1d7: {  	v28 =	vmul.f32 v28, v17;
	v2 =	vadd.f32 v29, v2;
	v29 =	vadd.f32 v40, v39;
	v40 =	vld.idx.msk [tilespmem:v10+s7+$0x1C0 ss:$0x1], $0xffff  }
0x1d8: {  	v31 =	vmul.f32 v31, v18;
	v32 =	vmul.f32 v32, v20;
	v49 =	vadd.f32 v48, v49;
	v48 =	vld.idx.msk [tilespmem:v10+s7+$0x31C0 ss:$0x1], $0xffff  }
0x1d9: {  	v4 =	vmul.f32 v4, v19;
	v34 =	vmul.f32 v34, v21;
	v6 =	vadd.f32 v47, v6;
	v47 =	vld.idx.msk [tilespmem:v10+s7+$0x7140 ss:$0x1], $0xffff  }
0x1da: {  	v36 =	vmul.f32 v36, v22;
	v55 =	vmul.f32 v60, v23;
	v60 =	vld [tilespmem:$0x1FF10]  }
0x1db: {  	v28 =	vadd.f32 v31, v28;
	v4 =	vadd.f32 v32, v4;
	v32 =	vld.idx.msk [tilespmem:v10+s7+$0x4150 ss:$0x1], $0xffff  }
0x1dc: {  	v39 =	vmul.f32 v52, v13;
	v52 =	vmul.f32 v59, v20;
	v59 =	vadd.f32 v36, v34;
	v34 =	vld.idx.msk [tilespmem:v10+s7+$0x5150 ss:$0x1], $0xffff  }
0x1dd: {  	v5 =	vadd.f32 v28, v5;
	v28 =	vld.idx.msk [tilespmem:v10+s7+$0x6150 ss:$0x1], $0xffff  }
0x1de: {  	v36 =	vld.idx.msk [tilespmem:v10+s7+$0x41D0 ss:$0x1], $0xffff  }
0x1df: {  	v2 =	vadd.f32 v2, v8;
	v8 =	vmul.f32 v50, v11;
	v50 =	vld.idx.msk [tilespmem:v10+s7+$0x4140 ss:$0x1], $0xffff  }
0x1e0: {  	v38 =	vmul.f32 v38, v23;
	v9 =	vmul.f32 v9, v24;
	v39 =	vadd.f32 v45, v39;
	v45 =	vld.idx.msk [tilespmem:v10+s7+$0x6140 ss:$0x1], $0xffff  }
0x1e1: {  	v33 =	vmul.f32 v33, v25;
	v29 =	vadd.f32 v49, v29;
	v51 =	vadd.f32 v52, v51;
	v52 =	vld.idx.msk [tilespmem:v10+s7+$0x1D0 ss:$0x1], $0xffff  }
0x1e2: {  	v49 =	vmul.f32 v57, v18;
	v35 =	vmul.f32 v35, v26;
	v9 =	vadd.f32 v9, v38;
	v38 =	vld.idx.msk [tilespmem:v10+s7+$0x51D0 ss:$0x1], $0xffff  }
0x1e3: {  	v29 =	vadd.f32 v29, v2;
	v2 =	vmul.f32 v56, v17;
	v8 =	vadd.f32 v42, v8;
	v42 =	vld.idx.msk [tilespmem:v10+s7+$0x5140 ss:$0x1], $0xffff  }
0x1e4: {  	v56 =	vmul.f32 v61, v24;
	v61 =	vmul.f32 v62, v26;
	v62 =	vadd.f32 v54, v53;
	v53 =	vld.idx.msk [tilespmem:v10+s7+$0x51C0 ss:$0x1], $0xffff  }
0x1e5: {  	v33 =	vadd.f32 v35, v33;
	v35 =	vld.idx.msk [tilespmem:v10+s7+$0x160 ss:$0x1], $0xffff  }
0x1e6: {  	v2 =	vadd.f32 v49, v2;
	v49 =	vld.idx.msk [tilespmem:v10+s7+$0x41C0 ss:$0x1], $0xffff  }
0x1e7: {  	v54 =	vadd.f32 v56, v55;
	v56 =	vld.idx.msk [tilespmem:v10+s7+$0x61C0 ss:$0x1], $0xffff  }
0x1e8: {  	v55 =	vld.idx.msk [tilespmem:v10+s7+$0x1150 ss:$0x1], $0xffff  }
0x1e9: {  	v9 =	vadd.f32 v33, v9;
	v33 =	vld.idx.msk [tilespmem:v10+s7+$0x7150 ss:$0x1], $0xffff  }
0x1ea: {  	v4 =	vadd.f32 v59, v4;
	v57 =	vmul.f32 v60, v25;
	v59 =	vmul.f32 v45, v21;
	v45 =	vld.idx.msk [tilespmem:v10+s7+$0x41E0 ss:$0x1], $0xffff  }
0x1eb: {  	v63 =	vmul.f32 v63, v12;
	v32 =	vmul.f32 v32, v19;
	v2 =	vadd.f32 v2, v6;
	v6 =	vld.idx.msk [tilespmem:v10+s7+$0x71C0 ss:$0x1], $0xffff  }
0x1ec: {  	v34 =	vmul.f32 v34, v20;
	v60 =	vadd.f32 v61, v57;
	v61 =	vadd.f32 v62, v51;
	v62 =	vld [tilespmem:$0x1FF20]  }
0x1ed: {  	v3 =	vmul.f32 v3, v16;
	v7 =	vmul.f32 v7, v17;
	v8 =	vadd.f32 v39, v8;
	v57 =	vld.idx.msk [tilespmem:v10+s7+$0x150 ss:$0x1], $0xffff  }
0x1ee: {  	v28 =	vmul.f32 v28, v21;
	v36 =	vmul.f32 v36, v23;
	v32 =	vadd.f32 v34, v32;
	v34 =	vld.idx.msk [tilespmem:v10+s7+$0x2170 ss:$0x1], $0xffff  }
0x1ef: {  	v4 =	vadd.f32 v9, v4;
	v9 =	vmul.f32 v44, v13;
	v44 =	vld.idx.msk [tilespmem:v10+s7+$0x1E0 ss:$0x1], $0xffff;
	v54 =	vadd.f32 v60, v54  }
0x1f0: {  	v38 =	vmul.f32 v38, v24;
	v42 =	vmul.f32 v42, v20;
	v2 =	vadd.f32 v2, v8;
	v8 =	vld.idx.msk [tilespmem:v10+s7+$0x2150 ss:$0x1], $0xffff  }
0x1f1: {  	v60 =	vmul.f32 v37, v11;
	v37 =	vld.idx.msk [tilespmem:v10+s7+$0x1160 ss:$0x1], $0xffff;
	v55 =	vmul.f32 v55, v12;
	v39 =	vadd.f32 v54, v61  }
0x1f2: {  	v54 =	vld.idx.msk [tilespmem:v10+s7+$0x3150 ss:$0x1], $0xffff;
	v33 =	vmul.f32 v33, v22;
	v51 =	vmul.f32 v62, v11  }
0x1f3: {  	v61 =	vmul.f32 v41, v12;
	v41 =	vld.idx.msk [tilespmem:v10+s7+$0x71D0 ss:$0x1], $0xffff;
	v62 =	vmul.f32 v30, v14;
	v30 =	vadd.f32 v39, v2  }
0x1f4: {  	v45 =	vmul.f32 v45, v23;
	v39 =	vld.idx.msk [tilespmem:v10+s7+$0x2160 ss:$0x1], $0xffff;
	v28 =	vadd.f32 v33, v28;
	v51 =	vadd.f32 v63, v51  }
0x1f5: {  	v33 =	vld.idx.msk [tilespmem:v10+s7+$0x71E0 ss:$0x1], $0xffff;
	v63 =	vmul.f32 v40, v15;
	v9 =	vadd.f32 v62, v9;
	v62 =	vmul.f32 v53, v24  }
0x1f6: {  	v40 =	vld.idx.msk [tilespmem:v10+s7+$0x61D0 ss:$0x1], $0xffff;
	v53 =	vmul.f32 v57, v11;
	v57 =	vmul.f32 v52, v15;
	v1 =	vadd.f32 v1, v51  }
0x1f7: {  	v52 =	vld.idx.msk [tilespmem:v10+s7+$0x1F0 ss:$0x1], $0xffff;
	v51 =	vmul.f32 v43, v16;
	v43 =	vmul.f32 v50, v19  }
0x1f8: {  	v1 =	vadd.f32 v5, v1;
	v5 =	vadd.f32 v61, v60;
	v60 =	vmul.f32 v47, v22;
	v47 =	vld.idx.msk [tilespmem:v10+s7+$0x31E0 ss:$0x1], $0xffff  }
0x1f9: {  	v6 =	vmul.f32 v6, v26;
	v8 =	vmul.f32 v8, v13;
	v42 =	vadd.f32 v42, v43;
	v43 =	vld.idx.msk [tilespmem:v10+s7+$0x7160 ss:$0x1], $0xffff  }
0x1fa: {  	v28 =	vadd.f32 v28, v32;
	v31 =	vadd.f32 v4, v1;
	v1 =	vmul.f32 v46, v17;
	v46 =	vld.idx.msk [tilespmem:v10+s7+$0x11E0 ss:$0x1], $0xffff  }
0x1fb: {  	v3 =	vadd.f32 v3, v57;
	v61 =	vmul.f32 v49, v23;
	v4 =	vmul.f32 v48, v18;
	v48 =	vld.idx.msk [tilespmem:v10+s7+$0x4160 ss:$0x1], $0xffff  }
0x1fc: {  	v2 =	vadd.f32 v51, v63;
	v63 =	vmul.f32 v56, v25;
	v50 =	vadd.f32 v60, v59;
	v59 =	vld.idx.msk [tilespmem:v10+s7+$0x5160 ss:$0x1], $0xffff  }
0x1fd: {  	v41 =	vmul.f32 v41, v26;
	v56 =	vmul.f32 v54, v14;
	v60 =	vadd.f32 v38, v36;
	v38 =	vld.idx.msk [tilespmem:v10+s7+$0x170 ss:$0x1], $0xffff  }
0x1fe: {  	v40 =	vmul.f32 v40, v25;
	v51 =	vadd.f32 v62, v61;
	v6 =	vadd.f32 v6, v63;
	v36 =	vld.idx.msk [tilespmem:v10+s7+$0x3170 ss:$0x1], $0xffff  }
0x1ff: {  	v33 =	vmul.f32 v33, v26;
	v5 =	vadd.f32 v9, v5;
	v8 =	vadd.f32 v56, v8;
	v56 =	vld.idx.msk [tilespmem:v10+s7+$0x21F0 ss:$0x1], $0xffff  }
0x200: {  	v63 =	vmul.f32 v37, v12;
	v61 =	vadd.f32 v41, v40;
	v1 =	vadd.f32 v4, v1;
	v4 =	vld.idx.msk [tilespmem:v10+s7+$0x3160 ss:$0x1], $0xffff  }
0x201: {  	v37 =	vmul.f32 v52, v15;
	v9 =	vadd.f32 v50, v42;
	v6 =	vadd.f32 v6, v51;
	v50 =	vld.idx.msk [tilespmem:v10+s7+$0x6160 ss:$0x1], $0xffff  }
0x202: {  	v42 =	vadd.f32 v55, v53;
	v51 =	vmul.f32 v39, v13;
	v53 =	vmul.f32 v44, v15;
	v55 =	vld.idx.msk [tilespmem:v10+s7+$0x11F0 ss:$0x1], $0xffff  }
0x203: {  	v62 =	vadd.f32 v61, v60;
	v43 =	vmul.f32 v43, v22;
	v61 =	vld.idx.msk [tilespmem:v10+s7+$0x4170 ss:$0x1], $0xffff;
	v1 =	vadd.f32 v1, v2  }
0x204: {  	v2 =	vld.idx.msk [tilespmem:v10+s7+$0x21E0 ss:$0x1], $0xffff;
	v6 =	vadd.f32 v6, v9;
	v9 =	vmul.f32 v58, v18;
	v54 =	vmul.f32 v46, v16  }
0x205: {  	v8 =	vadd.f32 v8, v42;
	v57 =	vmul.f32 v48, v19;
	v58 =	vmul.f32 v59, v20;
	v59 =	vld.idx.msk [tilespmem:v10+s7+$0x31F0 ss:$0x1], $0xffff  }
0x206: {  	v48 =	vmul.f32 v34, v13;
	v1 =	vadd.f32 v1, v5;
	v5 =	vld.idx.msk [tilespmem:v10+s7+$0x51E0 ss:$0x1], $0xffff;
	v7 =	vadd.f32 v9, v7  }
0x207: {  	v28 =	vadd.f32 v62, v28;
	v49 =	vmul.f32 v36, v14;
	v9 =	vld.idx.msk [tilespmem:v10+s7+$0x61E0 ss:$0x1], $0xffff;
	v4 =	vmul.f32 v4, v14  }
0x208: {  	v62 =	vld.idx.msk [tilespmem:v10+s7+$0x5170 ss:$0x1], $0xffff;
	v60 =	vmul.f32 v50, v21;
	v42 =	vadd.f32 v58, v57;
	v3 =	vadd.f32 v7, v3  }
0x209: {  	v46 =	vld.idx.msk [tilespmem:v10+s7+$0x41F0 ss:$0x1], $0xffff;
	v40 =	vmul.f32 v55, v16;
	v1 =	vadd.f32 v6, v1;
	v6 =	vadd.f32 v54, v53  }
0x20a: {  	v50 =	vld.idx.msk [tilespmem:v10+s7+$0x61F0 ss:$0x1], $0xffff;
	v2 =	vmul.f32 v2, v17;
	v4 =	vadd.f32 v4, v51;
	v43 =	vadd.f32 v43, v60  }
0x20b: {  	v7 =	vld.idx.msk [tilespmem:v10+s7+$0x1170 ss:$0x1], $0xffff;
	v3 =	vadd.f32 v3, v8;
	v8 =	vmul.f32 v35, v11;
	v35 =	vmul.f32 v59, v18  }
0x20c: {  	v51 =	vld.idx.msk [tilespmem:v10+s7+$0x71F0 ss:$0x1], $0xffff;
	v37 =	vadd.f32 v40, v37;
	v5 =	vmul.f32 v5, v24;
	v9 =	vmul.f32 v9, v25  }
0x20d: {  	v3 =	vadd.f32 v28, v3;
	v28 =	vmul.f32 v47, v18;
	v8 =	vadd.f32 v63, v8;
	v63 =	vld.idx.msk [tilespmem:v10+s7+$0x7170 ss:$0x1], $0xffff  }
0x20e: {  	v52 =	vmul.f32 v62, v20;
	v42 =	vadd.f32 v43, v42;
	v47 =	vld.idx.msk [tilespmem:v10+s7+$0x51F0 ss:$0x1], $0xffff;
	v5 =	vadd.f32 v5, v45  }
0x20f: {  	v54 =	vmul.f32 v50, v25;
	v9 =	vadd.f32 v33, v9;
	v2 =	vadd.f32 v28, v2;
	v28 =	vld.idx.msk [tilespmem:v10+s7+$0x6170 ss:$0x1], $0xffff  }
0x210: {  	v7 =	vmul.f32 v7, v12;
	v4 =	vadd.f32 v4, v8;
	v8 =	vmul.f32 v38, v11  }
0x211: {  	v33 =	vmul.f32 v46, v23;
	v55 =	vmul.f32 v51, v26;
	v5 =	vadd.f32 v9, v5  }
0x212: {  	v9 =	vmul.f32 v56, v17;
	v2 =	vadd.f32 v2, v6;
	v7 =	vadd.f32 v7, v8  }
0x213: {  	v8 =	vmul.f32 v61, v19;
	v6 =	vadd.f32 v49, v48;
	v53 =	vmul.f32 v63, v22  }
0x214: {  	v57 =	vadd.f32 v55, v54;
	v38 =	vmul.f32 v47, v24;
	v28 =	vmul.f32 v28, v21  }
0x215: {  	v9 =	vadd.f32 v35, v9;
	v8 =	vadd.f32 v52, v8  }
0x216: {  	v56 =	vadd.f32 v38, v33;
	v28 =	vadd.f32 v53, v28  }
0x217: {  	[tilespmem:v27+s7+$0x0 ss:$0x1] =	vst.idx.msk $0xffff, v0;
	v58 =	vadd.f32 v6, v7;
	v59 =	vadd.f32 v9, v37  }
0x218: {  	[tilespmem:v27+s7+$0x10 ss:$0x1] =	vst.idx.msk $0xffff, v29;
	v60 =	vadd.f32 v28, v8;
	v8 =	vadd.f32 v57, v56  }
0x219: {  	p1 =	por p0, p0;
	[tilespmem:v27+s7+$0x20 ss:$0x1] =	vst.idx.msk $0xffff, v30;
	v61 =	vadd.f32 v5, v42;
	v2 =	vadd.f32 v2, v4  }
.Ltmp2:
0x21a: {  	[tilespmem:v27+s7+$0x30 ss:$0x1] =	vst.idx.msk $0xffff, v31;
	v0 =	vadd.f32 v59, v58;
	v62 =	vadd.f32 v8, v60;
	(pc) =	sbr.rel @p1 .LBB2_9-.Ltmp2, $4  }
0x21b: {  	[tilespmem:v27+s7+$0x40 ss:$0x1] =	vst.idx.msk $0xffff, v1;
	v63 =	vadd.f32 v61, v2  }
0x21c: {  	[tilespmem:v27+s7+$0x50 ss:$0x1] =	vst.idx.msk $0xffff, v3;
	v0 =	vadd.f32 v62, v0  }
0x21d: {  	[tilespmem:v27+s7+$0x60 ss:$0x1] =	vst.idx.msk $0xffff, v63  }
0x21e: {  	p0 =	por $0x0, $0x0;
	[tilespmem:v27+s7+$0x70 ss:$0x1] =	vst.idx.msk $0xffff, v0;
	s7 =	simm.s32 $0x400  }
0x21f: {  	s18 =	rddreg [dreg:$0x15]  }
0x220: {  	s19 =	rddreg [dreg:$0x16];
	s7 =	smul.f32 s1, s18  }
0x221: {  	s9 =	smul.f32 s1, s19  }
0x222: {  	s10 =	smul.f32 s0, s18  }
0x223: {  	s21 =	rddreg [dreg:$0x17];
	s11 =	smul.f32 s0, s19  }
0x224: {  	s22 =	rddreg [dreg:$0x18];
	s12 =	smul.f32 s1, s21  }
0x225: {  	s13 =	smul.f32 s1, s22  }
0x226: {  	s14 =	smul.f32 s0, s21  }
0x227: {  	s15 =	smul.f32 s0, s22  }
0x228: {  	s16 =	smul.f32 s2, s18  }
0x229: {  	s17 =	smul.f32 s2, s19  }
0x22a: {  	s18 =	smul.f32 s3, s18  }
0x22b: {  	s19 =	smul.f32 s3, s19  }
0x22c: {  	s24 =	sadd.s32 $0x2, s5;
	s20 =	smul.f32 s2, s21;
	v11 =	vmov s7;
	v12 =	vmov s9  }
0x22d: {  	s26 =	smul.f32 s2, s22;
	v13 =	vmov s10;
	v14 =	vmov s11;
	v15 =	vmov s12;
	s12 =	sshll.u32 s24, $0x8;
	s7 =	sshll.u32 s24, $0x7  }
0x22e: {  	s23 =	smul.f32 s3, s21;
	v16 =	vmov s13;
	v17 =	vmov s14;
	v18 =	vmov s15;
	s10 =	sand.u32 $0x7800, s12;
	s7 =	sand.u32 $0x380, s7  }
0x22f: {  	s24 =	smul.f32 s3, s22;
	v19 =	vmov s16;
	v20 =	vmov s17;
	v21 =	vmov s18;
	s7 =	sor.u32 s7, s10  }
0x230: {  	v22 =	vmov s19;
	v23 =	vmov s20;
	v24 =	vmov s26;
	s26 =	sadd.s32 $0x10200, s7  }
0x231: {  	p0 =	por $0x1, $0x1;
	v25 =	vmov s23;
	v26 =	vmov s24;
	s7 =	simm.s32 $0x0;
	v27 =	vmov s26  }
.LBB2_11:
0x232: {  	v0 =	vld.idx.msk [tilespmem:v10+s7+$0x200 ss:$0x1], $0xffff  }
0x233: {  	v1 =	vld.idx.msk [tilespmem:v10+s7+$0x1200 ss:$0x1], $0xffff  }
0x234: {  	v2 =	vld.idx.msk [tilespmem:v10+s7+$0x2200 ss:$0x1], $0xffff  }
0x235: {  	v3 =	vld.idx.msk [tilespmem:v10+s7+$0x3200 ss:$0x1], $0xffff  }
0x236: {  	v4 =	vld.idx.msk [tilespmem:v10+s7+$0x280 ss:$0x1], $0xffff  }
0x237: {  	v5 =	vld.idx.msk [tilespmem:v10+s7+$0x1280 ss:$0x1], $0xffff  }
0x238: {  	v6 =	vld.idx.msk [tilespmem:v10+s7+$0x2280 ss:$0x1], $0xffff  }
0x239: {  	v7 =	vld.idx.msk [tilespmem:v10+s7+$0x3280 ss:$0x1], $0xffff  }
0x23a: {  	v8 =	vld.idx.msk [tilespmem:v10+s7+$0x4200 ss:$0x1], $0xffff  }
0x23b: {  	v9 =	vld.idx.msk [tilespmem:v10+s7+$0x5200 ss:$0x1], $0xffff  }
0x23c: {  	v28 =	vld.idx.msk [tilespmem:v10+s7+$0x6200 ss:$0x1], $0xffff  }
0x23d: {  	v29 =	vld.idx.msk [tilespmem:v10+s7+$0x7200 ss:$0x1], $0xffff  }
0x23e: {  	v30 =	vld.idx.msk [tilespmem:v10+s7+$0x4280 ss:$0x1], $0xffff  }
0x23f: {  	v31 =	vld.idx.msk [tilespmem:v10+s7+$0x5280 ss:$0x1], $0xffff  }
0x240: {  	v32 =	vld.idx.msk [tilespmem:v10+s7+$0x6280 ss:$0x1], $0xffff  }
0x241: {  	v33 =	vld.idx.msk [tilespmem:v10+s7+$0x7280 ss:$0x1], $0xffff  }
0x242: {  	v34 =	vld.idx.msk [tilespmem:v10+s7+$0x210 ss:$0x1], $0xffff  }
0x243: {  	v35 =	vld.idx.msk [tilespmem:v10+s7+$0x1210 ss:$0x1], $0xffff  }
0x244: {  	v36 =	vld.idx.msk [tilespmem:v10+s7+$0x2210 ss:$0x1], $0xffff  }
0x245: {  	v37 =	vld.idx.msk [tilespmem:v10+s7+$0x3210 ss:$0x1], $0xffff  }
0x246: {  	v38 =	vld.idx.msk [tilespmem:v10+s7+$0x290 ss:$0x1], $0xffff  }
0x247: {  	v39 =	vld.idx.msk [tilespmem:v10+s7+$0x1290 ss:$0x1], $0xffff  }
0x248: {  	v40 =	vld.idx.msk [tilespmem:v10+s7+$0x2290 ss:$0x1], $0xffff  }
0x249: {  	v41 =	vld.idx.msk [tilespmem:v10+s7+$0x3290 ss:$0x1], $0xffff  }
0x24a: {  	v42 =	vld.idx.msk [tilespmem:v10+s7+$0x4210 ss:$0x1], $0xffff  }
0x24b: {  	v43 =	vld.idx.msk [tilespmem:v10+s7+$0x5210 ss:$0x1], $0xffff  }
0x24c: {  	v44 =	vld.idx.msk [tilespmem:v10+s7+$0x6210 ss:$0x1], $0xffff  }
0x24d: {  	v45 =	vld.idx.msk [tilespmem:v10+s7+$0x7210 ss:$0x1], $0xffff  }
0x24e: {  	v46 =	vld.idx.msk [tilespmem:v10+s7+$0x4290 ss:$0x1], $0xffff  }
0x24f: {  	v47 =	vld.idx.msk [tilespmem:v10+s7+$0x5290 ss:$0x1], $0xffff  }
0x250: {  	v48 =	vld.idx.msk [tilespmem:v10+s7+$0x6290 ss:$0x1], $0xffff  }
0x251: {  	v49 =	vld.idx.msk [tilespmem:v10+s7+$0x7290 ss:$0x1], $0xffff  }
0x252: {  	v50 =	vld.idx.msk [tilespmem:v10+s7+$0x220 ss:$0x1], $0xffff  }
0x253: {  	v51 =	vld.idx.msk [tilespmem:v10+s7+$0x1220 ss:$0x1], $0xffff  }
0x254: {  	v52 =	vld.idx.msk [tilespmem:v10+s7+$0x2220 ss:$0x1], $0xffff  }
0x255: {  	v53 =	vld.idx.msk [tilespmem:v10+s7+$0x3220 ss:$0x1], $0xffff  }
0x256: {  	v54 =	vld.idx.msk [tilespmem:v10+s7+$0x2A0 ss:$0x1], $0xffff  }
0x257: {  	v55 =	vld.idx.msk [tilespmem:v10+s7+$0x12A0 ss:$0x1], $0xffff  }
0x258: {  	v56 =	vld.idx.msk [tilespmem:v10+s7+$0x22A0 ss:$0x1], $0xffff  }
0x259: {  	v57 =	vld.idx.msk [tilespmem:v10+s7+$0x32A0 ss:$0x1], $0xffff  }
0x25a: {  	v58 =	vld.idx.msk [tilespmem:v10+s7+$0x4220 ss:$0x1], $0xffff  }
0x25b: {  	v62 =	vld.idx.msk [tilespmem:v10+s7+$0x42A0 ss:$0x1], $0xffff  }
0x25c: {  	v63 =	vld.idx.msk [tilespmem:v10+s7+$0x230 ss:$0x1], $0xffff  }
0x25d: {  	v59 =	vld.idx.msk [tilespmem:v10+s7+$0x5220 ss:$0x1], $0xffff  }
0x25e: {  	v60 =	vld.idx.msk [tilespmem:v10+s7+$0x6220 ss:$0x1], $0xffff;
	v0 =	vmul.f32 v0, v11  }
0x25f: {  	v61 =	vld.idx.msk [tilespmem:v10+s7+$0x7220 ss:$0x1], $0xffff;
	v1 =	vmul.f32 v1, v12;
	v2 =	vmul.f32 v2, v13  }
0x260: {  	[tilespmem:$0x1FEB0] =	vst v62;
	v62 =	vld.idx.msk [tilespmem:v10+s7+$0x52A0 ss:$0x1], $0xffff;
	v3 =	vmul.f32 v3, v14;
	v4 =	vmul.f32 v4, v15  }
0x261: {  	v5 =	vmul.f32 v5, v16;
	[tilespmem:$0x1FEE0] =	vst v63;
	v6 =	vmul.f32 v6, v17;
	v63 =	vld.idx.msk [tilespmem:v10+s7+$0x1230 ss:$0x1], $0xffff  }
0x262: {  	v7 =	vmul.f32 v7, v18;
	v8 =	vmul.f32 v8, v19;
	v0 =	vadd.f32 v1, v0;
	v1 =	vld.idx.msk [tilespmem:v10+s7+$0x2230 ss:$0x1], $0xffff  }
0x263: {  	v9 =	vmul.f32 v9, v20;
	v28 =	vmul.f32 v28, v21;
	v2 =	vadd.f32 v3, v2;
	v3 =	vld.idx.msk [tilespmem:v10+s7+$0x3230 ss:$0x1], $0xffff  }
0x264: {  	v29 =	vmul.f32 v29, v22;
	v30 =	vmul.f32 v30, v23;
	v4 =	vadd.f32 v5, v4;
	v5 =	vld.idx.msk [tilespmem:v10+s7+$0x2B0 ss:$0x1], $0xffff  }
0x265: {  	v31 =	vmul.f32 v31, v24;
	v32 =	vmul.f32 v32, v25;
	v6 =	vadd.f32 v7, v6;
	v7 =	vld.idx.msk [tilespmem:v10+s7+$0x12B0 ss:$0x1], $0xffff  }
0x266: {  	v33 =	vmul.f32 v33, v26;
	v8 =	vadd.f32 v9, v8;
	v9 =	vadd.f32 v29, v28;
	v28 =	vld.idx.msk [tilespmem:v10+s7+$0x22B0 ss:$0x1], $0xffff  }
0x267: {  	v29 =	vadd.f32 v31, v30;
	v31 =	vld.idx.msk [tilespmem:v10+s7+$0x32B0 ss:$0x1], $0xffff  }
0x268: {  	v30 =	vadd.f32 v33, v32;
	v32 =	vld.idx.msk [tilespmem:v10+s7+$0x5230 ss:$0x1], $0xffff  }
0x269: {  	v33 =	vmul.f32 v37, v14;
	v0 =	vadd.f32 v2, v0;
	v2 =	vadd.f32 v6, v4;
	v4 =	vld.idx.msk [tilespmem:v10+s7+$0x4230 ss:$0x1], $0xffff  }
0x26a: {  	v37 =	vmul.f32 v41, v18;
	v6 =	vadd.f32 v9, v8;
	v8 =	vmul.f32 v34, v11;
	v34 =	vld.idx.msk [tilespmem:v10+s7+$0x6230 ss:$0x1], $0xffff  }
0x26b: {  	v9 =	vmul.f32 v35, v12;
	v29 =	vadd.f32 v30, v29;
	v30 =	vmul.f32 v36, v13;
	v36 =	vld.idx.msk [tilespmem:v10+s7+$0x7230 ss:$0x1], $0xffff  }
0x26c: {  	v35 =	vmul.f32 v39, v16;
	v39 =	vmul.f32 v42, v19;
	[tilespmem:$0x1FEC0] =	vst v62;
	v62 =	vld.idx.msk [tilespmem:v10+s7+$0x62A0 ss:$0x1], $0xffff  }
0x26d: {  	v42 =	vmul.f32 v45, v22;
	v0 =	vadd.f32 v2, v0;
	v2 =	vmul.f32 v38, v15;
	v38 =	vld.idx.msk [tilespmem:v10+s7+$0x42B0 ss:$0x1], $0xffff  }
0x26e: {  	v45 =	vmul.f32 v48, v25;
	v48 =	vmul.f32 v49, v26;
	v8 =	vadd.f32 v9, v8;
	v9 =	vld.idx.msk [tilespmem:v10+s7+$0x52B0 ss:$0x1], $0xffff  }
0x26f: {  	v6 =	vadd.f32 v29, v6;
	v29 =	vmul.f32 v40, v17;
	v30 =	vadd.f32 v33, v30;
	v33 =	vld.idx.msk [tilespmem:v10+s7+$0x62B0 ss:$0x1], $0xffff  }
0x270: {  	v40 =	vmul.f32 v43, v20;
	v43 =	vmul.f32 v46, v23;
	v46 =	vld.idx.msk [tilespmem:v10+s7+$0x22C0 ss:$0x1], $0xffff  }
0x271: {  	v48 =	vadd.f32 v48, v45;
	v45 =	vmul.f32 v53, v14;
	v53 =	vmul.f32 v60, v21;
	v60 =	vld [tilespmem:$0x1FEB0]  }
0x272: {  	v41 =	vmul.f32 v44, v21;
	v2 =	vadd.f32 v35, v2;
	v35 =	vld.idx.msk [tilespmem:v10+s7+$0x72B0 ss:$0x1], $0xffff  }
0x273: {  	v44 =	vmul.f32 v47, v24;
	v29 =	vadd.f32 v37, v29;
	v37 =	vld.idx.msk [tilespmem:v10+s7+$0x240 ss:$0x1], $0xffff  }
0x274: {  	v39 =	vadd.f32 v40, v39;
	v40 =	vadd.f32 v42, v41;
	v41 =	vld.idx.msk [tilespmem:v10+s7+$0x1240 ss:$0x1], $0xffff  }
0x275: {  	v49 =	vadd.f32 v44, v43;
	v44 =	vld.idx.msk [tilespmem:v10+s7+$0x2240 ss:$0x1], $0xffff  }
0x276: {  	v1 =	vmul.f32 v1, v13;
	v3 =	vmul.f32 v3, v14;
	v8 =	vadd.f32 v30, v8;
	v30 =	vld.idx.msk [tilespmem:v10+s7+$0x3240 ss:$0x1], $0xffff  }
0x277: {  	v5 =	vmul.f32 v5, v15;
	v7 =	vmul.f32 v7, v16;
	v43 =	vld.idx.msk [tilespmem:v10+s7+$0x12C0 ss:$0x1], $0xffff  }
0x278: {  	v0 =	vadd.f32 v6, v0;
	v6 =	vmul.f32 v54, v15;
	v54 =	vmul.f32 v61, v22;
	v61 =	vld [tilespmem:$0x1FEC0]  }
0x279: {  	v42 =	vmul.f32 v51, v12;
	v51 =	vmul.f32 v58, v19;
	v58 =	vld.idx.msk [tilespmem:v10+s7+$0x32D0 ss:$0x1], $0xffff  }
0x27a: {  	v1 =	vadd.f32 v3, v1;
	v3 =	vld.idx.msk [tilespmem:v10+s7+$0x12D0 ss:$0x1], $0xffff  }
0x27b: {  	v5 =	vadd.f32 v7, v5;
	v7 =	vld.idx.msk [tilespmem:v10+s7+$0x22D0 ss:$0x1], $0xffff  }
0x27c: {  	v47 =	vmul.f32 v55, v16;
	[tilespmem:$0x1FED0] =	vst v62;
	v62 =	vld.idx.msk [tilespmem:v10+s7+$0x72A0 ss:$0x1], $0xffff  }
0x27d: {  	v28 =	vmul.f32 v28, v17;
	v2 =	vadd.f32 v29, v2;
	v29 =	vadd.f32 v40, v39;
	v40 =	vld.idx.msk [tilespmem:v10+s7+$0x2C0 ss:$0x1], $0xffff  }
0x27e: {  	v31 =	vmul.f32 v31, v18;
	v32 =	vmul.f32 v32, v20;
	v49 =	vadd.f32 v48, v49;
	v48 =	vld.idx.msk [tilespmem:v10+s7+$0x32C0 ss:$0x1], $0xffff  }
0x27f: {  	v4 =	vmul.f32 v4, v19;
	v34 =	vmul.f32 v34, v21;
	v6 =	vadd.f32 v47, v6;
	v47 =	vld.idx.msk [tilespmem:v10+s7+$0x7240 ss:$0x1], $0xffff  }
0x280: {  	v36 =	vmul.f32 v36, v22;
	v55 =	vmul.f32 v60, v23;
	v60 =	vld [tilespmem:$0x1FED0]  }
0x281: {  	v28 =	vadd.f32 v31, v28;
	v4 =	vadd.f32 v32, v4;
	v32 =	vld.idx.msk [tilespmem:v10+s7+$0x4250 ss:$0x1], $0xffff  }
0x282: {  	v39 =	vmul.f32 v52, v13;
	v52 =	vmul.f32 v59, v20;
	v59 =	vadd.f32 v36, v34;
	v34 =	vld.idx.msk [tilespmem:v10+s7+$0x5250 ss:$0x1], $0xffff  }
0x283: {  	v5 =	vadd.f32 v28, v5;
	v28 =	vld.idx.msk [tilespmem:v10+s7+$0x6250 ss:$0x1], $0xffff  }
0x284: {  	v36 =	vld.idx.msk [tilespmem:v10+s7+$0x42D0 ss:$0x1], $0xffff  }
0x285: {  	v2 =	vadd.f32 v2, v8;
	v8 =	vmul.f32 v50, v11;
	v50 =	vld.idx.msk [tilespmem:v10+s7+$0x4240 ss:$0x1], $0xffff  }
0x286: {  	v38 =	vmul.f32 v38, v23;
	v9 =	vmul.f32 v9, v24;
	v39 =	vadd.f32 v45, v39;
	v45 =	vld.idx.msk [tilespmem:v10+s7+$0x6240 ss:$0x1], $0xffff  }
0x287: {  	v33 =	vmul.f32 v33, v25;
	v29 =	vadd.f32 v49, v29;
	v51 =	vadd.f32 v52, v51;
	v52 =	vld.idx.msk [tilespmem:v10+s7+$0x2D0 ss:$0x1], $0xffff  }
0x288: {  	v49 =	vmul.f32 v57, v18;
	v35 =	vmul.f32 v35, v26;
	v9 =	vadd.f32 v9, v38;
	v38 =	vld.idx.msk [tilespmem:v10+s7+$0x52D0 ss:$0x1], $0xffff  }
0x289: {  	v29 =	vadd.f32 v29, v2;
	v2 =	vmul.f32 v56, v17;
	v8 =	vadd.f32 v42, v8;
	v42 =	vld.idx.msk [tilespmem:v10+s7+$0x5240 ss:$0x1], $0xffff  }
0x28a: {  	v56 =	vmul.f32 v61, v24;
	v61 =	vmul.f32 v62, v26;
	v62 =	vadd.f32 v54, v53;
	v53 =	vld.idx.msk [tilespmem:v10+s7+$0x52C0 ss:$0x1], $0xffff  }
0x28b: {  	v33 =	vadd.f32 v35, v33;
	v35 =	vld.idx.msk [tilespmem:v10+s7+$0x260 ss:$0x1], $0xffff  }
0x28c: {  	v2 =	vadd.f32 v49, v2;
	v49 =	vld.idx.msk [tilespmem:v10+s7+$0x42C0 ss:$0x1], $0xffff  }
0x28d: {  	v54 =	vadd.f32 v56, v55;
	v56 =	vld.idx.msk [tilespmem:v10+s7+$0x62C0 ss:$0x1], $0xffff  }
0x28e: {  	v55 =	vld.idx.msk [tilespmem:v10+s7+$0x1250 ss:$0x1], $0xffff  }
0x28f: {  	v9 =	vadd.f32 v33, v9;
	v33 =	vld.idx.msk [tilespmem:v10+s7+$0x7250 ss:$0x1], $0xffff  }
0x290: {  	v4 =	vadd.f32 v59, v4;
	v57 =	vmul.f32 v60, v25;
	v59 =	vmul.f32 v45, v21;
	v45 =	vld.idx.msk [tilespmem:v10+s7+$0x42E0 ss:$0x1], $0xffff  }
0x291: {  	v63 =	vmul.f32 v63, v12;
	v32 =	vmul.f32 v32, v19;
	v2 =	vadd.f32 v2, v6;
	v6 =	vld.idx.msk [tilespmem:v10+s7+$0x72C0 ss:$0x1], $0xffff  }
0x292: {  	v34 =	vmul.f32 v34, v20;
	v60 =	vadd.f32 v61, v57;
	v61 =	vadd.f32 v62, v51;
	v62 =	vld [tilespmem:$0x1FEE0]  }
0x293: {  	v3 =	vmul.f32 v3, v16;
	v7 =	vmul.f32 v7, v17;
	v8 =	vadd.f32 v39, v8;
	v57 =	vld.idx.msk [tilespmem:v10+s7+$0x250 ss:$0x1], $0xffff  }
0x294: {  	v28 =	vmul.f32 v28, v21;
	v36 =	vmul.f32 v36, v23;
	v32 =	vadd.f32 v34, v32;
	v34 =	vld.idx.msk [tilespmem:v10+s7+$0x2270 ss:$0x1], $0xffff  }
0x295: {  	v4 =	vadd.f32 v9, v4;
	v9 =	vmul.f32 v44, v13;
	v44 =	vld.idx.msk [tilespmem:v10+s7+$0x2E0 ss:$0x1], $0xffff;
	v54 =	vadd.f32 v60, v54  }
0x296: {  	v38 =	vmul.f32 v38, v24;
	v42 =	vmul.f32 v42, v20;
	v2 =	vadd.f32 v2, v8;
	v8 =	vld.idx.msk [tilespmem:v10+s7+$0x2250 ss:$0x1], $0xffff  }
0x297: {  	v60 =	vmul.f32 v37, v11;
	v37 =	vld.idx.msk [tilespmem:v10+s7+$0x1260 ss:$0x1], $0xffff;
	v55 =	vmul.f32 v55, v12;
	v39 =	vadd.f32 v54, v61  }
0x298: {  	v54 =	vld.idx.msk [tilespmem:v10+s7+$0x3250 ss:$0x1], $0xffff;
	v33 =	vmul.f32 v33, v22;
	v51 =	vmul.f32 v62, v11  }
0x299: {  	v61 =	vmul.f32 v41, v12;
	v41 =	vld.idx.msk [tilespmem:v10+s7+$0x72D0 ss:$0x1], $0xffff;
	v62 =	vmul.f32 v30, v14;
	v30 =	vadd.f32 v39, v2  }
0x29a: {  	v45 =	vmul.f32 v45, v23;
	v39 =	vld.idx.msk [tilespmem:v10+s7+$0x2260 ss:$0x1], $0xffff;
	v28 =	vadd.f32 v33, v28;
	v51 =	vadd.f32 v63, v51  }
0x29b: {  	v33 =	vld.idx.msk [tilespmem:v10+s7+$0x72E0 ss:$0x1], $0xffff;
	v63 =	vmul.f32 v40, v15;
	v9 =	vadd.f32 v62, v9;
	v62 =	vmul.f32 v53, v24  }
0x29c: {  	v40 =	vld.idx.msk [tilespmem:v10+s7+$0x62D0 ss:$0x1], $0xffff;
	v53 =	vmul.f32 v57, v11;
	v57 =	vmul.f32 v52, v15;
	v1 =	vadd.f32 v1, v51  }
0x29d: {  	v52 =	vld.idx.msk [tilespmem:v10+s7+$0x2F0 ss:$0x1], $0xffff;
	v51 =	vmul.f32 v43, v16;
	v43 =	vmul.f32 v50, v19  }
0x29e: {  	v1 =	vadd.f32 v5, v1;
	v5 =	vadd.f32 v61, v60;
	v60 =	vmul.f32 v47, v22;
	v47 =	vld.idx.msk [tilespmem:v10+s7+$0x32E0 ss:$0x1], $0xffff  }
0x29f: {  	v6 =	vmul.f32 v6, v26;
	v8 =	vmul.f32 v8, v13;
	v42 =	vadd.f32 v42, v43;
	v43 =	vld.idx.msk [tilespmem:v10+s7+$0x7260 ss:$0x1], $0xffff  }
0x2a0: {  	v28 =	vadd.f32 v28, v32;
	v31 =	vadd.f32 v4, v1;
	v1 =	vmul.f32 v46, v17;
	v46 =	vld.idx.msk [tilespmem:v10+s7+$0x12E0 ss:$0x1], $0xffff  }
0x2a1: {  	v3 =	vadd.f32 v3, v57;
	v61 =	vmul.f32 v49, v23;
	v4 =	vmul.f32 v48, v18;
	v48 =	vld.idx.msk [tilespmem:v10+s7+$0x4260 ss:$0x1], $0xffff  }
0x2a2: {  	v2 =	vadd.f32 v51, v63;
	v63 =	vmul.f32 v56, v25;
	v50 =	vadd.f32 v60, v59;
	v59 =	vld.idx.msk [tilespmem:v10+s7+$0x5260 ss:$0x1], $0xffff  }
0x2a3: {  	v41 =	vmul.f32 v41, v26;
	v56 =	vmul.f32 v54, v14;
	v60 =	vadd.f32 v38, v36;
	v38 =	vld.idx.msk [tilespmem:v10+s7+$0x270 ss:$0x1], $0xffff  }
0x2a4: {  	v40 =	vmul.f32 v40, v25;
	v51 =	vadd.f32 v62, v61;
	v6 =	vadd.f32 v6, v63;
	v36 =	vld.idx.msk [tilespmem:v10+s7+$0x3270 ss:$0x1], $0xffff  }
0x2a5: {  	v33 =	vmul.f32 v33, v26;
	v5 =	vadd.f32 v9, v5;
	v8 =	vadd.f32 v56, v8;
	v56 =	vld.idx.msk [tilespmem:v10+s7+$0x22F0 ss:$0x1], $0xffff  }
0x2a6: {  	v63 =	vmul.f32 v37, v12;
	v61 =	vadd.f32 v41, v40;
	v1 =	vadd.f32 v4, v1;
	v4 =	vld.idx.msk [tilespmem:v10+s7+$0x3260 ss:$0x1], $0xffff  }
0x2a7: {  	v37 =	vmul.f32 v52, v15;
	v9 =	vadd.f32 v50, v42;
	v6 =	vadd.f32 v6, v51;
	v50 =	vld.idx.msk [tilespmem:v10+s7+$0x6260 ss:$0x1], $0xffff  }
0x2a8: {  	v42 =	vadd.f32 v55, v53;
	v51 =	vmul.f32 v39, v13;
	v53 =	vmul.f32 v44, v15;
	v55 =	vld.idx.msk [tilespmem:v10+s7+$0x12F0 ss:$0x1], $0xffff  }
0x2a9: {  	v62 =	vadd.f32 v61, v60;
	v43 =	vmul.f32 v43, v22;
	v61 =	vld.idx.msk [tilespmem:v10+s7+$0x4270 ss:$0x1], $0xffff;
	v1 =	vadd.f32 v1, v2  }
0x2aa: {  	v2 =	vld.idx.msk [tilespmem:v10+s7+$0x22E0 ss:$0x1], $0xffff;
	v6 =	vadd.f32 v6, v9;
	v9 =	vmul.f32 v58, v18;
	v54 =	vmul.f32 v46, v16  }
0x2ab: {  	v8 =	vadd.f32 v8, v42;
	v57 =	vmul.f32 v48, v19;
	v58 =	vmul.f32 v59, v20;
	v59 =	vld.idx.msk [tilespmem:v10+s7+$0x32F0 ss:$0x1], $0xffff  }
0x2ac: {  	v48 =	vmul.f32 v34, v13;
	v1 =	vadd.f32 v1, v5;
	v5 =	vld.idx.msk [tilespmem:v10+s7+$0x52E0 ss:$0x1], $0xffff;
	v7 =	vadd.f32 v9, v7  }
0x2ad: {  	v28 =	vadd.f32 v62, v28;
	v49 =	vmul.f32 v36, v14;
	v9 =	vld.idx.msk [tilespmem:v10+s7+$0x62E0 ss:$0x1], $0xffff;
	v4 =	vmul.f32 v4, v14  }
0x2ae: {  	v62 =	vld.idx.msk [tilespmem:v10+s7+$0x5270 ss:$0x1], $0xffff;
	v60 =	vmul.f32 v50, v21;
	v42 =	vadd.f32 v58, v57;
	v3 =	vadd.f32 v7, v3  }
0x2af: {  	v46 =	vld.idx.msk [tilespmem:v10+s7+$0x42F0 ss:$0x1], $0xffff;
	v40 =	vmul.f32 v55, v16;
	v1 =	vadd.f32 v6, v1;
	v6 =	vadd.f32 v54, v53  }
0x2b0: {  	v50 =	vld.idx.msk [tilespmem:v10+s7+$0x62F0 ss:$0x1], $0xffff;
	v2 =	vmul.f32 v2, v17;
	v4 =	vadd.f32 v4, v51;
	v43 =	vadd.f32 v43, v60  }
0x2b1: {  	v7 =	vld.idx.msk [tilespmem:v10+s7+$0x1270 ss:$0x1], $0xffff;
	v3 =	vadd.f32 v3, v8;
	v8 =	vmul.f32 v35, v11;
	v35 =	vmul.f32 v59, v18  }
0x2b2: {  	v51 =	vld.idx.msk [tilespmem:v10+s7+$0x72F0 ss:$0x1], $0xffff;
	v37 =	vadd.f32 v40, v37;
	v5 =	vmul.f32 v5, v24;
	v9 =	vmul.f32 v9, v25  }
0x2b3: {  	v3 =	vadd.f32 v28, v3;
	v28 =	vmul.f32 v47, v18;
	v8 =	vadd.f32 v63, v8;
	v63 =	vld.idx.msk [tilespmem:v10+s7+$0x7270 ss:$0x1], $0xffff  }
0x2b4: {  	v52 =	vmul.f32 v62, v20;
	v42 =	vadd.f32 v43, v42;
	v47 =	vld.idx.msk [tilespmem:v10+s7+$0x52F0 ss:$0x1], $0xffff;
	v5 =	vadd.f32 v5, v45  }
0x2b5: {  	v54 =	vmul.f32 v50, v25;
	v9 =	vadd.f32 v33, v9;
	v2 =	vadd.f32 v28, v2;
	v28 =	vld.idx.msk [tilespmem:v10+s7+$0x6270 ss:$0x1], $0xffff  }
0x2b6: {  	v7 =	vmul.f32 v7, v12;
	v4 =	vadd.f32 v4, v8;
	v8 =	vmul.f32 v38, v11  }
0x2b7: {  	v33 =	vmul.f32 v46, v23;
	v55 =	vmul.f32 v51, v26;
	v5 =	vadd.f32 v9, v5  }
0x2b8: {  	v9 =	vmul.f32 v56, v17;
	v2 =	vadd.f32 v2, v6;
	v7 =	vadd.f32 v7, v8  }
0x2b9: {  	v8 =	vmul.f32 v61, v19;
	v6 =	vadd.f32 v49, v48;
	v53 =	vmul.f32 v63, v22  }
0x2ba: {  	v57 =	vadd.f32 v55, v54;
	v38 =	vmul.f32 v47, v24;
	v28 =	vmul.f32 v28, v21  }
0x2bb: {  	v9 =	vadd.f32 v35, v9;
	v8 =	vadd.f32 v52, v8  }
0x2bc: {  	v56 =	vadd.f32 v38, v33;
	v28 =	vadd.f32 v53, v28  }
0x2bd: {  	[tilespmem:v27+s7+$0x0 ss:$0x1] =	vst.idx.msk $0xffff, v0;
	v58 =	vadd.f32 v6, v7;
	v59 =	vadd.f32 v9, v37  }
0x2be: {  	[tilespmem:v27+s7+$0x10 ss:$0x1] =	vst.idx.msk $0xffff, v29;
	v60 =	vadd.f32 v28, v8;
	v8 =	vadd.f32 v57, v56  }
0x2bf: {  	p1 =	por p0, p0;
	[tilespmem:v27+s7+$0x20 ss:$0x1] =	vst.idx.msk $0xffff, v30;
	v61 =	vadd.f32 v5, v42;
	v2 =	vadd.f32 v2, v4  }
.Ltmp3:
0x2c0: {  	[tilespmem:v27+s7+$0x30 ss:$0x1] =	vst.idx.msk $0xffff, v31;
	v0 =	vadd.f32 v59, v58;
	v62 =	vadd.f32 v8, v60;
	(pc) =	sbr.rel @p1 .LBB2_11-.Ltmp3, $4  }
0x2c1: {  	[tilespmem:v27+s7+$0x40 ss:$0x1] =	vst.idx.msk $0xffff, v1;
	v63 =	vadd.f32 v61, v2  }
0x2c2: {  	[tilespmem:v27+s7+$0x50 ss:$0x1] =	vst.idx.msk $0xffff, v3;
	v0 =	vadd.f32 v62, v0  }
0x2c3: {  	[tilespmem:v27+s7+$0x60 ss:$0x1] =	vst.idx.msk $0xffff, v63  }
0x2c4: {  	p0 =	por $0x0, $0x0;
	[tilespmem:v27+s7+$0x70 ss:$0x1] =	vst.idx.msk $0xffff, v0;
	s7 =	simm.s32 $0x400  }
0x2c5: {  	s18 =	rddreg [dreg:$0x19]  }
0x2c6: {  	s19 =	rddreg [dreg:$0x1a];
	s7 =	smul.f32 s1, s18  }
0x2c7: {  	s9 =	smul.f32 s1, s19  }
0x2c8: {  	s10 =	smul.f32 s0, s18  }
0x2c9: {  	s21 =	rddreg [dreg:$0x1b];
	s11 =	smul.f32 s0, s19  }
0x2ca: {  	s22 =	rddreg [dreg:$0x1c];
	s12 =	smul.f32 s1, s21  }
0x2cb: {  	s13 =	smul.f32 s1, s22  }
0x2cc: {  	s14 =	smul.f32 s0, s21  }
0x2cd: {  	s15 =	smul.f32 s0, s22  }
0x2ce: {  	s16 =	smul.f32 s2, s18  }
0x2cf: {  	s17 =	smul.f32 s2, s19  }
0x2d0: {  	s18 =	smul.f32 s3, s18  }
0x2d1: {  	s19 =	smul.f32 s3, s19  }
0x2d2: {  	s24 =	sadd.s32 $0x3, s5;
	s20 =	smul.f32 s2, s21;
	v11 =	vmov s7;
	v12 =	vmov s9  }
0x2d3: {  	s26 =	smul.f32 s2, s22;
	v13 =	vmov s10;
	v14 =	vmov s11;
	v15 =	vmov s12;
	s12 =	sshll.u32 s24, $0x8;
	s7 =	sshll.u32 s24, $0x7  }
0x2d4: {  	s23 =	smul.f32 s3, s21;
	v16 =	vmov s13;
	v17 =	vmov s14;
	v18 =	vmov s15;
	s10 =	sand.u32 $0x7800, s12;
	s7 =	sand.u32 $0x380, s7  }
0x2d5: {  	s24 =	smul.f32 s3, s22;
	v19 =	vmov s16;
	v20 =	vmov s17;
	v21 =	vmov s18;
	s7 =	sor.u32 s7, s10  }
0x2d6: {  	v22 =	vmov s19;
	v23 =	vmov s20;
	v24 =	vmov s26;
	s26 =	sadd.s32 $0x10200, s7  }
0x2d7: {  	p0 =	por $0x1, $0x1;
	v25 =	vmov s23;
	v26 =	vmov s24;
	s7 =	simm.s32 $0x0;
	v27 =	vmov s26  }
.LBB2_13:
0x2d8: {  	v0 =	vld.idx.msk [tilespmem:v10+s7+$0x300 ss:$0x1], $0xffff  }
0x2d9: {  	v1 =	vld.idx.msk [tilespmem:v10+s7+$0x1300 ss:$0x1], $0xffff  }
0x2da: {  	v2 =	vld.idx.msk [tilespmem:v10+s7+$0x2300 ss:$0x1], $0xffff  }
0x2db: {  	v3 =	vld.idx.msk [tilespmem:v10+s7+$0x3300 ss:$0x1], $0xffff  }
0x2dc: {  	v4 =	vld.idx.msk [tilespmem:v10+s7+$0x380 ss:$0x1], $0xffff  }
0x2dd: {  	v5 =	vld.idx.msk [tilespmem:v10+s7+$0x1380 ss:$0x1], $0xffff  }
0x2de: {  	v6 =	vld.idx.msk [tilespmem:v10+s7+$0x2380 ss:$0x1], $0xffff  }
0x2df: {  	v7 =	vld.idx.msk [tilespmem:v10+s7+$0x3380 ss:$0x1], $0xffff  }
0x2e0: {  	v8 =	vld.idx.msk [tilespmem:v10+s7+$0x4300 ss:$0x1], $0xffff  }
0x2e1: {  	v9 =	vld.idx.msk [tilespmem:v10+s7+$0x5300 ss:$0x1], $0xffff  }
0x2e2: {  	v28 =	vld.idx.msk [tilespmem:v10+s7+$0x6300 ss:$0x1], $0xffff  }
0x2e3: {  	v29 =	vld.idx.msk [tilespmem:v10+s7+$0x7300 ss:$0x1], $0xffff  }
0x2e4: {  	v30 =	vld.idx.msk [tilespmem:v10+s7+$0x4380 ss:$0x1], $0xffff  }
0x2e5: {  	v31 =	vld.idx.msk [tilespmem:v10+s7+$0x5380 ss:$0x1], $0xffff  }
0x2e6: {  	v32 =	vld.idx.msk [tilespmem:v10+s7+$0x6380 ss:$0x1], $0xffff  }
0x2e7: {  	v33 =	vld.idx.msk [tilespmem:v10+s7+$0x7380 ss:$0x1], $0xffff  }
0x2e8: {  	v34 =	vld.idx.msk [tilespmem:v10+s7+$0x310 ss:$0x1], $0xffff  }
0x2e9: {  	v35 =	vld.idx.msk [tilespmem:v10+s7+$0x1310 ss:$0x1], $0xffff  }
0x2ea: {  	v36 =	vld.idx.msk [tilespmem:v10+s7+$0x2310 ss:$0x1], $0xffff  }
0x2eb: {  	v37 =	vld.idx.msk [tilespmem:v10+s7+$0x3310 ss:$0x1], $0xffff  }
0x2ec: {  	v38 =	vld.idx.msk [tilespmem:v10+s7+$0x390 ss:$0x1], $0xffff  }
0x2ed: {  	v39 =	vld.idx.msk [tilespmem:v10+s7+$0x1390 ss:$0x1], $0xffff  }
0x2ee: {  	v40 =	vld.idx.msk [tilespmem:v10+s7+$0x2390 ss:$0x1], $0xffff  }
0x2ef: {  	v41 =	vld.idx.msk [tilespmem:v10+s7+$0x3390 ss:$0x1], $0xffff  }
0x2f0: {  	v42 =	vld.idx.msk [tilespmem:v10+s7+$0x4310 ss:$0x1], $0xffff  }
0x2f1: {  	v43 =	vld.idx.msk [tilespmem:v10+s7+$0x5310 ss:$0x1], $0xffff  }
0x2f2: {  	v44 =	vld.idx.msk [tilespmem:v10+s7+$0x6310 ss:$0x1], $0xffff  }
0x2f3: {  	v45 =	vld.idx.msk [tilespmem:v10+s7+$0x7310 ss:$0x1], $0xffff  }
0x2f4: {  	v46 =	vld.idx.msk [tilespmem:v10+s7+$0x4390 ss:$0x1], $0xffff  }
0x2f5: {  	v47 =	vld.idx.msk [tilespmem:v10+s7+$0x5390 ss:$0x1], $0xffff  }
0x2f6: {  	v48 =	vld.idx.msk [tilespmem:v10+s7+$0x6390 ss:$0x1], $0xffff  }
0x2f7: {  	v49 =	vld.idx.msk [tilespmem:v10+s7+$0x7390 ss:$0x1], $0xffff  }
0x2f8: {  	v50 =	vld.idx.msk [tilespmem:v10+s7+$0x320 ss:$0x1], $0xffff  }
0x2f9: {  	v51 =	vld.idx.msk [tilespmem:v10+s7+$0x1320 ss:$0x1], $0xffff  }
0x2fa: {  	v52 =	vld.idx.msk [tilespmem:v10+s7+$0x2320 ss:$0x1], $0xffff  }
0x2fb: {  	v53 =	vld.idx.msk [tilespmem:v10+s7+$0x3320 ss:$0x1], $0xffff  }
0x2fc: {  	v54 =	vld.idx.msk [tilespmem:v10+s7+$0x3A0 ss:$0x1], $0xffff  }
0x2fd: {  	v55 =	vld.idx.msk [tilespmem:v10+s7+$0x13A0 ss:$0x1], $0xffff  }
0x2fe: {  	v56 =	vld.idx.msk [tilespmem:v10+s7+$0x23A0 ss:$0x1], $0xffff  }
0x2ff: {  	v57 =	vld.idx.msk [tilespmem:v10+s7+$0x33A0 ss:$0x1], $0xffff  }
0x300: {  	v58 =	vld.idx.msk [tilespmem:v10+s7+$0x4320 ss:$0x1], $0xffff  }
0x301: {  	v62 =	vld.idx.msk [tilespmem:v10+s7+$0x43A0 ss:$0x1], $0xffff  }
0x302: {  	v63 =	vld.idx.msk [tilespmem:v10+s7+$0x330 ss:$0x1], $0xffff  }
0x303: {  	v59 =	vld.idx.msk [tilespmem:v10+s7+$0x5320 ss:$0x1], $0xffff  }
0x304: {  	v60 =	vld.idx.msk [tilespmem:v10+s7+$0x6320 ss:$0x1], $0xffff;
	v0 =	vmul.f32 v0, v11  }
0x305: {  	v61 =	vld.idx.msk [tilespmem:v10+s7+$0x7320 ss:$0x1], $0xffff;
	v1 =	vmul.f32 v1, v12;
	v2 =	vmul.f32 v2, v13  }
0x306: {  	[tilespmem:$0x1FE70] =	vst v62;
	v62 =	vld.idx.msk [tilespmem:v10+s7+$0x53A0 ss:$0x1], $0xffff;
	v3 =	vmul.f32 v3, v14;
	v4 =	vmul.f32 v4, v15  }
0x307: {  	v5 =	vmul.f32 v5, v16;
	[tilespmem:$0x1FEA0] =	vst v63;
	v6 =	vmul.f32 v6, v17;
	v63 =	vld.idx.msk [tilespmem:v10+s7+$0x1330 ss:$0x1], $0xffff  }
0x308: {  	v7 =	vmul.f32 v7, v18;
	v8 =	vmul.f32 v8, v19;
	v0 =	vadd.f32 v1, v0;
	v1 =	vld.idx.msk [tilespmem:v10+s7+$0x2330 ss:$0x1], $0xffff  }
0x309: {  	v9 =	vmul.f32 v9, v20;
	v28 =	vmul.f32 v28, v21;
	v2 =	vadd.f32 v3, v2;
	v3 =	vld.idx.msk [tilespmem:v10+s7+$0x3330 ss:$0x1], $0xffff  }
0x30a: {  	v29 =	vmul.f32 v29, v22;
	v30 =	vmul.f32 v30, v23;
	v4 =	vadd.f32 v5, v4;
	v5 =	vld.idx.msk [tilespmem:v10+s7+$0x3B0 ss:$0x1], $0xffff  }
0x30b: {  	v31 =	vmul.f32 v31, v24;
	v32 =	vmul.f32 v32, v25;
	v6 =	vadd.f32 v7, v6;
	v7 =	vld.idx.msk [tilespmem:v10+s7+$0x13B0 ss:$0x1], $0xffff  }
0x30c: {  	v33 =	vmul.f32 v33, v26;
	v8 =	vadd.f32 v9, v8;
	v9 =	vadd.f32 v29, v28;
	v28 =	vld.idx.msk [tilespmem:v10+s7+$0x23B0 ss:$0x1], $0xffff  }
0x30d: {  	v29 =	vadd.f32 v31, v30;
	v31 =	vld.idx.msk [tilespmem:v10+s7+$0x33B0 ss:$0x1], $0xffff  }
0x30e: {  	v30 =	vadd.f32 v33, v32;
	v32 =	vld.idx.msk [tilespmem:v10+s7+$0x5330 ss:$0x1], $0xffff  }
0x30f: {  	v33 =	vmul.f32 v37, v14;
	v0 =	vadd.f32 v2, v0;
	v2 =	vadd.f32 v6, v4;
	v4 =	vld.idx.msk [tilespmem:v10+s7+$0x4330 ss:$0x1], $0xffff  }
0x310: {  	v37 =	vmul.f32 v41, v18;
	v6 =	vadd.f32 v9, v8;
	v8 =	vmul.f32 v34, v11;
	v34 =	vld.idx.msk [tilespmem:v10+s7+$0x6330 ss:$0x1], $0xffff  }
0x311: {  	v9 =	vmul.f32 v35, v12;
	v29 =	vadd.f32 v30, v29;
	v30 =	vmul.f32 v36, v13;
	v36 =	vld.idx.msk [tilespmem:v10+s7+$0x7330 ss:$0x1], $0xffff  }
0x312: {  	v35 =	vmul.f32 v39, v16;
	v39 =	vmul.f32 v42, v19;
	[tilespmem:$0x1FE80] =	vst v62;
	v62 =	vld.idx.msk [tilespmem:v10+s7+$0x63A0 ss:$0x1], $0xffff  }
0x313: {  	v42 =	vmul.f32 v45, v22;
	v0 =	vadd.f32 v2, v0;
	v2 =	vmul.f32 v38, v15;
	v38 =	vld.idx.msk [tilespmem:v10+s7+$0x43B0 ss:$0x1], $0xffff  }
0x314: {  	v45 =	vmul.f32 v48, v25;
	v48 =	vmul.f32 v49, v26;
	v8 =	vadd.f32 v9, v8;
	v9 =	vld.idx.msk [tilespmem:v10+s7+$0x53B0 ss:$0x1], $0xffff  }
0x315: {  	v6 =	vadd.f32 v29, v6;
	v29 =	vmul.f32 v40, v17;
	v30 =	vadd.f32 v33, v30;
	v33 =	vld.idx.msk [tilespmem:v10+s7+$0x63B0 ss:$0x1], $0xffff  }
0x316: {  	v40 =	vmul.f32 v43, v20;
	v43 =	vmul.f32 v46, v23;
	v46 =	vld.idx.msk [tilespmem:v10+s7+$0x23C0 ss:$0x1], $0xffff  }
0x317: {  	v48 =	vadd.f32 v48, v45;
	v45 =	vmul.f32 v53, v14;
	v53 =	vmul.f32 v60, v21;
	v60 =	vld [tilespmem:$0x1FE70]  }
0x318: {  	v41 =	vmul.f32 v44, v21;
	v2 =	vadd.f32 v35, v2;
	v35 =	vld.idx.msk [tilespmem:v10+s7+$0x73B0 ss:$0x1], $0xffff  }
0x319: {  	v44 =	vmul.f32 v47, v24;
	v29 =	vadd.f32 v37, v29;
	v37 =	vld.idx.msk [tilespmem:v10+s7+$0x340 ss:$0x1], $0xffff  }
0x31a: {  	v39 =	vadd.f32 v40, v39;
	v40 =	vadd.f32 v42, v41;
	v41 =	vld.idx.msk [tilespmem:v10+s7+$0x1340 ss:$0x1], $0xffff  }
0x31b: {  	v49 =	vadd.f32 v44, v43;
	v44 =	vld.idx.msk [tilespmem:v10+s7+$0x2340 ss:$0x1], $0xffff  }
0x31c: {  	v1 =	vmul.f32 v1, v13;
	v3 =	vmul.f32 v3, v14;
	v8 =	vadd.f32 v30, v8;
	v30 =	vld.idx.msk [tilespmem:v10+s7+$0x3340 ss:$0x1], $0xffff  }
0x31d: {  	v5 =	vmul.f32 v5, v15;
	v7 =	vmul.f32 v7, v16;
	v43 =	vld.idx.msk [tilespmem:v10+s7+$0x13C0 ss:$0x1], $0xffff  }
0x31e: {  	v0 =	vadd.f32 v6, v0;
	v6 =	vmul.f32 v54, v15;
	v54 =	vmul.f32 v61, v22;
	v61 =	vld [tilespmem:$0x1FE80]  }
0x31f: {  	v42 =	vmul.f32 v51, v12;
	v51 =	vmul.f32 v58, v19;
	v58 =	vld.idx.msk [tilespmem:v10+s7+$0x33D0 ss:$0x1], $0xffff  }
0x320: {  	v1 =	vadd.f32 v3, v1;
	v3 =	vld.idx.msk [tilespmem:v10+s7+$0x13D0 ss:$0x1], $0xffff  }
0x321: {  	v5 =	vadd.f32 v7, v5;
	v7 =	vld.idx.msk [tilespmem:v10+s7+$0x23D0 ss:$0x1], $0xffff  }
0x322: {  	v47 =	vmul.f32 v55, v16;
	[tilespmem:$0x1FE90] =	vst v62;
	v62 =	vld.idx.msk [tilespmem:v10+s7+$0x73A0 ss:$0x1], $0xffff  }
0x323: {  	v28 =	vmul.f32 v28, v17;
	v2 =	vadd.f32 v29, v2;
	v29 =	vadd.f32 v40, v39;
	v40 =	vld.idx.msk [tilespmem:v10+s7+$0x3C0 ss:$0x1], $0xffff  }
0x324: {  	v31 =	vmul.f32 v31, v18;
	v32 =	vmul.f32 v32, v20;
	v49 =	vadd.f32 v48, v49;
	v48 =	vld.idx.msk [tilespmem:v10+s7+$0x33C0 ss:$0x1], $0xffff  }
0x325: {  	v4 =	vmul.f32 v4, v19;
	v34 =	vmul.f32 v34, v21;
	v6 =	vadd.f32 v47, v6;
	v47 =	vld.idx.msk [tilespmem:v10+s7+$0x7340 ss:$0x1], $0xffff  }
0x326: {  	v36 =	vmul.f32 v36, v22;
	v55 =	vmul.f32 v60, v23;
	v60 =	vld [tilespmem:$0x1FE90]  }
0x327: {  	v28 =	vadd.f32 v31, v28;
	v4 =	vadd.f32 v32, v4;
	v32 =	vld.idx.msk [tilespmem:v10+s7+$0x4350 ss:$0x1], $0xffff  }
0x328: {  	v39 =	vmul.f32 v52, v13;
	v52 =	vmul.f32 v59, v20;
	v59 =	vadd.f32 v36, v34;
	v34 =	vld.idx.msk [tilespmem:v10+s7+$0x5350 ss:$0x1], $0xffff  }
0x329: {  	v5 =	vadd.f32 v28, v5;
	v28 =	vld.idx.msk [tilespmem:v10+s7+$0x6350 ss:$0x1], $0xffff  }
0x32a: {  	v36 =	vld.idx.msk [tilespmem:v10+s7+$0x43D0 ss:$0x1], $0xffff  }
0x32b: {  	v2 =	vadd.f32 v2, v8;
	v8 =	vmul.f32 v50, v11;
	v50 =	vld.idx.msk [tilespmem:v10+s7+$0x4340 ss:$0x1], $0xffff  }
0x32c: {  	v38 =	vmul.f32 v38, v23;
	v9 =	vmul.f32 v9, v24;
	v39 =	vadd.f32 v45, v39;
	v45 =	vld.idx.msk [tilespmem:v10+s7+$0x6340 ss:$0x1], $0xffff  }
0x32d: {  	v33 =	vmul.f32 v33, v25;
	v29 =	vadd.f32 v49, v29;
	v51 =	vadd.f32 v52, v51;
	v52 =	vld.idx.msk [tilespmem:v10+s7+$0x3D0 ss:$0x1], $0xffff  }
0x32e: {  	v49 =	vmul.f32 v57, v18;
	v35 =	vmul.f32 v35, v26;
	v9 =	vadd.f32 v9, v38;
	v38 =	vld.idx.msk [tilespmem:v10+s7+$0x53D0 ss:$0x1], $0xffff  }
0x32f: {  	v29 =	vadd.f32 v29, v2;
	v2 =	vmul.f32 v56, v17;
	v8 =	vadd.f32 v42, v8;
	v42 =	vld.idx.msk [tilespmem:v10+s7+$0x5340 ss:$0x1], $0xffff  }
0x330: {  	v56 =	vmul.f32 v61, v24;
	v61 =	vmul.f32 v62, v26;
	v62 =	vadd.f32 v54, v53;
	v53 =	vld.idx.msk [tilespmem:v10+s7+$0x53C0 ss:$0x1], $0xffff  }
0x331: {  	v33 =	vadd.f32 v35, v33;
	v35 =	vld.idx.msk [tilespmem:v10+s7+$0x360 ss:$0x1], $0xffff  }
0x332: {  	v2 =	vadd.f32 v49, v2;
	v49 =	vld.idx.msk [tilespmem:v10+s7+$0x43C0 ss:$0x1], $0xffff  }
0x333: {  	v54 =	vadd.f32 v56, v55;
	v56 =	vld.idx.msk [tilespmem:v10+s7+$0x63C0 ss:$0x1], $0xffff  }
0x334: {  	v55 =	vld.idx.msk [tilespmem:v10+s7+$0x1350 ss:$0x1], $0xffff  }
0x335: {  	v9 =	vadd.f32 v33, v9;
	v33 =	vld.idx.msk [tilespmem:v10+s7+$0x7350 ss:$0x1], $0xffff  }
0x336: {  	v4 =	vadd.f32 v59, v4;
	v57 =	vmul.f32 v60, v25;
	v59 =	vmul.f32 v45, v21;
	v45 =	vld.idx.msk [tilespmem:v10+s7+$0x43E0 ss:$0x1], $0xffff  }
0x337: {  	v63 =	vmul.f32 v63, v12;
	v32 =	vmul.f32 v32, v19;
	v2 =	vadd.f32 v2, v6;
	v6 =	vld.idx.msk [tilespmem:v10+s7+$0x73C0 ss:$0x1], $0xffff  }
0x338: {  	v34 =	vmul.f32 v34, v20;
	v60 =	vadd.f32 v61, v57;
	v61 =	vadd.f32 v62, v51;
	v62 =	vld [tilespmem:$0x1FEA0]  }
0x339: {  	v3 =	vmul.f32 v3, v16;
	v7 =	vmul.f32 v7, v17;
	v8 =	vadd.f32 v39, v8;
	v57 =	vld.idx.msk [tilespmem:v10+s7+$0x350 ss:$0x1], $0xffff  }
0x33a: {  	v28 =	vmul.f32 v28, v21;
	v36 =	vmul.f32 v36, v23;
	v32 =	vadd.f32 v34, v32;
	v34 =	vld.idx.msk [tilespmem:v10+s7+$0x2370 ss:$0x1], $0xffff  }
0x33b: {  	v4 =	vadd.f32 v9, v4;
	v9 =	vmul.f32 v44, v13;
	v44 =	vld.idx.msk [tilespmem:v10+s7+$0x3E0 ss:$0x1], $0xffff;
	v54 =	vadd.f32 v60, v54  }
0x33c: {  	v38 =	vmul.f32 v38, v24;
	v42 =	vmul.f32 v42, v20;
	v2 =	vadd.f32 v2, v8;
	v8 =	vld.idx.msk [tilespmem:v10+s7+$0x2350 ss:$0x1], $0xffff  }
0x33d: {  	v60 =	vmul.f32 v37, v11;
	v37 =	vld.idx.msk [tilespmem:v10+s7+$0x1360 ss:$0x1], $0xffff;
	v55 =	vmul.f32 v55, v12;
	v39 =	vadd.f32 v54, v61  }
0x33e: {  	v54 =	vld.idx.msk [tilespmem:v10+s7+$0x3350 ss:$0x1], $0xffff;
	v33 =	vmul.f32 v33, v22;
	v51 =	vmul.f32 v62, v11  }
0x33f: {  	v61 =	vmul.f32 v41, v12;
	v41 =	vld.idx.msk [tilespmem:v10+s7+$0x73D0 ss:$0x1], $0xffff;
	v62 =	vmul.f32 v30, v14;
	v30 =	vadd.f32 v39, v2  }
0x340: {  	v45 =	vmul.f32 v45, v23;
	v39 =	vld.idx.msk [tilespmem:v10+s7+$0x2360 ss:$0x1], $0xffff;
	v28 =	vadd.f32 v33, v28;
	v51 =	vadd.f32 v63, v51  }
0x341: {  	v33 =	vld.idx.msk [tilespmem:v10+s7+$0x73E0 ss:$0x1], $0xffff;
	v63 =	vmul.f32 v40, v15;
	v9 =	vadd.f32 v62, v9;
	v62 =	vmul.f32 v53, v24  }
0x342: {  	v40 =	vld.idx.msk [tilespmem:v10+s7+$0x63D0 ss:$0x1], $0xffff;
	v53 =	vmul.f32 v57, v11;
	v57 =	vmul.f32 v52, v15;
	v1 =	vadd.f32 v1, v51  }
0x343: {  	v52 =	vld.idx.msk [tilespmem:v10+s7+$0x3F0 ss:$0x1], $0xffff;
	v51 =	vmul.f32 v43, v16;
	v43 =	vmul.f32 v50, v19  }
0x344: {  	v1 =	vadd.f32 v5, v1;
	v5 =	vadd.f32 v61, v60;
	v60 =	vmul.f32 v47, v22;
	v47 =	vld.idx.msk [tilespmem:v10+s7+$0x33E0 ss:$0x1], $0xffff  }
0x345: {  	v6 =	vmul.f32 v6, v26;
	v8 =	vmul.f32 v8, v13;
	v42 =	vadd.f32 v42, v43;
	v43 =	vld.idx.msk [tilespmem:v10+s7+$0x7360 ss:$0x1], $0xffff  }
0x346: {  	v28 =	vadd.f32 v28, v32;
	v31 =	vadd.f32 v4, v1;
	v1 =	vmul.f32 v46, v17;
	v46 =	vld.idx.msk [tilespmem:v10+s7+$0x13E0 ss:$0x1], $0xffff  }
0x347: {  	v3 =	vadd.f32 v3, v57;
	v61 =	vmul.f32 v49, v23;
	v4 =	vmul.f32 v48, v18;
	v48 =	vld.idx.msk [tilespmem:v10+s7+$0x4360 ss:$0x1], $0xffff  }
0x348: {  	v2 =	vadd.f32 v51, v63;
	v63 =	vmul.f32 v56, v25;
	v50 =	vadd.f32 v60, v59;
	v59 =	vld.idx.msk [tilespmem:v10+s7+$0x5360 ss:$0x1], $0xffff  }
0x349: {  	v41 =	vmul.f32 v41, v26;
	v56 =	vmul.f32 v54, v14;
	v60 =	vadd.f32 v38, v36;
	v38 =	vld.idx.msk [tilespmem:v10+s7+$0x370 ss:$0x1], $0xffff  }
0x34a: {  	v40 =	vmul.f32 v40, v25;
	v51 =	vadd.f32 v62, v61;
	v6 =	vadd.f32 v6, v63;
	v36 =	vld.idx.msk [tilespmem:v10+s7+$0x3370 ss:$0x1], $0xffff  }
0x34b: {  	v33 =	vmul.f32 v33, v26;
	v5 =	vadd.f32 v9, v5;
	v8 =	vadd.f32 v56, v8;
	v56 =	vld.idx.msk [tilespmem:v10+s7+$0x23F0 ss:$0x1], $0xffff  }
0x34c: {  	v63 =	vmul.f32 v37, v12;
	v61 =	vadd.f32 v41, v40;
	v1 =	vadd.f32 v4, v1;
	v4 =	vld.idx.msk [tilespmem:v10+s7+$0x3360 ss:$0x1], $0xffff  }
0x34d: {  	v37 =	vmul.f32 v52, v15;
	v9 =	vadd.f32 v50, v42;
	v6 =	vadd.f32 v6, v51;
	v50 =	vld.idx.msk [tilespmem:v10+s7+$0x6360 ss:$0x1], $0xffff  }
0x34e: {  	v42 =	vadd.f32 v55, v53;
	v51 =	vmul.f32 v39, v13;
	v53 =	vmul.f32 v44, v15;
	v55 =	vld.idx.msk [tilespmem:v10+s7+$0x13F0 ss:$0x1], $0xffff  }
0x34f: {  	v62 =	vadd.f32 v61, v60;
	v43 =	vmul.f32 v43, v22;
	v61 =	vld.idx.msk [tilespmem:v10+s7+$0x4370 ss:$0x1], $0xffff;
	v1 =	vadd.f32 v1, v2  }
0x350: {  	v2 =	vld.idx.msk [tilespmem:v10+s7+$0x23E0 ss:$0x1], $0xffff;
	v6 =	vadd.f32 v6, v9;
	v9 =	vmul.f32 v58, v18;
	v54 =	vmul.f32 v46, v16  }
0x351: {  	v8 =	vadd.f32 v8, v42;
	v57 =	vmul.f32 v48, v19;
	v58 =	vmul.f32 v59, v20;
	v59 =	vld.idx.msk [tilespmem:v10+s7+$0x33F0 ss:$0x1], $0xffff  }
0x352: {  	v48 =	vmul.f32 v34, v13;
	v1 =	vadd.f32 v1, v5;
	v5 =	vld.idx.msk [tilespmem:v10+s7+$0x53E0 ss:$0x1], $0xffff;
	v7 =	vadd.f32 v9, v7  }
0x353: {  	v28 =	vadd.f32 v62, v28;
	v49 =	vmul.f32 v36, v14;
	v9 =	vld.idx.msk [tilespmem:v10+s7+$0x63E0 ss:$0x1], $0xffff;
	v4 =	vmul.f32 v4, v14  }
0x354: {  	v62 =	vld.idx.msk [tilespmem:v10+s7+$0x5370 ss:$0x1], $0xffff;
	v60 =	vmul.f32 v50, v21;
	v42 =	vadd.f32 v58, v57;
	v3 =	vadd.f32 v7, v3  }
0x355: {  	v46 =	vld.idx.msk [tilespmem:v10+s7+$0x43F0 ss:$0x1], $0xffff;
	v40 =	vmul.f32 v55, v16;
	v1 =	vadd.f32 v6, v1;
	v6 =	vadd.f32 v54, v53  }
0x356: {  	v50 =	vld.idx.msk [tilespmem:v10+s7+$0x63F0 ss:$0x1], $0xffff;
	v2 =	vmul.f32 v2, v17;
	v4 =	vadd.f32 v4, v51;
	v43 =	vadd.f32 v43, v60  }
0x357: {  	v7 =	vld.idx.msk [tilespmem:v10+s7+$0x1370 ss:$0x1], $0xffff;
	v3 =	vadd.f32 v3, v8;
	v8 =	vmul.f32 v35, v11;
	v35 =	vmul.f32 v59, v18  }
0x358: {  	v51 =	vld.idx.msk [tilespmem:v10+s7+$0x73F0 ss:$0x1], $0xffff;
	v37 =	vadd.f32 v40, v37;
	v5 =	vmul.f32 v5, v24;
	v9 =	vmul.f32 v9, v25  }
0x359: {  	v3 =	vadd.f32 v28, v3;
	v28 =	vmul.f32 v47, v18;
	v8 =	vadd.f32 v63, v8;
	v63 =	vld.idx.msk [tilespmem:v10+s7+$0x7370 ss:$0x1], $0xffff  }
0x35a: {  	v52 =	vmul.f32 v62, v20;
	v42 =	vadd.f32 v43, v42;
	v47 =	vld.idx.msk [tilespmem:v10+s7+$0x53F0 ss:$0x1], $0xffff;
	v5 =	vadd.f32 v5, v45  }
0x35b: {  	v54 =	vmul.f32 v50, v25;
	v9 =	vadd.f32 v33, v9;
	v2 =	vadd.f32 v28, v2;
	v28 =	vld.idx.msk [tilespmem:v10+s7+$0x6370 ss:$0x1], $0xffff  }
0x35c: {  	v7 =	vmul.f32 v7, v12;
	v4 =	vadd.f32 v4, v8;
	v8 =	vmul.f32 v38, v11  }
0x35d: {  	v33 =	vmul.f32 v46, v23;
	v55 =	vmul.f32 v51, v26;
	v5 =	vadd.f32 v9, v5  }
0x35e: {  	v9 =	vmul.f32 v56, v17;
	v2 =	vadd.f32 v2, v6;
	v7 =	vadd.f32 v7, v8  }
0x35f: {  	v8 =	vmul.f32 v61, v19;
	v6 =	vadd.f32 v49, v48;
	v53 =	vmul.f32 v63, v22  }
0x360: {  	v57 =	vadd.f32 v55, v54;
	v38 =	vmul.f32 v47, v24;
	v28 =	vmul.f32 v28, v21  }
0x361: {  	v9 =	vadd.f32 v35, v9;
	v8 =	vadd.f32 v52, v8  }
0x362: {  	v56 =	vadd.f32 v38, v33;
	v28 =	vadd.f32 v53, v28  }
0x363: {  	[tilespmem:v27+s7+$0x0 ss:$0x1] =	vst.idx.msk $0xffff, v0;
	v58 =	vadd.f32 v6, v7;
	v59 =	vadd.f32 v9, v37  }
0x364: {  	[tilespmem:v27+s7+$0x10 ss:$0x1] =	vst.idx.msk $0xffff, v29;
	v60 =	vadd.f32 v28, v8;
	v8 =	vadd.f32 v57, v56  }
0x365: {  	p1 =	por p0, p0;
	[tilespmem:v27+s7+$0x20 ss:$0x1] =	vst.idx.msk $0xffff, v30;
	v61 =	vadd.f32 v5, v42;
	v2 =	vadd.f32 v2, v4  }
.Ltmp4:
0x366: {  	[tilespmem:v27+s7+$0x30 ss:$0x1] =	vst.idx.msk $0xffff, v31;
	v0 =	vadd.f32 v59, v58;
	v62 =	vadd.f32 v8, v60;
	(pc) =	sbr.rel @p1 .LBB2_13-.Ltmp4, $4  }
0x367: {  	[tilespmem:v27+s7+$0x40 ss:$0x1] =	vst.idx.msk $0xffff, v1;
	v63 =	vadd.f32 v61, v2  }
0x368: {  	[tilespmem:v27+s7+$0x50 ss:$0x1] =	vst.idx.msk $0xffff, v3;
	v0 =	vadd.f32 v62, v0  }
0x369: {  	[tilespmem:v27+s7+$0x60 ss:$0x1] =	vst.idx.msk $0xffff, v63  }
0x36a: {  	p0 =	por $0x0, $0x0;
	[tilespmem:v27+s7+$0x70 ss:$0x1] =	vst.idx.msk $0xffff, v0;
	s7 =	simm.s32 $0x400  }
0x36b: {  	s18 =	rddreg [dreg:$0x1d]  }
0x36c: {  	s19 =	rddreg [dreg:$0x1e];
	s7 =	smul.f32 s1, s18  }
0x36d: {  	s9 =	smul.f32 s1, s19  }
0x36e: {  	s10 =	smul.f32 s0, s18  }
0x36f: {  	s21 =	rddreg [dreg:$0x1f];
	s11 =	smul.f32 s0, s19  }
0x370: {  	s12 =	smul.f32 s1, s21  }
0x371: {  	s14 =	smul.f32 s0, s21  }
0x372: {  	s16 =	smul.f32 s2, s18  }
0x373: {  	s17 =	smul.f32 s2, s19  }
0x374: {  	s18 =	smul.f32 s3, s18  }
0x375: {  	s22 =	sld [smem:$0x7FC];
	s19 =	smul.f32 s3, s19  }
0x376: {  	s20 =	smul.f32 s2, s21  }
0x377: {  	s23 =	smul.f32 s3, s21  }
0x378: {  	s24 =	sadd.s32 $0x4, s5;
	s13 =	smul.f32 s1, s22;
	v11 =	vmov s7;
	v12 =	vmov s9  }
0x379: {  	s15 =	smul.f32 s0, s22;
	v13 =	vmov s10;
	v14 =	vmov s11;
	v15 =	vmov s12;
	s12 =	sshll.u32 s24, $0x8;
	s7 =	sshll.u32 s24, $0x7  }
0x37a: {  	s26 =	smul.f32 s2, s22;
	v17 =	vmov s14;
	v19 =	vmov s16;
	v20 =	vmov s17;
	s10 =	sand.u32 $0x7800, s12;
	s7 =	sand.u32 $0x380, s7  }
0x37b: {  	s24 =	smul.f32 s3, s22;
	v21 =	vmov s18;
	v22 =	vmov s19;
	v23 =	vmov s20;
	s7 =	sor.u32 s7, s10  }
0x37c: {  	v25 =	vmov s23;
	v16 =	vmov s13;
	v24 =	vmov s26;
	s26 =	sadd.s32 $0x10200, s7  }
0x37d: {  	p0 =	por $0x1, $0x1;
	v18 =	vmov s15;
	v26 =	vmov s24;
	s7 =	simm.s32 $0x0;
	v27 =	vmov s26  }
.LBB2_15:
0x37e: {  	v0 =	vld.idx.msk [tilespmem:v10+s7+$0x800 ss:$0x1], $0xffff  }
0x37f: {  	v1 =	vld.idx.msk [tilespmem:v10+s7+$0x1800 ss:$0x1], $0xffff  }
0x380: {  	v2 =	vld.idx.msk [tilespmem:v10+s7+$0x2800 ss:$0x1], $0xffff  }
0x381: {  	v3 =	vld.idx.msk [tilespmem:v10+s7+$0x3800 ss:$0x1], $0xffff  }
0x382: {  	v4 =	vld.idx.msk [tilespmem:v10+s7+$0x880 ss:$0x1], $0xffff  }
0x383: {  	v5 =	vld.idx.msk [tilespmem:v10+s7+$0x1880 ss:$0x1], $0xffff  }
0x384: {  	v6 =	vld.idx.msk [tilespmem:v10+s7+$0x2880 ss:$0x1], $0xffff  }
0x385: {  	v7 =	vld.idx.msk [tilespmem:v10+s7+$0x3880 ss:$0x1], $0xffff  }
0x386: {  	v8 =	vld.idx.msk [tilespmem:v10+s7+$0x4800 ss:$0x1], $0xffff  }
0x387: {  	v9 =	vld.idx.msk [tilespmem:v10+s7+$0x5800 ss:$0x1], $0xffff  }
0x388: {  	v28 =	vld.idx.msk [tilespmem:v10+s7+$0x6800 ss:$0x1], $0xffff  }
0x389: {  	v29 =	vld.idx.msk [tilespmem:v10+s7+$0x7800 ss:$0x1], $0xffff  }
0x38a: {  	v30 =	vld.idx.msk [tilespmem:v10+s7+$0x4880 ss:$0x1], $0xffff  }
0x38b: {  	v31 =	vld.idx.msk [tilespmem:v10+s7+$0x5880 ss:$0x1], $0xffff  }
0x38c: {  	v32 =	vld.idx.msk [tilespmem:v10+s7+$0x6880 ss:$0x1], $0xffff  }
0x38d: {  	v33 =	vld.idx.msk [tilespmem:v10+s7+$0x7880 ss:$0x1], $0xffff  }
0x38e: {  	v34 =	vld.idx.msk [tilespmem:v10+s7+$0x810 ss:$0x1], $0xffff  }
0x38f: {  	v35 =	vld.idx.msk [tilespmem:v10+s7+$0x1810 ss:$0x1], $0xffff  }
0x390: {  	v36 =	vld.idx.msk [tilespmem:v10+s7+$0x2810 ss:$0x1], $0xffff  }
0x391: {  	v37 =	vld.idx.msk [tilespmem:v10+s7+$0x3810 ss:$0x1], $0xffff  }
0x392: {  	v38 =	vld.idx.msk [tilespmem:v10+s7+$0x890 ss:$0x1], $0xffff  }
0x393: {  	v39 =	vld.idx.msk [tilespmem:v10+s7+$0x1890 ss:$0x1], $0xffff  }
0x394: {  	v40 =	vld.idx.msk [tilespmem:v10+s7+$0x2890 ss:$0x1], $0xffff  }
0x395: {  	v41 =	vld.idx.msk [tilespmem:v10+s7+$0x3890 ss:$0x1], $0xffff  }
0x396: {  	v42 =	vld.idx.msk [tilespmem:v10+s7+$0x4810 ss:$0x1], $0xffff  }
0x397: {  	v43 =	vld.idx.msk [tilespmem:v10+s7+$0x5810 ss:$0x1], $0xffff  }
0x398: {  	v44 =	vld.idx.msk [tilespmem:v10+s7+$0x6810 ss:$0x1], $0xffff  }
0x399: {  	v45 =	vld.idx.msk [tilespmem:v10+s7+$0x7810 ss:$0x1], $0xffff  }
0x39a: {  	v46 =	vld.idx.msk [tilespmem:v10+s7+$0x4890 ss:$0x1], $0xffff  }
0x39b: {  	v47 =	vld.idx.msk [tilespmem:v10+s7+$0x5890 ss:$0x1], $0xffff  }
0x39c: {  	v48 =	vld.idx.msk [tilespmem:v10+s7+$0x6890 ss:$0x1], $0xffff  }
0x39d: {  	v49 =	vld.idx.msk [tilespmem:v10+s7+$0x7890 ss:$0x1], $0xffff  }
0x39e: {  	v50 =	vld.idx.msk [tilespmem:v10+s7+$0x820 ss:$0x1], $0xffff  }
0x39f: {  	v51 =	vld.idx.msk [tilespmem:v10+s7+$0x1820 ss:$0x1], $0xffff  }
0x3a0: {  	v52 =	vld.idx.msk [tilespmem:v10+s7+$0x2820 ss:$0x1], $0xffff  }
0x3a1: {  	v53 =	vld.idx.msk [tilespmem:v10+s7+$0x3820 ss:$0x1], $0xffff  }
0x3a2: {  	v54 =	vld.idx.msk [tilespmem:v10+s7+$0x8A0 ss:$0x1], $0xffff  }
0x3a3: {  	v55 =	vld.idx.msk [tilespmem:v10+s7+$0x18A0 ss:$0x1], $0xffff  }
0x3a4: {  	v56 =	vld.idx.msk [tilespmem:v10+s7+$0x28A0 ss:$0x1], $0xffff  }
0x3a5: {  	v57 =	vld.idx.msk [tilespmem:v10+s7+$0x38A0 ss:$0x1], $0xffff  }
0x3a6: {  	v58 =	vld.idx.msk [tilespmem:v10+s7+$0x4820 ss:$0x1], $0xffff  }
0x3a7: {  	v62 =	vld.idx.msk [tilespmem:v10+s7+$0x48A0 ss:$0x1], $0xffff  }
0x3a8: {  	v63 =	vld.idx.msk [tilespmem:v10+s7+$0x830 ss:$0x1], $0xffff  }
0x3a9: {  	v59 =	vld.idx.msk [tilespmem:v10+s7+$0x5820 ss:$0x1], $0xffff  }
0x3aa: {  	v60 =	vld.idx.msk [tilespmem:v10+s7+$0x6820 ss:$0x1], $0xffff;
	v0 =	vmul.f32 v0, v11  }
0x3ab: {  	v61 =	vld.idx.msk [tilespmem:v10+s7+$0x7820 ss:$0x1], $0xffff;
	v1 =	vmul.f32 v1, v12;
	v2 =	vmul.f32 v2, v13  }
0x3ac: {  	[tilespmem:$0x1FE30] =	vst v62;
	v62 =	vld.idx.msk [tilespmem:v10+s7+$0x58A0 ss:$0x1], $0xffff;
	v3 =	vmul.f32 v3, v14;
	v4 =	vmul.f32 v4, v15  }
0x3ad: {  	v5 =	vmul.f32 v5, v16;
	[tilespmem:$0x1FE60] =	vst v63;
	v6 =	vmul.f32 v6, v17;
	v63 =	vld.idx.msk [tilespmem:v10+s7+$0x1830 ss:$0x1], $0xffff  }
0x3ae: {  	v7 =	vmul.f32 v7, v18;
	v8 =	vmul.f32 v8, v19;
	v0 =	vadd.f32 v1, v0;
	v1 =	vld.idx.msk [tilespmem:v10+s7+$0x2830 ss:$0x1], $0xffff  }
0x3af: {  	v9 =	vmul.f32 v9, v20;
	v28 =	vmul.f32 v28, v21;
	v2 =	vadd.f32 v3, v2;
	v3 =	vld.idx.msk [tilespmem:v10+s7+$0x3830 ss:$0x1], $0xffff  }
0x3b0: {  	v29 =	vmul.f32 v29, v22;
	v30 =	vmul.f32 v30, v23;
	v4 =	vadd.f32 v5, v4;
	v5 =	vld.idx.msk [tilespmem:v10+s7+$0x8B0 ss:$0x1], $0xffff  }
0x3b1: {  	v31 =	vmul.f32 v31, v24;
	v32 =	vmul.f32 v32, v25;
	v6 =	vadd.f32 v7, v6;
	v7 =	vld.idx.msk [tilespmem:v10+s7+$0x18B0 ss:$0x1], $0xffff  }
0x3b2: {  	v33 =	vmul.f32 v33, v26;
	v8 =	vadd.f32 v9, v8;
	v9 =	vadd.f32 v29, v28;
	v28 =	vld.idx.msk [tilespmem:v10+s7+$0x28B0 ss:$0x1], $0xffff  }
0x3b3: {  	v29 =	vadd.f32 v31, v30;
	v31 =	vld.idx.msk [tilespmem:v10+s7+$0x38B0 ss:$0x1], $0xffff  }
0x3b4: {  	v30 =	vadd.f32 v33, v32;
	v32 =	vld.idx.msk [tilespmem:v10+s7+$0x5830 ss:$0x1], $0xffff  }
0x3b5: {  	v33 =	vmul.f32 v37, v14;
	v0 =	vadd.f32 v2, v0;
	v2 =	vadd.f32 v6, v4;
	v4 =	vld.idx.msk [tilespmem:v10+s7+$0x4830 ss:$0x1], $0xffff  }
0x3b6: {  	v37 =	vmul.f32 v41, v18;
	v6 =	vadd.f32 v9, v8;
	v8 =	vmul.f32 v34, v11;
	v34 =	vld.idx.msk [tilespmem:v10+s7+$0x6830 ss:$0x1], $0xffff  }
0x3b7: {  	v9 =	vmul.f32 v35, v12;
	v29 =	vadd.f32 v30, v29;
	v30 =	vmul.f32 v36, v13;
	v36 =	vld.idx.msk [tilespmem:v10+s7+$0x7830 ss:$0x1], $0xffff  }
0x3b8: {  	v35 =	vmul.f32 v39, v16;
	v39 =	vmul.f32 v42, v19;
	[tilespmem:$0x1FE40] =	vst v62;
	v62 =	vld.idx.msk [tilespmem:v10+s7+$0x68A0 ss:$0x1], $0xffff  }
0x3b9: {  	v42 =	vmul.f32 v45, v22;
	v0 =	vadd.f32 v2, v0;
	v2 =	vmul.f32 v38, v15;
	v38 =	vld.idx.msk [tilespmem:v10+s7+$0x48B0 ss:$0x1], $0xffff  }
0x3ba: {  	v45 =	vmul.f32 v48, v25;
	v48 =	vmul.f32 v49, v26;
	v8 =	vadd.f32 v9, v8;
	v9 =	vld.idx.msk [tilespmem:v10+s7+$0x58B0 ss:$0x1], $0xffff  }
0x3bb: {  	v6 =	vadd.f32 v29, v6;
	v29 =	vmul.f32 v40, v17;
	v30 =	vadd.f32 v33, v30;
	v33 =	vld.idx.msk [tilespmem:v10+s7+$0x68B0 ss:$0x1], $0xffff  }
0x3bc: {  	v40 =	vmul.f32 v43, v20;
	v43 =	vmul.f32 v46, v23;
	v46 =	vld.idx.msk [tilespmem:v10+s7+$0x28C0 ss:$0x1], $0xffff  }
0x3bd: {  	v48 =	vadd.f32 v48, v45;
	v45 =	vmul.f32 v53, v14;
	v53 =	vmul.f32 v60, v21;
	v60 =	vld [tilespmem:$0x1FE30]  }
0x3be: {  	v41 =	vmul.f32 v44, v21;
	v2 =	vadd.f32 v35, v2;
	v35 =	vld.idx.msk [tilespmem:v10+s7+$0x78B0 ss:$0x1], $0xffff  }
0x3bf: {  	v44 =	vmul.f32 v47, v24;
	v29 =	vadd.f32 v37, v29;
	v37 =	vld.idx.msk [tilespmem:v10+s7+$0x840 ss:$0x1], $0xffff  }
0x3c0: {  	v39 =	vadd.f32 v40, v39;
	v40 =	vadd.f32 v42, v41;
	v41 =	vld.idx.msk [tilespmem:v10+s7+$0x1840 ss:$0x1], $0xffff  }
0x3c1: {  	v49 =	vadd.f32 v44, v43;
	v44 =	vld.idx.msk [tilespmem:v10+s7+$0x2840 ss:$0x1], $0xffff  }
0x3c2: {  	v1 =	vmul.f32 v1, v13;
	v3 =	vmul.f32 v3, v14;
	v8 =	vadd.f32 v30, v8;
	v30 =	vld.idx.msk [tilespmem:v10+s7+$0x3840 ss:$0x1], $0xffff  }
0x3c3: {  	v5 =	vmul.f32 v5, v15;
	v7 =	vmul.f32 v7, v16;
	v43 =	vld.idx.msk [tilespmem:v10+s7+$0x18C0 ss:$0x1], $0xffff  }
0x3c4: {  	v0 =	vadd.f32 v6, v0;
	v6 =	vmul.f32 v54, v15;
	v54 =	vmul.f32 v61, v22;
	v61 =	vld [tilespmem:$0x1FE40]  }
0x3c5: {  	v42 =	vmul.f32 v51, v12;
	v51 =	vmul.f32 v58, v19;
	v58 =	vld.idx.msk [tilespmem:v10+s7+$0x38D0 ss:$0x1], $0xffff  }
0x3c6: {  	v1 =	vadd.f32 v3, v1;
	v3 =	vld.idx.msk [tilespmem:v10+s7+$0x18D0 ss:$0x1], $0xffff  }
0x3c7: {  	v5 =	vadd.f32 v7, v5;
	v7 =	vld.idx.msk [tilespmem:v10+s7+$0x28D0 ss:$0x1], $0xffff  }
0x3c8: {  	v47 =	vmul.f32 v55, v16;
	[tilespmem:$0x1FE50] =	vst v62;
	v62 =	vld.idx.msk [tilespmem:v10+s7+$0x78A0 ss:$0x1], $0xffff  }
0x3c9: {  	v28 =	vmul.f32 v28, v17;
	v2 =	vadd.f32 v29, v2;
	v29 =	vadd.f32 v40, v39;
	v40 =	vld.idx.msk [tilespmem:v10+s7+$0x8C0 ss:$0x1], $0xffff  }
0x3ca: {  	v31 =	vmul.f32 v31, v18;
	v32 =	vmul.f32 v32, v20;
	v49 =	vadd.f32 v48, v49;
	v48 =	vld.idx.msk [tilespmem:v10+s7+$0x38C0 ss:$0x1], $0xffff  }
0x3cb: {  	v4 =	vmul.f32 v4, v19;
	v34 =	vmul.f32 v34, v21;
	v6 =	vadd.f32 v47, v6;
	v47 =	vld.idx.msk [tilespmem:v10+s7+$0x7840 ss:$0x1], $0xffff  }
0x3cc: {  	v36 =	vmul.f32 v36, v22;
	v55 =	vmul.f32 v60, v23;
	v60 =	vld [tilespmem:$0x1FE50]  }
0x3cd: {  	v28 =	vadd.f32 v31, v28;
	v4 =	vadd.f32 v32, v4;
	v32 =	vld.idx.msk [tilespmem:v10+s7+$0x4850 ss:$0x1], $0xffff  }
0x3ce: {  	v39 =	vmul.f32 v52, v13;
	v52 =	vmul.f32 v59, v20;
	v59 =	vadd.f32 v36, v34;
	v34 =	vld.idx.msk [tilespmem:v10+s7+$0x5850 ss:$0x1], $0xffff  }
0x3cf: {  	v5 =	vadd.f32 v28, v5;
	v28 =	vld.idx.msk [tilespmem:v10+s7+$0x6850 ss:$0x1], $0xffff  }
0x3d0: {  	v36 =	vld.idx.msk [tilespmem:v10+s7+$0x48D0 ss:$0x1], $0xffff  }
0x3d1: {  	v2 =	vadd.f32 v2, v8;
	v8 =	vmul.f32 v50, v11;
	v50 =	vld.idx.msk [tilespmem:v10+s7+$0x4840 ss:$0x1], $0xffff  }
0x3d2: {  	v38 =	vmul.f32 v38, v23;
	v9 =	vmul.f32 v9, v24;
	v39 =	vadd.f32 v45, v39;
	v45 =	vld.idx.msk [tilespmem:v10+s7+$0x6840 ss:$0x1], $0xffff  }
0x3d3: {  	v33 =	vmul.f32 v33, v25;
	v29 =	vadd.f32 v49, v29;
	v51 =	vadd.f32 v52, v51;
	v52 =	vld.idx.msk [tilespmem:v10+s7+$0x8D0 ss:$0x1], $0xffff  }
0x3d4: {  	v49 =	vmul.f32 v57, v18;
	v35 =	vmul.f32 v35, v26;
	v9 =	vadd.f32 v9, v38;
	v38 =	vld.idx.msk [tilespmem:v10+s7+$0x58D0 ss:$0x1], $0xffff  }
0x3d5: {  	v29 =	vadd.f32 v29, v2;
	v2 =	vmul.f32 v56, v17;
	v8 =	vadd.f32 v42, v8;
	v42 =	vld.idx.msk [tilespmem:v10+s7+$0x5840 ss:$0x1], $0xffff  }
0x3d6: {  	v56 =	vmul.f32 v61, v24;
	v61 =	vmul.f32 v62, v26;
	v62 =	vadd.f32 v54, v53;
	v53 =	vld.idx.msk [tilespmem:v10+s7+$0x58C0 ss:$0x1], $0xffff  }
0x3d7: {  	v33 =	vadd.f32 v35, v33;
	v35 =	vld.idx.msk [tilespmem:v10+s7+$0x860 ss:$0x1], $0xffff  }
0x3d8: {  	v2 =	vadd.f32 v49, v2;
	v49 =	vld.idx.msk [tilespmem:v10+s7+$0x48C0 ss:$0x1], $0xffff  }
0x3d9: {  	v54 =	vadd.f32 v56, v55;
	v56 =	vld.idx.msk [tilespmem:v10+s7+$0x68C0 ss:$0x1], $0xffff  }
0x3da: {  	v55 =	vld.idx.msk [tilespmem:v10+s7+$0x1850 ss:$0x1], $0xffff  }
0x3db: {  	v9 =	vadd.f32 v33, v9;
	v33 =	vld.idx.msk [tilespmem:v10+s7+$0x7850 ss:$0x1], $0xffff  }
0x3dc: {  	v4 =	vadd.f32 v59, v4;
	v57 =	vmul.f32 v60, v25;
	v59 =	vmul.f32 v45, v21;
	v45 =	vld.idx.msk [tilespmem:v10+s7+$0x48E0 ss:$0x1], $0xffff  }
0x3dd: {  	v63 =	vmul.f32 v63, v12;
	v32 =	vmul.f32 v32, v19;
	v2 =	vadd.f32 v2, v6;
	v6 =	vld.idx.msk [tilespmem:v10+s7+$0x78C0 ss:$0x1], $0xffff  }
0x3de: {  	v34 =	vmul.f32 v34, v20;
	v60 =	vadd.f32 v61, v57;
	v61 =	vadd.f32 v62, v51;
	v62 =	vld [tilespmem:$0x1FE60]  }
0x3df: {  	v3 =	vmul.f32 v3, v16;
	v7 =	vmul.f32 v7, v17;
	v8 =	vadd.f32 v39, v8;
	v57 =	vld.idx.msk [tilespmem:v10+s7+$0x850 ss:$0x1], $0xffff  }
0x3e0: {  	v28 =	vmul.f32 v28, v21;
	v36 =	vmul.f32 v36, v23;
	v32 =	vadd.f32 v34, v32;
	v34 =	vld.idx.msk [tilespmem:v10+s7+$0x2870 ss:$0x1], $0xffff  }
0x3e1: {  	v4 =	vadd.f32 v9, v4;
	v9 =	vmul.f32 v44, v13;
	v44 =	vld.idx.msk [tilespmem:v10+s7+$0x8E0 ss:$0x1], $0xffff;
	v54 =	vadd.f32 v60, v54  }
0x3e2: {  	v38 =	vmul.f32 v38, v24;
	v42 =	vmul.f32 v42, v20;
	v2 =	vadd.f32 v2, v8;
	v8 =	vld.idx.msk [tilespmem:v10+s7+$0x2850 ss:$0x1], $0xffff  }
0x3e3: {  	v60 =	vmul.f32 v37, v11;
	v37 =	vld.idx.msk [tilespmem:v10+s7+$0x1860 ss:$0x1], $0xffff;
	v55 =	vmul.f32 v55, v12;
	v39 =	vadd.f32 v54, v61  }
0x3e4: {  	v54 =	vld.idx.msk [tilespmem:v10+s7+$0x3850 ss:$0x1], $0xffff;
	v33 =	vmul.f32 v33, v22;
	v51 =	vmul.f32 v62, v11  }
0x3e5: {  	v61 =	vmul.f32 v41, v12;
	v41 =	vld.idx.msk [tilespmem:v10+s7+$0x78D0 ss:$0x1], $0xffff;
	v62 =	vmul.f32 v30, v14;
	v30 =	vadd.f32 v39, v2  }
0x3e6: {  	v45 =	vmul.f32 v45, v23;
	v39 =	vld.idx.msk [tilespmem:v10+s7+$0x2860 ss:$0x1], $0xffff;
	v28 =	vadd.f32 v33, v28;
	v51 =	vadd.f32 v63, v51  }
0x3e7: {  	v33 =	vld.idx.msk [tilespmem:v10+s7+$0x78E0 ss:$0x1], $0xffff;
	v63 =	vmul.f32 v40, v15;
	v9 =	vadd.f32 v62, v9;
	v62 =	vmul.f32 v53, v24  }
0x3e8: {  	v40 =	vld.idx.msk [tilespmem:v10+s7+$0x68D0 ss:$0x1], $0xffff;
	v53 =	vmul.f32 v57, v11;
	v57 =	vmul.f32 v52, v15;
	v1 =	vadd.f32 v1, v51  }
0x3e9: {  	v52 =	vld.idx.msk [tilespmem:v10+s7+$0x8F0 ss:$0x1], $0xffff;
	v51 =	vmul.f32 v43, v16;
	v43 =	vmul.f32 v50, v19  }
0x3ea: {  	v1 =	vadd.f32 v5, v1;
	v5 =	vadd.f32 v61, v60;
	v60 =	vmul.f32 v47, v22;
	v47 =	vld.idx.msk [tilespmem:v10+s7+$0x38E0 ss:$0x1], $0xffff  }
0x3eb: {  	v6 =	vmul.f32 v6, v26;
	v8 =	vmul.f32 v8, v13;
	v42 =	vadd.f32 v42, v43;
	v43 =	vld.idx.msk [tilespmem:v10+s7+$0x7860 ss:$0x1], $0xffff  }
0x3ec: {  	v28 =	vadd.f32 v28, v32;
	v31 =	vadd.f32 v4, v1;
	v1 =	vmul.f32 v46, v17;
	v46 =	vld.idx.msk [tilespmem:v10+s7+$0x18E0 ss:$0x1], $0xffff  }
0x3ed: {  	v3 =	vadd.f32 v3, v57;
	v61 =	vmul.f32 v49, v23;
	v4 =	vmul.f32 v48, v18;
	v48 =	vld.idx.msk [tilespmem:v10+s7+$0x4860 ss:$0x1], $0xffff  }
0x3ee: {  	v2 =	vadd.f32 v51, v63;
	v63 =	vmul.f32 v56, v25;
	v50 =	vadd.f32 v60, v59;
	v59 =	vld.idx.msk [tilespmem:v10+s7+$0x5860 ss:$0x1], $0xffff  }
0x3ef: {  	v41 =	vmul.f32 v41, v26;
	v56 =	vmul.f32 v54, v14;
	v60 =	vadd.f32 v38, v36;
	v38 =	vld.idx.msk [tilespmem:v10+s7+$0x870 ss:$0x1], $0xffff  }
0x3f0: {  	v40 =	vmul.f32 v40, v25;
	v51 =	vadd.f32 v62, v61;
	v6 =	vadd.f32 v6, v63;
	v36 =	vld.idx.msk [tilespmem:v10+s7+$0x3870 ss:$0x1], $0xffff  }
0x3f1: {  	v33 =	vmul.f32 v33, v26;
	v5 =	vadd.f32 v9, v5;
	v8 =	vadd.f32 v56, v8;
	v56 =	vld.idx.msk [tilespmem:v10+s7+$0x28F0 ss:$0x1], $0xffff  }
0x3f2: {  	v63 =	vmul.f32 v37, v12;
	v61 =	vadd.f32 v41, v40;
	v1 =	vadd.f32 v4, v1;
	v4 =	vld.idx.msk [tilespmem:v10+s7+$0x3860 ss:$0x1], $0xffff  }
0x3f3: {  	v37 =	vmul.f32 v52, v15;
	v9 =	vadd.f32 v50, v42;
	v6 =	vadd.f32 v6, v51;
	v50 =	vld.idx.msk [tilespmem:v10+s7+$0x6860 ss:$0x1], $0xffff  }
0x3f4: {  	v42 =	vadd.f32 v55, v53;
	v51 =	vmul.f32 v39, v13;
	v53 =	vmul.f32 v44, v15;
	v55 =	vld.idx.msk [tilespmem:v10+s7+$0x18F0 ss:$0x1], $0xffff  }
0x3f5: {  	v62 =	vadd.f32 v61, v60;
	v43 =	vmul.f32 v43, v22;
	v61 =	vld.idx.msk [tilespmem:v10+s7+$0x4870 ss:$0x1], $0xffff;
	v1 =	vadd.f32 v1, v2  }
0x3f6: {  	v2 =	vld.idx.msk [tilespmem:v10+s7+$0x28E0 ss:$0x1], $0xffff;
	v6 =	vadd.f32 v6, v9;
	v9 =	vmul.f32 v58, v18;
	v54 =	vmul.f32 v46, v16  }
0x3f7: {  	v8 =	vadd.f32 v8, v42;
	v57 =	vmul.f32 v48, v19;
	v58 =	vmul.f32 v59, v20;
	v59 =	vld.idx.msk [tilespmem:v10+s7+$0x38F0 ss:$0x1], $0xffff  }
0x3f8: {  	v48 =	vmul.f32 v34, v13;
	v1 =	vadd.f32 v1, v5;
	v5 =	vld.idx.msk [tilespmem:v10+s7+$0x58E0 ss:$0x1], $0xffff;
	v7 =	vadd.f32 v9, v7  }
0x3f9: {  	v28 =	vadd.f32 v62, v28;
	v49 =	vmul.f32 v36, v14;
	v9 =	vld.idx.msk [tilespmem:v10+s7+$0x68E0 ss:$0x1], $0xffff;
	v4 =	vmul.f32 v4, v14  }
0x3fa: {  	v62 =	vld.idx.msk [tilespmem:v10+s7+$0x5870 ss:$0x1], $0xffff;
	v60 =	vmul.f32 v50, v21;
	v42 =	vadd.f32 v58, v57;
	v3 =	vadd.f32 v7, v3  }
0x3fb: {  	v46 =	vld.idx.msk [tilespmem:v10+s7+$0x48F0 ss:$0x1], $0xffff;
	v40 =	vmul.f32 v55, v16;
	v1 =	vadd.f32 v6, v1;
	v6 =	vadd.f32 v54, v53  }
0x3fc: {  	v50 =	vld.idx.msk [tilespmem:v10+s7+$0x68F0 ss:$0x1], $0xffff;
	v2 =	vmul.f32 v2, v17;
	v4 =	vadd.f32 v4, v51;
	v43 =	vadd.f32 v43, v60  }
0x3fd: {  	v7 =	vld.idx.msk [tilespmem:v10+s7+$0x1870 ss:$0x1], $0xffff;
	v3 =	vadd.f32 v3, v8;
	v8 =	vmul.f32 v35, v11;
	v35 =	vmul.f32 v59, v18  }
0x3fe: {  	v51 =	vld.idx.msk [tilespmem:v10+s7+$0x78F0 ss:$0x1], $0xffff;
	v37 =	vadd.f32 v40, v37;
	v5 =	vmul.f32 v5, v24;
	v9 =	vmul.f32 v9, v25  }
0x3ff: {  	v3 =	vadd.f32 v28, v3;
	v28 =	vmul.f32 v47, v18;
	v8 =	vadd.f32 v63, v8;
	v63 =	vld.idx.msk [tilespmem:v10+s7+$0x7870 ss:$0x1], $0xffff  }
0x400: {  	v52 =	vmul.f32 v62, v20;
	v42 =	vadd.f32 v43, v42;
	v47 =	vld.idx.msk [tilespmem:v10+s7+$0x58F0 ss:$0x1], $0xffff;
	v5 =	vadd.f32 v5, v45  }
0x401: {  	v54 =	vmul.f32 v50, v25;
	v9 =	vadd.f32 v33, v9;
	v2 =	vadd.f32 v28, v2;
	v28 =	vld.idx.msk [tilespmem:v10+s7+$0x6870 ss:$0x1], $0xffff  }
0x402: {  	v7 =	vmul.f32 v7, v12;
	v4 =	vadd.f32 v4, v8;
	v8 =	vmul.f32 v38, v11  }
0x403: {  	v33 =	vmul.f32 v46, v23;
	v55 =	vmul.f32 v51, v26;
	v5 =	vadd.f32 v9, v5  }
0x404: {  	v9 =	vmul.f32 v56, v17;
	v2 =	vadd.f32 v2, v6;
	v7 =	vadd.f32 v7, v8  }
0x405: {  	v8 =	vmul.f32 v61, v19;
	v6 =	vadd.f32 v49, v48;
	v53 =	vmul.f32 v63, v22  }
0x406: {  	v57 =	vadd.f32 v55, v54;
	v38 =	vmul.f32 v47, v24;
	v28 =	vmul.f32 v28, v21  }
0x407: {  	v9 =	vadd.f32 v35, v9;
	v8 =	vadd.f32 v52, v8  }
0x408: {  	v56 =	vadd.f32 v38, v33;
	v28 =	vadd.f32 v53, v28  }
0x409: {  	[tilespmem:v27+s7+$0x0 ss:$0x1] =	vst.idx.msk $0xffff, v0;
	v58 =	vadd.f32 v6, v7;
	v59 =	vadd.f32 v9, v37  }
0x40a: {  	[tilespmem:v27+s7+$0x10 ss:$0x1] =	vst.idx.msk $0xffff, v29;
	v60 =	vadd.f32 v28, v8;
	v8 =	vadd.f32 v57, v56  }
0x40b: {  	p1 =	por p0, p0;
	[tilespmem:v27+s7+$0x20 ss:$0x1] =	vst.idx.msk $0xffff, v30;
	v61 =	vadd.f32 v5, v42;
	v2 =	vadd.f32 v2, v4  }
.Ltmp5:
0x40c: {  	[tilespmem:v27+s7+$0x30 ss:$0x1] =	vst.idx.msk $0xffff, v31;
	v0 =	vadd.f32 v59, v58;
	v62 =	vadd.f32 v8, v60;
	(pc) =	sbr.rel @p1 .LBB2_15-.Ltmp5, $4  }
0x40d: {  	[tilespmem:v27+s7+$0x40 ss:$0x1] =	vst.idx.msk $0xffff, v1;
	v63 =	vadd.f32 v61, v2  }
0x40e: {  	[tilespmem:v27+s7+$0x50 ss:$0x1] =	vst.idx.msk $0xffff, v3;
	v0 =	vadd.f32 v62, v0  }
0x40f: {  	[tilespmem:v27+s7+$0x60 ss:$0x1] =	vst.idx.msk $0xffff, v63  }
0x410: {  	p0 =	por $0x0, $0x0;
	[tilespmem:v27+s7+$0x70 ss:$0x1] =	vst.idx.msk $0xffff, v0;
	s7 =	simm.s32 $0x400  }
0x411: {  	s9 =	smul.f32 s1, s25  }
0x412: {  	s11 =	smul.f32 s0, s25  }
0x413: {  	s12 =	smul.f32 s1, s4  }
0x414: {  	s13 =	smul.f32 s1, s6  }
0x415: {  	s14 =	smul.f32 s0, s4  }
0x416: {  	s15 =	smul.f32 s0, s6  }
0x417: {  	s17 =	smul.f32 s2, s25  }
0x418: {  	s19 =	smul.f32 s3, s25  }
0x419: {  	s18 =	sld [smem:$0x7FD];
	s20 =	smul.f32 s2, s4  }
0x41a: {  	s21 =	smul.f32 s2, s6  }
0x41b: {  	s23 =	smul.f32 s3, s4  }
0x41c: {  	s7 =	smul.f32 s1, s18  }
0x41d: {  	v12 =	vmov s9;
	s9 =	sadd.s32 $0x5, s5;
	v14 =	vmov s11;
	s10 =	smul.f32 s0, s18  }
0x41e: {  	s24 =	smul.f32 s3, s6;
	v15 =	vmov s12;
	v16 =	vmov s13;
	s22 =	sshll.u32 s9, $0x8;
	v11 =	vmov s7;
	s7 =	sshll.u32 s9, $0x7  }
0x41f: {  	v17 =	vmov s14;
	v18 =	vmov s15;
	s16 =	smul.f32 s2, s18;
	v13 =	vmov s10;
	s10 =	sand.u32 $0x7800, s22;
	s7 =	sand.u32 $0x380, s7  }
0x420: {  	v20 =	vmov s17;
	v22 =	vmov s19;
	v23 =	vmov s20;
	s18 =	smul.f32 s3, s18;
	s7 =	sor.u32 s7, s10  }
0x421: {  	v24 =	vmov s21;
	v25 =	vmov s23;
	v26 =	vmov s24;
	s26 =	sadd.s32 $0x10200, s7  }
0x422: {  	p0 =	por $0x1, $0x1;
	v19 =	vmov s16;
	v21 =	vmov s18;
	s7 =	simm.s32 $0x0;
	v27 =	vmov s26  }
.LBB2_17:
0x423: {  	v0 =	vld.idx.msk [tilespmem:v10+s7+$0x900 ss:$0x1], $0xffff  }
0x424: {  	v1 =	vld.idx.msk [tilespmem:v10+s7+$0x1900 ss:$0x1], $0xffff  }
0x425: {  	v2 =	vld.idx.msk [tilespmem:v10+s7+$0x2900 ss:$0x1], $0xffff  }
0x426: {  	v3 =	vld.idx.msk [tilespmem:v10+s7+$0x3900 ss:$0x1], $0xffff  }
0x427: {  	v4 =	vld.idx.msk [tilespmem:v10+s7+$0x980 ss:$0x1], $0xffff  }
0x428: {  	v5 =	vld.idx.msk [tilespmem:v10+s7+$0x1980 ss:$0x1], $0xffff  }
0x429: {  	v6 =	vld.idx.msk [tilespmem:v10+s7+$0x2980 ss:$0x1], $0xffff  }
0x42a: {  	v7 =	vld.idx.msk [tilespmem:v10+s7+$0x3980 ss:$0x1], $0xffff  }
0x42b: {  	v8 =	vld.idx.msk [tilespmem:v10+s7+$0x4900 ss:$0x1], $0xffff  }
0x42c: {  	v9 =	vld.idx.msk [tilespmem:v10+s7+$0x5900 ss:$0x1], $0xffff  }
0x42d: {  	v28 =	vld.idx.msk [tilespmem:v10+s7+$0x6900 ss:$0x1], $0xffff  }
0x42e: {  	v29 =	vld.idx.msk [tilespmem:v10+s7+$0x7900 ss:$0x1], $0xffff  }
0x42f: {  	v30 =	vld.idx.msk [tilespmem:v10+s7+$0x4980 ss:$0x1], $0xffff  }
0x430: {  	v31 =	vld.idx.msk [tilespmem:v10+s7+$0x5980 ss:$0x1], $0xffff  }
0x431: {  	v32 =	vld.idx.msk [tilespmem:v10+s7+$0x6980 ss:$0x1], $0xffff  }
0x432: {  	v33 =	vld.idx.msk [tilespmem:v10+s7+$0x7980 ss:$0x1], $0xffff  }
0x433: {  	v34 =	vld.idx.msk [tilespmem:v10+s7+$0x910 ss:$0x1], $0xffff  }
0x434: {  	v35 =	vld.idx.msk [tilespmem:v10+s7+$0x1910 ss:$0x1], $0xffff  }
0x435: {  	v36 =	vld.idx.msk [tilespmem:v10+s7+$0x2910 ss:$0x1], $0xffff  }
0x436: {  	v37 =	vld.idx.msk [tilespmem:v10+s7+$0x3910 ss:$0x1], $0xffff  }
0x437: {  	v38 =	vld.idx.msk [tilespmem:v10+s7+$0x990 ss:$0x1], $0xffff  }
0x438: {  	v39 =	vld.idx.msk [tilespmem:v10+s7+$0x1990 ss:$0x1], $0xffff  }
0x439: {  	v40 =	vld.idx.msk [tilespmem:v10+s7+$0x2990 ss:$0x1], $0xffff  }
0x43a: {  	v41 =	vld.idx.msk [tilespmem:v10+s7+$0x3990 ss:$0x1], $0xffff  }
0x43b: {  	v42 =	vld.idx.msk [tilespmem:v10+s7+$0x4910 ss:$0x1], $0xffff  }
0x43c: {  	v43 =	vld.idx.msk [tilespmem:v10+s7+$0x5910 ss:$0x1], $0xffff  }
0x43d: {  	v44 =	vld.idx.msk [tilespmem:v10+s7+$0x6910 ss:$0x1], $0xffff  }
0x43e: {  	v45 =	vld.idx.msk [tilespmem:v10+s7+$0x7910 ss:$0x1], $0xffff  }
0x43f: {  	v46 =	vld.idx.msk [tilespmem:v10+s7+$0x4990 ss:$0x1], $0xffff  }
0x440: {  	v47 =	vld.idx.msk [tilespmem:v10+s7+$0x5990 ss:$0x1], $0xffff  }
0x441: {  	v48 =	vld.idx.msk [tilespmem:v10+s7+$0x6990 ss:$0x1], $0xffff  }
0x442: {  	v49 =	vld.idx.msk [tilespmem:v10+s7+$0x7990 ss:$0x1], $0xffff  }
0x443: {  	v50 =	vld.idx.msk [tilespmem:v10+s7+$0x920 ss:$0x1], $0xffff  }
0x444: {  	v51 =	vld.idx.msk [tilespmem:v10+s7+$0x1920 ss:$0x1], $0xffff  }
0x445: {  	v52 =	vld.idx.msk [tilespmem:v10+s7+$0x2920 ss:$0x1], $0xffff  }
0x446: {  	v53 =	vld.idx.msk [tilespmem:v10+s7+$0x3920 ss:$0x1], $0xffff  }
0x447: {  	v54 =	vld.idx.msk [tilespmem:v10+s7+$0x9A0 ss:$0x1], $0xffff  }
0x448: {  	v55 =	vld.idx.msk [tilespmem:v10+s7+$0x19A0 ss:$0x1], $0xffff  }
0x449: {  	v56 =	vld.idx.msk [tilespmem:v10+s7+$0x29A0 ss:$0x1], $0xffff  }
0x44a: {  	v57 =	vld.idx.msk [tilespmem:v10+s7+$0x39A0 ss:$0x1], $0xffff  }
0x44b: {  	v58 =	vld.idx.msk [tilespmem:v10+s7+$0x4920 ss:$0x1], $0xffff  }
0x44c: {  	v62 =	vld.idx.msk [tilespmem:v10+s7+$0x49A0 ss:$0x1], $0xffff  }
0x44d: {  	v63 =	vld.idx.msk [tilespmem:v10+s7+$0x930 ss:$0x1], $0xffff  }
0x44e: {  	v59 =	vld.idx.msk [tilespmem:v10+s7+$0x5920 ss:$0x1], $0xffff  }
0x44f: {  	v60 =	vld.idx.msk [tilespmem:v10+s7+$0x6920 ss:$0x1], $0xffff;
	v0 =	vmul.f32 v0, v11  }
0x450: {  	v61 =	vld.idx.msk [tilespmem:v10+s7+$0x7920 ss:$0x1], $0xffff;
	v1 =	vmul.f32 v1, v12;
	v2 =	vmul.f32 v2, v13  }
0x451: {  	[tilespmem:$0x1FDF0] =	vst v62;
	v62 =	vld.idx.msk [tilespmem:v10+s7+$0x59A0 ss:$0x1], $0xffff;
	v3 =	vmul.f32 v3, v14;
	v4 =	vmul.f32 v4, v15  }
0x452: {  	v5 =	vmul.f32 v5, v16;
	[tilespmem:$0x1FE20] =	vst v63;
	v6 =	vmul.f32 v6, v17;
	v63 =	vld.idx.msk [tilespmem:v10+s7+$0x1930 ss:$0x1], $0xffff  }
0x453: {  	v7 =	vmul.f32 v7, v18;
	v8 =	vmul.f32 v8, v19;
	v0 =	vadd.f32 v1, v0;
	v1 =	vld.idx.msk [tilespmem:v10+s7+$0x2930 ss:$0x1], $0xffff  }
0x454: {  	v9 =	vmul.f32 v9, v20;
	v28 =	vmul.f32 v28, v21;
	v2 =	vadd.f32 v3, v2;
	v3 =	vld.idx.msk [tilespmem:v10+s7+$0x3930 ss:$0x1], $0xffff  }
0x455: {  	v29 =	vmul.f32 v29, v22;
	v30 =	vmul.f32 v30, v23;
	v4 =	vadd.f32 v5, v4;
	v5 =	vld.idx.msk [tilespmem:v10+s7+$0x9B0 ss:$0x1], $0xffff  }
0x456: {  	v31 =	vmul.f32 v31, v24;
	v32 =	vmul.f32 v32, v25;
	v6 =	vadd.f32 v7, v6;
	v7 =	vld.idx.msk [tilespmem:v10+s7+$0x19B0 ss:$0x1], $0xffff  }
0x457: {  	v33 =	vmul.f32 v33, v26;
	v8 =	vadd.f32 v9, v8;
	v9 =	vadd.f32 v29, v28;
	v28 =	vld.idx.msk [tilespmem:v10+s7+$0x29B0 ss:$0x1], $0xffff  }
0x458: {  	v29 =	vadd.f32 v31, v30;
	v31 =	vld.idx.msk [tilespmem:v10+s7+$0x39B0 ss:$0x1], $0xffff  }
0x459: {  	v30 =	vadd.f32 v33, v32;
	v32 =	vld.idx.msk [tilespmem:v10+s7+$0x5930 ss:$0x1], $0xffff  }
0x45a: {  	v33 =	vmul.f32 v37, v14;
	v0 =	vadd.f32 v2, v0;
	v2 =	vadd.f32 v6, v4;
	v4 =	vld.idx.msk [tilespmem:v10+s7+$0x4930 ss:$0x1], $0xffff  }
0x45b: {  	v37 =	vmul.f32 v41, v18;
	v6 =	vadd.f32 v9, v8;
	v8 =	vmul.f32 v34, v11;
	v34 =	vld.idx.msk [tilespmem:v10+s7+$0x6930 ss:$0x1], $0xffff  }
0x45c: {  	v9 =	vmul.f32 v35, v12;
	v29 =	vadd.f32 v30, v29;
	v30 =	vmul.f32 v36, v13;
	v36 =	vld.idx.msk [tilespmem:v10+s7+$0x7930 ss:$0x1], $0xffff  }
0x45d: {  	v35 =	vmul.f32 v39, v16;
	v39 =	vmul.f32 v42, v19;
	[tilespmem:$0x1FE00] =	vst v62;
	v62 =	vld.idx.msk [tilespmem:v10+s7+$0x69A0 ss:$0x1], $0xffff  }
0x45e: {  	v42 =	vmul.f32 v45, v22;
	v0 =	vadd.f32 v2, v0;
	v2 =	vmul.f32 v38, v15;
	v38 =	vld.idx.msk [tilespmem:v10+s7+$0x49B0 ss:$0x1], $0xffff  }
0x45f: {  	v45 =	vmul.f32 v48, v25;
	v48 =	vmul.f32 v49, v26;
	v8 =	vadd.f32 v9, v8;
	v9 =	vld.idx.msk [tilespmem:v10+s7+$0x59B0 ss:$0x1], $0xffff  }
0x460: {  	v6 =	vadd.f32 v29, v6;
	v29 =	vmul.f32 v40, v17;
	v30 =	vadd.f32 v33, v30;
	v33 =	vld.idx.msk [tilespmem:v10+s7+$0x69B0 ss:$0x1], $0xffff  }
0x461: {  	v40 =	vmul.f32 v43, v20;
	v43 =	vmul.f32 v46, v23;
	v46 =	vld.idx.msk [tilespmem:v10+s7+$0x29C0 ss:$0x1], $0xffff  }
0x462: {  	v48 =	vadd.f32 v48, v45;
	v45 =	vmul.f32 v53, v14;
	v53 =	vmul.f32 v60, v21;
	v60 =	vld [tilespmem:$0x1FDF0]  }
0x463: {  	v41 =	vmul.f32 v44, v21;
	v2 =	vadd.f32 v35, v2;
	v35 =	vld.idx.msk [tilespmem:v10+s7+$0x79B0 ss:$0x1], $0xffff  }
0x464: {  	v44 =	vmul.f32 v47, v24;
	v29 =	vadd.f32 v37, v29;
	v37 =	vld.idx.msk [tilespmem:v10+s7+$0x940 ss:$0x1], $0xffff  }
0x465: {  	v39 =	vadd.f32 v40, v39;
	v40 =	vadd.f32 v42, v41;
	v41 =	vld.idx.msk [tilespmem:v10+s7+$0x1940 ss:$0x1], $0xffff  }
0x466: {  	v49 =	vadd.f32 v44, v43;
	v44 =	vld.idx.msk [tilespmem:v10+s7+$0x2940 ss:$0x1], $0xffff  }
0x467: {  	v1 =	vmul.f32 v1, v13;
	v3 =	vmul.f32 v3, v14;
	v8 =	vadd.f32 v30, v8;
	v30 =	vld.idx.msk [tilespmem:v10+s7+$0x3940 ss:$0x1], $0xffff  }
0x468: {  	v5 =	vmul.f32 v5, v15;
	v7 =	vmul.f32 v7, v16;
	v43 =	vld.idx.msk [tilespmem:v10+s7+$0x19C0 ss:$0x1], $0xffff  }
0x469: {  	v0 =	vadd.f32 v6, v0;
	v6 =	vmul.f32 v54, v15;
	v54 =	vmul.f32 v61, v22;
	v61 =	vld [tilespmem:$0x1FE00]  }
0x46a: {  	v42 =	vmul.f32 v51, v12;
	v51 =	vmul.f32 v58, v19;
	v58 =	vld.idx.msk [tilespmem:v10+s7+$0x39D0 ss:$0x1], $0xffff  }
0x46b: {  	v1 =	vadd.f32 v3, v1;
	v3 =	vld.idx.msk [tilespmem:v10+s7+$0x19D0 ss:$0x1], $0xffff  }
0x46c: {  	v5 =	vadd.f32 v7, v5;
	v7 =	vld.idx.msk [tilespmem:v10+s7+$0x29D0 ss:$0x1], $0xffff  }
0x46d: {  	v47 =	vmul.f32 v55, v16;
	[tilespmem:$0x1FE10] =	vst v62;
	v62 =	vld.idx.msk [tilespmem:v10+s7+$0x79A0 ss:$0x1], $0xffff  }
0x46e: {  	v28 =	vmul.f32 v28, v17;
	v2 =	vadd.f32 v29, v2;
	v29 =	vadd.f32 v40, v39;
	v40 =	vld.idx.msk [tilespmem:v10+s7+$0x9C0 ss:$0x1], $0xffff  }
0x46f: {  	v31 =	vmul.f32 v31, v18;
	v32 =	vmul.f32 v32, v20;
	v49 =	vadd.f32 v48, v49;
	v48 =	vld.idx.msk [tilespmem:v10+s7+$0x39C0 ss:$0x1], $0xffff  }
0x470: {  	v4 =	vmul.f32 v4, v19;
	v34 =	vmul.f32 v34, v21;
	v6 =	vadd.f32 v47, v6;
	v47 =	vld.idx.msk [tilespmem:v10+s7+$0x7940 ss:$0x1], $0xffff  }
0x471: {  	v36 =	vmul.f32 v36, v22;
	v55 =	vmul.f32 v60, v23;
	v60 =	vld [tilespmem:$0x1FE10]  }
0x472: {  	v28 =	vadd.f32 v31, v28;
	v4 =	vadd.f32 v32, v4;
	v32 =	vld.idx.msk [tilespmem:v10+s7+$0x4950 ss:$0x1], $0xffff  }
0x473: {  	v39 =	vmul.f32 v52, v13;
	v52 =	vmul.f32 v59, v20;
	v59 =	vadd.f32 v36, v34;
	v34 =	vld.idx.msk [tilespmem:v10+s7+$0x5950 ss:$0x1], $0xffff  }
0x474: {  	v5 =	vadd.f32 v28, v5;
	v28 =	vld.idx.msk [tilespmem:v10+s7+$0x6950 ss:$0x1], $0xffff  }
0x475: {  	v36 =	vld.idx.msk [tilespmem:v10+s7+$0x49D0 ss:$0x1], $0xffff  }
0x476: {  	v2 =	vadd.f32 v2, v8;
	v8 =	vmul.f32 v50, v11;
	v50 =	vld.idx.msk [tilespmem:v10+s7+$0x4940 ss:$0x1], $0xffff  }
0x477: {  	v38 =	vmul.f32 v38, v23;
	v9 =	vmul.f32 v9, v24;
	v39 =	vadd.f32 v45, v39;
	v45 =	vld.idx.msk [tilespmem:v10+s7+$0x6940 ss:$0x1], $0xffff  }
0x478: {  	v33 =	vmul.f32 v33, v25;
	v29 =	vadd.f32 v49, v29;
	v51 =	vadd.f32 v52, v51;
	v52 =	vld.idx.msk [tilespmem:v10+s7+$0x9D0 ss:$0x1], $0xffff  }
0x479: {  	v49 =	vmul.f32 v57, v18;
	v35 =	vmul.f32 v35, v26;
	v9 =	vadd.f32 v9, v38;
	v38 =	vld.idx.msk [tilespmem:v10+s7+$0x59D0 ss:$0x1], $0xffff  }
0x47a: {  	v29 =	vadd.f32 v29, v2;
	v2 =	vmul.f32 v56, v17;
	v8 =	vadd.f32 v42, v8;
	v42 =	vld.idx.msk [tilespmem:v10+s7+$0x5940 ss:$0x1], $0xffff  }
0x47b: {  	v56 =	vmul.f32 v61, v24;
	v61 =	vmul.f32 v62, v26;
	v62 =	vadd.f32 v54, v53;
	v53 =	vld.idx.msk [tilespmem:v10+s7+$0x59C0 ss:$0x1], $0xffff  }
0x47c: {  	v33 =	vadd.f32 v35, v33;
	v35 =	vld.idx.msk [tilespmem:v10+s7+$0x960 ss:$0x1], $0xffff  }
0x47d: {  	v2 =	vadd.f32 v49, v2;
	v49 =	vld.idx.msk [tilespmem:v10+s7+$0x49C0 ss:$0x1], $0xffff  }
0x47e: {  	v54 =	vadd.f32 v56, v55;
	v56 =	vld.idx.msk [tilespmem:v10+s7+$0x69C0 ss:$0x1], $0xffff  }
0x47f: {  	v55 =	vld.idx.msk [tilespmem:v10+s7+$0x1950 ss:$0x1], $0xffff  }
0x480: {  	v9 =	vadd.f32 v33, v9;
	v33 =	vld.idx.msk [tilespmem:v10+s7+$0x7950 ss:$0x1], $0xffff  }
0x481: {  	v4 =	vadd.f32 v59, v4;
	v57 =	vmul.f32 v60, v25;
	v59 =	vmul.f32 v45, v21;
	v45 =	vld.idx.msk [tilespmem:v10+s7+$0x49E0 ss:$0x1], $0xffff  }
0x482: {  	v63 =	vmul.f32 v63, v12;
	v32 =	vmul.f32 v32, v19;
	v2 =	vadd.f32 v2, v6;
	v6 =	vld.idx.msk [tilespmem:v10+s7+$0x79C0 ss:$0x1], $0xffff  }
0x483: {  	v34 =	vmul.f32 v34, v20;
	v60 =	vadd.f32 v61, v57;
	v61 =	vadd.f32 v62, v51;
	v62 =	vld [tilespmem:$0x1FE20]  }
0x484: {  	v3 =	vmul.f32 v3, v16;
	v7 =	vmul.f32 v7, v17;
	v8 =	vadd.f32 v39, v8;
	v57 =	vld.idx.msk [tilespmem:v10+s7+$0x950 ss:$0x1], $0xffff  }
0x485: {  	v28 =	vmul.f32 v28, v21;
	v36 =	vmul.f32 v36, v23;
	v32 =	vadd.f32 v34, v32;
	v34 =	vld.idx.msk [tilespmem:v10+s7+$0x2970 ss:$0x1], $0xffff  }
0x486: {  	v4 =	vadd.f32 v9, v4;
	v9 =	vmul.f32 v44, v13;
	v44 =	vld.idx.msk [tilespmem:v10+s7+$0x9E0 ss:$0x1], $0xffff;
	v54 =	vadd.f32 v60, v54  }
0x487: {  	v38 =	vmul.f32 v38, v24;
	v42 =	vmul.f32 v42, v20;
	v2 =	vadd.f32 v2, v8;
	v8 =	vld.idx.msk [tilespmem:v10+s7+$0x2950 ss:$0x1], $0xffff  }
0x488: {  	v60 =	vmul.f32 v37, v11;
	v37 =	vld.idx.msk [tilespmem:v10+s7+$0x1960 ss:$0x1], $0xffff;
	v55 =	vmul.f32 v55, v12;
	v39 =	vadd.f32 v54, v61  }
0x489: {  	v54 =	vld.idx.msk [tilespmem:v10+s7+$0x3950 ss:$0x1], $0xffff;
	v33 =	vmul.f32 v33, v22;
	v51 =	vmul.f32 v62, v11  }
0x48a: {  	v61 =	vmul.f32 v41, v12;
	v41 =	vld.idx.msk [tilespmem:v10+s7+$0x79D0 ss:$0x1], $0xffff;
	v62 =	vmul.f32 v30, v14;
	v30 =	vadd.f32 v39, v2  }
0x48b: {  	v45 =	vmul.f32 v45, v23;
	v39 =	vld.idx.msk [tilespmem:v10+s7+$0x2960 ss:$0x1], $0xffff;
	v28 =	vadd.f32 v33, v28;
	v51 =	vadd.f32 v63, v51  }
0x48c: {  	v33 =	vld.idx.msk [tilespmem:v10+s7+$0x79E0 ss:$0x1], $0xffff;
	v63 =	vmul.f32 v40, v15;
	v9 =	vadd.f32 v62, v9;
	v62 =	vmul.f32 v53, v24  }
0x48d: {  	v40 =	vld.idx.msk [tilespmem:v10+s7+$0x69D0 ss:$0x1], $0xffff;
	v53 =	vmul.f32 v57, v11;
	v57 =	vmul.f32 v52, v15;
	v1 =	vadd.f32 v1, v51  }
0x48e: {  	v52 =	vld.idx.msk [tilespmem:v10+s7+$0x9F0 ss:$0x1], $0xffff;
	v51 =	vmul.f32 v43, v16;
	v43 =	vmul.f32 v50, v19  }
0x48f: {  	v1 =	vadd.f32 v5, v1;
	v5 =	vadd.f32 v61, v60;
	v60 =	vmul.f32 v47, v22;
	v47 =	vld.idx.msk [tilespmem:v10+s7+$0x39E0 ss:$0x1], $0xffff  }
0x490: {  	v6 =	vmul.f32 v6, v26;
	v8 =	vmul.f32 v8, v13;
	v42 =	vadd.f32 v42, v43;
	v43 =	vld.idx.msk [tilespmem:v10+s7+$0x7960 ss:$0x1], $0xffff  }
0x491: {  	v28 =	vadd.f32 v28, v32;
	v31 =	vadd.f32 v4, v1;
	v1 =	vmul.f32 v46, v17;
	v46 =	vld.idx.msk [tilespmem:v10+s7+$0x19E0 ss:$0x1], $0xffff  }
0x492: {  	v3 =	vadd.f32 v3, v57;
	v61 =	vmul.f32 v49, v23;
	v4 =	vmul.f32 v48, v18;
	v48 =	vld.idx.msk [tilespmem:v10+s7+$0x4960 ss:$0x1], $0xffff  }
0x493: {  	v2 =	vadd.f32 v51, v63;
	v63 =	vmul.f32 v56, v25;
	v50 =	vadd.f32 v60, v59;
	v59 =	vld.idx.msk [tilespmem:v10+s7+$0x5960 ss:$0x1], $0xffff  }
0x494: {  	v41 =	vmul.f32 v41, v26;
	v56 =	vmul.f32 v54, v14;
	v60 =	vadd.f32 v38, v36;
	v38 =	vld.idx.msk [tilespmem:v10+s7+$0x970 ss:$0x1], $0xffff  }
0x495: {  	v40 =	vmul.f32 v40, v25;
	v51 =	vadd.f32 v62, v61;
	v6 =	vadd.f32 v6, v63;
	v36 =	vld.idx.msk [tilespmem:v10+s7+$0x3970 ss:$0x1], $0xffff  }
0x496: {  	v33 =	vmul.f32 v33, v26;
	v5 =	vadd.f32 v9, v5;
	v8 =	vadd.f32 v56, v8;
	v56 =	vld.idx.msk [tilespmem:v10+s7+$0x29F0 ss:$0x1], $0xffff  }
0x497: {  	v63 =	vmul.f32 v37, v12;
	v61 =	vadd.f32 v41, v40;
	v1 =	vadd.f32 v4, v1;
	v4 =	vld.idx.msk [tilespmem:v10+s7+$0x3960 ss:$0x1], $0xffff  }
0x498: {  	v37 =	vmul.f32 v52, v15;
	v9 =	vadd.f32 v50, v42;
	v6 =	vadd.f32 v6, v51;
	v50 =	vld.idx.msk [tilespmem:v10+s7+$0x6960 ss:$0x1], $0xffff  }
0x499: {  	v42 =	vadd.f32 v55, v53;
	v51 =	vmul.f32 v39, v13;
	v53 =	vmul.f32 v44, v15;
	v55 =	vld.idx.msk [tilespmem:v10+s7+$0x19F0 ss:$0x1], $0xffff  }
0x49a: {  	v62 =	vadd.f32 v61, v60;
	v43 =	vmul.f32 v43, v22;
	v61 =	vld.idx.msk [tilespmem:v10+s7+$0x4970 ss:$0x1], $0xffff;
	v1 =	vadd.f32 v1, v2  }
0x49b: {  	v2 =	vld.idx.msk [tilespmem:v10+s7+$0x29E0 ss:$0x1], $0xffff;
	v6 =	vadd.f32 v6, v9;
	v9 =	vmul.f32 v58, v18;
	v54 =	vmul.f32 v46, v16  }
0x49c: {  	v8 =	vadd.f32 v8, v42;
	v57 =	vmul.f32 v48, v19;
	v58 =	vmul.f32 v59, v20;
	v59 =	vld.idx.msk [tilespmem:v10+s7+$0x39F0 ss:$0x1], $0xffff  }
0x49d: {  	v48 =	vmul.f32 v34, v13;
	v1 =	vadd.f32 v1, v5;
	v5 =	vld.idx.msk [tilespmem:v10+s7+$0x59E0 ss:$0x1], $0xffff;
	v7 =	vadd.f32 v9, v7  }
0x49e: {  	v28 =	vadd.f32 v62, v28;
	v49 =	vmul.f32 v36, v14;
	v9 =	vld.idx.msk [tilespmem:v10+s7+$0x69E0 ss:$0x1], $0xffff;
	v4 =	vmul.f32 v4, v14  }
0x49f: {  	v62 =	vld.idx.msk [tilespmem:v10+s7+$0x5970 ss:$0x1], $0xffff;
	v60 =	vmul.f32 v50, v21;
	v42 =	vadd.f32 v58, v57;
	v3 =	vadd.f32 v7, v3  }
0x4a0: {  	v46 =	vld.idx.msk [tilespmem:v10+s7+$0x49F0 ss:$0x1], $0xffff;
	v40 =	vmul.f32 v55, v16;
	v1 =	vadd.f32 v6, v1;
	v6 =	vadd.f32 v54, v53  }
0x4a1: {  	v50 =	vld.idx.msk [tilespmem:v10+s7+$0x69F0 ss:$0x1], $0xffff;
	v2 =	vmul.f32 v2, v17;
	v4 =	vadd.f32 v4, v51;
	v43 =	vadd.f32 v43, v60  }
0x4a2: {  	v7 =	vld.idx.msk [tilespmem:v10+s7+$0x1970 ss:$0x1], $0xffff;
	v3 =	vadd.f32 v3, v8;
	v8 =	vmul.f32 v35, v11;
	v35 =	vmul.f32 v59, v18  }
0x4a3: {  	v51 =	vld.idx.msk [tilespmem:v10+s7+$0x79F0 ss:$0x1], $0xffff;
	v37 =	vadd.f32 v40, v37;
	v5 =	vmul.f32 v5, v24;
	v9 =	vmul.f32 v9, v25  }
0x4a4: {  	v3 =	vadd.f32 v28, v3;
	v28 =	vmul.f32 v47, v18;
	v8 =	vadd.f32 v63, v8;
	v63 =	vld.idx.msk [tilespmem:v10+s7+$0x7970 ss:$0x1], $0xffff  }
0x4a5: {  	v52 =	vmul.f32 v62, v20;
	v42 =	vadd.f32 v43, v42;
	v47 =	vld.idx.msk [tilespmem:v10+s7+$0x59F0 ss:$0x1], $0xffff;
	v5 =	vadd.f32 v5, v45  }
0x4a6: {  	v54 =	vmul.f32 v50, v25;
	v9 =	vadd.f32 v33, v9;
	v2 =	vadd.f32 v28, v2;
	v28 =	vld.idx.msk [tilespmem:v10+s7+$0x6970 ss:$0x1], $0xffff  }
0x4a7: {  	v7 =	vmul.f32 v7, v12;
	v4 =	vadd.f32 v4, v8;
	v8 =	vmul.f32 v38, v11  }
0x4a8: {  	v33 =	vmul.f32 v46, v23;
	v55 =	vmul.f32 v51, v26;
	v5 =	vadd.f32 v9, v5  }
0x4a9: {  	v9 =	vmul.f32 v56, v17;
	v2 =	vadd.f32 v2, v6;
	v7 =	vadd.f32 v7, v8  }
0x4aa: {  	v8 =	vmul.f32 v61, v19;
	v6 =	vadd.f32 v49, v48;
	v53 =	vmul.f32 v63, v22  }
0x4ab: {  	v57 =	vadd.f32 v55, v54;
	v38 =	vmul.f32 v47, v24;
	v28 =	vmul.f32 v28, v21  }
0x4ac: {  	v9 =	vadd.f32 v35, v9;
	v8 =	vadd.f32 v52, v8  }
0x4ad: {  	v56 =	vadd.f32 v38, v33;
	v28 =	vadd.f32 v53, v28  }
0x4ae: {  	[tilespmem:v27+s7+$0x0 ss:$0x1] =	vst.idx.msk $0xffff, v0;
	v58 =	vadd.f32 v6, v7;
	v59 =	vadd.f32 v9, v37  }
0x4af: {  	[tilespmem:v27+s7+$0x10 ss:$0x1] =	vst.idx.msk $0xffff, v29;
	v60 =	vadd.f32 v28, v8;
	v8 =	vadd.f32 v57, v56  }
0x4b0: {  	p1 =	por p0, p0;
	[tilespmem:v27+s7+$0x20 ss:$0x1] =	vst.idx.msk $0xffff, v30;
	v61 =	vadd.f32 v5, v42;
	v2 =	vadd.f32 v2, v4  }
.Ltmp6:
0x4b1: {  	[tilespmem:v27+s7+$0x30 ss:$0x1] =	vst.idx.msk $0xffff, v31;
	v0 =	vadd.f32 v59, v58;
	v62 =	vadd.f32 v8, v60;
	(pc) =	sbr.rel @p1 .LBB2_17-.Ltmp6, $4  }
0x4b2: {  	[tilespmem:v27+s7+$0x40 ss:$0x1] =	vst.idx.msk $0xffff, v1;
	v63 =	vadd.f32 v61, v2  }
0x4b3: {  	[tilespmem:v27+s7+$0x50 ss:$0x1] =	vst.idx.msk $0xffff, v3;
	v0 =	vadd.f32 v62, v0  }
0x4b4: {  	[tilespmem:v27+s7+$0x60 ss:$0x1] =	vst.idx.msk $0xffff, v63  }
0x4b5: {  	p0 =	por $0x0, $0x0;
	[tilespmem:v27+s7+$0x70 ss:$0x1] =	vst.idx.msk $0xffff, v0;
	s7 =	simm.s32 $0x400  }
0x4b6: {  	s7 =	smul.f32 s1, s8  }
0x4b7: {  	s9 =	smul.f32 s1, s28  }
0x4b8: {  	s10 =	smul.f32 s0, s8  }
0x4b9: {  	s11 =	smul.f32 s0, s28  }
0x4ba: {  	s12 =	smul.f32 s1, s30  }
0x4bb: {  	s26 =	smul.f32 s1, s29  }
0x4bc: {  	s13 =	smul.f32 s0, s30  }
0x4bd: {  	s19 =	smul.f32 s0, s29  }
0x4be: {  	s14 =	smul.f32 s2, s8  }
0x4bf: {  	s15 =	smul.f32 s2, s28  }
0x4c0: {  	s16 =	smul.f32 s3, s8  }
0x4c1: {  	s17 =	smul.f32 s3, s28  }
0x4c2: {  	s18 =	smul.f32 s2, s30;
	s5 =	sadd.s32 $0x6, s5;
	v11 =	vmov s7;
	v12 =	vmov s9  }
0x4c3: {  	s20 =	smul.f32 s2, s29;
	s21 =	sshll.u32 s5, $0x8;
	s5 =	sshll.u32 s5, $0x7;
	v13 =	vmov s10;
	v14 =	vmov s11;
	v15 =	vmov s12  }
0x4c4: {  	s22 =	smul.f32 s3, s30;
	v16 =	vmov s26;
	v17 =	vmov s13;
	v18 =	vmov s19;
	s23 =	sand.u32 $0x7800, s21;
	s24 =	sand.u32 $0x380, s5  }
0x4c5: {  	s26 =	smul.f32 s3, s29;
	v19 =	vmov s14;
	v20 =	vmov s15;
	v21 =	vmov s16;
	s0 =	sor.u32 s24, s23  }
0x4c6: {  	v22 =	vmov s17;
	v23 =	vmov s18;
	v24 =	vmov s20;
	s1 =	sadd.s32 $0x10200, s0  }
0x4c7: {  	p0 =	por $0x1, $0x1;
	v25 =	vmov s22;
	v26 =	vmov s26;
	s0 =	simm.s32 $0x0;
	v27 =	vmov s1  }
.LBB2_19:
0x4c8: {  	v0 =	vld.idx.msk [tilespmem:v10+s0+$0xA00 ss:$0x1], $0xffff  }
0x4c9: {  	v1 =	vld.idx.msk [tilespmem:v10+s0+$0x1A00 ss:$0x1], $0xffff  }
0x4ca: {  	v2 =	vld.idx.msk [tilespmem:v10+s0+$0x2A00 ss:$0x1], $0xffff  }
0x4cb: {  	v3 =	vld.idx.msk [tilespmem:v10+s0+$0x3A00 ss:$0x1], $0xffff  }
0x4cc: {  	v4 =	vld.idx.msk [tilespmem:v10+s0+$0xA80 ss:$0x1], $0xffff  }
0x4cd: {  	v5 =	vld.idx.msk [tilespmem:v10+s0+$0x1A80 ss:$0x1], $0xffff  }
0x4ce: {  	v6 =	vld.idx.msk [tilespmem:v10+s0+$0x2A80 ss:$0x1], $0xffff  }
0x4cf: {  	v7 =	vld.idx.msk [tilespmem:v10+s0+$0x3A80 ss:$0x1], $0xffff  }
0x4d0: {  	v8 =	vld.idx.msk [tilespmem:v10+s0+$0x4A00 ss:$0x1], $0xffff  }
0x4d1: {  	v9 =	vld.idx.msk [tilespmem:v10+s0+$0x5A00 ss:$0x1], $0xffff  }
0x4d2: {  	v28 =	vld.idx.msk [tilespmem:v10+s0+$0x6A00 ss:$0x1], $0xffff  }
0x4d3: {  	v29 =	vld.idx.msk [tilespmem:v10+s0+$0x7A00 ss:$0x1], $0xffff  }
0x4d4: {  	v30 =	vld.idx.msk [tilespmem:v10+s0+$0x4A80 ss:$0x1], $0xffff  }
0x4d5: {  	v31 =	vld.idx.msk [tilespmem:v10+s0+$0x5A80 ss:$0x1], $0xffff  }
0x4d6: {  	v32 =	vld.idx.msk [tilespmem:v10+s0+$0x6A80 ss:$0x1], $0xffff  }
0x4d7: {  	v33 =	vld.idx.msk [tilespmem:v10+s0+$0x7A80 ss:$0x1], $0xffff  }
0x4d8: {  	v34 =	vld.idx.msk [tilespmem:v10+s0+$0xA10 ss:$0x1], $0xffff  }
0x4d9: {  	v35 =	vld.idx.msk [tilespmem:v10+s0+$0x1A10 ss:$0x1], $0xffff  }
0x4da: {  	v36 =	vld.idx.msk [tilespmem:v10+s0+$0x2A10 ss:$0x1], $0xffff  }
0x4db: {  	v37 =	vld.idx.msk [tilespmem:v10+s0+$0x3A10 ss:$0x1], $0xffff  }
0x4dc: {  	v38 =	vld.idx.msk [tilespmem:v10+s0+$0xA90 ss:$0x1], $0xffff  }
0x4dd: {  	v39 =	vld.idx.msk [tilespmem:v10+s0+$0x1A90 ss:$0x1], $0xffff  }
0x4de: {  	v40 =	vld.idx.msk [tilespmem:v10+s0+$0x2A90 ss:$0x1], $0xffff  }
0x4df: {  	v41 =	vld.idx.msk [tilespmem:v10+s0+$0x3A90 ss:$0x1], $0xffff  }
0x4e0: {  	v42 =	vld.idx.msk [tilespmem:v10+s0+$0x4A10 ss:$0x1], $0xffff  }
0x4e1: {  	v43 =	vld.idx.msk [tilespmem:v10+s0+$0x5A10 ss:$0x1], $0xffff  }
0x4e2: {  	v44 =	vld.idx.msk [tilespmem:v10+s0+$0x6A10 ss:$0x1], $0xffff  }
0x4e3: {  	v45 =	vld.idx.msk [tilespmem:v10+s0+$0x7A10 ss:$0x1], $0xffff  }
0x4e4: {  	v46 =	vld.idx.msk [tilespmem:v10+s0+$0x4A90 ss:$0x1], $0xffff  }
0x4e5: {  	v47 =	vld.idx.msk [tilespmem:v10+s0+$0x5A90 ss:$0x1], $0xffff  }
0x4e6: {  	v48 =	vld.idx.msk [tilespmem:v10+s0+$0x6A90 ss:$0x1], $0xffff  }
0x4e7: {  	v49 =	vld.idx.msk [tilespmem:v10+s0+$0x7A90 ss:$0x1], $0xffff  }
0x4e8: {  	v50 =	vld.idx.msk [tilespmem:v10+s0+$0xA20 ss:$0x1], $0xffff  }
0x4e9: {  	v51 =	vld.idx.msk [tilespmem:v10+s0+$0x1A20 ss:$0x1], $0xffff  }
0x4ea: {  	v52 =	vld.idx.msk [tilespmem:v10+s0+$0x2A20 ss:$0x1], $0xffff  }
0x4eb: {  	v53 =	vld.idx.msk [tilespmem:v10+s0+$0x3A20 ss:$0x1], $0xffff  }
0x4ec: {  	v54 =	vld.idx.msk [tilespmem:v10+s0+$0xAA0 ss:$0x1], $0xffff  }
0x4ed: {  	v55 =	vld.idx.msk [tilespmem:v10+s0+$0x1AA0 ss:$0x1], $0xffff  }
0x4ee: {  	v56 =	vld.idx.msk [tilespmem:v10+s0+$0x2AA0 ss:$0x1], $0xffff  }
0x4ef: {  	v57 =	vld.idx.msk [tilespmem:v10+s0+$0x3AA0 ss:$0x1], $0xffff  }
0x4f0: {  	v58 =	vld.idx.msk [tilespmem:v10+s0+$0x4A20 ss:$0x1], $0xffff  }
0x4f1: {  	v62 =	vld.idx.msk [tilespmem:v10+s0+$0x4AA0 ss:$0x1], $0xffff  }
0x4f2: {  	v63 =	vld.idx.msk [tilespmem:v10+s0+$0xA30 ss:$0x1], $0xffff  }
0x4f3: {  	v59 =	vld.idx.msk [tilespmem:v10+s0+$0x5A20 ss:$0x1], $0xffff  }
0x4f4: {  	v60 =	vld.idx.msk [tilespmem:v10+s0+$0x6A20 ss:$0x1], $0xffff;
	v0 =	vmul.f32 v0, v11  }
0x4f5: {  	v61 =	vld.idx.msk [tilespmem:v10+s0+$0x7A20 ss:$0x1], $0xffff;
	v1 =	vmul.f32 v1, v12;
	v2 =	vmul.f32 v2, v13  }
0x4f6: {  	[tilespmem:$0x1FDB0] =	vst v62;
	v62 =	vld.idx.msk [tilespmem:v10+s0+$0x5AA0 ss:$0x1], $0xffff;
	v3 =	vmul.f32 v3, v14;
	v4 =	vmul.f32 v4, v15  }
0x4f7: {  	v5 =	vmul.f32 v5, v16;
	[tilespmem:$0x1FDE0] =	vst v63;
	v6 =	vmul.f32 v6, v17;
	v63 =	vld.idx.msk [tilespmem:v10+s0+$0x1A30 ss:$0x1], $0xffff  }
0x4f8: {  	v7 =	vmul.f32 v7, v18;
	v8 =	vmul.f32 v8, v19;
	v0 =	vadd.f32 v1, v0;
	v1 =	vld.idx.msk [tilespmem:v10+s0+$0x2A30 ss:$0x1], $0xffff  }
0x4f9: {  	v9 =	vmul.f32 v9, v20;
	v28 =	vmul.f32 v28, v21;
	v2 =	vadd.f32 v3, v2;
	v3 =	vld.idx.msk [tilespmem:v10+s0+$0x3A30 ss:$0x1], $0xffff  }
0x4fa: {  	v29 =	vmul.f32 v29, v22;
	v30 =	vmul.f32 v30, v23;
	v4 =	vadd.f32 v5, v4;
	v5 =	vld.idx.msk [tilespmem:v10+s0+$0xAB0 ss:$0x1], $0xffff  }
0x4fb: {  	v31 =	vmul.f32 v31, v24;
	v32 =	vmul.f32 v32, v25;
	v6 =	vadd.f32 v7, v6;
	v7 =	vld.idx.msk [tilespmem:v10+s0+$0x1AB0 ss:$0x1], $0xffff  }
0x4fc: {  	v33 =	vmul.f32 v33, v26;
	v8 =	vadd.f32 v9, v8;
	v9 =	vadd.f32 v29, v28;
	v28 =	vld.idx.msk [tilespmem:v10+s0+$0x2AB0 ss:$0x1], $0xffff  }
0x4fd: {  	v29 =	vadd.f32 v31, v30;
	v31 =	vld.idx.msk [tilespmem:v10+s0+$0x3AB0 ss:$0x1], $0xffff  }
0x4fe: {  	v30 =	vadd.f32 v33, v32;
	v32 =	vld.idx.msk [tilespmem:v10+s0+$0x5A30 ss:$0x1], $0xffff  }
0x4ff: {  	v33 =	vmul.f32 v37, v14;
	v0 =	vadd.f32 v2, v0;
	v2 =	vadd.f32 v6, v4;
	v4 =	vld.idx.msk [tilespmem:v10+s0+$0x4A30 ss:$0x1], $0xffff  }
0x500: {  	v37 =	vmul.f32 v41, v18;
	v6 =	vadd.f32 v9, v8;
	v8 =	vmul.f32 v34, v11;
	v34 =	vld.idx.msk [tilespmem:v10+s0+$0x6A30 ss:$0x1], $0xffff  }
0x501: {  	v9 =	vmul.f32 v35, v12;
	v29 =	vadd.f32 v30, v29;
	v30 =	vmul.f32 v36, v13;
	v36 =	vld.idx.msk [tilespmem:v10+s0+$0x7A30 ss:$0x1], $0xffff  }
0x502: {  	v35 =	vmul.f32 v39, v16;
	v39 =	vmul.f32 v42, v19;
	[tilespmem:$0x1FDC0] =	vst v62;
	v62 =	vld.idx.msk [tilespmem:v10+s0+$0x6AA0 ss:$0x1], $0xffff  }
0x503: {  	v42 =	vmul.f32 v45, v22;
	v0 =	vadd.f32 v2, v0;
	v2 =	vmul.f32 v38, v15;
	v38 =	vld.idx.msk [tilespmem:v10+s0+$0x4AB0 ss:$0x1], $0xffff  }
0x504: {  	v45 =	vmul.f32 v48, v25;
	v48 =	vmul.f32 v49, v26;
	v8 =	vadd.f32 v9, v8;
	v9 =	vld.idx.msk [tilespmem:v10+s0+$0x5AB0 ss:$0x1], $0xffff  }
0x505: {  	v6 =	vadd.f32 v29, v6;
	v29 =	vmul.f32 v40, v17;
	v30 =	vadd.f32 v33, v30;
	v33 =	vld.idx.msk [tilespmem:v10+s0+$0x6AB0 ss:$0x1], $0xffff  }
0x506: {  	v40 =	vmul.f32 v43, v20;
	v43 =	vmul.f32 v46, v23;
	v46 =	vld.idx.msk [tilespmem:v10+s0+$0x2AC0 ss:$0x1], $0xffff  }
0x507: {  	v48 =	vadd.f32 v48, v45;
	v45 =	vmul.f32 v53, v14;
	v53 =	vmul.f32 v60, v21;
	v60 =	vld [tilespmem:$0x1FDB0]  }
0x508: {  	v41 =	vmul.f32 v44, v21;
	v2 =	vadd.f32 v35, v2;
	v35 =	vld.idx.msk [tilespmem:v10+s0+$0x7AB0 ss:$0x1], $0xffff  }
0x509: {  	v44 =	vmul.f32 v47, v24;
	v29 =	vadd.f32 v37, v29;
	v37 =	vld.idx.msk [tilespmem:v10+s0+$0xA40 ss:$0x1], $0xffff  }
0x50a: {  	v39 =	vadd.f32 v40, v39;
	v40 =	vadd.f32 v42, v41;
	v41 =	vld.idx.msk [tilespmem:v10+s0+$0x1A40 ss:$0x1], $0xffff  }
0x50b: {  	v49 =	vadd.f32 v44, v43;
	v44 =	vld.idx.msk [tilespmem:v10+s0+$0x2A40 ss:$0x1], $0xffff  }
0x50c: {  	v1 =	vmul.f32 v1, v13;
	v3 =	vmul.f32 v3, v14;
	v8 =	vadd.f32 v30, v8;
	v30 =	vld.idx.msk [tilespmem:v10+s0+$0x3A40 ss:$0x1], $0xffff  }
0x50d: {  	v5 =	vmul.f32 v5, v15;
	v7 =	vmul.f32 v7, v16;
	v43 =	vld.idx.msk [tilespmem:v10+s0+$0x1AC0 ss:$0x1], $0xffff  }
0x50e: {  	v0 =	vadd.f32 v6, v0;
	v6 =	vmul.f32 v54, v15;
	v54 =	vmul.f32 v61, v22;
	v61 =	vld [tilespmem:$0x1FDC0]  }
0x50f: {  	v42 =	vmul.f32 v51, v12;
	v51 =	vmul.f32 v58, v19;
	v58 =	vld.idx.msk [tilespmem:v10+s0+$0x3AD0 ss:$0x1], $0xffff  }
0x510: {  	v1 =	vadd.f32 v3, v1;
	v3 =	vld.idx.msk [tilespmem:v10+s0+$0x1AD0 ss:$0x1], $0xffff  }
0x511: {  	v5 =	vadd.f32 v7, v5;
	v7 =	vld.idx.msk [tilespmem:v10+s0+$0x2AD0 ss:$0x1], $0xffff  }
0x512: {  	v47 =	vmul.f32 v55, v16;
	[tilespmem:$0x1FDD0] =	vst v62;
	v62 =	vld.idx.msk [tilespmem:v10+s0+$0x7AA0 ss:$0x1], $0xffff  }
0x513: {  	v28 =	vmul.f32 v28, v17;
	v2 =	vadd.f32 v29, v2;
	v29 =	vadd.f32 v40, v39;
	v40 =	vld.idx.msk [tilespmem:v10+s0+$0xAC0 ss:$0x1], $0xffff  }
0x514: {  	v31 =	vmul.f32 v31, v18;
	v32 =	vmul.f32 v32, v20;
	v49 =	vadd.f32 v48, v49;
	v48 =	vld.idx.msk [tilespmem:v10+s0+$0x3AC0 ss:$0x1], $0xffff  }
0x515: {  	v4 =	vmul.f32 v4, v19;
	v34 =	vmul.f32 v34, v21;
	v6 =	vadd.f32 v47, v6;
	v47 =	vld.idx.msk [tilespmem:v10+s0+$0x7A40 ss:$0x1], $0xffff  }
0x516: {  	v36 =	vmul.f32 v36, v22;
	v55 =	vmul.f32 v60, v23;
	v60 =	vld [tilespmem:$0x1FDD0]  }
0x517: {  	v28 =	vadd.f32 v31, v28;
	v4 =	vadd.f32 v32, v4;
	v32 =	vld.idx.msk [tilespmem:v10+s0+$0x4A50 ss:$0x1], $0xffff  }
0x518: {  	v39 =	vmul.f32 v52, v13;
	v52 =	vmul.f32 v59, v20;
	v59 =	vadd.f32 v36, v34;
	v34 =	vld.idx.msk [tilespmem:v10+s0+$0x5A50 ss:$0x1], $0xffff  }
0x519: {  	v5 =	vadd.f32 v28, v5;
	v28 =	vld.idx.msk [tilespmem:v10+s0+$0x6A50 ss:$0x1], $0xffff  }
0x51a: {  	v36 =	vld.idx.msk [tilespmem:v10+s0+$0x4AD0 ss:$0x1], $0xffff  }
0x51b: {  	v2 =	vadd.f32 v2, v8;
	v8 =	vmul.f32 v50, v11;
	v50 =	vld.idx.msk [tilespmem:v10+s0+$0x4A40 ss:$0x1], $0xffff  }
0x51c: {  	v38 =	vmul.f32 v38, v23;
	v9 =	vmul.f32 v9, v24;
	v39 =	vadd.f32 v45, v39;
	v45 =	vld.idx.msk [tilespmem:v10+s0+$0x6A40 ss:$0x1], $0xffff  }
0x51d: {  	v33 =	vmul.f32 v33, v25;
	v29 =	vadd.f32 v49, v29;
	v51 =	vadd.f32 v52, v51;
	v52 =	vld.idx.msk [tilespmem:v10+s0+$0xAD0 ss:$0x1], $0xffff  }
0x51e: {  	v49 =	vmul.f32 v57, v18;
	v35 =	vmul.f32 v35, v26;
	v9 =	vadd.f32 v9, v38;
	v38 =	vld.idx.msk [tilespmem:v10+s0+$0x5AD0 ss:$0x1], $0xffff  }
0x51f: {  	v29 =	vadd.f32 v29, v2;
	v2 =	vmul.f32 v56, v17;
	v8 =	vadd.f32 v42, v8;
	v42 =	vld.idx.msk [tilespmem:v10+s0+$0x5A40 ss:$0x1], $0xffff  }
0x520: {  	v56 =	vmul.f32 v61, v24;
	v61 =	vmul.f32 v62, v26;
	v62 =	vadd.f32 v54, v53;
	v53 =	vld.idx.msk [tilespmem:v10+s0+$0x5AC0 ss:$0x1], $0xffff  }
0x521: {  	v33 =	vadd.f32 v35, v33;
	v35 =	vld.idx.msk [tilespmem:v10+s0+$0xA60 ss:$0x1], $0xffff  }
0x522: {  	v2 =	vadd.f32 v49, v2;
	v49 =	vld.idx.msk [tilespmem:v10+s0+$0x4AC0 ss:$0x1], $0xffff  }
0x523: {  	v54 =	vadd.f32 v56, v55;
	v56 =	vld.idx.msk [tilespmem:v10+s0+$0x6AC0 ss:$0x1], $0xffff  }
0x524: {  	v55 =	vld.idx.msk [tilespmem:v10+s0+$0x1A50 ss:$0x1], $0xffff  }
0x525: {  	v9 =	vadd.f32 v33, v9;
	v33 =	vld.idx.msk [tilespmem:v10+s0+$0x7A50 ss:$0x1], $0xffff  }
0x526: {  	v4 =	vadd.f32 v59, v4;
	v57 =	vmul.f32 v60, v25;
	v59 =	vmul.f32 v45, v21;
	v45 =	vld.idx.msk [tilespmem:v10+s0+$0x4AE0 ss:$0x1], $0xffff  }
0x527: {  	v63 =	vmul.f32 v63, v12;
	v32 =	vmul.f32 v32, v19;
	v2 =	vadd.f32 v2, v6;
	v6 =	vld.idx.msk [tilespmem:v10+s0+$0x7AC0 ss:$0x1], $0xffff  }
0x528: {  	v34 =	vmul.f32 v34, v20;
	v60 =	vadd.f32 v61, v57;
	v61 =	vadd.f32 v62, v51;
	v62 =	vld [tilespmem:$0x1FDE0]  }
0x529: {  	v3 =	vmul.f32 v3, v16;
	v7 =	vmul.f32 v7, v17;
	v8 =	vadd.f32 v39, v8;
	v57 =	vld.idx.msk [tilespmem:v10+s0+$0xA50 ss:$0x1], $0xffff  }
0x52a: {  	v28 =	vmul.f32 v28, v21;
	v36 =	vmul.f32 v36, v23;
	v32 =	vadd.f32 v34, v32;
	v34 =	vld.idx.msk [tilespmem:v10+s0+$0x2A70 ss:$0x1], $0xffff  }
0x52b: {  	v4 =	vadd.f32 v9, v4;
	v9 =	vmul.f32 v44, v13;
	v44 =	vld.idx.msk [tilespmem:v10+s0+$0xAE0 ss:$0x1], $0xffff;
	v54 =	vadd.f32 v60, v54  }
0x52c: {  	v38 =	vmul.f32 v38, v24;
	v42 =	vmul.f32 v42, v20;
	v2 =	vadd.f32 v2, v8;
	v8 =	vld.idx.msk [tilespmem:v10+s0+$0x2A50 ss:$0x1], $0xffff  }
0x52d: {  	v60 =	vmul.f32 v37, v11;
	v37 =	vld.idx.msk [tilespmem:v10+s0+$0x1A60 ss:$0x1], $0xffff;
	v55 =	vmul.f32 v55, v12;
	v39 =	vadd.f32 v54, v61  }
0x52e: {  	v54 =	vld.idx.msk [tilespmem:v10+s0+$0x3A50 ss:$0x1], $0xffff;
	v33 =	vmul.f32 v33, v22;
	v51 =	vmul.f32 v62, v11  }
0x52f: {  	v61 =	vmul.f32 v41, v12;
	v41 =	vld.idx.msk [tilespmem:v10+s0+$0x7AD0 ss:$0x1], $0xffff;
	v62 =	vmul.f32 v30, v14;
	v30 =	vadd.f32 v39, v2  }
0x530: {  	v45 =	vmul.f32 v45, v23;
	v39 =	vld.idx.msk [tilespmem:v10+s0+$0x2A60 ss:$0x1], $0xffff;
	v28 =	vadd.f32 v33, v28;
	v51 =	vadd.f32 v63, v51  }
0x531: {  	v33 =	vld.idx.msk [tilespmem:v10+s0+$0x7AE0 ss:$0x1], $0xffff;
	v63 =	vmul.f32 v40, v15;
	v9 =	vadd.f32 v62, v9;
	v62 =	vmul.f32 v53, v24  }
0x532: {  	v40 =	vld.idx.msk [tilespmem:v10+s0+$0x6AD0 ss:$0x1], $0xffff;
	v53 =	vmul.f32 v57, v11;
	v57 =	vmul.f32 v52, v15;
	v1 =	vadd.f32 v1, v51  }
0x533: {  	v52 =	vld.idx.msk [tilespmem:v10+s0+$0xAF0 ss:$0x1], $0xffff;
	v51 =	vmul.f32 v43, v16;
	v43 =	vmul.f32 v50, v19  }
0x534: {  	v1 =	vadd.f32 v5, v1;
	v5 =	vadd.f32 v61, v60;
	v60 =	vmul.f32 v47, v22;
	v47 =	vld.idx.msk [tilespmem:v10+s0+$0x3AE0 ss:$0x1], $0xffff  }
0x535: {  	v6 =	vmul.f32 v6, v26;
	v8 =	vmul.f32 v8, v13;
	v42 =	vadd.f32 v42, v43;
	v43 =	vld.idx.msk [tilespmem:v10+s0+$0x7A60 ss:$0x1], $0xffff  }
0x536: {  	v28 =	vadd.f32 v28, v32;
	v31 =	vadd.f32 v4, v1;
	v1 =	vmul.f32 v46, v17;
	v46 =	vld.idx.msk [tilespmem:v10+s0+$0x1AE0 ss:$0x1], $0xffff  }
0x537: {  	v3 =	vadd.f32 v3, v57;
	v61 =	vmul.f32 v49, v23;
	v4 =	vmul.f32 v48, v18;
	v48 =	vld.idx.msk [tilespmem:v10+s0+$0x4A60 ss:$0x1], $0xffff  }
0x538: {  	v2 =	vadd.f32 v51, v63;
	v63 =	vmul.f32 v56, v25;
	v50 =	vadd.f32 v60, v59;
	v59 =	vld.idx.msk [tilespmem:v10+s0+$0x5A60 ss:$0x1], $0xffff  }
0x539: {  	v41 =	vmul.f32 v41, v26;
	v56 =	vmul.f32 v54, v14;
	v60 =	vadd.f32 v38, v36;
	v38 =	vld.idx.msk [tilespmem:v10+s0+$0xA70 ss:$0x1], $0xffff  }
0x53a: {  	v40 =	vmul.f32 v40, v25;
	v51 =	vadd.f32 v62, v61;
	v6 =	vadd.f32 v6, v63;
	v36 =	vld.idx.msk [tilespmem:v10+s0+$0x3A70 ss:$0x1], $0xffff  }
0x53b: {  	v33 =	vmul.f32 v33, v26;
	v5 =	vadd.f32 v9, v5;
	v8 =	vadd.f32 v56, v8;
	v56 =	vld.idx.msk [tilespmem:v10+s0+$0x2AF0 ss:$0x1], $0xffff  }
0x53c: {  	v63 =	vmul.f32 v37, v12;
	v61 =	vadd.f32 v41, v40;
	v1 =	vadd.f32 v4, v1;
	v4 =	vld.idx.msk [tilespmem:v10+s0+$0x3A60 ss:$0x1], $0xffff  }
0x53d: {  	v37 =	vmul.f32 v52, v15;
	v9 =	vadd.f32 v50, v42;
	v6 =	vadd.f32 v6, v51;
	v50 =	vld.idx.msk [tilespmem:v10+s0+$0x6A60 ss:$0x1], $0xffff  }
0x53e: {  	v42 =	vadd.f32 v55, v53;
	v51 =	vmul.f32 v39, v13;
	v53 =	vmul.f32 v44, v15;
	v55 =	vld.idx.msk [tilespmem:v10+s0+$0x1AF0 ss:$0x1], $0xffff  }
0x53f: {  	v62 =	vadd.f32 v61, v60;
	v43 =	vmul.f32 v43, v22;
	v61 =	vld.idx.msk [tilespmem:v10+s0+$0x4A70 ss:$0x1], $0xffff;
	v1 =	vadd.f32 v1, v2  }
0x540: {  	v2 =	vld.idx.msk [tilespmem:v10+s0+$0x2AE0 ss:$0x1], $0xffff;
	v6 =	vadd.f32 v6, v9;
	v9 =	vmul.f32 v58, v18;
	v54 =	vmul.f32 v46, v16  }
0x541: {  	v8 =	vadd.f32 v8, v42;
	v57 =	vmul.f32 v48, v19;
	v58 =	vmul.f32 v59, v20;
	v59 =	vld.idx.msk [tilespmem:v10+s0+$0x3AF0 ss:$0x1], $0xffff  }
0x542: {  	v48 =	vmul.f32 v34, v13;
	v1 =	vadd.f32 v1, v5;
	v5 =	vld.idx.msk [tilespmem:v10+s0+$0x5AE0 ss:$0x1], $0xffff;
	v7 =	vadd.f32 v9, v7  }
0x543: {  	v28 =	vadd.f32 v62, v28;
	v49 =	vmul.f32 v36, v14;
	v9 =	vld.idx.msk [tilespmem:v10+s0+$0x6AE0 ss:$0x1], $0xffff;
	v4 =	vmul.f32 v4, v14  }
0x544: {  	v62 =	vld.idx.msk [tilespmem:v10+s0+$0x5A70 ss:$0x1], $0xffff;
	v60 =	vmul.f32 v50, v21;
	v42 =	vadd.f32 v58, v57;
	v3 =	vadd.f32 v7, v3  }
0x545: {  	v46 =	vld.idx.msk [tilespmem:v10+s0+$0x4AF0 ss:$0x1], $0xffff;
	v40 =	vmul.f32 v55, v16;
	v1 =	vadd.f32 v6, v1;
	v6 =	vadd.f32 v54, v53  }
0x546: {  	v50 =	vld.idx.msk [tilespmem:v10+s0+$0x6AF0 ss:$0x1], $0xffff;
	v2 =	vmul.f32 v2, v17;
	v4 =	vadd.f32 v4, v51;
	v43 =	vadd.f32 v43, v60  }
0x547: {  	v7 =	vld.idx.msk [tilespmem:v10+s0+$0x1A70 ss:$0x1], $0xffff;
	v3 =	vadd.f32 v3, v8;
	v8 =	vmul.f32 v35, v11;
	v35 =	vmul.f32 v59, v18  }
0x548: {  	v51 =	vld.idx.msk [tilespmem:v10+s0+$0x7AF0 ss:$0x1], $0xffff;
	v37 =	vadd.f32 v40, v37;
	v5 =	vmul.f32 v5, v24;
	v9 =	vmul.f32 v9, v25  }
0x549: {  	v3 =	vadd.f32 v28, v3;
	v28 =	vmul.f32 v47, v18;
	v8 =	vadd.f32 v63, v8;
	v63 =	vld.idx.msk [tilespmem:v10+s0+$0x7A70 ss:$0x1], $0xffff  }
0x54a: {  	v52 =	vmul.f32 v62, v20;
	v42 =	vadd.f32 v43, v42;
	v47 =	vld.idx.msk [tilespmem:v10+s0+$0x5AF0 ss:$0x1], $0xffff;
	v5 =	vadd.f32 v5, v45  }
0x54b: {  	v54 =	vmul.f32 v50, v25;
	v9 =	vadd.f32 v33, v9;
	v2 =	vadd.f32 v28, v2;
	v28 =	vld.idx.msk [tilespmem:v10+s0+$0x6A70 ss:$0x1], $0xffff  }
0x54c: {  	v7 =	vmul.f32 v7, v12;
	v4 =	vadd.f32 v4, v8;
	v8 =	vmul.f32 v38, v11  }
0x54d: {  	v33 =	vmul.f32 v46, v23;
	v55 =	vmul.f32 v51, v26;
	v5 =	vadd.f32 v9, v5  }
0x54e: {  	v9 =	vmul.f32 v56, v17;
	v2 =	vadd.f32 v2, v6;
	v7 =	vadd.f32 v7, v8  }
0x54f: {  	v8 =	vmul.f32 v61, v19;
	v6 =	vadd.f32 v49, v48;
	v53 =	vmul.f32 v63, v22  }
0x550: {  	v57 =	vadd.f32 v55, v54;
	v38 =	vmul.f32 v47, v24;
	v28 =	vmul.f32 v28, v21  }
0x551: {  	v9 =	vadd.f32 v35, v9;
	v8 =	vadd.f32 v52, v8  }
0x552: {  	v56 =	vadd.f32 v38, v33;
	v28 =	vadd.f32 v53, v28  }
0x553: {  	[tilespmem:v27+s0+$0x0 ss:$0x1] =	vst.idx.msk $0xffff, v0;
	v58 =	vadd.f32 v6, v7;
	v59 =	vadd.f32 v9, v37  }
0x554: {  	[tilespmem:v27+s0+$0x10 ss:$0x1] =	vst.idx.msk $0xffff, v29;
	v60 =	vadd.f32 v28, v8;
	v8 =	vadd.f32 v57, v56  }
0x555: {  	p1 =	por p0, p0;
	[tilespmem:v27+s0+$0x20 ss:$0x1] =	vst.idx.msk $0xffff, v30;
	v61 =	vadd.f32 v5, v42;
	v2 =	vadd.f32 v2, v4  }
.Ltmp7:
0x556: {  	[tilespmem:v27+s0+$0x30 ss:$0x1] =	vst.idx.msk $0xffff, v31;
	v0 =	vadd.f32 v59, v58;
	v62 =	vadd.f32 v8, v60;
	(pc) =	sbr.rel @p1 .LBB2_19-.Ltmp7, $4  }
0x557: {  	[tilespmem:v27+s0+$0x40 ss:$0x1] =	vst.idx.msk $0xffff, v1;
	v63 =	vadd.f32 v61, v2  }
0x558: {  	[tilespmem:v27+s0+$0x50 ss:$0x1] =	vst.idx.msk $0xffff, v3;
	v0 =	vadd.f32 v62, v0  }
0x559: {  	[tilespmem:v27+s0+$0x60 ss:$0x1] =	vst.idx.msk $0xffff, v63  }
0x55a: {  	p0 =	por $0x0, $0x0;
	[tilespmem:v27+s0+$0x70 ss:$0x1] =	vst.idx.msk $0xffff, v0;
	s0 =	simm.s32 $0x400  }
0x55b: {  	p0 =	seq.s32 s31, $0x7  }
.Ltmp8:
0x55c: {  	_ = 	snop;
	(pc) =	sbr.rel @!p0 .LBB2_4-.Ltmp8, $4  }
0x55d: {  	s3 =	sld [smem:$0x7F8]  }
0x55e: {  	s2 =	sld [smem:$0x7F9]  }
0x55f: {  	s0 =	sld [smem:$0x7FA]  }
0x560: {  	s1 =	sld [smem:$0x7FB];
	s5 =	smov.u32 s31  }
0x561: {  	s0 =	rddreg [dreg:$0x6]  }
0x562: {  	s3 =	rddreg [dreg:$0x9]  }
0x563: {  	s0 =	sadd.s32 s0, s3  }
0x564: {  	s1 =	rddreg [dreg:$0x4];
	s3 =	sadd.s32 $0x1, s3;
	s0 =	smul.u32 $0x700, s0  }
0x565: {  	s30 =	simm.s32 $0x0;
	s2 =	simm.s32 $0x10200;
	p0 =	sne.s32 s3, $0x20  }
.Ltmp9:
0x566: {  	s31 =	simm.s32 $0x3;
	s0 =	sadd.s32 s1, s0;
	(pc) =	sbr.rel @p0 .LBB2_2-.Ltmp9, $4  }
0x567: {  	[hbm4b:s0+s30] =	stream.linear.scatter [tilespmem:s2], [sflag:$0x3], $0x3800, $0x38;
	[tilespmem:$0x13A00] =	vst v63  }
0x568: {  	_ =	swait.ge [sflag:s31], $0x3800  }
0x569: {  	[sflag:s31] =	ssyncset.done $0x0  }
0x56a: {  	[sflag:s31] =	ssyncadd.s32 $0xFFFFC800  }
0x56b: {  	s1 =	rddreg [dreg:$0x8]  }
0x56c: {  	s0 =	rddreg [dreg:$0x7];
	s1 =	sadd.s32 $0x1, s1  }
0x56d: {  	p0 =	sne.s32 s1, s0  }
.Ltmp10:
0x56e: {  	_ = 	snop;
	(pc) =	sbr.rel @p0 .LBB2_1-.Ltmp10, $1  }
0x56f: {  	_ =	sdelay $0x3  }
0x570: {  	_ =	sfence.sel $0x180000  }
0x571: {  	[bflag:$0x0] =	sbarrier.arrive $0xFFFF  }
0x572: {  	_ =	strace $0x90000047  }
0x573: {  	s0 =	stileid.u32;
	[bflag:$0x2] =	sbarrier.arrive $0xFFFF  }
0x574: {  	p0 =	sne.s32 s0, $0x0;
	s0 =	rddreg [dreg:$0x3]  }
0x575: {  	s0 =	sadd.s32 @!p0 $0x100000, s0  }
0x576: {  	[sflag:s0] =	ssyncadd.tile.s32 @!p0 $0x1;
	_ =	shalt  }
.Lfunc_end2:
_tile_overlayer_lowered:
.L_overlay_start_2:
0x577: {  	(tag) =	ssettag $0x2  }
0x578: {  	s0 =	rddreg [dreg:$0x0];
	s2 =	stileid.u32  }
0x579: {  	s1 =	rddreg [dreg:$0x1];
	p0 =	sne.s32 s2, $0x0  }
0x57a: {  	s3 =	rddreg [dreg:$0x2];
	[bflag:$0x3] =	sbarrier.arrive $0xFFFF;
	s2 =	simm.s32 @!p0 $0x1C03  }
0x57b: {  	[timem:s3], [sflag:s2] =	dma.local @!p0 [hbm:s0], s1  }
0x57c: {  	s0 =	simm.s32 @!p0 $0x3  }
0x57d: {  	_ =	swait.ge @!p0 [sflag:s0], s1  }
0x57e: {  	s1 =	ssub.s32 @!p0 $0x0, s1;
	[sflag:s0] =	ssyncset.done @!p0 $0x0  }
0x57f: {  	[sflag:s0] =	ssyncadd.s32 @!p0 s1  }
0x580: {  	[bflag:$0x3] =	sbarrier.arrive $0xFFFF  }
0x581: {  	_ =	shalt  }

// kernel: sparse-core-data-format-call.cloned.1.call-start
scs
called_computation_lowered:
.L_overlay_start_0:
0x0: {  	s2 =	sld [smem:$0x3FD9]  }
0x1: {  	s3 =	sld [smem:$0x3FFE];
	_ =	sdelay $0x1  }
0x2: {  	s1 =	srdreg.scid  }
0x3: {  	s0 =	sand.u32 $0x1, s1  }
0x4: {  	s18 =	sshll.u32 s0, $0xA;
	s2 =	sadd.s32 s3, s2  }
0x5: {  	s2 =	sadd.s32 s2, s18  }
0x6: {  	[smem:$0x3FC6] =	sst s2  }
0x7: {  	_ = 	snop  }
0x8: {  	s2 =	sld [smem:$0x3FD0];
	(tm) =	ssettm $0x1  }
0x9: {  	s19 =	sld [smem:$0x3FFB];
	_ =	sdelay $0x3  }
0xa: {  	_ =	strace s19  }
0xb: {  	s3 =	sld [smem:$0x3FFC];
	_ =	sdelay $0x3  }
0xc: {  	_ =	strace s3  }
0xd: {  	s3 =	sld [smem:$0x3FFD];
	_ =	sdelay $0x3  }
0xe: {  	_ =	strace s3  }
0xf: {  	_ =	strace $0x8FFFFFFF  }
0x10: {  	s20 =	sld [smem:$0x3FDB];
	_ =	sdelay $0x1  }
0x11: {  	s4 =	simm.s32 $_scs_section_size  }
0x12: {  	s5 =	simm.s32 $_size__tile_overlayer_lowered;
	s6 =	simm.s32 $_tile_overlayer_lowered  }
0x13: {  	s23 =	simm.s32 $0x1BFF;
	s22 =	sshll.u32 s6, $0x1;
	s3 =	sadd.s32 s4, s20  }
0x14: {  	s7 =	simm.s32 $0x0;
	s21 =	sshll.u32 s5, $0x1;
	s5 =	sadd.s32 s22, s3  }
0x15: {  	[timem:s7], [sflag:s23] =	dma.local [hbm:s5], s21  }
0x16: {  	_ =	swait.ge [sflag:s23], s21  }
0x17: {  	s4 =	ssub.s32 $0x0, s21;
	[sflag:s23] =	ssyncset.done $0x0  }
0x18: {  	[sflag:s23] =	ssyncadd.s32 s4;
	_ =	sdelay $0x1  }
0x19: {  	s24 =	simm.s32 $0x1B8B  }
0x1a: {  	_ =	swait.ge [sflag:s24], $0x1  }
0x1b: {  	[sflag:s24] =	ssyncset.done $0x0  }
0x1c: {  	s26 =	simm.s32 $0x1B8E;
	s25 =	sld [smem:$0x3FFE];
	[sflag:s24] =	ssyncadd.s32 $0xFFFFFFFF  }
0x1d: {  	s27 =	simm.s32 $execute0_lowered;
	[smem:$0x3FD2] =	sst s26  }
0x1e: {  	s5 =	sshll.u32 s27, $0x1;
	_ =	strace $0x80000049;
	[dreg:$0x1] =	wrdreg $0xFFFFFFFF  }
0x1f: {  	s28 =	simm.s32 $_size_execute0_lowered;
	s3 =	sadd.s32 s3, s5;
	[dreg:$0x0] =	wrdreg $0x0  }
0x20: {  	s5 =	sshll.u32 s28, $0x1;
	[dreg:$0x2] =	wrdreg s3  }
0x21: {  	[dreg:$0x3] =	wrdreg s5  }
0x22: {  	[dreg:$0x4] =	wrdreg $0xC0  }
0x23: {  	_ =	task [dreg:s7], $0x5FFFF  }
0x24: {  	[dreg:$0x1] =	wrdreg $0xFFFFFFFF  }
0x25: {  	[dreg:$0x0] =	wrdreg $0x60  }
0x26: {  	[dreg:$0x2] =	wrdreg s25  }
0x27: {  	[dreg:$0x3] =	wrdreg s2  }
0x28: {  	[dreg:$0x4] =	wrdreg $0x9  }
0x29: {  	_ =	task.clear_ibuf [dreg:s7], $0x5FFFF;
	_ =	strace $0x90000049  }
0x2a: {  	s29 =	simm.s32 $0x9;
	_ =	strace $0x8000004B  }
0x2b: {  	_ =	swait.ge [sflag:s29], $0x1  }
0x2c: {  	[sflag:s29] =	ssyncadd.s32 $0xFFFFFFFF  }
0x2d: {  	_ =	strace $0x9000004B  }
0x2e: {  	_ =	sfence  }
0x2f: {  	s30 =	sld [smem:$0x0];
	_ =	sdelay $0x2  }
0x30: {  	s31 =	sshll.u32 s1, $0xD;
	s1 =	sshrl.u32 s1, $0x2  }
0x31: {  	s3 =	sand.u32 $0x4000, s31;
	s1 =	sadd.s32 s1, s30  }
0x32: {  	s0 =	sor.u32 s3, s0;
	s1 =	sshll.u32 s1, $0x11  }
0x33: {  	s0 =	sor.u32 s1, s0  }
0x34: {  	s0 =	sadd.s32 $0x8F2B, s0  }
0x35: {  	[sflag:s0] =	ssyncadd.remote.s32 $0x1  }
0x36: {  	_ =	sfence.sel $0xFFFF  }
0x37: {  	[dreg:$0x0] =	wrdreg $0xFFFFFFFF;
	(pc) =	sbr.abs _section_cstart, $3  }
0x38: {  	[dreg:$0x1] =	wrdreg $0xFFFFFFFF  }
0x39: {  	_ =	task.clear_ibuf [dreg:s7], $0x2FFFF;
	_ =	strace $0x9FFFFFFF  }
0x3a: {  	(tm) =	ssettm $0x7FFFFFFF  }
0x3b: {  	_ =	shalt  }
tec
execute0_lowered:
.L_overlay_start_1:
0x0: {  	(tag) =	ssettag $0x1  }
0x1: {  	s0 =	srdreg.scid  }
0x2: {  	s1 =	rddreg [dreg:$0x0];
	s6 =	stileid.u32  }
0x3: {  	_ =	strace $0x8000004A;
	s7 =	simm.s32 $0x19;
	s31 =	simm.s32 $0x2  }
0x4: {  	s20 =	simm.s32 $0x0;
	s12 =	simm.s32 $0x800;
	s13 =	simm.s32 $0x0  }
0x5: {  	s19 =	simm.s32 $0x0;
	s21 =	simm.s32 $0x0;
	s0 =	sshll.u32 s0, $0x7  }
0x6: {  	s14 =	simm.s32 $0x0;
	s15 =	simm.s32 $0x0;
	s3 =	sand.u32 $0x80, s0  }
0x7: {  	s18 =	simm.s32 $0x0;
	s4 =	sshrl.u32 s6, $0x3;
	s0 =	ssub.s32 $0x100, s3  }
0x8: {  	s30 =	sshll.u32 s6, $0x7;
	p0 =	seq.s32 s4, $0x0;
	s2 =	sshrl.u32 s0, $0x7  }
.Ltmp0:
0x9: {  	s0 =	sshrl.u32 s0, $0x8;
	s2 =	sand.u32 $0x1, s2;
	(pc) =	sbr.rel .LBB1_1-.Ltmp0, $4  }
0xa: {  	s6 =	simm.s32 $0x1;
	s7 =	simm.s32 @!p0 $0x18;
	s0 =	sadd.s32 s0, s2  }
0xb: {  	s5 =	sadd.s32 $0x1C0800, s1;
	[sflag:s6] =	ssyncpa.u1 $0x0;
	s7 =	smul.u32 s7, s0  }
0xc: {  	s8 =	sand.u32 $0x380, s30;
	s16 =	smov.u32 s4;
	[sflag:s31] =	ssyncpa.u1 $0x0  }
0xd: {  	s9 =	sshll.u32 s3, $0x3;
	s17 =	smov.u32 s8;
	s10 =	sadd.s32 $0x1, s7  }
.LBB1_9:
0xe: {  	s0 =	sshll.u32 s15, $0x8  }
0xf: {  	s1 =	sshll.u32 s21, $0x3;
	s2 =	sshll.u32 s15, $0x7;
	s0 =	sand.u32 $0xFFFFF800, s0  }
0x10: {  	s24 =	sand.u32 $0x300, s2;
	s0 =	sor.u32 s0, s1  }
0x11: {  	p0 =	sgt.s32 s14, $0x30;
	s0 =	sor.u32 s24, s0  }
0x12: {  	s26 =	smul.u32 $0x7D00, s14;
	s1 =	smov.u32 s14;
	s0 =	sshrl.u32 s0, $0x8  }
0x13: {  	s1 =	simm.s32 @!p0 $0x30;
	s25 =	smulhi.u32 $0x83126F, s0  }
0x14: {  	s27 =	sshll.u32 s15, $0x4;
	s28 =	sshll.u32 s18, $0xE;
	s1 =	sadd.s32 s22, s1  }
0x15: {  	s29 =	rddreg [dreg:$0x1];
	s11 =	sadd.s32 $0xFFFFFFD0, s1;
	s2 =	sshrl.u32 s25, $0x1  }
0x16: {  	s1 =	ssub.s32 $0x31, s1;
	p0 =	sgt.s32 s11, $0x0;
	s2 =	smul.u32 $0x3E8, s2  }
0x17: {  	s31 =	simm.s32 $0x400;
	s11 =	sadd.s32 s29, s26;
	s1 =	simm.s32 @p0 $0x0  }
0x18: {  	s1 =	smul.u32 s1, s23;
	s0 =	ssub.s32 s0, s2;
	s2 =	sand.u32 $0x10, s27  }
0x19: {  	s21 =	sand.u32 $0x4000, s28;
	s0 =	sshll.u32 s0, $0x5;
	s2 =	sadd.s32 s2, s11  }
0x1a: {  	s30 =	sor.u32 $0x8000, s21;
	s1 =	sand.u32 $0x3FFFFF80, s1;
	s0 =	sadd.s32 s0, s2  }
0x1b: {  	[hbm4b:s0+s31] =	stream.strided.scatter [tilespmem:s30], [sflag:$0x2], s1, s12, s31, $0x38;
	[tilespmem:$0x10000] =	vst v63  }
.LBB1_10:
0x1c: {  	p0 =	slt.u32 s18, $0x2  }
0x1d: {  	p1 =	sgt.s32 @!p0 s20, $0x30  }
0x1e: {  	s0 =	smov.u32 s20;
	s2 =	smov.u32 s19;
	p1 =	por !p1, p0  }
0x1f: {  	s1 =	sshra.s32 @!p0 s20, $0x1F;
	s0 =	simm.s32 @p1 $0x30;
	p1 =	sgt.s32 @!p0 s19, $0x368  }
0x20: {  	s11 =	sshra.s32 @!p0 s19, $0x1F;
	s1 =	sand.u32 @!p0 s1, s20;
	p1 =	por !p1, p0  }
0x21: {  	s0 =	ssub.s32 @!p0 s0, s1;
	s1 =	sand.u32 @!p0 s11, s19;
	s2 =	simm.s32 @p1 $0x368  }
0x22: {  	s1 =	ssub.s32 @!p0 s2, s1  }
0x23: {  	s11 =	sadd.s32 @!p0 $0xFFFFFFD0, s0;
	s0 =	ssub.s32 @!p0 $0x31, s0;
	s1 =	sadd.s32 @!p0 $0xFFFFFC98, s1  }
0x24: {  	p1 =	sgt.s32 @!p0 s11, $0x0;
	p2 =	sgt.s32 @!p0 s1, $0x7F;
	s1 =	sshll.u32 @!p0 s1, $0x7  }
0x25: {  	p1 =	por !p1, p0;
	s1 =	ssub.s32 @!p0 $0x4000, s1;
	p2 =	por !p2, p0  }
0x26: {  	s0 =	simm.s32 @!p1 $0x0;
	s1 =	simm.s32 @!p2 $0x0  }
0x27: {  	s0 =	smul.u32 @!p0 s0, s1;
	s1 =	sadd.s32 $0x2, s16  }
0x28: {  	s22 =	smov.u32 s17;
	s11 =	sadd.s32 $0x400, s17;
	p1 =	sgt.s32 s1, $0x30  }
0x29: {  	s22 =	smov.u32 @p1 s11  }
0x2a: {  	s1 =	smov.u32 @p1 s4;
	p1 =	sgt.s32 s22, $0x3E7  }
0x2b: {  	s13 =	sadd.s32 $0x4000, s13;
	s22 =	smov.u32 @p1 s8;
	p1 =	sne.s32 s18, s10  }
.Ltmp1:
0x2c: {  	s21 =	smov.u32 s3;
	s20 =	smov.u32 s14;
	(pc) =	sbr.rel @!p1 .LBB1_11-.Ltmp1, $4  }
0x2d: {  	s14 =	smov.u32 s16;
	s2 =	simm.s32 @!p0 $0x2;
	s0 =	sand.u32 @!p0 $0x3FFFFF80, s0  }
0x2e: {  	s19 =	smov.u32 s15;
	s15 =	smov.u32 s17;
	_ =	swait.ge @!p0 [sflag:s2], s0  }
0x2f: {  	s0 =	ssub.s32 @!p0 $0x0, s0;
	s16 =	smov.u32 s1;
	[sflag:s2] =	ssyncset.done @!p0 $0x0  }
0x30: {  	s18 =	sadd.s32 $0x1, s18;
	[sflag:s2] =	ssyncadd.s32 @!p0 s0;
	s17 =	smov.u32 s22  }
.LBB1_1:
0x31: {  	p0 =	sge.u32 s18, s7;
	s11 =	smov.u32 s17;
	s31 =	sadd.s32 $0xFFFFFFFF, s18  }
0x32: {  	s0 =	sshll.u32 @!p0 s16, $0x8;
	s1 =	sshll.u32 @!p0 s16, $0x7;
	p1 =	sgt.s32 @!p0 s17, $0x368  }
0x33: {  	p2 =	sgt.s32 @!p0 s16, $0x37;
	s2 =	sshra.s32 @!p0 s16, $0x1F;
	s22 =	sshra.s32 @!p0 s17, $0x1F  }
0x34: {  	s0 =	sand.u32 @!p0 $0xFFFFF800, s0;
	s1 =	sand.u32 @!p0 $0x300, s1;
	p1 =	por !p1, p0  }
0x35: {  	p2 =	por !p2, p0;
	s22 =	sand.u32 @!p0 s22, s17;
	s0 =	sor.u32 @!p0 s9, s0  }
0x36: {  	s11 =	simm.s32 @p1 $0x368;
	s0 =	sor.u32 @!p0 s1, s0;
	s1 =	smov.u32 s16  }
0x37: {  	s2 =	sand.u32 @!p0 s2, s16;
	s11 =	ssub.s32 @!p0 s11, s22;
	s1 =	simm.s32 @p2 $0x37  }
0x38: {  	s0 =	sshrl.u32 @!p0 s0, $0x8;
	s11 =	sadd.s32 @!p0 $0xFFFFFC98, s11;
	s1 =	ssub.s32 @!p0 s1, s2  }
0x39: {  	s2 =	smulhi.u32 @!p0 $0x4924925, s0;
	p2 =	sgt.s32 @!p0 s11, $0x7F;
	s22 =	sadd.s32 @!p0 $0xFFFFFFC9, s1  }
0x3a: {  	s11 =	sshll.u32 @!p0 s11, $0x7;
	s1 =	ssub.s32 @!p0 $0x38, s1;
	p1 =	sgt.s32 @!p0 s22, $0x0  }
0x3b: {  	s11 =	ssub.s32 @!p0 $0x4000, s11;
	s2 =	smul.u32 @!p0 $0x38, s2;
	p1 =	por !p1, p0  }
0x3c: {  	s22 =	sxor.u32 @!p0 $0xFFFFFFFF, s18;
	s1 =	simm.s32 @!p1 $0x0;
	p1 =	por !p2, p0  }
0x3d: {  	s0 =	ssub.s32 @!p0 s0, s2;
	s2 =	smul.u32 @!p0 $0x700, s17;
	s11 =	simm.s32 @!p1 $0x0  }
0x3e: {  	s22 =	sshll.u32 @!p0 s22, $0xE;
	s1 =	smul.u32 @!p0 s1, s11;
	s11 =	sshll.u32 @!p0 s16, $0x4  }
0x3f: {  	s22 =	sand.u32 @!p0 $0x4000, s22;
	s2 =	sadd.s32 @!p0 s5, s2;
	s11 =	sand.u32 @!p0 $0x10, s11  }
0x40: {  	s0 =	sshll.u32 @!p0 s0, $0x5;
	s1 =	sand.u32 @!p0 $0x3FFFFF80, s1;
	s2 =	sadd.s32 @!p0 s11, s2  }
0x41: {  	s11 =	simm.s32 @!p0 $0x3800;
	s0 =	sadd.s32 @!p0 s0, s2;
	s2 =	simm.s32 @!p0 $0x80  }
0x42: {  	[tilespmem:s22], [sflag:$0x1] =	stream.strided.gather @!p0 [hbm4b:s0+s2], s1, s11, s2, $0x38;
	[tilespmem:$0x10000] =	vst v63  }
0x43: {  	p0 =	sge.u32 s31, s7  }
.Ltmp2:
0x44: {  	_ = 	snop;
	(pc) =	sbr.rel @p0 .LBB1_10-.Ltmp2, $1  }
0x45: {  	_ =	sdelay $0x3  }
0x46: {  	p0 =	sgt.s32 s15, $0x368;
	s0 =	smov.u32 s15;
	s1 =	sshra.s32 s15, $0x1F  }
0x47: {  	s2 =	ssub.s32 $0x0, s14;
	s0 =	simm.s32 @!p0 $0x368;
	s1 =	sand.u32 s1, s15  }
0x48: {  	s11 =	sshra.s32 s14, $0x1F;
	s23 =	smov.u32 s14;
	s0 =	ssub.s32 s0, s1  }
0x49: {  	p0 =	sgt.s32 s14, $0x37;
	s22 =	sand.u32 s2, s11;
	s0 =	sadd.s32 $0xFFFFFC98, s0  }
0x4a: {  	s23 =	simm.s32 @!p0 $0x37;
	p0 =	sgt.s32 s0, $0x7F;
	s0 =	sshll.u32 s0, $0x7  }
0x4b: {  	s29 =	sadd.s32 s22, s23;
	s23 =	ssub.s32 $0x4000, s0;
	s0 =	sadd.s32 $0x80, s15  }
0x4c: {  	s2 =	sadd.s32 $0x1, s14;
	s23 =	simm.s32 @p0 $0x0;
	p0 =	slt.s32 s0, $0x3E8  }
0x4d: {  	s30 =	sadd.s32 $0xFFFFFFC9, s29;
	s0 =	simm.s32 @!p0 $0x3E8;
	p0 =	slt.s32 s2, $0x31  }
0x4e: {  	s1 =	ssub.s32 $0x38, s29;
	s24 =	ssub.s32 s0, s15;
	s2 =	simm.s32 @!p0 $0x31  }
0x4f: {  	p1 =	sgt.s32 s30, $0x0;
	s25 =	ssub.s32 s2, s14;
	p0 =	slt.s32 s24, $0x1  }
0x50: {  	s1 =	simm.s32 @p1 $0x0;
	p1 =	slt.s32 @!p0 s25, $0x1  }
0x51: {  	s1 =	smul.u32 s1, s23;
	p0 =	por p0, p1  }
.Ltmp3:
0x52: {  	_ = 	snop;
	(pc) =	sbr.rel @p0 .LBB1_9-.Ltmp3, $4  }
0x53: {  	s31 =	sand.u32 $0x3FFFFF80, s1  }
0x54: {  	_ =	swait.ge [sflag:s6], s31  }
0x55: {  	s0 =	ssub.s32 $0x0, s31;
	[sflag:s6] =	ssyncset.done $0x0  }
0x56: {  	[sflag:s6] =	ssyncadd.s32 s0  }
0x57: {  	s0 =	sshll.u32 s13, $0x2  }
0x58: {  	s0 =	sand.u32 $0x10000, s0  }
0x59: {  	s26 =	sshrl.u32 s0, $0x2  }
0x5a: {  	s28 =	simm.s32 $0x0;
	s29 =	simm.s32 $0x0;
	s27 =	sor.u32 $0x8000, s26  }
.LBB1_4:
0x5b: {  	s0 =	sand.u32 $0x3F80, s28  }
0x5c: {  	s31 =	simm.s32 $0x0;
	s11 =	sadd.s32 s0, s27;
	s0 =	simm.s32 $0x0  }
.LBB1_5:
0x5d: {  	s1 =	sand.u32 $0x7, s31  }
0x5e: {  	s1 =	sadd.s32 s1, s29  }
0x5f: {  	s1 =	sshll.u32 s1, $0x9  }
0x60: {  	s1 =	sshra.s32 s1, $0x2  }
0x61: {  	s2 =	simm.s32 $0xFFFFFFF0;
	s30 =	smov.u32 s11;
	s1 =	sadd.s32 s1, s26  }
.LBB1_6:
0x62: {  	s2 =	sadd.s32 $0x10, s2  }
0x63: {  	v0 =	vld [tilespmem:s1+$0x0];
	p0 =	slt.u32 s2, $0x70  }
.Ltmp4:
0x64: {  	_ = 	snop;
	(pc) =	sbr.rel @p0 .LBB1_6-.Ltmp4, $2  }
0x65: {  	_ =	sdelay $0x2  }
0x66: {  	s1 =	sadd.s32 $0x10, s1;
	[tilespmem:s30+$0x0] =	vst v0;
	s30 =	sadd.s32 $0x10, s30  }
0x67: {  	s0 =	sadd.s32 $0x1, s0  }
0x68: {  	p0 =	sne.s32 s0, s25  }
.Ltmp5:
0x69: {  	_ = 	snop;
	(pc) =	sbr.rel @p0 .LBB1_5-.Ltmp5, $2  }
0x6a: {  	_ =	sdelay $0x2  }
0x6b: {  	s11 =	sadd.s32 $0x4000, s11;
	s31 =	sadd.s32 $0x1, s31  }
0x6c: {  	s29 =	sadd.s32 $0x1, s29  }
0x6d: {  	p0 =	sne.s32 s29, s24  }
.Ltmp6:
0x6e: {  	_ = 	snop;
	(pc) =	sbr.rel @p0 .LBB1_4-.Ltmp6, $4  }
.Ltmp7:
0x6f: {  	_ = 	snop;
	(pc) =	sbr.rel @!p0 .LBB1_9-.Ltmp7, $4  }
0x70: {  	_ = 	snop  }
0x71: {  	_ = 	snop  }
0x72: {  	s28 =	sadd.s32 $0x80, s28  }
0x73: {  	_ = 	snop  }
.LBB1_11:
0x74: {  	_ =	sfence.sel $0x180000  }
0x75: {  	s0 =	simm.s32 $0x1;
	[bflag:$0x0] =	sbarrier.arrive $0xFFFF  }
0x76: {  	s30 =	simm.s32 $0x2;
	[sflag:s0] =	ssyncpa.u1 $0x1  }
0x77: {  	[sflag:s30] =	ssyncpa.u1 $0x1  }
0x78: {  	_ =	strace $0x9000004A  }
0x79: {  	s31 =	stileid.u32;
	[bflag:$0x2] =	sbarrier.arrive $0xFFFF  }
0x7a: {  	p0 =	sne.s32 s31, $0x0;
	s0 =	rddreg [dreg:$0x2]  }
0x7b: {  	s0 =	sadd.s32 @!p0 $0x100000, s0  }
0x7c: {  	[sflag:s0] =	ssyncadd.tile.s32 @!p0 $0x1;
	_ =	shalt  }
.Lfunc_end1:
_tile_overlayer_lowered:
.L_overlay_start_2:
0x7d: {  	(tag) =	ssettag $0x2  }
0x7e: {  	s0 =	rddreg [dreg:$0x0];
	s2 =	stileid.u32  }
0x7f: {  	s1 =	rddreg [dreg:$0x1];
	p0 =	sne.s32 s2, $0x0  }
0x80: {  	s3 =	rddreg [dreg:$0x2];
	[bflag:$0x3] =	sbarrier.arrive $0xFFFF;
	s2 =	simm.s32 @!p0 $0x1C01  }
0x81: {  	[timem:s3], [sflag:s2] =	dma.local @!p0 [hbm:s0], s1  }
0x82: {  	s0 =	simm.s32 @!p0 $0x1  }
0x83: {  	_ =	swait.ge @!p0 [sflag:s0], s1  }
0x84: {  	s1 =	ssub.s32 @!p0 $0x0, s1;
	[sflag:s0] =	ssyncset.done @!p0 $0x0  }
0x85: {  	[sflag:s0] =	ssyncadd.s32 @!p0 s1  }
0x86: {  	[bflag:$0x3] =	sbarrier.arrive $0xFFFF  }
0x87: {  	_ =	shalt  }

</sc_bundles>
